<compile_context>
chip_gen: v7x
topology: tpu7x:2x2x1
jax: 0.10.2.dev20260603
libtpu: 0.0.44.dev20260713+nightly
codegen_flags: <defaults>
</compile_context>

<pallas_src>
import functools

import jax
import jax.numpy as jnp
from jax import lax
from jax.experimental import pallas as pl
from jax.experimental.pallas import tpu as pltpu
from jax.experimental.pallas import tpu_sc as plsc

_TC_BN = 1792
_SC_ROWS = 512
_NW = 32
_BIG = 2.0 ** 30



def _tc_body(x1_ref, x2t_ref, d1_ref, i1_ref, d2_ref, i2_ref, *, bn, m):
    ib = pl.program_id(1)

    x1 = x1_ref[0]
    x2t = x2t_ref[0]

    sq1 = jnp.sum(x1 * x1, axis=1, keepdims=True)
    y = -0.5 * x2t
    sq2 = jnp.sum(y * y, axis=0, keepdims=True)

    inner = jnp.dot(x1, x2t, preferred_element_type=jnp.float32)
    d = jnp.maximum((sq1 + sq2) + inner, 0.0)

    rmin = jnp.min(d, axis=1, keepdims=True)
    jcol = lax.broadcasted_iota(jnp.int32, (1, m), 1).astype(jnp.float32)
    rarg = jnp.min(jnp.where(d == rmin, jcol, _BIG), axis=1,
                   keepdims=True).astype(jnp.int32)
    d1_ref[0] = rmin
    i1_ref[0] = rarg

    cmin = jnp.min(d, axis=0, keepdims=True)
    irow = (lax.broadcasted_iota(jnp.int32, (bn, 1), 0)
            + ib * bn).astype(jnp.float32)
    carg = jnp.min(jnp.where(d == cmin, irow, _BIG), axis=0,
                   keepdims=True).astype(jnp.int32)

    @pl.when(ib == 0)
    def _init():
        d2_ref[0] = cmin
        i2_ref[0] = carg

    @pl.when(ib > 0)
    def _update():
        prev_d = d2_ref[0]
        prev_i = i2_ref[0]
        better = cmin < prev_d
        d2_ref[0] = jnp.where(better, cmin, prev_d)
        i2_ref[0] = jnp.where(better, carg, prev_i)


def _tc_call(x1p, x2t, n_tc, m, B):
    bn = _TC_BN
    nb = n_tc // bn
    return pl.pallas_call(
        functools.partial(_tc_body, bn=bn, m=m),
        grid=(B, nb),
        in_specs=[
            pl.BlockSpec((1, bn, 8), lambda b, ib: (b, ib, 0)),
            pl.BlockSpec((1, 8, m), lambda b, ib: (b, 0, 0)),
        ],
        out_specs=(
            pl.BlockSpec((1, bn, 1), lambda b, ib: (b, ib, 0)),
            pl.BlockSpec((1, bn, 1), lambda b, ib: (b, ib, 0)),
            pl.BlockSpec((1, 1, m), lambda b, ib: (b, 0, 0)),
            pl.BlockSpec((1, 1, m), lambda b, ib: (b, 0, 0)),
        ),
        out_shape=(
            jax.ShapeDtypeStruct((B, n_tc, 1), jnp.float32),
            jax.ShapeDtypeStruct((B, n_tc, 1), jnp.int32),
            jax.ShapeDtypeStruct((B, 1, m), jnp.float32),
            jax.ShapeDtypeStruct((B, 1, m), jnp.int32),
        ),
        compiler_params=pltpu.CompilerParams(
            dimension_semantics=("parallel", "arbitrary"),
        ),
    )(x1p, x2t)



def _sc_chamfer(n, m, n_tc, B):
    RW = (B * _SC_ROWS) // _NW
    wpb = _SC_ROWS // RW
    NC = m // 16
    mesh = plsc.VectorSubcoreMesh(core_axis_name="c", subcore_axis_name="s")

    def _round_bf16(v):
        u = lax.bitcast_convert_type(v, jnp.int32)
        r = (u + 0x7FFF + ((u >> 16) & 1)) & jnp.int32(-65536)
        return lax.bitcast_convert_type(r, jnp.float32)

    def body(x1e_h, x2e_h,
             d1_h, i1_h, d2p_h, i2p_h,
             x1es, x2es, x2rs, sq2s, d2s, i2s, d1s, i1s):
        wid = lax.axis_index("c") * 16 + lax.axis_index("s")
        b = wid // wpb
        k = wid % wpb
        row0 = n_tc + k * RW
        start = b * n + row0

        BN = B * n
        for c in range(3):
            pltpu.sync_copy(x1e_h.at[pl.ds(c * BN + start, RW)],
                            x1es.at[pl.ds(c * RW, RW)])
            pltpu.sync_copy(x2e_h.at[pl.ds(c * BN + b * n, m)],
                            x2es.at[pl.ds(c * m, m)])

        inf16 = jnp.full((16,), _BIG, jnp.float32)

        def stage(jc, _):
            sl = pl.ds(jc * 16, 16)
            e0 = x2es[pl.ds(0 * m + jc * 16, 16)]
            e1 = x2es[pl.ds(1 * m + jc * 16, 16)]
            e2 = x2es[pl.ds(2 * m + jc * 16, 16)]
            sq2s[sl] = (e0 * e0 + e1 * e1) + e2 * e2
            x2rs[pl.ds(0 * m + jc * 16, 16)] = _round_bf16(e0)
            x2rs[pl.ds(1 * m + jc * 16, 16)] = _round_bf16(e1)
            x2rs[pl.ds(2 * m + jc * 16, 16)] = _round_bf16(e2)
            d2s[sl] = inf16
            i2s[sl] = inf16
            return 0

        lax.fori_loop(0, NC, stage, 0)

        lane_i = lax.broadcasted_iota(jnp.int32, (16,), 0)
        lanef = lane_i.astype(jnp.float32)

        def rowgroup(g, _):
            gsl = pl.ds(g * 16, 16)
            ev0 = x1es[pl.ds(0 * RW + g * 16, 16)]
            ev1 = x1es[pl.ds(1 * RW + g * 16, 16)]
            ev2 = x1es[pl.ds(2 * RW + g * 16, 16)]
            racc_d = inf16
            racc_i = inf16
            dn = lax.GatherDimensionNumbers(
                offset_dims=(), collapsed_slice_dims=(0,),
                start_index_map=(0,))

            def bcast(v, r):
                idx = jnp.full((16, 1), r, jnp.int32)
                return lax.gather(
                    v, idx, dn, (1,),
                    mode=lax.GatherScatterMode.PROMISE_IN_BOUNDS)

            for r in range(16):
                g0 = bcast(ev0, r)
                g1 = bcast(ev1, r)
                g2 = bcast(ev2, r)
                sq1 = (g0 * g0 + g1 * g1) + g2 * g2
                v0 = _round_bf16(g0)
                v1 = _round_bf16(g1)
                v2 = _round_bf16(g2)
                rowf = jnp.full(
                    (16,), (row0 + g * 16 + r).astype(jnp.float32),
                    jnp.float32)

                def chunk(jc, carry):
                    runm, runi = carry
                    sl = pl.ds(jc * 16, 16)
                    y0 = x2rs[pl.ds(0 * m + jc * 16, 16)]
                    y1 = x2rs[pl.ds(1 * m + jc * 16, 16)]
                    y2 = x2rs[pl.ds(2 * m + jc * 16, 16)]
                    p = (v0 * y0 + v1 * y1) + v2 * y2
                    d = jnp.maximum((sq1 + sq2s[sl]) - 2.0 * p, 0.0)
                    jvec = lanef + (jc * 16).astype(jnp.float32)
                    m1 = d < runm
                    runm = jnp.where(m1, d, runm)
                    runi = jnp.where(m1, jvec, runi)
                    cur = d2s[sl]
                    curi = i2s[sl]
                    m2 = d < cur
                    d2s[sl] = jnp.where(m2, d, cur)
                    i2s[sl] = jnp.where(m2, rowf, curi)
                    return runm, runi

                runm, runi = lax.fori_loop(0, NC, chunk, (inf16, inf16))
                for st in (8, 4, 2, 1):
                    perm = (lane_i ^ st)[:, None]
                    om = lax.gather(
                        runm, perm, dn, (1,),
                        mode=lax.GatherScatterMode.PROMISE_IN_BOUNDS)
                    oi = lax.gather(
                        runi, perm, dn, (1,),
                        mode=lax.GatherScatterMode.PROMISE_IN_BOUNDS)
                    bet = (om < runm) | ((om == runm) & (oi < runi))
                    runm = jnp.where(bet, om, runm)
                    runi = jnp.where(bet, oi, runi)
                msk = lane_i == r
                racc_d = jnp.where(msk, runm, racc_d)
                racc_i = jnp.where(msk, runi, racc_i)
            d1s[gsl] = racc_d
            i1s[gsl] = racc_i
            return 0

        lax.fori_loop(0, RW // 16, rowgroup, 0)

        pltpu.sync_copy(d1s, d1_h.at[pl.ds(wid * RW, RW)])
        pltpu.sync_copy(i1s, i1_h.at[pl.ds(wid * RW, RW)])
        pltpu.sync_copy(d2s, d2p_h.at[pl.ds(wid * m, m)])
        pltpu.sync_copy(i2s, i2p_h.at[pl.ds(wid * m, m)])

    return pl.kernel(
        body,
        mesh=mesh,
        out_type=(
            jax.ShapeDtypeStruct((B * _SC_ROWS,), jnp.float32),
            jax.ShapeDtypeStruct((B * _SC_ROWS,), jnp.float32),
            jax.ShapeDtypeStruct((_NW * m,), jnp.float32),
            jax.ShapeDtypeStruct((_NW * m,), jnp.float32),
        ),
        scratch_types=[
            pltpu.VMEM((3 * RW,), jnp.float32),
            pltpu.VMEM((3 * m,), jnp.float32),
            pltpu.VMEM((3 * m,), jnp.float32),
            pltpu.VMEM((m,), jnp.float32),
            pltpu.VMEM((m,), jnp.float32),
            pltpu.VMEM((m,), jnp.float32),
            pltpu.VMEM((RW,), jnp.float32),
            pltpu.VMEM((RW,), jnp.float32),
        ],
    )



def _merge_body(d2t_ref, i2t_ref, d2p_ref, i2p_ref, do_ref, io_ref, *, wpb):
    curd = d2t_ref[0]
    curi = i2t_ref[0].astype(jnp.float32)
    dp = d2p_ref[0]
    ip = i2p_ref[0]
    for k in range(wpb):
        dk = dp[k:k + 1, :]
        ik = ip[k:k + 1, :]
        better = (dk < curd) | ((dk == curd) & (ik < curi))
        curd = jnp.where(better, dk, curd)
        curi = jnp.where(better, ik, curi)
    do_ref[0] = curd
    io_ref[0] = curi.astype(jnp.int32)


def _merge_call(d2t, i2t, d2p, i2p, m, B, wpb):
    return pl.pallas_call(
        functools.partial(_merge_body, wpb=wpb),
        grid=(B,),
        in_specs=[
            pl.BlockSpec((1, 1, m), lambda b: (b, 0, 0)),
            pl.BlockSpec((1, 1, m), lambda b: (b, 0, 0)),
            pl.BlockSpec((1, wpb, m), lambda b: (b, 0, 0)),
            pl.BlockSpec((1, wpb, m), lambda b: (b, 0, 0)),
        ],
        out_specs=(
            pl.BlockSpec((1, 1, m), lambda b: (b, 0, 0)),
            pl.BlockSpec((1, 1, m), lambda b: (b, 0, 0)),
        ),
        out_shape=(
            jax.ShapeDtypeStruct((B, 1, m), jnp.float32),
            jax.ShapeDtypeStruct((B, 1, m), jnp.int32),
        ),
    )(d2t, i2t, d2p, i2p)


@jax.jit
def kernel(xyz1, xyz2):
    B, n, _ = xyz1.shape
    m = xyz2.shape[1]
    n_tc = n - _SC_ROWS
    wpb = _SC_ROWS // ((B * _SC_ROWS) // _NW)

    x1p = jnp.pad(xyz1[:, :n_tc], ((0, 0), (0, 0), (0, 5)))
    x2t = jnp.pad(jnp.transpose(-2.0 * xyz2, (0, 2, 1)),
                  ((0, 0), (0, 5), (0, 0)))

    x1e = jnp.transpose(xyz1.reshape(B * n, 3), (1, 0)).reshape(-1)
    x2e = jnp.transpose(xyz2.reshape(B * n, 3), (1, 0)).reshape(-1)

    d1t, i1t, d2t, i2t = _tc_call(x1p, x2t, n_tc, m, B)
    d1s, i1s, d2p, i2p = _sc_chamfer(n, m, n_tc, B)(x1e, x2e)

    d2, i2 = _merge_call(d2t, i2t, d2p.reshape(B, wpb, m),
                         i2p.reshape(B, wpb, m), m, B, wpb)

    dist1 = jnp.concatenate([d1t[:, :, 0], d1s.reshape(B, _SC_ROWS)], axis=1)
    idx1 = jnp.concatenate(
        [i1t[:, :, 0], i1s.reshape(B, _SC_ROWS).astype(jnp.int32)], axis=1)
    return (dist1, d2[:, 0, :], idx1, i2[:, 0, :])

# --- scband reference (transcript-rebuilt; emitter-appended) ---
"""Pipeline reference for scband-chamfer-distance-48498770706994 (READ-ONLY COPY).

The authoritative reference and input builder live on the scoring server;
editing this copy changes nothing except your own understanding.
"""

import jax, jax.numpy as jnp
import numpy as np


def setup_inputs(seed: int = 0) -> dict:
    key = jax.random.key(seed)
    k1, k2 = jax.random.split(key)
    xyz1 = jax.random.normal(k1, (4, 4096, 3), dtype=jnp.float32)
    xyz2 = jax.random.normal(k2, (4, 4096, 3), dtype=jnp.float32)
    return {"xyz1": xyz1, "xyz2": xyz2}


def reference(xyz1, xyz2):
    # Chamfer distance, squared-L2 variant (matches the CUDA kernel which
    # accumulates sum_d (x_d - y_d)^2 and takes the min / argmin).
    # Pairwise squared distances via ||x||^2 + ||y||^2 - 2 x.y to avoid
    # materializing a [B, n, m, 3] diff tensor.
    sq1 = jnp.sum(xyz1 * xyz1, axis=-1)                       # [B, n]
    sq2 = jnp.sum(xyz2 * xyz2, axis=-1)                       # [B, m]
    inner = jnp.einsum('bnd,bmd->bnm', xyz1, xyz2)            # [B, n, m]
    d = sq1[:, :, None] + sq2[None if False else slice(None), None, :][0] if False else sq1[:, :, None] + sq2[:, None, :] - 2.0 * inner
    d = jnp.maximum(d, 0.0)  # numerical floor; true squared dists are >= 0
    dist1 = jnp.min(d, axis=2)                                # [B, n]
    idx1 = jnp.argmin(d, axis=2).astype(jnp.int32)            # [B, n]
    dist2 = jnp.min(d, axis=1)                                # [B, m]
    idx2 = jnp.argmin(d, axis=1).astype(jnp.int32)            # [B, m]
    return (dist1, dist2, idx1, idx2)

if __name__ == "__main__":
    import jax
    _d = setup_inputs()
    print(jax.jit(kernel)(*tuple(_d.values())))

</pallas_src>

<mosaic_0001>
#map = affine_map<(d0, d1) -> (0)>
module attributes {stable_mosaic.version = 14 : i64} {
  func.func @body(%arg0: i32, %arg1: i32, %arg2: memref<49152xf32, #tpu.memory_space<hbm>>, %arg3: memref<49152xf32, #tpu.memory_space<hbm>>, %arg4: memref<2048xf32, #tpu.memory_space<hbm>>, %arg5: memref<2048xf32, #tpu.memory_space<hbm>>, %arg6: memref<131072xf32, #tpu.memory_space<hbm>>, %arg7: memref<131072xf32, #tpu.memory_space<hbm>>, %arg8: memref<192xf32, #tpu.memory_space<vmem>>, %arg9: memref<12288xf32, #tpu.memory_space<vmem>>, %arg10: memref<12288xf32, #tpu.memory_space<vmem>>, %arg11: memref<4096xf32, #tpu.memory_space<vmem>>, %arg12: memref<4096xf32, #tpu.memory_space<vmem>>, %arg13: memref<4096xf32, #tpu.memory_space<vmem>>, %arg14: memref<64xf32, #tpu.memory_space<vmem>>, %arg15: memref<64xf32, #tpu.memory_space<vmem>>) attributes {dimension_semantics = [#tpu.dimension_semantics<core_parallel>, #tpu.dimension_semantics<subcore_parallel>], iteration_bounds = array<i64: 2, 16>, scalar_prefetch = 0 : i64, scratch_operands = 8 : i64, tpu.core_type = #tpu.core_type<sc_vector_subcore>, window_params = [{transform_indices = #map}, {transform_indices = #map}, {transform_indices = #map}, {transform_indices = #map}, {transform_indices = #map}, {transform_indices = #map}]} {
    %mul3A = arith.constant 16 : i32
    %mul3A_0 = arith.muli %arg0, %mul3A : i32
    %add3A = arith.addi %mul3A_0, %arg1 : i32
    %jit3A = arith.constant 8 : i32
    %div3A = arith.divsi %add3A, %jit3A : i32
    %sign3A = arith.constant 0 : i32
    %sign3A_1 = arith.cmpi sgt, %add3A, %sign3A : i32
    %sign3A_2 = arith.extui %sign3A_1 : i1 to i32
    %sign3A_3 = arith.constant 0 : i32
    %sign3A_4 = arith.cmpi slt, %add3A, %sign3A_3 : i32
    %sign3A_5 = arith.extui %sign3A_4 : i1 to i32
    %sign3A_6 = arith.subi %sign3A_2, %sign3A_5 : i32
    %sign3A_7 = arith.constant 0 : i32
    %sign3A_8 = arith.cmpi sgt, %jit3A, %sign3A_7 : i32
    %sign3A_9 = arith.extui %sign3A_8 : i1 to i32
    %sign3A_10 = arith.constant 0 : i32
    %sign3A_11 = arith.cmpi slt, %jit3A, %sign3A_10 : i32
    %sign3A_12 = arith.extui %sign3A_11 : i1 to i32
    %sign3A_13 = arith.subi %sign3A_9, %sign3A_12 : i32
    %ne3A = arith.cmpi ne, %sign3A_6, %sign3A_13 : i32
    %rem3A = arith.remsi %add3A, %jit3A : i32
    %ne3A_14 = arith.constant 0 : i32
    %ne3A_15 = arith.cmpi ne, %rem3A, %ne3A_14 : i32
    %and3A = arith.andi %ne3A, %ne3A_15 : i1
    %sub3A = arith.constant 1 : i32
    %sub3A_16 = arith.subi %div3A, %sub3A : i32
    %select_n3A = arith.select %and3A, %sub3A_16, %div3A : i32
    %jit3A_17 = arith.constant 8 : i32
    %eq3A = arith.constant 0 : i32
    %eq3A_18 = arith.cmpi eq, %jit3A_17, %eq3A : i32
    %jit3A_19 = arith.constant 1 : i32
    %select_n3A_20 = arith.select %eq3A_18, %jit3A_19, %jit3A_17 : i32
    %rem3A_21 = arith.remsi %add3A, %select_n3A_20 : i32
    %ne3A_22 = arith.constant 0 : i32
    %ne3A_23 = arith.cmpi ne, %rem3A_21, %ne3A_22 : i32
    %lt3A = arith.constant 0 : i32
    %lt3A_24 = arith.cmpi slt, %rem3A_21, %lt3A : i32
    %lt3A_25 = arith.constant 0 : i32
    %lt3A_26 = arith.cmpi slt, %select_n3A_20, %lt3A_25 : i32
    %ne3A_27 = arith.xori %lt3A_24, %lt3A_26 : i1
    %and3A_28 = arith.andi %ne3A_27, %ne3A_23 : i1
    %add3A_29 = arith.addi %rem3A_21, %select_n3A_20 : i32
    %select_n3A_30 = arith.select %and3A_28, %add3A_29, %rem3A_21 : i32
    %mul3A_31 = arith.constant 64 : i32
    %mul3A_32 = arith.muli %select_n3A_30, %mul3A_31 : i32
    %add3A_33 = arith.constant 3584 : i32
    %add3A_34 = arith.addi %add3A_33, %mul3A_32 : i32
    %mul3A_35 = arith.constant 4096 : i32
    %mul3A_36 = arith.muli %select_n3A, %mul3A_35 : i32
    %add3A_37 = arith.addi %mul3A_36, %add3A_34 : i32
    %add3A_38 = arith.constant 0 : i32
    %add3A_39 = arith.addi %add3A_38, %add3A_37 : i32
    "tpu.region"() ({
      %run_scoped3A = tpu.sem_alloc : memref<!tpu.dma_semaphore, #tpu.memory_space<semaphore_mem>>
      %dma_start3A = arith.constant 0 : i32
      %dma_start3A_78 = tpu.memref_slice %arg8[%dma_start3A] : memref<192xf32, #tpu.memory_space<vmem>> -> memref<64xf32, #tpu.memory_space<vmem>>
      %dma_start3A_79 = tpu.memref_slice %arg2[%add3A_39] : memref<49152xf32, #tpu.memory_space<hbm>> -> memref<64xf32, #tpu.memory_space<hbm>>
      %dma_start3A_80 = arith.constant 0 : i32
      %dma_start3A_81 = tpu.memref_slice %arg8[%dma_start3A_80] : memref<192xf32, #tpu.memory_space<vmem>> -> memref<64xf32, #tpu.memory_space<vmem>>
      %dma_start3A_82 = tpu.memref_slice %arg2[%add3A_39] : memref<49152xf32, #tpu.memory_space<hbm>> -> memref<64xf32, #tpu.memory_space<hbm>>
      tpu.enqueue_dma source(%dma_start3A_82 : memref<64xf32, #tpu.memory_space<hbm>>) target(%dma_start3A_81 : memref<64xf32, #tpu.memory_space<vmem>>) target_semaphore(%run_scoped3A : memref<!tpu.dma_semaphore, #tpu.memory_space<semaphore_mem>>)
      %dma_wait3A = arith.constant 0 : i32
      %dma_wait3A_83 = tpu.memref_slice %arg8[%dma_wait3A] : memref<192xf32, #tpu.memory_space<vmem>> -> memref<64xf32, #tpu.memory_space<vmem>>
      %dma_wait3A_84 = tpu.memref_slice %arg2[%add3A_39] : memref<49152xf32, #tpu.memory_space<hbm>> -> memref<64xf32, #tpu.memory_space<hbm>>
      %dma_wait3A_85 = arith.constant 0 : i32
      %dma_wait3A_86 = tpu.memref_slice %arg8[%dma_wait3A_85] : memref<192xf32, #tpu.memory_space<vmem>> -> memref<64xf32, #tpu.memory_space<vmem>>
      %dma_wait3A_87 = tpu.memref_slice %arg2[%add3A_39] : memref<49152xf32, #tpu.memory_space<hbm>> -> memref<64xf32, #tpu.memory_space<hbm>>
      tpu.wait_dma2 semaphore(%run_scoped3A : memref<!tpu.dma_semaphore, #tpu.memory_space<semaphore_mem>>) src(%dma_wait3A_87 : memref<64xf32, #tpu.memory_space<hbm>>) dst(%dma_wait3A_86 : memref<64xf32, #tpu.memory_space<vmem>>)
      tpu.yield
    }) : () -> ()
    %mul3A_40 = arith.constant 4096 : i32
    %mul3A_41 = arith.muli %select_n3A, %mul3A_40 : i32
    %add3A_42 = arith.constant 0 : i32
    %add3A_43 = arith.addi %add3A_42, %mul3A_41 : i32
    "tpu.region"() ({
      %run_scoped3A = tpu.sem_alloc : memref<!tpu.dma_semaphore, #tpu.memory_space<semaphore_mem>>
      %dma_start3A = arith.constant 0 : i32
      %dma_start3A_78 = tpu.memref_slice %arg9[%dma_start3A] : memref<12288xf32, #tpu.memory_space<vmem>> -> memref<4096xf32, #tpu.memory_space<vmem>>
      %dma_start3A_79 = tpu.memref_slice %arg3[%add3A_43] : memref<49152xf32, #tpu.memory_space<hbm>> -> memref<4096xf32, #tpu.memory_space<hbm>>
      %dma_start3A_80 = arith.constant 0 : i32
      %dma_start3A_81 = tpu.memref_slice %arg9[%dma_start3A_80] : memref<12288xf32, #tpu.memory_space<vmem>> -> memref<4096xf32, #tpu.memory_space<vmem>>
      %dma_start3A_82 = tpu.memref_slice %arg3[%add3A_43] : memref<49152xf32, #tpu.memory_space<hbm>> -> memref<4096xf32, #tpu.memory_space<hbm>>
      tpu.enqueue_dma source(%dma_start3A_82 : memref<4096xf32, #tpu.memory_space<hbm>>) target(%dma_start3A_81 : memref<4096xf32, #tpu.memory_space<vmem>>) target_semaphore(%run_scoped3A : memref<!tpu.dma_semaphore, #tpu.memory_space<semaphore_mem>>)
      %dma_wait3A = arith.constant 0 : i32
      %dma_wait3A_83 = tpu.memref_slice %arg9[%dma_wait3A] : memref<12288xf32, #tpu.memory_space<vmem>> -> memref<4096xf32, #tpu.memory_space<vmem>>
      %dma_wait3A_84 = tpu.memref_slice %arg3[%add3A_43] : memref<49152xf32, #tpu.memory_space<hbm>> -> memref<4096xf32, #tpu.memory_space<hbm>>
      %dma_wait3A_85 = arith.constant 0 : i32
      %dma_wait3A_86 = tpu.memref_slice %arg9[%dma_wait3A_85] : memref<12288xf32, #tpu.memory_space<vmem>> -> memref<4096xf32, #tpu.memory_space<vmem>>
      %dma_wait3A_87 = tpu.memref_slice %arg3[%add3A_43] : memref<49152xf32, #tpu.memory_space<hbm>> -> memref<4096xf32, #tpu.memory_space<hbm>>
      tpu.wait_dma2 semaphore(%run_scoped3A : memref<!tpu.dma_semaphore, #tpu.memory_space<semaphore_mem>>) src(%dma_wait3A_87 : memref<4096xf32, #tpu.memory_space<hbm>>) dst(%dma_wait3A_86 : memref<4096xf32, #tpu.memory_space<vmem>>)
      tpu.yield
    }) : () -> ()
    %add3A_44 = arith.constant 16384 : i32
    %add3A_45 = arith.addi %add3A_44, %add3A_37 : i32
    "tpu.region"() ({
      %run_scoped3A = tpu.sem_alloc : memref<!tpu.dma_semaphore, #tpu.memory_space<semaphore_mem>>
      %dma_start3A = arith.constant 64 : i32
      %dma_start3A_78 = tpu.memref_slice %arg8[%dma_start3A] : memref<192xf32, #tpu.memory_space<vmem>> -> memref<64xf32, #tpu.memory_space<vmem>>
      %dma_start3A_79 = tpu.memref_slice %arg2[%add3A_45] : memref<49152xf32, #tpu.memory_space<hbm>> -> memref<64xf32, #tpu.memory_space<hbm>>
      %dma_start3A_80 = arith.constant 64 : i32
      %dma_start3A_81 = tpu.memref_slice %arg8[%dma_start3A_80] : memref<192xf32, #tpu.memory_space<vmem>> -> memref<64xf32, #tpu.memory_space<vmem>>
      %dma_start3A_82 = tpu.memref_slice %arg2[%add3A_45] : memref<49152xf32, #tpu.memory_space<hbm>> -> memref<64xf32, #tpu.memory_space<hbm>>
      tpu.enqueue_dma source(%dma_start3A_82 : memref<64xf32, #tpu.memory_space<hbm>>) target(%dma_start3A_81 : memref<64xf32, #tpu.memory_space<vmem>>) target_semaphore(%run_scoped3A : memref<!tpu.dma_semaphore, #tpu.memory_space<semaphore_mem>>)
      %dma_wait3A = arith.constant 64 : i32
      %dma_wait3A_83 = tpu.memref_slice %arg8[%dma_wait3A] : memref<192xf32, #tpu.memory_space<vmem>> -> memref<64xf32, #tpu.memory_space<vmem>>
      %dma_wait3A_84 = tpu.memref_slice %arg2[%add3A_45] : memref<49152xf32, #tpu.memory_space<hbm>> -> memref<64xf32, #tpu.memory_space<hbm>>
      %dma_wait3A_85 = arith.constant 64 : i32
      %dma_wait3A_86 = tpu.memref_slice %arg8[%dma_wait3A_85] : memref<192xf32, #tpu.memory_space<vmem>> -> memref<64xf32, #tpu.memory_space<vmem>>
      %dma_wait3A_87 = tpu.memref_slice %arg2[%add3A_45] : memref<49152xf32, #tpu.memory_space<hbm>> -> memref<64xf32, #tpu.memory_space<hbm>>
      tpu.wait_dma2 semaphore(%run_scoped3A : memref<!tpu.dma_semaphore, #tpu.memory_space<semaphore_mem>>) src(%dma_wait3A_87 : memref<64xf32, #tpu.memory_space<hbm>>) dst(%dma_wait3A_86 : memref<64xf32, #tpu.memory_space<vmem>>)
      tpu.yield
    }) : () -> ()
    %mul3A_46 = arith.constant 4096 : i32
    %mul3A_47 = arith.muli %select_n3A, %mul3A_46 : i32
    %add3A_48 = arith.constant 16384 : i32
    %add3A_49 = arith.addi %add3A_48, %mul3A_47 : i32
    "tpu.region"() ({
      %run_scoped3A = tpu.sem_alloc : memref<!tpu.dma_semaphore, #tpu.memory_space<semaphore_mem>>
      %dma_start3A = arith.constant 4096 : i32
      %dma_start3A_78 = tpu.memref_slice %arg9[%dma_start3A] : memref<12288xf32, #tpu.memory_space<vmem>> -> memref<4096xf32, #tpu.memory_space<vmem>>
      %dma_start3A_79 = tpu.memref_slice %arg3[%add3A_49] : memref<49152xf32, #tpu.memory_space<hbm>> -> memref<4096xf32, #tpu.memory_space<hbm>>
      %dma_start3A_80 = arith.constant 4096 : i32
      %dma_start3A_81 = tpu.memref_slice %arg9[%dma_start3A_80] : memref<12288xf32, #tpu.memory_space<vmem>> -> memref<4096xf32, #tpu.memory_space<vmem>>
      %dma_start3A_82 = tpu.memref_slice %arg3[%add3A_49] : memref<49152xf32, #tpu.memory_space<hbm>> -> memref<4096xf32, #tpu.memory_space<hbm>>
      tpu.enqueue_dma source(%dma_start3A_82 : memref<4096xf32, #tpu.memory_space<hbm>>) target(%dma_start3A_81 : memref<4096xf32, #tpu.memory_space<vmem>>) target_semaphore(%run_scoped3A : memref<!tpu.dma_semaphore, #tpu.memory_space<semaphore_mem>>)
      %dma_wait3A = arith.constant 4096 : i32
      %dma_wait3A_83 = tpu.memref_slice %arg9[%dma_wait3A] : memref<12288xf32, #tpu.memory_space<vmem>> -> memref<4096xf32, #tpu.memory_space<vmem>>
      %dma_wait3A_84 = tpu.memref_slice %arg3[%add3A_49] : memref<49152xf32, #tpu.memory_space<hbm>> -> memref<4096xf32, #tpu.memory_space<hbm>>
      %dma_wait3A_85 = arith.constant 4096 : i32
      %dma_wait3A_86 = tpu.memref_slice %arg9[%dma_wait3A_85] : memref<12288xf32, #tpu.memory_space<vmem>> -> memref<4096xf32, #tpu.memory_space<vmem>>
      %dma_wait3A_87 = tpu.memref_slice %arg3[%add3A_49] : memref<49152xf32, #tpu.memory_space<hbm>> -> memref<4096xf32, #tpu.memory_space<hbm>>
      tpu.wait_dma2 semaphore(%run_scoped3A : memref<!tpu.dma_semaphore, #tpu.memory_space<semaphore_mem>>) src(%dma_wait3A_87 : memref<4096xf32, #tpu.memory_space<hbm>>) dst(%dma_wait3A_86 : memref<4096xf32, #tpu.memory_space<vmem>>)
      tpu.yield
    }) : () -> ()
    %add3A_50 = arith.constant 32768 : i32
    %add3A_51 = arith.addi %add3A_50, %add3A_37 : i32
    "tpu.region"() ({
      %run_scoped3A = tpu.sem_alloc : memref<!tpu.dma_semaphore, #tpu.memory_space<semaphore_mem>>
      %dma_start3A = arith.constant 128 : i32
      %dma_start3A_78 = tpu.memref_slice %arg8[%dma_start3A] : memref<192xf32, #tpu.memory_space<vmem>> -> memref<64xf32, #tpu.memory_space<vmem>>
      %dma_start3A_79 = tpu.memref_slice %arg2[%add3A_51] : memref<49152xf32, #tpu.memory_space<hbm>> -> memref<64xf32, #tpu.memory_space<hbm>>
      %dma_start3A_80 = arith.constant 128 : i32
      %dma_start3A_81 = tpu.memref_slice %arg8[%dma_start3A_80] : memref<192xf32, #tpu.memory_space<vmem>> -> memref<64xf32, #tpu.memory_space<vmem>>
      %dma_start3A_82 = tpu.memref_slice %arg2[%add3A_51] : memref<49152xf32, #tpu.memory_space<hbm>> -> memref<64xf32, #tpu.memory_space<hbm>>
      tpu.enqueue_dma source(%dma_start3A_82 : memref<64xf32, #tpu.memory_space<hbm>>) target(%dma_start3A_81 : memref<64xf32, #tpu.memory_space<vmem>>) target_semaphore(%run_scoped3A : memref<!tpu.dma_semaphore, #tpu.memory_space<semaphore_mem>>)
      %dma_wait3A = arith.constant 128 : i32
      %dma_wait3A_83 = tpu.memref_slice %arg8[%dma_wait3A] : memref<192xf32, #tpu.memory_space<vmem>> -> memref<64xf32, #tpu.memory_space<vmem>>
      %dma_wait3A_84 = tpu.memref_slice %arg2[%add3A_51] : memref<49152xf32, #tpu.memory_space<hbm>> -> memref<64xf32, #tpu.memory_space<hbm>>
      %dma_wait3A_85 = arith.constant 128 : i32
      %dma_wait3A_86 = tpu.memref_slice %arg8[%dma_wait3A_85] : memref<192xf32, #tpu.memory_space<vmem>> -> memref<64xf32, #tpu.memory_space<vmem>>
      %dma_wait3A_87 = tpu.memref_slice %arg2[%add3A_51] : memref<49152xf32, #tpu.memory_space<hbm>> -> memref<64xf32, #tpu.memory_space<hbm>>
      tpu.wait_dma2 semaphore(%run_scoped3A : memref<!tpu.dma_semaphore, #tpu.memory_space<semaphore_mem>>) src(%dma_wait3A_87 : memref<64xf32, #tpu.memory_space<hbm>>) dst(%dma_wait3A_86 : memref<64xf32, #tpu.memory_space<vmem>>)
      tpu.yield
    }) : () -> ()
    %mul3A_52 = arith.constant 4096 : i32
    %mul3A_53 = arith.muli %select_n3A, %mul3A_52 : i32
    %add3A_54 = arith.constant 32768 : i32
    %add3A_55 = arith.addi %add3A_54, %mul3A_53 : i32
    "tpu.region"() ({
      %run_scoped3A = tpu.sem_alloc : memref<!tpu.dma_semaphore, #tpu.memory_space<semaphore_mem>>
      %dma_start3A = arith.constant 8192 : i32
      %dma_start3A_78 = tpu.memref_slice %arg9[%dma_start3A] : memref<12288xf32, #tpu.memory_space<vmem>> -> memref<4096xf32, #tpu.memory_space<vmem>>
      %dma_start3A_79 = tpu.memref_slice %arg3[%add3A_55] : memref<49152xf32, #tpu.memory_space<hbm>> -> memref<4096xf32, #tpu.memory_space<hbm>>
      %dma_start3A_80 = arith.constant 8192 : i32
      %dma_start3A_81 = tpu.memref_slice %arg9[%dma_start3A_80] : memref<12288xf32, #tpu.memory_space<vmem>> -> memref<4096xf32, #tpu.memory_space<vmem>>
      %dma_start3A_82 = tpu.memref_slice %arg3[%add3A_55] : memref<49152xf32, #tpu.memory_space<hbm>> -> memref<4096xf32, #tpu.memory_space<hbm>>
      tpu.enqueue_dma source(%dma_start3A_82 : memref<4096xf32, #tpu.memory_space<hbm>>) target(%dma_start3A_81 : memref<4096xf32, #tpu.memory_space<vmem>>) target_semaphore(%run_scoped3A : memref<!tpu.dma_semaphore, #tpu.memory_space<semaphore_mem>>)
      %dma_wait3A = arith.constant 8192 : i32
      %dma_wait3A_83 = tpu.memref_slice %arg9[%dma_wait3A] : memref<12288xf32, #tpu.memory_space<vmem>> -> memref<4096xf32, #tpu.memory_space<vmem>>
      %dma_wait3A_84 = tpu.memref_slice %arg3[%add3A_55] : memref<49152xf32, #tpu.memory_space<hbm>> -> memref<4096xf32, #tpu.memory_space<hbm>>
      %dma_wait3A_85 = arith.constant 8192 : i32
      %dma_wait3A_86 = tpu.memref_slice %arg9[%dma_wait3A_85] : memref<12288xf32, #tpu.memory_space<vmem>> -> memref<4096xf32, #tpu.memory_space<vmem>>
      %dma_wait3A_87 = tpu.memref_slice %arg3[%add3A_55] : memref<49152xf32, #tpu.memory_space<hbm>> -> memref<4096xf32, #tpu.memory_space<hbm>>
      tpu.wait_dma2 semaphore(%run_scoped3A : memref<!tpu.dma_semaphore, #tpu.memory_space<semaphore_mem>>) src(%dma_wait3A_87 : memref<4096xf32, #tpu.memory_space<hbm>>) dst(%dma_wait3A_86 : memref<4096xf32, #tpu.memory_space<vmem>>)
      tpu.yield
    }) : () -> ()
    %broadcast_in_dim3A = arith.constant 1.07374182E+9 : f32
    %broadcast_in_dim3A_56 = vector.broadcast %broadcast_in_dim3A : f32 to vector<16xf32>
    %scan3A = arith.constant 0 : i32
    %scan3A_57 = arith.constant 0 : i32
    %scan3A_58 = arith.constant 256 : i32
    %scan3A_59 = arith.addi %scan3A_57, %scan3A_58 : i32
    %scan3A_60 = arith.constant 1 : i32
    %scan3A_61 = scf.for %scan3A_78 = %scan3A_57 to %scan3A_59 step %scan3A_60 iter_args(%scan3A_79 = %scan3A) -> (i32)  : i32 {
      %mul3A_80 = arith.constant 16 : i32
      %mul3A_81 = arith.muli %scan3A_78, %mul3A_80 : i32
      %mul3A_82 = arith.constant 16 : i32
      %mul3A_83 = arith.muli %scan3A_78, %mul3A_82 : i32
      %add3A_84 = arith.constant 0 : i32
      %add3A_85 = arith.addi %add3A_84, %mul3A_83 : i32
      %get3A = arith.index_cast %add3A_85 : i32 to index
      %get3A_86 = tpu.vector_load %arg9[%get3A] {strides = array<i32>} : memref<12288xf32, #tpu.memory_space<vmem>>, vector<16xf32>,
      %get3A_87 = vector.shape_cast %get3A_86 : vector<16xf32> to vector<16xf32>
      %mul3A_88 = arith.constant 16 : i32
      %mul3A_89 = arith.muli %scan3A_78, %mul3A_88 : i32
      %add3A_90 = arith.constant 4096 : i32
      %add3A_91 = arith.addi %add3A_90, %mul3A_89 : i32
      %get3A_92 = arith.index_cast %add3A_91 : i32 to index
      %get3A_93 = tpu.vector_load %arg9[%get3A_92] {strides = array<i32>} : memref<12288xf32, #tpu.memory_space<vmem>>, vector<16xf32>,
      %get3A_94 = vector.shape_cast %get3A_93 : vector<16xf32> to vector<16xf32>
      %mul3A_95 = arith.constant 16 : i32
      %mul3A_96 = arith.muli %scan3A_78, %mul3A_95 : i32
      %add3A_97 = arith.constant 8192 : i32
      %add3A_98 = arith.addi %add3A_97, %mul3A_96 : i32
      %get3A_99 = arith.index_cast %add3A_98 : i32 to index
      %get3A_100 = tpu.vector_load %arg9[%get3A_99] {strides = array<i32>} : memref<12288xf32, #tpu.memory_space<vmem>>, vector<16xf32>,
      %get3A_101 = vector.shape_cast %get3A_100 : vector<16xf32> to vector<16xf32>
      %mul3A_102 = arith.mulf %get3A_87, %get3A_87 : vector<16xf32>
      %mul3A_103 = arith.mulf %get3A_94, %get3A_94 : vector<16xf32>
      %add3A_104 = arith.addf %mul3A_102, %mul3A_103 : vector<16xf32>
      %mul3A_105 = arith.mulf %get3A_101, %get3A_101 : vector<16xf32>
      %add3A_106 = arith.addf %add3A_104, %mul3A_105 : vector<16xf32>
      %swap3A = arith.index_cast %mul3A_81 : i32 to index
      %swap3A_107 = tpu.vector_load %arg11[%swap3A] {strides = array<i32>} : memref<4096xf32, #tpu.memory_space<vmem>>, vector<16xf32>,
      %swap3A_108 = vector.shape_cast %swap3A_107 : vector<16xf32> to vector<16xf32>
      %swap3A_109 = vector.shape_cast %add3A_106 : vector<16xf32> to vector<16xf32>
      tpu.vector_store %arg11[%swap3A], %swap3A_109 {strides = array<i32>} : memref<4096xf32, #tpu.memory_space<vmem>>, vector<16xf32>,
      %bitcast_convert_type3A = tpu.bitcast %get3A_87 : vector<16xf32> -> vector<16xi32>
      %add3A_110 = arith.constant 32767 : i32
      %add3A_111 = vector.broadcast %add3A_110 : i32 to vector<16xi32>
      %add3A_112 = arith.addi %bitcast_convert_type3A, %add3A_111 : vector<16xi32>
      %shift_right_arithmetic3A = arith.constant 16 : i32
      %shift_right_arithmetic3A_113 = vector.broadcast %shift_right_arithmetic3A : i32 to vector<16xi32>
      %shift_right_arithmetic3A_114 = arith.shrsi %bitcast_convert_type3A, %shift_right_arithmetic3A_113 : vector<16xi32>
      %and3A_115 = arith.constant 1 : i32
      %and3A_116 = vector.broadcast %and3A_115 : i32 to vector<16xi32>
      %and3A_117 = arith.andi %shift_right_arithmetic3A_114, %and3A_116 : vector<16xi32>
      %add3A_118 = arith.addi %add3A_112, %and3A_117 : vector<16xi32>
      %and3A_119 = arith.constant -65536 : i32
      %and3A_120 = vector.broadcast %and3A_119 : i32 to vector<16xi32>
      %and3A_121 = arith.andi %add3A_118, %and3A_120 : vector<16xi32>
      %bitcast_convert_type3A_122 = tpu.bitcast %and3A_121 : vector<16xi32> -> vector<16xf32>
      %mul3A_123 = arith.constant 16 : i32
      %mul3A_124 = arith.muli %scan3A_78, %mul3A_123 : i32
      %add3A_125 = arith.constant 0 : i32
      %add3A_126 = arith.addi %add3A_125, %mul3A_124 : i32
      %swap3A_127 = arith.index_cast %add3A_126 : i32 to index
      %swap3A_128 = tpu.vector_load %arg10[%swap3A_127] {strides = array<i32>} : memref<12288xf32, #tpu.memory_space<vmem>>, vector<16xf32>,
      %swap3A_129 = vector.shape_cast %swap3A_128 : vector<16xf32> to vector<16xf32>
      %swap3A_130 = vector.shape_cast %bitcast_convert_type3A_122 : vector<16xf32> to vector<16xf32>
      tpu.vector_store %arg10[%swap3A_127], %swap3A_130 {strides = array<i32>} : memref<12288xf32, #tpu.memory_space<vmem>>, vector<16xf32>,
      %bitcast_convert_type3A_131 = tpu.bitcast %get3A_94 : vector<16xf32> -> vector<16xi32>
      %add3A_132 = arith.constant 32767 : i32
      %add3A_133 = vector.broadcast %add3A_132 : i32 to vector<16xi32>
      %add3A_134 = arith.addi %bitcast_convert_type3A_131, %add3A_133 : vector<16xi32>
      %shift_right_arithmetic3A_135 = arith.constant 16 : i32
      %shift_right_arithmetic3A_136 = vector.broadcast %shift_right_arithmetic3A_135 : i32 to vector<16xi32>
      %shift_right_arithmetic3A_137 = arith.shrsi %bitcast_convert_type3A_131, %shift_right_arithmetic3A_136 : vector<16xi32>
      %and3A_138 = arith.constant 1 : i32
      %and3A_139 = vector.broadcast %and3A_138 : i32 to vector<16xi32>
      %and3A_140 = arith.andi %shift_right_arithmetic3A_137, %and3A_139 : vector<16xi32>
      %add3A_141 = arith.addi %add3A_134, %and3A_140 : vector<16xi32>
      %and3A_142 = arith.constant -65536 : i32
      %and3A_143 = vector.broadcast %and3A_142 : i32 to vector<16xi32>
      %and3A_144 = arith.andi %add3A_141, %and3A_143 : vector<16xi32>
      %bitcast_convert_type3A_145 = tpu.bitcast %and3A_144 : vector<16xi32> -> vector<16xf32>
      %mul3A_146 = arith.constant 16 : i32
      %mul3A_147 = arith.muli %scan3A_78, %mul3A_146 : i32
      %add3A_148 = arith.constant 4096 : i32
      %add3A_149 = arith.addi %add3A_148, %mul3A_147 : i32
      %swap3A_150 = arith.index_cast %add3A_149 : i32 to index
      %swap3A_151 = tpu.vector_load %arg10[%swap3A_150] {strides = array<i32>} : memref<12288xf32, #tpu.memory_space<vmem>>, vector<16xf32>,
      %swap3A_152 = vector.shape_cast %swap3A_151 : vector<16xf32> to vector<16xf32>
      %swap3A_153 = vector.shape_cast %bitcast_convert_type3A_145 : vector<16xf32> to vector<16xf32>
      tpu.vector_store %arg10[%swap3A_150], %swap3A_153 {strides = array<i32>} : memref<12288xf32, #tpu.memory_space<vmem>>, vector<16xf32>,
      %bitcast_convert_type3A_154 = tpu.bitcast %get3A_101 : vector<16xf32> -> vector<16xi32>
      %add3A_155 = arith.constant 32767 : i32
      %add3A_156 = vector.broadcast %add3A_155 : i32 to vector<16xi32>
      %add3A_157 = arith.addi %bitcast_convert_type3A_154, %add3A_156 : vector<16xi32>
      %shift_right_arithmetic3A_158 = arith.constant 16 : i32
      %shift_right_arithmetic3A_159 = vector.broadcast %shift_right_arithmetic3A_158 : i32 to vector<16xi32>
      %shift_right_arithmetic3A_160 = arith.shrsi %bitcast_convert_type3A_154, %shift_right_arithmetic3A_159 : vector<16xi32>
      %and3A_161 = arith.constant 1 : i32
      %and3A_162 = vector.broadcast %and3A_161 : i32 to vector<16xi32>
      %and3A_163 = arith.andi %shift_right_arithmetic3A_160, %and3A_162 : vector<16xi32>
      %add3A_164 = arith.addi %add3A_157, %and3A_163 : vector<16xi32>
      %and3A_165 = arith.constant -65536 : i32
      %and3A_166 = vector.broadcast %and3A_165 : i32 to vector<16xi32>
      %and3A_167 = arith.andi %add3A_164, %and3A_166 : vector<16xi32>
      %bitcast_convert_type3A_168 = tpu.bitcast %and3A_167 : vector<16xi32> -> vector<16xf32>
      %mul3A_169 = arith.constant 16 : i32
      %mul3A_170 = arith.muli %scan3A_78, %mul3A_169 : i32
      %add3A_171 = arith.constant 8192 : i32
      %add3A_172 = arith.addi %add3A_171, %mul3A_170 : i32
      %swap3A_173 = arith.index_cast %add3A_172 : i32 to index
      %swap3A_174 = tpu.vector_load %arg10[%swap3A_173] {strides = array<i32>} : memref<12288xf32, #tpu.memory_space<vmem>>, vector<16xf32>,
      %swap3A_175 = vector.shape_cast %swap3A_174 : vector<16xf32> to vector<16xf32>
      %swap3A_176 = vector.shape_cast %bitcast_convert_type3A_168 : vector<16xf32> to vector<16xf32>
      tpu.vector_store %arg10[%swap3A_173], %swap3A_176 {strides = array<i32>} : memref<12288xf32, #tpu.memory_space<vmem>>, vector<16xf32>,
      %swap3A_177 = arith.index_cast %mul3A_81 : i32 to index
      %swap3A_178 = tpu.vector_load %arg12[%swap3A_177] {strides = array<i32>} : memref<4096xf32, #tpu.memory_space<vmem>>, vector<16xf32>,
      %swap3A_179 = vector.shape_cast %swap3A_178 : vector<16xf32> to vector<16xf32>
      %swap3A_180 = vector.shape_cast %broadcast_in_dim3A_56 : vector<16xf32> to vector<16xf32>
      tpu.vector_store %arg12[%swap3A_177], %swap3A_180 {strides = array<i32>} : memref<4096xf32, #tpu.memory_space<vmem>>, vector<16xf32>,
      %swap3A_181 = arith.index_cast %mul3A_81 : i32 to index
      %swap3A_182 = tpu.vector_load %arg13[%swap3A_181] {strides = array<i32>} : memref<4096xf32, #tpu.memory_space<vmem>>, vector<16xf32>,
      %swap3A_183 = vector.shape_cast %swap3A_182 : vector<16xf32> to vector<16xf32>
      %swap3A_184 = vector.shape_cast %broadcast_in_dim3A_56 : vector<16xf32> to vector<16xf32>
      tpu.vector_store %arg13[%swap3A_181], %swap3A_184 {strides = array<i32>} : memref<4096xf32, #tpu.memory_space<vmem>>, vector<16xf32>,
      %scan3A_185 = arith.constant 0 : i32
      scf.yield %scan3A_185 : i32
    }
    %scan3A_62 = arith.constant 256 : i32
    %iota3A = tpu.iota {dimensions = array<i32: 0>} : vector<16xi32>
    %convert_element_type3A = arith.sitofp %iota3A : vector<16xi32> to vector<16xf32>
    %scan3A_63 = arith.constant 0 : i32
    %scan3A_64 = arith.constant 0 : i32
    %scan3A_65 = arith.constant 4 : i32
    %scan3A_66 = arith.addi %scan3A_64, %scan3A_65 : i32
    %scan3A_67 = arith.constant 1 : i32
    %scan3A_68 = scf.for %scan3A_78 = %scan3A_64 to %scan3A_66 step %scan3A_67 iter_args(%scan3A_79 = %scan3A_63) -> (i32)  : i32 {
      %mul3A_80 = arith.constant 16 : i32
      %mul3A_81 = arith.muli %scan3A_78, %mul3A_80 : i32
      %mul3A_82 = arith.constant 16 : i32
      %mul3A_83 = arith.muli %scan3A_78, %mul3A_82 : i32
      %add3A_84 = arith.constant 0 : i32
      %add3A_85 = arith.addi %add3A_84, %mul3A_83 : i32
      %get3A = arith.index_cast %add3A_85 : i32 to index
      %get3A_86 = tpu.vector_load %arg8[%get3A] {strides = array<i32>} : memref<192xf32, #tpu.memory_space<vmem>>, vector<16xf32>,
      %get3A_87 = vector.shape_cast %get3A_86 : vector<16xf32> to vector<16xf32>
      %mul3A_88 = arith.constant 16 : i32
      %mul3A_89 = arith.muli %scan3A_78, %mul3A_88 : i32
      %add3A_90 = arith.constant 64 : i32
      %add3A_91 = arith.addi %add3A_90, %mul3A_89 : i32
      %get3A_92 = arith.index_cast %add3A_91 : i32 to index
      %get3A_93 = tpu.vector_load %arg8[%get3A_92] {strides = array<i32>} : memref<192xf32, #tpu.memory_space<vmem>>, vector<16xf32>,
      %get3A_94 = vector.shape_cast %get3A_93 : vector<16xf32> to vector<16xf32>
      %mul3A_95 = arith.constant 16 : i32
      %mul3A_96 = arith.muli %scan3A_78, %mul3A_95 : i32
      %add3A_97 = arith.constant 128 : i32
      %add3A_98 = arith.addi %add3A_97, %mul3A_96 : i32
      %get3A_99 = arith.index_cast %add3A_98 : i32 to index
      %get3A_100 = tpu.vector_load %arg8[%get3A_99] {strides = array<i32>} : memref<192xf32, #tpu.memory_space<vmem>>, vector<16xf32>,
      %get3A_101 = vector.shape_cast %get3A_100 : vector<16xf32> to vector<16xf32>
      %broadcast_in_dim3A_102 = arith.constant 0 : i32
      %broadcast_in_dim3A_103 = vector.broadcast %broadcast_in_dim3A_102 : i32 to vector<16x1xi32>
      %gather3A = vector.shape_cast %broadcast_in_dim3A_103 : vector<16x1xi32> to vector<16xi32>
      %gather3A_104 = tpu.dynamic_gather %get3A_87[%gather3A] in [0] : vector<16xf32>, vector<16xi32> -> vector<16xf32>
      %broadcast_in_dim3A_105 = arith.constant 0 : i32
      %broadcast_in_dim3A_106 = vector.broadcast %broadcast_in_dim3A_105 : i32 to vector<16x1xi32>
      %gather3A_107 = vector.shape_cast %broadcast_in_dim3A_106 : vector<16x1xi32> to vector<16xi32>
      %gather3A_108 = tpu.dynamic_gather %get3A_94[%gather3A_107] in [0] : vector<16xf32>, vector<16xi32> -> vector<16xf32>
      %broadcast_in_dim3A_109 = arith.constant 0 : i32
      %broadcast_in_dim3A_110 = vector.broadcast %broadcast_in_dim3A_109 : i32 to vector<16x1xi32>
      %gather3A_111 = vector.shape_cast %broadcast_in_dim3A_110 : vector<16x1xi32> to vector<16xi32>
      %gather3A_112 = tpu.dynamic_gather %get3A_101[%gather3A_111] in [0] : vector<16xf32>, vector<16xi32> -> vector<16xf32>
      %mul3A_113 = arith.mulf %gather3A_104, %gather3A_104 : vector<16xf32>
      %mul3A_114 = arith.mulf %gather3A_108, %gather3A_108 : vector<16xf32>
      %add3A_115 = arith.addf %mul3A_113, %mul3A_114 : vector<16xf32>
      %mul3A_116 = arith.mulf %gather3A_112, %gather3A_112 : vector<16xf32>
      %add3A_117 = arith.addf %add3A_115, %mul3A_116 : vector<16xf32>
      %bitcast_convert_type3A = tpu.bitcast %gather3A_104 : vector<16xf32> -> vector<16xi32>
      %add3A_118 = arith.constant 32767 : i32
      %add3A_119 = vector.broadcast %add3A_118 : i32 to vector<16xi32>
      %add3A_120 = arith.addi %bitcast_convert_type3A, %add3A_119 : vector<16xi32>
      %shift_right_arithmetic3A = arith.constant 16 : i32
      %shift_right_arithmetic3A_121 = vector.broadcast %shift_right_arithmetic3A : i32 to vector<16xi32>
      %shift_right_arithmetic3A_122 = arith.shrsi %bitcast_convert_type3A, %shift_right_arithmetic3A_121 : vector<16xi32>
      %and3A_123 = arith.constant 1 : i32
      %and3A_124 = vector.broadcast %and3A_123 : i32 to vector<16xi32>
      %and3A_125 = arith.andi %shift_right_arithmetic3A_122, %and3A_124 : vector<16xi32>
      %add3A_126 = arith.addi %add3A_120, %and3A_125 : vector<16xi32>
      %and3A_127 = arith.constant -65536 : i32
      %and3A_128 = vector.broadcast %and3A_127 : i32 to vector<16xi32>
      %and3A_129 = arith.andi %add3A_126, %and3A_128 : vector<16xi32>
      %bitcast_convert_type3A_130 = tpu.bitcast %and3A_129 : vector<16xi32> -> vector<16xf32>
      %bitcast_convert_type3A_131 = tpu.bitcast %gather3A_108 : vector<16xf32> -> vector<16xi32>
      %add3A_132 = arith.constant 32767 : i32
      %add3A_133 = vector.broadcast %add3A_132 : i32 to vector<16xi32>
      %add3A_134 = arith.addi %bitcast_convert_type3A_131, %add3A_133 : vector<16xi32>
      %shift_right_arithmetic3A_135 = arith.constant 16 : i32
      %shift_right_arithmetic3A_136 = vector.broadcast %shift_right_arithmetic3A_135 : i32 to vector<16xi32>
      %shift_right_arithmetic3A_137 = arith.shrsi %bitcast_convert_type3A_131, %shift_right_arithmetic3A_136 : vector<16xi32>
      %and3A_138 = arith.constant 1 : i32
      %and3A_139 = vector.broadcast %and3A_138 : i32 to vector<16xi32>
      %and3A_140 = arith.andi %shift_right_arithmetic3A_137, %and3A_139 : vector<16xi32>
      %add3A_141 = arith.addi %add3A_134, %and3A_140 : vector<16xi32>
      %and3A_142 = arith.constant -65536 : i32
      %and3A_143 = vector.broadcast %and3A_142 : i32 to vector<16xi32>
      %and3A_144 = arith.andi %add3A_141, %and3A_143 : vector<16xi32>
      %bitcast_convert_type3A_145 = tpu.bitcast %and3A_144 : vector<16xi32> -> vector<16xf32>
      %bitcast_convert_type3A_146 = tpu.bitcast %gather3A_112 : vector<16xf32> -> vector<16xi32>
      %add3A_147 = arith.constant 32767 : i32
      %add3A_148 = vector.broadcast %add3A_147 : i32 to vector<16xi32>
      %add3A_149 = arith.addi %bitcast_convert_type3A_146, %add3A_148 : vector<16xi32>
      %shift_right_arithmetic3A_150 = arith.constant 16 : i32
      %shift_right_arithmetic3A_151 = vector.broadcast %shift_right_arithmetic3A_150 : i32 to vector<16xi32>
      %shift_right_arithmetic3A_152 = arith.shrsi %bitcast_convert_type3A_146, %shift_right_arithmetic3A_151 : vector<16xi32>
      %and3A_153 = arith.constant 1 : i32
      %and3A_154 = vector.broadcast %and3A_153 : i32 to vector<16xi32>
      %and3A_155 = arith.andi %shift_right_arithmetic3A_152, %and3A_154 : vector<16xi32>
      %add3A_156 = arith.addi %add3A_149, %and3A_155 : vector<16xi32>
      %and3A_157 = arith.constant -65536 : i32
      %and3A_158 = vector.broadcast %and3A_157 : i32 to vector<16xi32>
      %and3A_159 = arith.andi %add3A_156, %and3A_158 : vector<16xi32>
      %bitcast_convert_type3A_160 = tpu.bitcast %and3A_159 : vector<16xi32> -> vector<16xf32>
      %mul3A_161 = arith.constant 16 : i32
      %mul3A_162 = arith.muli %scan3A_78, %mul3A_161 : i32
      %add3A_163 = arith.addi %add3A_34, %mul3A_162 : i32
      %add3A_164 = arith.constant 0 : i32
      %add3A_165 = arith.addi %add3A_163, %add3A_164 : i32
      %convert_element_type3A_166 = arith.sitofp %add3A_165 : i32 to f32
      %broadcast_in_dim3A_167 = vector.broadcast %convert_element_type3A_166 : f32 to vector<16xf32>
      %scan3A_168 = arith.constant 0 : i32
      %scan3A_169 = arith.constant 256 : i32
      %scan3A_170 = arith.addi %scan3A_168, %scan3A_169 : i32
      %scan3A_171 = arith.constant 1 : i32
      %scan3A_172:2 = scf.for %scan3A_2345 = %scan3A_168 to %scan3A_170 step %scan3A_171 iter_args(%scan3A_2346 = %broadcast_in_dim3A_56, %scan3A_2347 = %broadcast_in_dim3A_56) -> (vector<16xf32>, vector<16xf32>)  : i32 {
        %mul3A_2348 = arith.constant 16 : i32
        %mul3A_2349 = arith.muli %scan3A_2345, %mul3A_2348 : i32
        %mul3A_2350 = arith.constant 16 : i32
        %mul3A_2351 = arith.muli %scan3A_2345, %mul3A_2350 : i32
        %add3A_2352 = arith.constant 0 : i32
        %add3A_2353 = arith.addi %add3A_2352, %mul3A_2351 : i32
        %get3A_2354 = arith.index_cast %add3A_2353 : i32 to index
        %get3A_2355 = tpu.vector_load %arg10[%get3A_2354] {strides = array<i32>} : memref<12288xf32, #tpu.memory_space<vmem>>, vector<16xf32>,
        %get3A_2356 = vector.shape_cast %get3A_2355 : vector<16xf32> to vector<16xf32>
        %mul3A_2357 = arith.constant 16 : i32
        %mul3A_2358 = arith.muli %scan3A_2345, %mul3A_2357 : i32
        %add3A_2359 = arith.constant 4096 : i32
        %add3A_2360 = arith.addi %add3A_2359, %mul3A_2358 : i32
        %get3A_2361 = arith.index_cast %add3A_2360 : i32 to index
        %get3A_2362 = tpu.vector_load %arg10[%get3A_2361] {strides = array<i32>} : memref<12288xf32, #tpu.memory_space<vmem>>, vector<16xf32>,
        %get3A_2363 = vector.shape_cast %get3A_2362 : vector<16xf32> to vector<16xf32>
        %mul3A_2364 = arith.constant 16 : i32
        %mul3A_2365 = arith.muli %scan3A_2345, %mul3A_2364 : i32
        %add3A_2366 = arith.constant 8192 : i32
        %add3A_2367 = arith.addi %add3A_2366, %mul3A_2365 : i32
        %get3A_2368 = arith.index_cast %add3A_2367 : i32 to index
        %get3A_2369 = tpu.vector_load %arg10[%get3A_2368] {strides = array<i32>} : memref<12288xf32, #tpu.memory_space<vmem>>, vector<16xf32>,
        %get3A_2370 = vector.shape_cast %get3A_2369 : vector<16xf32> to vector<16xf32>
        %mul3A_2371 = arith.mulf %bitcast_convert_type3A_130, %get3A_2356 : vector<16xf32>
        %mul3A_2372 = arith.mulf %bitcast_convert_type3A_145, %get3A_2363 : vector<16xf32>
        %add3A_2373 = arith.addf %mul3A_2371, %mul3A_2372 : vector<16xf32>
        %mul3A_2374 = arith.mulf %bitcast_convert_type3A_160, %get3A_2370 : vector<16xf32>
        %add3A_2375 = arith.addf %add3A_2373, %mul3A_2374 : vector<16xf32>
        %get3A_2376 = arith.index_cast %mul3A_2349 : i32 to index
        %get3A_2377 = tpu.vector_load %arg11[%get3A_2376] {strides = array<i32>} : memref<4096xf32, #tpu.memory_space<vmem>>, vector<16xf32>,
        %get3A_2378 = vector.shape_cast %get3A_2377 : vector<16xf32> to vector<16xf32>
        %add3A_2379 = arith.addf %add3A_117, %get3A_2378 : vector<16xf32>
        %mul3A_2380 = arith.constant 2.000000e+00 : f32
        %mul3A_2381 = vector.broadcast %mul3A_2380 : f32 to vector<16xf32>
        %mul3A_2382 = arith.mulf %mul3A_2381, %add3A_2375 : vector<16xf32>
        %sub3A_2383 = arith.subf %add3A_2379, %mul3A_2382 : vector<16xf32>
        %max3A = arith.constant 0.000000e+00 : f32
        %max3A_2384 = vector.broadcast %max3A : f32 to vector<16xf32>
        %max3A_2385 = arith.maximumf %sub3A_2383, %max3A_2384 : vector<16xf32>
        %mul3A_2386 = arith.constant 16 : i32
        %mul3A_2387 = arith.muli %scan3A_2345, %mul3A_2386 : i32
        %convert_element_type3A_2388 = arith.sitofp %mul3A_2387 : i32 to f32
        %add3A_2389 = vector.broadcast %convert_element_type3A_2388 : f32 to vector<16xf32>
        %add3A_2390 = arith.addf %convert_element_type3A, %add3A_2389 : vector<16xf32>
        %lt3A_2391 = arith.cmpf olt, %max3A_2385, %scan3A_2346 : vector<16xf32>
        %select_n3A_2392 = arith.select %lt3A_2391, %max3A_2385, %scan3A_2346 : vector<16xi1>, vector<16xf32>
        %select_n3A_2393 = arith.select %lt3A_2391, %add3A_2390, %scan3A_2347 : vector<16xi1>, vector<16xf32>
        %get3A_2394 = arith.index_cast %mul3A_2349 : i32 to index
        %get3A_2395 = tpu.vector_load %arg12[%get3A_2394] {strides = array<i32>} : memref<4096xf32, #tpu.memory_space<vmem>>, vector<16xf32>,
        %get3A_2396 = vector.shape_cast %get3A_2395 : vector<16xf32> to vector<16xf32>
        %get3A_2397 = arith.index_cast %mul3A_2349 : i32 to index
        %get3A_2398 = tpu.vector_load %arg13[%get3A_2397] {strides = array<i32>} : memref<4096xf32, #tpu.memory_space<vmem>>, vector<16xf32>,
        %get3A_2399 = vector.shape_cast %get3A_2398 : vector<16xf32> to vector<16xf32>
        %lt3A_2400 = arith.cmpf olt, %max3A_2385, %get3A_2396 : vector<16xf32>
        %select_n3A_2401 = arith.select %lt3A_2400, %max3A_2385, %get3A_2396 : vector<16xi1>, vector<16xf32>
        %swap3A_2402 = arith.index_cast %mul3A_2349 : i32 to index
        %swap3A_2403 = tpu.vector_load %arg12[%swap3A_2402] {strides = array<i32>} : memref<4096xf32, #tpu.memory_space<vmem>>, vector<16xf32>,
        %swap3A_2404 = vector.shape_cast %swap3A_2403 : vector<16xf32> to vector<16xf32>
        %swap3A_2405 = vector.shape_cast %select_n3A_2401 : vector<16xf32> to vector<16xf32>
        tpu.vector_store %arg12[%swap3A_2402], %swap3A_2405 {strides = array<i32>} : memref<4096xf32, #tpu.memory_space<vmem>>, vector<16xf32>,
        %select_n3A_2406 = arith.select %lt3A_2400, %broadcast_in_dim3A_167, %get3A_2399 : vector<16xi1>, vector<16xf32>
        %swap3A_2407 = arith.index_cast %mul3A_2349 : i32 to index
        %swap3A_2408 = tpu.vector_load %arg13[%swap3A_2407] {strides = array<i32>} : memref<4096xf32, #tpu.memory_space<vmem>>, vector<16xf32>,
        %swap3A_2409 = vector.shape_cast %swap3A_2408 : vector<16xf32> to vector<16xf32>
        %swap3A_2410 = vector.shape_cast %select_n3A_2406 : vector<16xf32> to vector<16xf32>
        tpu.vector_store %arg13[%swap3A_2407], %swap3A_2410 {strides = array<i32>} : memref<4096xf32, #tpu.memory_space<vmem>>, vector<16xf32>,
        scf.yield %select_n3A_2392, %select_n3A_2393 : vector<16xf32>, vector<16xf32>
      }
      %scan3A_173 = arith.constant 256 : i32
      %xor3A = arith.constant 8 : i32
      %xor3A_174 = vector.broadcast %xor3A : i32 to vector<16xi32>
      %xor3A_175 = arith.xori %iota3A, %xor3A_174 : vector<16xi32>
      %broadcast_in_dim3A_176 = vector.shape_cast %xor3A_175 : vector<16xi32> to vector<16x1xi32>
      %gather3A_177 = vector.shape_cast %broadcast_in_dim3A_176 : vector<16x1xi32> to vector<16xi32>
      %gather3A_178 = tpu.dynamic_gather %scan3A_172#0[%gather3A_177] in [0] : vector<16xf32>, vector<16xi32> -> vector<16xf32>
      %gather3A_179 = vector.shape_cast %broadcast_in_dim3A_176 : vector<16x1xi32> to vector<16xi32>
      %gather3A_180 = tpu.dynamic_gather %scan3A_172#1[%gather3A_179] in [0] : vector<16xf32>, vector<16xi32> -> vector<16xf32>
      %lt3A_181 = arith.cmpf olt, %gather3A_178, %scan3A_172#0 : vector<16xf32>
      %eq3A_182 = arith.cmpf oeq, %gather3A_178, %scan3A_172#0 : vector<16xf32>
      %lt3A_183 = arith.cmpf olt, %gather3A_180, %scan3A_172#1 : vector<16xf32>
      %and3A_184 = arith.andi %eq3A_182, %lt3A_183 : vector<16xi1>
      %or3A = arith.ori %lt3A_181, %and3A_184 : vector<16xi1>
      %select_n3A_185 = arith.select %or3A, %gather3A_178, %scan3A_172#0 : vector<16xi1>, vector<16xf32>
      %select_n3A_186 = arith.select %or3A, %gather3A_180, %scan3A_172#1 : vector<16xi1>, vector<16xf32>
      %xor3A_187 = arith.constant 4 : i32
      %xor3A_188 = vector.broadcast %xor3A_187 : i32 to vector<16xi32>
      %xor3A_189 = arith.xori %iota3A, %xor3A_188 : vector<16xi32>
      %broadcast_in_dim3A_190 = vector.shape_cast %xor3A_189 : vector<16xi32> to vector<16x1xi32>
      %gather3A_191 = vector.shape_cast %broadcast_in_dim3A_190 : vector<16x1xi32> to vector<16xi32>
      %gather3A_192 = tpu.dynamic_gather %select_n3A_185[%gather3A_191] in [0] : vector<16xf32>, vector<16xi32> -> vector<16xf32>
      %gather3A_193 = vector.shape_cast %broadcast_in_dim3A_190 : vector<16x1xi32> to vector<16xi32>
      %gather3A_194 = tpu.dynamic_gather %select_n3A_186[%gather3A_193] in [0] : vector<16xf32>, vector<16xi32> -> vector<16xf32>
      %lt3A_195 = arith.cmpf olt, %gather3A_192, %select_n3A_185 : vector<16xf32>
      %eq3A_196 = arith.cmpf oeq, %gather3A_192, %select_n3A_185 : vector<16xf32>
      %lt3A_197 = arith.cmpf olt, %gather3A_194, %select_n3A_186 : vector<16xf32>
      %and3A_198 = arith.andi %eq3A_196, %lt3A_197 : vector<16xi1>
      %or3A_199 = arith.ori %lt3A_195, %and3A_198 : vector<16xi1>
      %select_n3A_200 = arith.select %or3A_199, %gather3A_192, %select_n3A_185 : vector<16xi1>, vector<16xf32>
      %select_n3A_201 = arith.select %or3A_199, %gather3A_194, %select_n3A_186 : vector<16xi1>, vector<16xf32>
      %xor3A_202 = arith.constant 2 : i32
      %xor3A_203 = vector.broadcast %xor3A_202 : i32 to vector<16xi32>
      %xor3A_204 = arith.xori %iota3A, %xor3A_203 : vector<16xi32>
      %broadcast_in_dim3A_205 = vector.shape_cast %xor3A_204 : vector<16xi32> to vector<16x1xi32>
      %gather3A_206 = vector.shape_cast %broadcast_in_dim3A_205 : vector<16x1xi32> to vector<16xi32>
      %gather3A_207 = tpu.dynamic_gather %select_n3A_200[%gather3A_206] in [0] : vector<16xf32>, vector<16xi32> -> vector<16xf32>
      %gather3A_208 = vector.shape_cast %broadcast_in_dim3A_205 : vector<16x1xi32> to vector<16xi32>
      %gather3A_209 = tpu.dynamic_gather %select_n3A_201[%gather3A_208] in [0] : vector<16xf32>, vector<16xi32> -> vector<16xf32>
      %lt3A_210 = arith.cmpf olt, %gather3A_207, %select_n3A_200 : vector<16xf32>
      %eq3A_211 = arith.cmpf oeq, %gather3A_207, %select_n3A_200 : vector<16xf32>
      %lt3A_212 = arith.cmpf olt, %gather3A_209, %select_n3A_201 : vector<16xf32>
      %and3A_213 = arith.andi %eq3A_211, %lt3A_212 : vector<16xi1>
      %or3A_214 = arith.ori %lt3A_210, %and3A_213 : vector<16xi1>
      %select_n3A_215 = arith.select %or3A_214, %gather3A_207, %select_n3A_200 : vector<16xi1>, vector<16xf32>
      %select_n3A_216 = arith.select %or3A_214, %gather3A_209, %select_n3A_201 : vector<16xi1>, vector<16xf32>
      %xor3A_217 = arith.constant 1 : i32
      %xor3A_218 = vector.broadcast %xor3A_217 : i32 to vector<16xi32>
      %xor3A_219 = arith.xori %iota3A, %xor3A_218 : vector<16xi32>
      %broadcast_in_dim3A_220 = vector.shape_cast %xor3A_219 : vector<16xi32> to vector<16x1xi32>
      %gather3A_221 = vector.shape_cast %broadcast_in_dim3A_220 : vector<16x1xi32> to vector<16xi32>
      %gather3A_222 = tpu.dynamic_gather %select_n3A_215[%gather3A_221] in [0] : vector<16xf32>, vector<16xi32> -> vector<16xf32>
      %gather3A_223 = vector.shape_cast %broadcast_in_dim3A_220 : vector<16x1xi32> to vector<16xi32>
      %gather3A_224 = tpu.dynamic_gather %select_n3A_216[%gather3A_223] in [0] : vector<16xf32>, vector<16xi32> -> vector<16xf32>
      %lt3A_225 = arith.cmpf olt, %gather3A_222, %select_n3A_215 : vector<16xf32>
      %eq3A_226 = arith.cmpf oeq, %gather3A_222, %select_n3A_215 : vector<16xf32>
      %lt3A_227 = arith.cmpf olt, %gather3A_224, %select_n3A_216 : vector<16xf32>
      %and3A_228 = arith.andi %eq3A_226, %lt3A_227 : vector<16xi1>
      %or3A_229 = arith.ori %lt3A_225, %and3A_228 : vector<16xi1>
      %select_n3A_230 = arith.select %or3A_229, %gather3A_222, %select_n3A_215 : vector<16xi1>, vector<16xf32>
      %select_n3A_231 = arith.select %or3A_229, %gather3A_224, %select_n3A_216 : vector<16xi1>, vector<16xf32>
      %eq3A_232 = arith.constant 0 : i32
      %eq3A_233 = vector.broadcast %eq3A_232 : i32 to vector<16xi32>
      %eq3A_234 = arith.cmpi eq, %iota3A, %eq3A_233 : vector<16xi32>
      %select_n3A_235 = arith.select %eq3A_234, %select_n3A_230, %broadcast_in_dim3A_56 : vector<16xi1>, vector<16xf32>
      %select_n3A_236 = arith.select %eq3A_234, %select_n3A_231, %broadcast_in_dim3A_56 : vector<16xi1>, vector<16xf32>
      %broadcast_in_dim3A_237 = arith.constant 1 : i32
      %broadcast_in_dim3A_238 = vector.broadcast %broadcast_in_dim3A_237 : i32 to vector<16x1xi32>
      %gather3A_239 = vector.shape_cast %broadcast_in_dim3A_238 : vector<16x1xi32> to vector<16xi32>
      %gather3A_240 = tpu.dynamic_gather %get3A_87[%gather3A_239] in [0] : vector<16xf32>, vector<16xi32> -> vector<16xf32>
      %broadcast_in_dim3A_241 = arith.constant 1 : i32
      %broadcast_in_dim3A_242 = vector.broadcast %broadcast_in_dim3A_241 : i32 to vector<16x1xi32>
      %gather3A_243 = vector.shape_cast %broadcast_in_dim3A_242 : vector<16x1xi32> to vector<16xi32>
      %gather3A_244 = tpu.dynamic_gather %get3A_94[%gather3A_243] in [0] : vector<16xf32>, vector<16xi32> -> vector<16xf32>
      %broadcast_in_dim3A_245 = arith.constant 1 : i32
      %broadcast_in_dim3A_246 = vector.broadcast %broadcast_in_dim3A_245 : i32 to vector<16x1xi32>
      %gather3A_247 = vector.shape_cast %broadcast_in_dim3A_246 : vector<16x1xi32> to vector<16xi32>
      %gather3A_248 = tpu.dynamic_gather %get3A_101[%gather3A_247] in [0] : vector<16xf32>, vector<16xi32> -> vector<16xf32>
      %mul3A_249 = arith.mulf %gather3A_240, %gather3A_240 : vector<16xf32>
      %mul3A_250 = arith.mulf %gather3A_244, %gather3A_244 : vector<16xf32>
      %add3A_251 = arith.addf %mul3A_249, %mul3A_250 : vector<16xf32>
      %mul3A_252 = arith.mulf %gather3A_248, %gather3A_248 : vector<16xf32>
      %add3A_253 = arith.addf %add3A_251, %mul3A_252 : vector<16xf32>
      %bitcast_convert_type3A_254 = tpu.bitcast %gather3A_240 : vector<16xf32> -> vector<16xi32>
      %add3A_255 = arith.constant 32767 : i32
      %add3A_256 = vector.broadcast %add3A_255 : i32 to vector<16xi32>
      %add3A_257 = arith.addi %bitcast_convert_type3A_254, %add3A_256 : vector<16xi32>
      %shift_right_arithmetic3A_258 = arith.constant 16 : i32
      %shift_right_arithmetic3A_259 = vector.broadcast %shift_right_arithmetic3A_258 : i32 to vector<16xi32>
      %shift_right_arithmetic3A_260 = arith.shrsi %bitcast_convert_type3A_254, %shift_right_arithmetic3A_259 : vector<16xi32>
      %and3A_261 = arith.constant 1 : i32
      %and3A_262 = vector.broadcast %and3A_261 : i32 to vector<16xi32>
      %and3A_263 = arith.andi %shift_right_arithmetic3A_260, %and3A_262 : vector<16xi32>
      %add3A_264 = arith.addi %add3A_257, %and3A_263 : vector<16xi32>
      %and3A_265 = arith.constant -65536 : i32
      %and3A_266 = vector.broadcast %and3A_265 : i32 to vector<16xi32>
      %and3A_267 = arith.andi %add3A_264, %and3A_266 : vector<16xi32>
      %bitcast_convert_type3A_268 = tpu.bitcast %and3A_267 : vector<16xi32> -> vector<16xf32>
      %bitcast_convert_type3A_269 = tpu.bitcast %gather3A_244 : vector<16xf32> -> vector<16xi32>
      %add3A_270 = arith.constant 32767 : i32
      %add3A_271 = vector.broadcast %add3A_270 : i32 to vector<16xi32>
      %add3A_272 = arith.addi %bitcast_convert_type3A_269, %add3A_271 : vector<16xi32>
      %shift_right_arithmetic3A_273 = arith.constant 16 : i32
      %shift_right_arithmetic3A_274 = vector.broadcast %shift_right_arithmetic3A_273 : i32 to vector<16xi32>
      %shift_right_arithmetic3A_275 = arith.shrsi %bitcast_convert_type3A_269, %shift_right_arithmetic3A_274 : vector<16xi32>
      %and3A_276 = arith.constant 1 : i32
      %and3A_277 = vector.broadcast %and3A_276 : i32 to vector<16xi32>
      %and3A_278 = arith.andi %shift_right_arithmetic3A_275, %and3A_277 : vector<16xi32>
      %add3A_279 = arith.addi %add3A_272, %and3A_278 : vector<16xi32>
      %and3A_280 = arith.constant -65536 : i32
      %and3A_281 = vector.broadcast %and3A_280 : i32 to vector<16xi32>
      %and3A_282 = arith.andi %add3A_279, %and3A_281 : vector<16xi32>
      %bitcast_convert_type3A_283 = tpu.bitcast %and3A_282 : vector<16xi32> -> vector<16xf32>
      %bitcast_convert_type3A_284 = tpu.bitcast %gather3A_248 : vector<16xf32> -> vector<16xi32>
      %add3A_285 = arith.constant 32767 : i32
      %add3A_286 = vector.broadcast %add3A_285 : i32 to vector<16xi32>
      %add3A_287 = arith.addi %bitcast_convert_type3A_284, %add3A_286 : vector<16xi32>
      %shift_right_arithmetic3A_288 = arith.constant 16 : i32
      %shift_right_arithmetic3A_289 = vector.broadcast %shift_right_arithmetic3A_288 : i32 to vector<16xi32>
      %shift_right_arithmetic3A_290 = arith.shrsi %bitcast_convert_type3A_284, %shift_right_arithmetic3A_289 : vector<16xi32>
      %and3A_291 = arith.constant 1 : i32
      %and3A_292 = vector.broadcast %and3A_291 : i32 to vector<16xi32>
      %and3A_293 = arith.andi %shift_right_arithmetic3A_290, %and3A_292 : vector<16xi32>
      %add3A_294 = arith.addi %add3A_287, %and3A_293 : vector<16xi32>
      %and3A_295 = arith.constant -65536 : i32
      %and3A_296 = vector.broadcast %and3A_295 : i32 to vector<16xi32>
      %and3A_297 = arith.andi %add3A_294, %and3A_296 : vector<16xi32>
      %bitcast_convert_type3A_298 = tpu.bitcast %and3A_297 : vector<16xi32> -> vector<16xf32>
      %mul3A_299 = arith.constant 16 : i32
      %mul3A_300 = arith.muli %scan3A_78, %mul3A_299 : i32
      %add3A_301 = arith.addi %add3A_34, %mul3A_300 : i32
      %add3A_302 = arith.constant 1 : i32
      %add3A_303 = arith.addi %add3A_301, %add3A_302 : i32
      %convert_element_type3A_304 = arith.sitofp %add3A_303 : i32 to f32
      %broadcast_in_dim3A_305 = vector.broadcast %convert_element_type3A_304 : f32 to vector<16xf32>
      %scan3A_306 = arith.constant 0 : i32
      %scan3A_307 = arith.constant 256 : i32
      %scan3A_308 = arith.addi %scan3A_306, %scan3A_307 : i32
      %scan3A_309 = arith.constant 1 : i32
      %scan3A_310:2 = scf.for %scan3A_2345 = %scan3A_306 to %scan3A_308 step %scan3A_309 iter_args(%scan3A_2346 = %broadcast_in_dim3A_56, %scan3A_2347 = %broadcast_in_dim3A_56) -> (vector<16xf32>, vector<16xf32>)  : i32 {
        %mul3A_2348 = arith.constant 16 : i32
        %mul3A_2349 = arith.muli %scan3A_2345, %mul3A_2348 : i32
        %mul3A_2350 = arith.constant 16 : i32
        %mul3A_2351 = arith.muli %scan3A_2345, %mul3A_2350 : i32
        %add3A_2352 = arith.constant 0 : i32
        %add3A_2353 = arith.addi %add3A_2352, %mul3A_2351 : i32
        %get3A_2354 = arith.index_cast %add3A_2353 : i32 to index
        %get3A_2355 = tpu.vector_load %arg10[%get3A_2354] {strides = array<i32>} : memref<12288xf32, #tpu.memory_space<vmem>>, vector<16xf32>,
        %get3A_2356 = vector.shape_cast %get3A_2355 : vector<16xf32> to vector<16xf32>
        %mul3A_2357 = arith.constant 16 : i32
        %mul3A_2358 = arith.muli %scan3A_2345, %mul3A_2357 : i32
        %add3A_2359 = arith.constant 4096 : i32
        %add3A_2360 = arith.addi %add3A_2359, %mul3A_2358 : i32
        %get3A_2361 = arith.index_cast %add3A_2360 : i32 to index
        %get3A_2362 = tpu.vector_load %arg10[%get3A_2361] {strides = array<i32>} : memref<12288xf32, #tpu.memory_space<vmem>>, vector<16xf32>,
        %get3A_2363 = vector.shape_cast %get3A_2362 : vector<16xf32> to vector<16xf32>
        %mul3A_2364 = arith.constant 16 : i32
        %mul3A_2365 = arith.muli %scan3A_2345, %mul3A_2364 : i32
        %add3A_2366 = arith.constant 8192 : i32
        %add3A_2367 = arith.addi %add3A_2366, %mul3A_2365 : i32
        %get3A_2368 = arith.index_cast %add3A_2367 : i32 to index
        %get3A_2369 = tpu.vector_load %arg10[%get3A_2368] {strides = array<i32>} : memref<12288xf32, #tpu.memory_space<vmem>>, vector<16xf32>,
        %get3A_2370 = vector.shape_cast %get3A_2369 : vector<16xf32> to vector<16xf32>
        %mul3A_2371 = arith.mulf %bitcast_convert_type3A_268, %get3A_2356 : vector<16xf32>
        %mul3A_2372 = arith.mulf %bitcast_convert_type3A_283, %get3A_2363 : vector<16xf32>
        %add3A_2373 = arith.addf %mul3A_2371, %mul3A_2372 : vector<16xf32>
        %mul3A_2374 = arith.mulf %bitcast_convert_type3A_298, %get3A_2370 : vector<16xf32>
        %add3A_2375 = arith.addf %add3A_2373, %mul3A_2374 : vector<16xf32>
        %get3A_2376 = arith.index_cast %mul3A_2349 : i32 to index
        %get3A_2377 = tpu.vector_load %arg11[%get3A_2376] {strides = array<i32>} : memref<4096xf32, #tpu.memory_space<vmem>>, vector<16xf32>,
        %get3A_2378 = vector.shape_cast %get3A_2377 : vector<16xf32> to vector<16xf32>
        %add3A_2379 = arith.addf %add3A_253, %get3A_2378 : vector<16xf32>
        %mul3A_2380 = arith.constant 2.000000e+00 : f32
        %mul3A_2381 = vector.broadcast %mul3A_2380 : f32 to vector<16xf32>
        %mul3A_2382 = arith.mulf %mul3A_2381, %add3A_2375 : vector<16xf32>
        %sub3A_2383 = arith.subf %add3A_2379, %mul3A_2382 : vector<16xf32>
        %max3A = arith.constant 0.000000e+00 : f32
        %max3A_2384 = vector.broadcast %max3A : f32 to vector<16xf32>
        %max3A_2385 = arith.maximumf %sub3A_2383, %max3A_2384 : vector<16xf32>
        %mul3A_2386 = arith.constant 16 : i32
        %mul3A_2387 = arith.muli %scan3A_2345, %mul3A_2386 : i32
        %convert_element_type3A_2388 = arith.sitofp %mul3A_2387 : i32 to f32
        %add3A_2389 = vector.broadcast %convert_element_type3A_2388 : f32 to vector<16xf32>
        %add3A_2390 = arith.addf %convert_element_type3A, %add3A_2389 : vector<16xf32>
        %lt3A_2391 = arith.cmpf olt, %max3A_2385, %scan3A_2346 : vector<16xf32>
        %select_n3A_2392 = arith.select %lt3A_2391, %max3A_2385, %scan3A_2346 : vector<16xi1>, vector<16xf32>
        %select_n3A_2393 = arith.select %lt3A_2391, %add3A_2390, %scan3A_2347 : vector<16xi1>, vector<16xf32>
        %get3A_2394 = arith.index_cast %mul3A_2349 : i32 to index
        %get3A_2395 = tpu.vector_load %arg12[%get3A_2394] {strides = array<i32>} : memref<4096xf32, #tpu.memory_space<vmem>>, vector<16xf32>,
        %get3A_2396 = vector.shape_cast %get3A_2395 : vector<16xf32> to vector<16xf32>
        %get3A_2397 = arith.index_cast %mul3A_2349 : i32 to index
        %get3A_2398 = tpu.vector_load %arg13[%get3A_2397] {strides = array<i32>} : memref<4096xf32, #tpu.memory_space<vmem>>, vector<16xf32>,
        %get3A_2399 = vector.shape_cast %get3A_2398 : vector<16xf32> to vector<16xf32>
        %lt3A_2400 = arith.cmpf olt, %max3A_2385, %get3A_2396 : vector<16xf32>
        %select_n3A_2401 = arith.select %lt3A_2400, %max3A_2385, %get3A_2396 : vector<16xi1>, vector<16xf32>
        %swap3A_2402 = arith.index_cast %mul3A_2349 : i32 to index
        %swap3A_2403 = tpu.vector_load %arg12[%swap3A_2402] {strides = array<i32>} : memref<4096xf32, #tpu.memory_space<vmem>>, vector<16xf32>,
        %swap3A_2404 = vector.shape_cast %swap3A_2403 : vector<16xf32> to vector<16xf32>
        %swap3A_2405 = vector.shape_cast %select_n3A_2401 : vector<16xf32> to vector<16xf32>
        tpu.vector_store %arg12[%swap3A_2402], %swap3A_2405 {strides = array<i32>} : memref<4096xf32, #tpu.memory_space<vmem>>, vector<16xf32>,
        %select_n3A_2406 = arith.select %lt3A_2400, %broadcast_in_dim3A_305, %get3A_2399 : vector<16xi1>, vector<16xf32>
        %swap3A_2407 = arith.index_cast %mul3A_2349 : i32 to index
        %swap3A_2408 = tpu.vector_load %arg13[%swap3A_2407] {strides = array<i32>} : memref<4096xf32, #tpu.memory_space<vmem>>, vector<16xf32>,
        %swap3A_2409 = vector.shape_cast %swap3A_2408 : vector<16xf32> to vector<16xf32>
        %swap3A_2410 = vector.shape_cast %select_n3A_2406 : vector<16xf32> to vector<16xf32>
        tpu.vector_store %arg13[%swap3A_2407], %swap3A_2410 {strides = array<i32>} : memref<4096xf32, #tpu.memory_space<vmem>>, vector<16xf32>,
        scf.yield %select_n3A_2392, %select_n3A_2393 : vector<16xf32>, vector<16xf32>
      }
      %scan3A_311 = arith.constant 256 : i32
      %xor3A_312 = arith.constant 8 : i32
      %xor3A_313 = vector.broadcast %xor3A_312 : i32 to vector<16xi32>
      %xor3A_314 = arith.xori %iota3A, %xor3A_313 : vector<16xi32>
      %broadcast_in_dim3A_315 = vector.shape_cast %xor3A_314 : vector<16xi32> to vector<16x1xi32>
      %gather3A_316 = vector.shape_cast %broadcast_in_dim3A_315 : vector<16x1xi32> to vector<16xi32>
      %gather3A_317 = tpu.dynamic_gather %scan3A_310#0[%gather3A_316] in [0] : vector<16xf32>, vector<16xi32> -> vector<16xf32>
      %gather3A_318 = vector.shape_cast %broadcast_in_dim3A_315 : vector<16x1xi32> to vector<16xi32>
      %gather3A_319 = tpu.dynamic_gather %scan3A_310#1[%gather3A_318] in [0] : vector<16xf32>, vector<16xi32> -> vector<16xf32>
      %lt3A_320 = arith.cmpf olt, %gather3A_317, %scan3A_310#0 : vector<16xf32>
      %eq3A_321 = arith.cmpf oeq, %gather3A_317, %scan3A_310#0 : vector<16xf32>
      %lt3A_322 = arith.cmpf olt, %gather3A_319, %scan3A_310#1 : vector<16xf32>
      %and3A_323 = arith.andi %eq3A_321, %lt3A_322 : vector<16xi1>
      %or3A_324 = arith.ori %lt3A_320, %and3A_323 : vector<16xi1>
      %select_n3A_325 = arith.select %or3A_324, %gather3A_317, %scan3A_310#0 : vector<16xi1>, vector<16xf32>
      %select_n3A_326 = arith.select %or3A_324, %gather3A_319, %scan3A_310#1 : vector<16xi1>, vector<16xf32>
      %xor3A_327 = arith.constant 4 : i32
      %xor3A_328 = vector.broadcast %xor3A_327 : i32 to vector<16xi32>
      %xor3A_329 = arith.xori %iota3A, %xor3A_328 : vector<16xi32>
      %broadcast_in_dim3A_330 = vector.shape_cast %xor3A_329 : vector<16xi32> to vector<16x1xi32>
      %gather3A_331 = vector.shape_cast %broadcast_in_dim3A_330 : vector<16x1xi32> to vector<16xi32>
      %gather3A_332 = tpu.dynamic_gather %select_n3A_325[%gather3A_331] in [0] : vector<16xf32>, vector<16xi32> -> vector<16xf32>
      %gather3A_333 = vector.shape_cast %broadcast_in_dim3A_330 : vector<16x1xi32> to vector<16xi32>
      %gather3A_334 = tpu.dynamic_gather %select_n3A_326[%gather3A_333] in [0] : vector<16xf32>, vector<16xi32> -> vector<16xf32>
      %lt3A_335 = arith.cmpf olt, %gather3A_332, %select_n3A_325 : vector<16xf32>
      %eq3A_336 = arith.cmpf oeq, %gather3A_332, %select_n3A_325 : vector<16xf32>
      %lt3A_337 = arith.cmpf olt, %gather3A_334, %select_n3A_326 : vector<16xf32>
      %and3A_338 = arith.andi %eq3A_336, %lt3A_337 : vector<16xi1>
      %or3A_339 = arith.ori %lt3A_335, %and3A_338 : vector<16xi1>
      %select_n3A_340 = arith.select %or3A_339, %gather3A_332, %select_n3A_325 : vector<16xi1>, vector<16xf32>
      %select_n3A_341 = arith.select %or3A_339, %gather3A_334, %select_n3A_326 : vector<16xi1>, vector<16xf32>
      %xor3A_342 = arith.constant 2 : i32
      %xor3A_343 = vector.broadcast %xor3A_342 : i32 to vector<16xi32>
      %xor3A_344 = arith.xori %iota3A, %xor3A_343 : vector<16xi32>
      %broadcast_in_dim3A_345 = vector.shape_cast %xor3A_344 : vector<16xi32> to vector<16x1xi32>
      %gather3A_346 = vector.shape_cast %broadcast_in_dim3A_345 : vector<16x1xi32> to vector<16xi32>
      %gather3A_347 = tpu.dynamic_gather %select_n3A_340[%gather3A_346] in [0] : vector<16xf32>, vector<16xi32> -> vector<16xf32>
      %gather3A_348 = vector.shape_cast %broadcast_in_dim3A_345 : vector<16x1xi32> to vector<16xi32>
      %gather3A_349 = tpu.dynamic_gather %select_n3A_341[%gather3A_348] in [0] : vector<16xf32>, vector<16xi32> -> vector<16xf32>
      %lt3A_350 = arith.cmpf olt, %gather3A_347, %select_n3A_340 : vector<16xf32>
      %eq3A_351 = arith.cmpf oeq, %gather3A_347, %select_n3A_340 : vector<16xf32>
      %lt3A_352 = arith.cmpf olt, %gather3A_349, %select_n3A_341 : vector<16xf32>
      %and3A_353 = arith.andi %eq3A_351, %lt3A_352 : vector<16xi1>
      %or3A_354 = arith.ori %lt3A_350, %and3A_353 : vector<16xi1>
      %select_n3A_355 = arith.select %or3A_354, %gather3A_347, %select_n3A_340 : vector<16xi1>, vector<16xf32>
      %select_n3A_356 = arith.select %or3A_354, %gather3A_349, %select_n3A_341 : vector<16xi1>, vector<16xf32>
      %xor3A_357 = arith.constant 1 : i32
      %xor3A_358 = vector.broadcast %xor3A_357 : i32 to vector<16xi32>
      %xor3A_359 = arith.xori %iota3A, %xor3A_358 : vector<16xi32>
      %broadcast_in_dim3A_360 = vector.shape_cast %xor3A_359 : vector<16xi32> to vector<16x1xi32>
      %gather3A_361 = vector.shape_cast %broadcast_in_dim3A_360 : vector<16x1xi32> to vector<16xi32>
      %gather3A_362 = tpu.dynamic_gather %select_n3A_355[%gather3A_361] in [0] : vector<16xf32>, vector<16xi32> -> vector<16xf32>
      %gather3A_363 = vector.shape_cast %broadcast_in_dim3A_360 : vector<16x1xi32> to vector<16xi32>
      %gather3A_364 = tpu.dynamic_gather %select_n3A_356[%gather3A_363] in [0] : vector<16xf32>, vector<16xi32> -> vector<16xf32>
      %lt3A_365 = arith.cmpf olt, %gather3A_362, %select_n3A_355 : vector<16xf32>
      %eq3A_366 = arith.cmpf oeq, %gather3A_362, %select_n3A_355 : vector<16xf32>
      %lt3A_367 = arith.cmpf olt, %gather3A_364, %select_n3A_356 : vector<16xf32>
      %and3A_368 = arith.andi %eq3A_366, %lt3A_367 : vector<16xi1>
      %or3A_369 = arith.ori %lt3A_365, %and3A_368 : vector<16xi1>
      %select_n3A_370 = arith.select %or3A_369, %gather3A_362, %select_n3A_355 : vector<16xi1>, vector<16xf32>
      %select_n3A_371 = arith.select %or3A_369, %gather3A_364, %select_n3A_356 : vector<16xi1>, vector<16xf32>
      %eq3A_372 = arith.constant 1 : i32
      %eq3A_373 = vector.broadcast %eq3A_372 : i32 to vector<16xi32>
      %eq3A_374 = arith.cmpi eq, %iota3A, %eq3A_373 : vector<16xi32>
      %select_n3A_375 = arith.select %eq3A_374, %select_n3A_370, %select_n3A_235 : vector<16xi1>, vector<16xf32>
      %select_n3A_376 = arith.select %eq3A_374, %select_n3A_371, %select_n3A_236 : vector<16xi1>, vector<16xf32>
      %broadcast_in_dim3A_377 = arith.constant 2 : i32
      %broadcast_in_dim3A_378 = vector.broadcast %broadcast_in_dim3A_377 : i32 to vector<16x1xi32>
      %gather3A_379 = vector.shape_cast %broadcast_in_dim3A_378 : vector<16x1xi32> to vector<16xi32>
      %gather3A_380 = tpu.dynamic_gather %get3A_87[%gather3A_379] in [0] : vector<16xf32>, vector<16xi32> -> vector<16xf32>
      %broadcast_in_dim3A_381 = arith.constant 2 : i32
      %broadcast_in_dim3A_382 = vector.broadcast %broadcast_in_dim3A_381 : i32 to vector<16x1xi32>
      %gather3A_383 = vector.shape_cast %broadcast_in_dim3A_382 : vector<16x1xi32> to vector<16xi32>
      %gather3A_384 = tpu.dynamic_gather %get3A_94[%gather3A_383] in [0] : vector<16xf32>, vector<16xi32> -> vector<16xf32>
      %broadcast_in_dim3A_385 = arith.constant 2 : i32
      %broadcast_in_dim3A_386 = vector.broadcast %broadcast_in_dim3A_385 : i32 to vector<16x1xi32>
      %gather3A_387 = vector.shape_cast %broadcast_in_dim3A_386 : vector<16x1xi32> to vector<16xi32>
      %gather3A_388 = tpu.dynamic_gather %get3A_101[%gather3A_387] in [0] : vector<16xf32>, vector<16xi32> -> vector<16xf32>
      %mul3A_389 = arith.mulf %gather3A_380, %gather3A_380 : vector<16xf32>
      %mul3A_390 = arith.mulf %gather3A_384, %gather3A_384 : vector<16xf32>
      %add3A_391 = arith.addf %mul3A_389, %mul3A_390 : vector<16xf32>
      %mul3A_392 = arith.mulf %gather3A_388, %gather3A_388 : vector<16xf32>
      %add3A_393 = arith.addf %add3A_391, %mul3A_392 : vector<16xf32>
      %bitcast_convert_type3A_394 = tpu.bitcast %gather3A_380 : vector<16xf32> -> vector<16xi32>
      %add3A_395 = arith.constant 32767 : i32
      %add3A_396 = vector.broadcast %add3A_395 : i32 to vector<16xi32>
      %add3A_397 = arith.addi %bitcast_convert_type3A_394, %add3A_396 : vector<16xi32>
      %shift_right_arithmetic3A_398 = arith.constant 16 : i32
      %shift_right_arithmetic3A_399 = vector.broadcast %shift_right_arithmetic3A_398 : i32 to vector<16xi32>
      %shift_right_arithmetic3A_400 = arith.shrsi %bitcast_convert_type3A_394, %shift_right_arithmetic3A_399 : vector<16xi32>
      %and3A_401 = arith.constant 1 : i32
      %and3A_402 = vector.broadcast %and3A_401 : i32 to vector<16xi32>
      %and3A_403 = arith.andi %shift_right_arithmetic3A_400, %and3A_402 : vector<16xi32>
      %add3A_404 = arith.addi %add3A_397, %and3A_403 : vector<16xi32>
      %and3A_405 = arith.constant -65536 : i32
      %and3A_406 = vector.broadcast %and3A_405 : i32 to vector<16xi32>
      %and3A_407 = arith.andi %add3A_404, %and3A_406 : vector<16xi32>
      %bitcast_convert_type3A_408 = tpu.bitcast %and3A_407 : vector<16xi32> -> vector<16xf32>
      %bitcast_convert_type3A_409 = tpu.bitcast %gather3A_384 : vector<16xf32> -> vector<16xi32>
      %add3A_410 = arith.constant 32767 : i32
      %add3A_411 = vector.broadcast %add3A_410 : i32 to vector<16xi32>
      %add3A_412 = arith.addi %bitcast_convert_type3A_409, %add3A_411 : vector<16xi32>
      %shift_right_arithmetic3A_413 = arith.constant 16 : i32
      %shift_right_arithmetic3A_414 = vector.broadcast %shift_right_arithmetic3A_413 : i32 to vector<16xi32>
      %shift_right_arithmetic3A_415 = arith.shrsi %bitcast_convert_type3A_409, %shift_right_arithmetic3A_414 : vector<16xi32>
      %and3A_416 = arith.constant 1 : i32
      %and3A_417 = vector.broadcast %and3A_416 : i32 to vector<16xi32>
      %and3A_418 = arith.andi %shift_right_arithmetic3A_415, %and3A_417 : vector<16xi32>
      %add3A_419 = arith.addi %add3A_412, %and3A_418 : vector<16xi32>
      %and3A_420 = arith.constant -65536 : i32
      %and3A_421 = vector.broadcast %and3A_420 : i32 to vector<16xi32>
      %and3A_422 = arith.andi %add3A_419, %and3A_421 : vector<16xi32>
      %bitcast_convert_type3A_423 = tpu.bitcast %and3A_422 : vector<16xi32> -> vector<16xf32>
      %bitcast_convert_type3A_424 = tpu.bitcast %gather3A_388 : vector<16xf32> -> vector<16xi32>
      %add3A_425 = arith.constant 32767 : i32
      %add3A_426 = vector.broadcast %add3A_425 : i32 to vector<16xi32>
      %add3A_427 = arith.addi %bitcast_convert_type3A_424, %add3A_426 : vector<16xi32>
      %shift_right_arithmetic3A_428 = arith.constant 16 : i32
      %shift_right_arithmetic3A_429 = vector.broadcast %shift_right_arithmetic3A_428 : i32 to vector<16xi32>
      %shift_right_arithmetic3A_430 = arith.shrsi %bitcast_convert_type3A_424, %shift_right_arithmetic3A_429 : vector<16xi32>
      %and3A_431 = arith.constant 1 : i32
      %and3A_432 = vector.broadcast %and3A_431 : i32 to vector<16xi32>
      %and3A_433 = arith.andi %shift_right_arithmetic3A_430, %and3A_432 : vector<16xi32>
      %add3A_434 = arith.addi %add3A_427, %and3A_433 : vector<16xi32>
      %and3A_435 = arith.constant -65536 : i32
      %and3A_436 = vector.broadcast %and3A_435 : i32 to vector<16xi32>
      %and3A_437 = arith.andi %add3A_434, %and3A_436 : vector<16xi32>
      %bitcast_convert_type3A_438 = tpu.bitcast %and3A_437 : vector<16xi32> -> vector<16xf32>
      %mul3A_439 = arith.constant 16 : i32
      %mul3A_440 = arith.muli %scan3A_78, %mul3A_439 : i32
      %add3A_441 = arith.addi %add3A_34, %mul3A_440 : i32
      %add3A_442 = arith.constant 2 : i32
      %add3A_443 = arith.addi %add3A_441, %add3A_442 : i32
      %convert_element_type3A_444 = arith.sitofp %add3A_443 : i32 to f32
      %broadcast_in_dim3A_445 = vector.broadcast %convert_element_type3A_444 : f32 to vector<16xf32>
      %scan3A_446 = arith.constant 0 : i32
      %scan3A_447 = arith.constant 256 : i32
      %scan3A_448 = arith.addi %scan3A_446, %scan3A_447 : i32
      %scan3A_449 = arith.constant 1 : i32
      %scan3A_450:2 = scf.for %scan3A_2345 = %scan3A_446 to %scan3A_448 step %scan3A_449 iter_args(%scan3A_2346 = %broadcast_in_dim3A_56, %scan3A_2347 = %broadcast_in_dim3A_56) -> (vector<16xf32>, vector<16xf32>)  : i32 {
        %mul3A_2348 = arith.constant 16 : i32
        %mul3A_2349 = arith.muli %scan3A_2345, %mul3A_2348 : i32
        %mul3A_2350 = arith.constant 16 : i32
        %mul3A_2351 = arith.muli %scan3A_2345, %mul3A_2350 : i32
        %add3A_2352 = arith.constant 0 : i32
        %add3A_2353 = arith.addi %add3A_2352, %mul3A_2351 : i32
        %get3A_2354 = arith.index_cast %add3A_2353 : i32 to index
        %get3A_2355 = tpu.vector_load %arg10[%get3A_2354] {strides = array<i32>} : memref<12288xf32, #tpu.memory_space<vmem>>, vector<16xf32>,
        %get3A_2356 = vector.shape_cast %get3A_2355 : vector<16xf32> to vector<16xf32>
        %mul3A_2357 = arith.constant 16 : i32
        %mul3A_2358 = arith.muli %scan3A_2345, %mul3A_2357 : i32
        %add3A_2359 = arith.constant 4096 : i32
        %add3A_2360 = arith.addi %add3A_2359, %mul3A_2358 : i32
        %get3A_2361 = arith.index_cast %add3A_2360 : i32 to index
        %get3A_2362 = tpu.vector_load %arg10[%get3A_2361] {strides = array<i32>} : memref<12288xf32, #tpu.memory_space<vmem>>, vector<16xf32>,
        %get3A_2363 = vector.shape_cast %get3A_2362 : vector<16xf32> to vector<16xf32>
        %mul3A_2364 = arith.constant 16 : i32
        %mul3A_2365 = arith.muli %scan3A_2345, %mul3A_2364 : i32
        %add3A_2366 = arith.constant 8192 : i32
        %add3A_2367 = arith.addi %add3A_2366, %mul3A_2365 : i32
        %get3A_2368 = arith.index_cast %add3A_2367 : i32 to index
        %get3A_2369 = tpu.vector_load %arg10[%get3A_2368] {strides = array<i32>} : memref<12288xf32, #tpu.memory_space<vmem>>, vector<16xf32>,
        %get3A_2370 = vector.shape_cast %get3A_2369 : vector<16xf32> to vector<16xf32>
        %mul3A_2371 = arith.mulf %bitcast_convert_type3A_408, %get3A_2356 : vector<16xf32>
        %mul3A_2372 = arith.mulf %bitcast_convert_type3A_423, %get3A_2363 : vector<16xf32>
        %add3A_2373 = arith.addf %mul3A_2371, %mul3A_2372 : vector<16xf32>
        %mul3A_2374 = arith.mulf %bitcast_convert_type3A_438, %get3A_2370 : vector<16xf32>
        %add3A_2375 = arith.addf %add3A_2373, %mul3A_2374 : vector<16xf32>
        %get3A_2376 = arith.index_cast %mul3A_2349 : i32 to index
        %get3A_2377 = tpu.vector_load %arg11[%get3A_2376] {strides = array<i32>} : memref<4096xf32, #tpu.memory_space<vmem>>, vector<16xf32>,
        %get3A_2378 = vector.shape_cast %get3A_2377 : vector<16xf32> to vector<16xf32>
        %add3A_2379 = arith.addf %add3A_393, %get3A_2378 : vector<16xf32>
        %mul3A_2380 = arith.constant 2.000000e+00 : f32
        %mul3A_2381 = vector.broadcast %mul3A_2380 : f32 to vector<16xf32>
        %mul3A_2382 = arith.mulf %mul3A_2381, %add3A_2375 : vector<16xf32>
        %sub3A_2383 = arith.subf %add3A_2379, %mul3A_2382 : vector<16xf32>
        %max3A = arith.constant 0.000000e+00 : f32
        %max3A_2384 = vector.broadcast %max3A : f32 to vector<16xf32>
        %max3A_2385 = arith.maximumf %sub3A_2383, %max3A_2384 : vector<16xf32>
        %mul3A_2386 = arith.constant 16 : i32
        %mul3A_2387 = arith.muli %scan3A_2345, %mul3A_2386 : i32
        %convert_element_type3A_2388 = arith.sitofp %mul3A_2387 : i32 to f32
        %add3A_2389 = vector.broadcast %convert_element_type3A_2388 : f32 to vector<16xf32>
        %add3A_2390 = arith.addf %convert_element_type3A, %add3A_2389 : vector<16xf32>
        %lt3A_2391 = arith.cmpf olt, %max3A_2385, %scan3A_2346 : vector<16xf32>
        %select_n3A_2392 = arith.select %lt3A_2391, %max3A_2385, %scan3A_2346 : vector<16xi1>, vector<16xf32>
        %select_n3A_2393 = arith.select %lt3A_2391, %add3A_2390, %scan3A_2347 : vector<16xi1>, vector<16xf32>
        %get3A_2394 = arith.index_cast %mul3A_2349 : i32 to index
        %get3A_2395 = tpu.vector_load %arg12[%get3A_2394] {strides = array<i32>} : memref<4096xf32, #tpu.memory_space<vmem>>, vector<16xf32>,
        %get3A_2396 = vector.shape_cast %get3A_2395 : vector<16xf32> to vector<16xf32>
        %get3A_2397 = arith.index_cast %mul3A_2349 : i32 to index
        %get3A_2398 = tpu.vector_load %arg13[%get3A_2397] {strides = array<i32>} : memref<4096xf32, #tpu.memory_space<vmem>>, vector<16xf32>,
        %get3A_2399 = vector.shape_cast %get3A_2398 : vector<16xf32> to vector<16xf32>
        %lt3A_2400 = arith.cmpf olt, %max3A_2385, %get3A_2396 : vector<16xf32>
        %select_n3A_2401 = arith.select %lt3A_2400, %max3A_2385, %get3A_2396 : vector<16xi1>, vector<16xf32>
        %swap3A_2402 = arith.index_cast %mul3A_2349 : i32 to index
        %swap3A_2403 = tpu.vector_load %arg12[%swap3A_2402] {strides = array<i32>} : memref<4096xf32, #tpu.memory_space<vmem>>, vector<16xf32>,
        %swap3A_2404 = vector.shape_cast %swap3A_2403 : vector<16xf32> to vector<16xf32>
        %swap3A_2405 = vector.shape_cast %select_n3A_2401 : vector<16xf32> to vector<16xf32>
        tpu.vector_store %arg12[%swap3A_2402], %swap3A_2405 {strides = array<i32>} : memref<4096xf32, #tpu.memory_space<vmem>>, vector<16xf32>,
        %select_n3A_2406 = arith.select %lt3A_2400, %broadcast_in_dim3A_445, %get3A_2399 : vector<16xi1>, vector<16xf32>
        %swap3A_2407 = arith.index_cast %mul3A_2349 : i32 to index
        %swap3A_2408 = tpu.vector_load %arg13[%swap3A_2407] {strides = array<i32>} : memref<4096xf32, #tpu.memory_space<vmem>>, vector<16xf32>,
        %swap3A_2409 = vector.shape_cast %swap3A_2408 : vector<16xf32> to vector<16xf32>
        %swap3A_2410 = vector.shape_cast %select_n3A_2406 : vector<16xf32> to vector<16xf32>
        tpu.vector_store %arg13[%swap3A_2407], %swap3A_2410 {strides = array<i32>} : memref<4096xf32, #tpu.memory_space<vmem>>, vector<16xf32>,
        scf.yield %select_n3A_2392, %select_n3A_2393 : vector<16xf32>, vector<16xf32>
      }
      %scan3A_451 = arith.constant 256 : i32
      %xor3A_452 = arith.constant 8 : i32
      %xor3A_453 = vector.broadcast %xor3A_452 : i32 to vector<16xi32>
      %xor3A_454 = arith.xori %iota3A, %xor3A_453 : vector<16xi32>
      %broadcast_in_dim3A_455 = vector.shape_cast %xor3A_454 : vector<16xi32> to vector<16x1xi32>
      %gather3A_456 = vector.shape_cast %broadcast_in_dim3A_455 : vector<16x1xi32> to vector<16xi32>
      %gather3A_457 = tpu.dynamic_gather %scan3A_450#0[%gather3A_456] in [0] : vector<16xf32>, vector<16xi32> -> vector<16xf32>
      %gather3A_458 = vector.shape_cast %broadcast_in_dim3A_455 : vector<16x1xi32> to vector<16xi32>
      %gather3A_459 = tpu.dynamic_gather %scan3A_450#1[%gather3A_458] in [0] : vector<16xf32>, vector<16xi32> -> vector<16xf32>
      %lt3A_460 = arith.cmpf olt, %gather3A_457, %scan3A_450#0 : vector<16xf32>
      %eq3A_461 = arith.cmpf oeq, %gather3A_457, %scan3A_450#0 : vector<16xf32>
      %lt3A_462 = arith.cmpf olt, %gather3A_459, %scan3A_450#1 : vector<16xf32>
      %and3A_463 = arith.andi %eq3A_461, %lt3A_462 : vector<16xi1>
      %or3A_464 = arith.ori %lt3A_460, %and3A_463 : vector<16xi1>
      %select_n3A_465 = arith.select %or3A_464, %gather3A_457, %scan3A_450#0 : vector<16xi1>, vector<16xf32>
      %select_n3A_466 = arith.select %or3A_464, %gather3A_459, %scan3A_450#1 : vector<16xi1>, vector<16xf32>
      %xor3A_467 = arith.constant 4 : i32
      %xor3A_468 = vector.broadcast %xor3A_467 : i32 to vector<16xi32>
      %xor3A_469 = arith.xori %iota3A, %xor3A_468 : vector<16xi32>
      %broadcast_in_dim3A_470 = vector.shape_cast %xor3A_469 : vector<16xi32> to vector<16x1xi32>
      %gather3A_471 = vector.shape_cast %broadcast_in_dim3A_470 : vector<16x1xi32> to vector<16xi32>
      %gather3A_472 = tpu.dynamic_gather %select_n3A_465[%gather3A_471] in [0] : vector<16xf32>, vector<16xi32> -> vector<16xf32>
      %gather3A_473 = vector.shape_cast %broadcast_in_dim3A_470 : vector<16x1xi32> to vector<16xi32>
      %gather3A_474 = tpu.dynamic_gather %select_n3A_466[%gather3A_473] in [0] : vector<16xf32>, vector<16xi32> -> vector<16xf32>
      %lt3A_475 = arith.cmpf olt, %gather3A_472, %select_n3A_465 : vector<16xf32>
      %eq3A_476 = arith.cmpf oeq, %gather3A_472, %select_n3A_465 : vector<16xf32>
      %lt3A_477 = arith.cmpf olt, %gather3A_474, %select_n3A_466 : vector<16xf32>
      %and3A_478 = arith.andi %eq3A_476, %lt3A_477 : vector<16xi1>
      %or3A_479 = arith.ori %lt3A_475, %and3A_478 : vector<16xi1>
      %select_n3A_480 = arith.select %or3A_479, %gather3A_472, %select_n3A_465 : vector<16xi1>, vector<16xf32>
      %select_n3A_481 = arith.select %or3A_479, %gather3A_474, %select_n3A_466 : vector<16xi1>, vector<16xf32>
      %xor3A_482 = arith.constant 2 : i32
      %xor3A_483 = vector.broadcast %xor3A_482 : i32 to vector<16xi32>
      %xor3A_484 = arith.xori %iota3A, %xor3A_483 : vector<16xi32>
      %broadcast_in_dim3A_485 = vector.shape_cast %xor3A_484 : vector<16xi32> to vector<16x1xi32>
      %gather3A_486 = vector.shape_cast %broadcast_in_dim3A_485 : vector<16x1xi32> to vector<16xi32>
      %gather3A_487 = tpu.dynamic_gather %select_n3A_480[%gather3A_486] in [0] : vector<16xf32>, vector<16xi32> -> vector<16xf32>
      %gather3A_488 = vector.shape_cast %broadcast_in_dim3A_485 : vector<16x1xi32> to vector<16xi32>
      %gather3A_489 = tpu.dynamic_gather %select_n3A_481[%gather3A_488] in [0] : vector<16xf32>, vector<16xi32> -> vector<16xf32>
      %lt3A_490 = arith.cmpf olt, %gather3A_487, %select_n3A_480 : vector<16xf32>
      %eq3A_491 = arith.cmpf oeq, %gather3A_487, %select_n3A_480 : vector<16xf32>
      %lt3A_492 = arith.cmpf olt, %gather3A_489, %select_n3A_481 : vector<16xf32>
      %and3A_493 = arith.andi %eq3A_491, %lt3A_492 : vector<16xi1>
      %or3A_494 = arith.ori %lt3A_490, %and3A_493 : vector<16xi1>
      %select_n3A_495 = arith.select %or3A_494, %gather3A_487, %select_n3A_480 : vector<16xi1>, vector<16xf32>
      %select_n3A_496 = arith.select %or3A_494, %gather3A_489, %select_n3A_481 : vector<16xi1>, vector<16xf32>
      %xor3A_497 = arith.constant 1 : i32
      %xor3A_498 = vector.broadcast %xor3A_497 : i32 to vector<16xi32>
      %xor3A_499 = arith.xori %iota3A, %xor3A_498 : vector<16xi32>
      %broadcast_in_dim3A_500 = vector.shape_cast %xor3A_499 : vector<16xi32> to vector<16x1xi32>
      %gather3A_501 = vector.shape_cast %broadcast_in_dim3A_500 : vector<16x1xi32> to vector<16xi32>
      %gather3A_502 = tpu.dynamic_gather %select_n3A_495[%gather3A_501] in [0] : vector<16xf32>, vector<16xi32> -> vector<16xf32>
      %gather3A_503 = vector.shape_cast %broadcast_in_dim3A_500 : vector<16x1xi32> to vector<16xi32>
      %gather3A_504 = tpu.dynamic_gather %select_n3A_496[%gather3A_503] in [0] : vector<16xf32>, vector<16xi32> -> vector<16xf32>
      %lt3A_505 = arith.cmpf olt, %gather3A_502, %select_n3A_495 : vector<16xf32>
      %eq3A_506 = arith.cmpf oeq, %gather3A_502, %select_n3A_495 : vector<16xf32>
      %lt3A_507 = arith.cmpf olt, %gather3A_504, %select_n3A_496 : vector<16xf32>
      %and3A_508 = arith.andi %eq3A_506, %lt3A_507 : vector<16xi1>
      %or3A_509 = arith.ori %lt3A_505, %and3A_508 : vector<16xi1>
      %select_n3A_510 = arith.select %or3A_509, %gather3A_502, %select_n3A_495 : vector<16xi1>, vector<16xf32>
      %select_n3A_511 = arith.select %or3A_509, %gather3A_504, %select_n3A_496 : vector<16xi1>, vector<16xf32>
      %eq3A_512 = arith.constant 2 : i32
      %eq3A_513 = vector.broadcast %eq3A_512 : i32 to vector<16xi32>
      %eq3A_514 = arith.cmpi eq, %iota3A, %eq3A_513 : vector<16xi32>
      %select_n3A_515 = arith.select %eq3A_514, %select_n3A_510, %select_n3A_375 : vector<16xi1>, vector<16xf32>
      %select_n3A_516 = arith.select %eq3A_514, %select_n3A_511, %select_n3A_376 : vector<16xi1>, vector<16xf32>
      %broadcast_in_dim3A_517 = arith.constant 3 : i32
      %broadcast_in_dim3A_518 = vector.broadcast %broadcast_in_dim3A_517 : i32 to vector<16x1xi32>
      %gather3A_519 = vector.shape_cast %broadcast_in_dim3A_518 : vector<16x1xi32> to vector<16xi32>
      %gather3A_520 = tpu.dynamic_gather %get3A_87[%gather3A_519] in [0] : vector<16xf32>, vector<16xi32> -> vector<16xf32>
      %broadcast_in_dim3A_521 = arith.constant 3 : i32
      %broadcast_in_dim3A_522 = vector.broadcast %broadcast_in_dim3A_521 : i32 to vector<16x1xi32>
      %gather3A_523 = vector.shape_cast %broadcast_in_dim3A_522 : vector<16x1xi32> to vector<16xi32>
      %gather3A_524 = tpu.dynamic_gather %get3A_94[%gather3A_523] in [0] : vector<16xf32>, vector<16xi32> -> vector<16xf32>
      %broadcast_in_dim3A_525 = arith.constant 3 : i32
      %broadcast_in_dim3A_526 = vector.broadcast %broadcast_in_dim3A_525 : i32 to vector<16x1xi32>
      %gather3A_527 = vector.shape_cast %broadcast_in_dim3A_526 : vector<16x1xi32> to vector<16xi32>
      %gather3A_528 = tpu.dynamic_gather %get3A_101[%gather3A_527] in [0] : vector<16xf32>, vector<16xi32> -> vector<16xf32>
      %mul3A_529 = arith.mulf %gather3A_520, %gather3A_520 : vector<16xf32>
      %mul3A_530 = arith.mulf %gather3A_524, %gather3A_524 : vector<16xf32>
      %add3A_531 = arith.addf %mul3A_529, %mul3A_530 : vector<16xf32>
      %mul3A_532 = arith.mulf %gather3A_528, %gather3A_528 : vector<16xf32>
      %add3A_533 = arith.addf %add3A_531, %mul3A_532 : vector<16xf32>
      %bitcast_convert_type3A_534 = tpu.bitcast %gather3A_520 : vector<16xf32> -> vector<16xi32>
      %add3A_535 = arith.constant 32767 : i32
      %add3A_536 = vector.broadcast %add3A_535 : i32 to vector<16xi32>
      %add3A_537 = arith.addi %bitcast_convert_type3A_534, %add3A_536 : vector<16xi32>
      %shift_right_arithmetic3A_538 = arith.constant 16 : i32
      %shift_right_arithmetic3A_539 = vector.broadcast %shift_right_arithmetic3A_538 : i32 to vector<16xi32>
      %shift_right_arithmetic3A_540 = arith.shrsi %bitcast_convert_type3A_534, %shift_right_arithmetic3A_539 : vector<16xi32>
      %and3A_541 = arith.constant 1 : i32
      %and3A_542 = vector.broadcast %and3A_541 : i32 to vector<16xi32>
      %and3A_543 = arith.andi %shift_right_arithmetic3A_540, %and3A_542 : vector<16xi32>
      %add3A_544 = arith.addi %add3A_537, %and3A_543 : vector<16xi32>
      %and3A_545 = arith.constant -65536 : i32
      %and3A_546 = vector.broadcast %and3A_545 : i32 to vector<16xi32>
      %and3A_547 = arith.andi %add3A_544, %and3A_546 : vector<16xi32>
      %bitcast_convert_type3A_548 = tpu.bitcast %and3A_547 : vector<16xi32> -> vector<16xf32>
      %bitcast_convert_type3A_549 = tpu.bitcast %gather3A_524 : vector<16xf32> -> vector<16xi32>
      %add3A_550 = arith.constant 32767 : i32
      %add3A_551 = vector.broadcast %add3A_550 : i32 to vector<16xi32>
      %add3A_552 = arith.addi %bitcast_convert_type3A_549, %add3A_551 : vector<16xi32>
      %shift_right_arithmetic3A_553 = arith.constant 16 : i32
      %shift_right_arithmetic3A_554 = vector.broadcast %shift_right_arithmetic3A_553 : i32 to vector<16xi32>
      %shift_right_arithmetic3A_555 = arith.shrsi %bitcast_convert_type3A_549, %shift_right_arithmetic3A_554 : vector<16xi32>
      %and3A_556 = arith.constant 1 : i32
      %and3A_557 = vector.broadcast %and3A_556 : i32 to vector<16xi32>
      %and3A_558 = arith.andi %shift_right_arithmetic3A_555, %and3A_557 : vector<16xi32>
      %add3A_559 = arith.addi %add3A_552, %and3A_558 : vector<16xi32>
      %and3A_560 = arith.constant -65536 : i32
      %and3A_561 = vector.broadcast %and3A_560 : i32 to vector<16xi32>
      %and3A_562 = arith.andi %add3A_559, %and3A_561 : vector<16xi32>
      %bitcast_convert_type3A_563 = tpu.bitcast %and3A_562 : vector<16xi32> -> vector<16xf32>
      %bitcast_convert_type3A_564 = tpu.bitcast %gather3A_528 : vector<16xf32> -> vector<16xi32>
      %add3A_565 = arith.constant 32767 : i32
      %add3A_566 = vector.broadcast %add3A_565 : i32 to vector<16xi32>
      %add3A_567 = arith.addi %bitcast_convert_type3A_564, %add3A_566 : vector<16xi32>
      %shift_right_arithmetic3A_568 = arith.constant 16 : i32
      %shift_right_arithmetic3A_569 = vector.broadcast %shift_right_arithmetic3A_568 : i32 to vector<16xi32>
      %shift_right_arithmetic3A_570 = arith.shrsi %bitcast_convert_type3A_564, %shift_right_arithmetic3A_569 : vector<16xi32>
      %and3A_571 = arith.constant 1 : i32
      %and3A_572 = vector.broadcast %and3A_571 : i32 to vector<16xi32>
      %and3A_573 = arith.andi %shift_right_arithmetic3A_570, %and3A_572 : vector<16xi32>
      %add3A_574 = arith.addi %add3A_567, %and3A_573 : vector<16xi32>
      %and3A_575 = arith.constant -65536 : i32
      %and3A_576 = vector.broadcast %and3A_575 : i32 to vector<16xi32>
      %and3A_577 = arith.andi %add3A_574, %and3A_576 : vector<16xi32>
      %bitcast_convert_type3A_578 = tpu.bitcast %and3A_577 : vector<16xi32> -> vector<16xf32>
      %mul3A_579 = arith.constant 16 : i32
      %mul3A_580 = arith.muli %scan3A_78, %mul3A_579 : i32
      %add3A_581 = arith.addi %add3A_34, %mul3A_580 : i32
      %add3A_582 = arith.constant 3 : i32
      %add3A_583 = arith.addi %add3A_581, %add3A_582 : i32
      %convert_element_type3A_584 = arith.sitofp %add3A_583 : i32 to f32
      %broadcast_in_dim3A_585 = vector.broadcast %convert_element_type3A_584 : f32 to vector<16xf32>
      %scan3A_586 = arith.constant 0 : i32
      %scan3A_587 = arith.constant 256 : i32
      %scan3A_588 = arith.addi %scan3A_586, %scan3A_587 : i32
      %scan3A_589 = arith.constant 1 : i32
      %scan3A_590:2 = scf.for %scan3A_2345 = %scan3A_586 to %scan3A_588 step %scan3A_589 iter_args(%scan3A_2346 = %broadcast_in_dim3A_56, %scan3A_2347 = %broadcast_in_dim3A_56) -> (vector<16xf32>, vector<16xf32>)  : i32 {
        %mul3A_2348 = arith.constant 16 : i32
        %mul3A_2349 = arith.muli %scan3A_2345, %mul3A_2348 : i32
        %mul3A_2350 = arith.constant 16 : i32
        %mul3A_2351 = arith.muli %scan3A_2345, %mul3A_2350 : i32
        %add3A_2352 = arith.constant 0 : i32
        %add3A_2353 = arith.addi %add3A_2352, %mul3A_2351 : i32
        %get3A_2354 = arith.index_cast %add3A_2353 : i32 to index
        %get3A_2355 = tpu.vector_load %arg10[%get3A_2354] {strides = array<i32>} : memref<12288xf32, #tpu.memory_space<vmem>>, vector<16xf32>,
        %get3A_2356 = vector.shape_cast %get3A_2355 : vector<16xf32> to vector<16xf32>
        %mul3A_2357 = arith.constant 16 : i32
        %mul3A_2358 = arith.muli %scan3A_2345, %mul3A_2357 : i32
        %add3A_2359 = arith.constant 4096 : i32
        %add3A_2360 = arith.addi %add3A_2359, %mul3A_2358 : i32
        %get3A_2361 = arith.index_cast %add3A_2360 : i32 to index
        %get3A_2362 = tpu.vector_load %arg10[%get3A_2361] {strides = array<i32>} : memref<12288xf32, #tpu.memory_space<vmem>>, vector<16xf32>,
        %get3A_2363 = vector.shape_cast %get3A_2362 : vector<16xf32> to vector<16xf32>
        %mul3A_2364 = arith.constant 16 : i32
        %mul3A_2365 = arith.muli %scan3A_2345, %mul3A_2364 : i32
        %add3A_2366 = arith.constant 8192 : i32
        %add3A_2367 = arith.addi %add3A_2366, %mul3A_2365 : i32
        %get3A_2368 = arith.index_cast %add3A_2367 : i32 to index
        %get3A_2369 = tpu.vector_load %arg10[%get3A_2368] {strides = array<i32>} : memref<12288xf32, #tpu.memory_space<vmem>>, vector<16xf32>,
        %get3A_2370 = vector.shape_cast %get3A_2369 : vector<16xf32> to vector<16xf32>
        %mul3A_2371 = arith.mulf %bitcast_convert_type3A_548, %get3A_2356 : vector<16xf32>
        %mul3A_2372 = arith.mulf %bitcast_convert_type3A_563, %get3A_2363 : vector<16xf32>
        %add3A_2373 = arith.addf %mul3A_2371, %mul3A_2372 : vector<16xf32>
        %mul3A_2374 = arith.mulf %bitcast_convert_type3A_578, %get3A_2370 : vector<16xf32>
        %add3A_2375 = arith.addf %add3A_2373, %mul3A_2374 : vector<16xf32>
        %get3A_2376 = arith.index_cast %mul3A_2349 : i32 to index
        %get3A_2377 = tpu.vector_load %arg11[%get3A_2376] {strides = array<i32>} : memref<4096xf32, #tpu.memory_space<vmem>>, vector<16xf32>,
        %get3A_2378 = vector.shape_cast %get3A_2377 : vector<16xf32> to vector<16xf32>
        %add3A_2379 = arith.addf %add3A_533, %get3A_2378 : vector<16xf32>
        %mul3A_2380 = arith.constant 2.000000e+00 : f32
        %mul3A_2381 = vector.broadcast %mul3A_2380 : f32 to vector<16xf32>
        %mul3A_2382 = arith.mulf %mul3A_2381, %add3A_2375 : vector<16xf32>
        %sub3A_2383 = arith.subf %add3A_2379, %mul3A_2382 : vector<16xf32>
        %max3A = arith.constant 0.000000e+00 : f32
        %max3A_2384 = vector.broadcast %max3A : f32 to vector<16xf32>
        %max3A_2385 = arith.maximumf %sub3A_2383, %max3A_2384 : vector<16xf32>
        %mul3A_2386 = arith.constant 16 : i32
        %mul3A_2387 = arith.muli %scan3A_2345, %mul3A_2386 : i32
        %convert_element_type3A_2388 = arith.sitofp %mul3A_2387 : i32 to f32
        %add3A_2389 = vector.broadcast %convert_element_type3A_2388 : f32 to vector<16xf32>
        %add3A_2390 = arith.addf %convert_element_type3A, %add3A_2389 : vector<16xf32>
        %lt3A_2391 = arith.cmpf olt, %max3A_2385, %scan3A_2346 : vector<16xf32>
        %select_n3A_2392 = arith.select %lt3A_2391, %max3A_2385, %scan3A_2346 : vector<16xi1>, vector<16xf32>
        %select_n3A_2393 = arith.select %lt3A_2391, %add3A_2390, %scan3A_2347 : vector<16xi1>, vector<16xf32>
        %get3A_2394 = arith.index_cast %mul3A_2349 : i32 to index
        %get3A_2395 = tpu.vector_load %arg12[%get3A_2394] {strides = array<i32>} : memref<4096xf32, #tpu.memory_space<vmem>>, vector<16xf32>,
        %get3A_2396 = vector.shape_cast %get3A_2395 : vector<16xf32> to vector<16xf32>
        %get3A_2397 = arith.index_cast %mul3A_2349 : i32 to index
        %get3A_2398 = tpu.vector_load %arg13[%get3A_2397] {strides = array<i32>} : memref<4096xf32, #tpu.memory_space<vmem>>, vector<16xf32>,
        %get3A_2399 = vector.shape_cast %get3A_2398 : vector<16xf32> to vector<16xf32>
        %lt3A_2400 = arith.cmpf olt, %max3A_2385, %get3A_2396 : vector<16xf32>
        %select_n3A_2401 = arith.select %lt3A_2400, %max3A_2385, %get3A_2396 : vector<16xi1>, vector<16xf32>
        %swap3A_2402 = arith.index_cast %mul3A_2349 : i32 to index
        %swap3A_2403 = tpu.vector_load %arg12[%swap3A_2402] {strides = array<i32>} : memref<4096xf32, #tpu.memory_space<vmem>>, vector<16xf32>,
        %swap3A_2404 = vector.shape_cast %swap3A_2403 : vector<16xf32> to vector<16xf32>
        %swap3A_2405 = vector.shape_cast %select_n3A_2401 : vector<16xf32> to vector<16xf32>
        tpu.vector_store %arg12[%swap3A_2402], %swap3A_2405 {strides = array<i32>} : memref<4096xf32, #tpu.memory_space<vmem>>, vector<16xf32>,
        %select_n3A_2406 = arith.select %lt3A_2400, %broadcast_in_dim3A_585, %get3A_2399 : vector<16xi1>, vector<16xf32>
        %swap3A_2407 = arith.index_cast %mul3A_2349 : i32 to index
        %swap3A_2408 = tpu.vector_load %arg13[%swap3A_2407] {strides = array<i32>} : memref<4096xf32, #tpu.memory_space<vmem>>, vector<16xf32>,
        %swap3A_2409 = vector.shape_cast %swap3A_2408 : vector<16xf32> to vector<16xf32>
        %swap3A_2410 = vector.shape_cast %select_n3A_2406 : vector<16xf32> to vector<16xf32>
        tpu.vector_store %arg13[%swap3A_2407], %swap3A_2410 {strides = array<i32>} : memref<4096xf32, #tpu.memory_space<vmem>>, vector<16xf32>,
        scf.yield %select_n3A_2392, %select_n3A_2393 : vector<16xf32>, vector<16xf32>
      }
      %scan3A_591 = arith.constant 256 : i32
      %xor3A_592 = arith.constant 8 : i32
      %xor3A_593 = vector.broadcast %xor3A_592 : i32 to vector<16xi32>
      %xor3A_594 = arith.xori %iota3A, %xor3A_593 : vector<16xi32>
      %broadcast_in_dim3A_595 = vector.shape_cast %xor3A_594 : vector<16xi32> to vector<16x1xi32>
      %gather3A_596 = vector.shape_cast %broadcast_in_dim3A_595 : vector<16x1xi32> to vector<16xi32>
      %gather3A_597 = tpu.dynamic_gather %scan3A_590#0[%gather3A_596] in [0] : vector<16xf32>, vector<16xi32> -> vector<16xf32>
      %gather3A_598 = vector.shape_cast %broadcast_in_dim3A_595 : vector<16x1xi32> to vector<16xi32>
      %gather3A_599 = tpu.dynamic_gather %scan3A_590#1[%gather3A_598] in [0] : vector<16xf32>, vector<16xi32> -> vector<16xf32>
      %lt3A_600 = arith.cmpf olt, %gather3A_597, %scan3A_590#0 : vector<16xf32>
      %eq3A_601 = arith.cmpf oeq, %gather3A_597, %scan3A_590#0 : vector<16xf32>
      %lt3A_602 = arith.cmpf olt, %gather3A_599, %scan3A_590#1 : vector<16xf32>
      %and3A_603 = arith.andi %eq3A_601, %lt3A_602 : vector<16xi1>
      %or3A_604 = arith.ori %lt3A_600, %and3A_603 : vector<16xi1>
      %select_n3A_605 = arith.select %or3A_604, %gather3A_597, %scan3A_590#0 : vector<16xi1>, vector<16xf32>
      %select_n3A_606 = arith.select %or3A_604, %gather3A_599, %scan3A_590#1 : vector<16xi1>, vector<16xf32>
      %xor3A_607 = arith.constant 4 : i32
      %xor3A_608 = vector.broadcast %xor3A_607 : i32 to vector<16xi32>
      %xor3A_609 = arith.xori %iota3A, %xor3A_608 : vector<16xi32>
      %broadcast_in_dim3A_610 = vector.shape_cast %xor3A_609 : vector<16xi32> to vector<16x1xi32>
      %gather3A_611 = vector.shape_cast %broadcast_in_dim3A_610 : vector<16x1xi32> to vector<16xi32>
      %gather3A_612 = tpu.dynamic_gather %select_n3A_605[%gather3A_611] in [0] : vector<16xf32>, vector<16xi32> -> vector<16xf32>
      %gather3A_613 = vector.shape_cast %broadcast_in_dim3A_610 : vector<16x1xi32> to vector<16xi32>
      %gather3A_614 = tpu.dynamic_gather %select_n3A_606[%gather3A_613] in [0] : vector<16xf32>, vector<16xi32> -> vector<16xf32>
      %lt3A_615 = arith.cmpf olt, %gather3A_612, %select_n3A_605 : vector<16xf32>
      %eq3A_616 = arith.cmpf oeq, %gather3A_612, %select_n3A_605 : vector<16xf32>
      %lt3A_617 = arith.cmpf olt, %gather3A_614, %select_n3A_606 : vector<16xf32>
      %and3A_618 = arith.andi %eq3A_616, %lt3A_617 : vector<16xi1>
      %or3A_619 = arith.ori %lt3A_615, %and3A_618 : vector<16xi1>
      %select_n3A_620 = arith.select %or3A_619, %gather3A_612, %select_n3A_605 : vector<16xi1>, vector<16xf32>
      %select_n3A_621 = arith.select %or3A_619, %gather3A_614, %select_n3A_606 : vector<16xi1>, vector<16xf32>
      %xor3A_622 = arith.constant 2 : i32
      %xor3A_623 = vector.broadcast %xor3A_622 : i32 to vector<16xi32>
      %xor3A_624 = arith.xori %iota3A, %xor3A_623 : vector<16xi32>
      %broadcast_in_dim3A_625 = vector.shape_cast %xor3A_624 : vector<16xi32> to vector<16x1xi32>
      %gather3A_626 = vector.shape_cast %broadcast_in_dim3A_625 : vector<16x1xi32> to vector<16xi32>
      %gather3A_627 = tpu.dynamic_gather %select_n3A_620[%gather3A_626] in [0] : vector<16xf32>, vector<16xi32> -> vector<16xf32>
      %gather3A_628 = vector.shape_cast %broadcast_in_dim3A_625 : vector<16x1xi32> to vector<16xi32>
      %gather3A_629 = tpu.dynamic_gather %select_n3A_621[%gather3A_628] in [0] : vector<16xf32>, vector<16xi32> -> vector<16xf32>
      %lt3A_630 = arith.cmpf olt, %gather3A_627, %select_n3A_620 : vector<16xf32>
      %eq3A_631 = arith.cmpf oeq, %gather3A_627, %select_n3A_620 : vector<16xf32>
      %lt3A_632 = arith.cmpf olt, %gather3A_629, %select_n3A_621 : vector<16xf32>
      %and3A_633 = arith.andi %eq3A_631, %lt3A_632 : vector<16xi1>
      %or3A_634 = arith.ori %lt3A_630, %and3A_633 : vector<16xi1>
      %select_n3A_635 = arith.select %or3A_634, %gather3A_627, %select_n3A_620 : vector<16xi1>, vector<16xf32>
      %select_n3A_636 = arith.select %or3A_634, %gather3A_629, %select_n3A_621 : vector<16xi1>, vector<16xf32>
      %xor3A_637 = arith.constant 1 : i32
      %xor3A_638 = vector.broadcast %xor3A_637 : i32 to vector<16xi32>
      %xor3A_639 = arith.xori %iota3A, %xor3A_638 : vector<16xi32>
      %broadcast_in_dim3A_640 = vector.shape_cast %xor3A_639 : vector<16xi32> to vector<16x1xi32>
      %gather3A_641 = vector.shape_cast %broadcast_in_dim3A_640 : vector<16x1xi32> to vector<16xi32>
      %gather3A_642 = tpu.dynamic_gather %select_n3A_635[%gather3A_641] in [0] : vector<16xf32>, vector<16xi32> -> vector<16xf32>
      %gather3A_643 = vector.shape_cast %broadcast_in_dim3A_640 : vector<16x1xi32> to vector<16xi32>
      %gather3A_644 = tpu.dynamic_gather %select_n3A_636[%gather3A_643] in [0] : vector<16xf32>, vector<16xi32> -> vector<16xf32>
      %lt3A_645 = arith.cmpf olt, %gather3A_642, %select_n3A_635 : vector<16xf32>
      %eq3A_646 = arith.cmpf oeq, %gather3A_642, %select_n3A_635 : vector<16xf32>
      %lt3A_647 = arith.cmpf olt, %gather3A_644, %select_n3A_636 : vector<16xf32>
      %and3A_648 = arith.andi %eq3A_646, %lt3A_647 : vector<16xi1>
      %or3A_649 = arith.ori %lt3A_645, %and3A_648 : vector<16xi1>
      %select_n3A_650 = arith.select %or3A_649, %gather3A_642, %select_n3A_635 : vector<16xi1>, vector<16xf32>
      %select_n3A_651 = arith.select %or3A_649, %gather3A_644, %select_n3A_636 : vector<16xi1>, vector<16xf32>
      %eq3A_652 = arith.constant 3 : i32
      %eq3A_653 = vector.broadcast %eq3A_652 : i32 to vector<16xi32>
      %eq3A_654 = arith.cmpi eq, %iota3A, %eq3A_653 : vector<16xi32>
      %select_n3A_655 = arith.select %eq3A_654, %select_n3A_650, %select_n3A_515 : vector<16xi1>, vector<16xf32>
      %select_n3A_656 = arith.select %eq3A_654, %select_n3A_651, %select_n3A_516 : vector<16xi1>, vector<16xf32>
      %broadcast_in_dim3A_657 = arith.constant 4 : i32
      %broadcast_in_dim3A_658 = vector.broadcast %broadcast_in_dim3A_657 : i32 to vector<16x1xi32>
      %gather3A_659 = vector.shape_cast %broadcast_in_dim3A_658 : vector<16x1xi32> to vector<16xi32>
      %gather3A_660 = tpu.dynamic_gather %get3A_87[%gather3A_659] in [0] : vector<16xf32>, vector<16xi32> -> vector<16xf32>
      %broadcast_in_dim3A_661 = arith.constant 4 : i32
      %broadcast_in_dim3A_662 = vector.broadcast %broadcast_in_dim3A_661 : i32 to vector<16x1xi32>
      %gather3A_663 = vector.shape_cast %broadcast_in_dim3A_662 : vector<16x1xi32> to vector<16xi32>
      %gather3A_664 = tpu.dynamic_gather %get3A_94[%gather3A_663] in [0] : vector<16xf32>, vector<16xi32> -> vector<16xf32>
      %broadcast_in_dim3A_665 = arith.constant 4 : i32
      %broadcast_in_dim3A_666 = vector.broadcast %broadcast_in_dim3A_665 : i32 to vector<16x1xi32>
      %gather3A_667 = vector.shape_cast %broadcast_in_dim3A_666 : vector<16x1xi32> to vector<16xi32>
      %gather3A_668 = tpu.dynamic_gather %get3A_101[%gather3A_667] in [0] : vector<16xf32>, vector<16xi32> -> vector<16xf32>
      %mul3A_669 = arith.mulf %gather3A_660, %gather3A_660 : vector<16xf32>
      %mul3A_670 = arith.mulf %gather3A_664, %gather3A_664 : vector<16xf32>
      %add3A_671 = arith.addf %mul3A_669, %mul3A_670 : vector<16xf32>
      %mul3A_672 = arith.mulf %gather3A_668, %gather3A_668 : vector<16xf32>
      %add3A_673 = arith.addf %add3A_671, %mul3A_672 : vector<16xf32>
      %bitcast_convert_type3A_674 = tpu.bitcast %gather3A_660 : vector<16xf32> -> vector<16xi32>
      %add3A_675 = arith.constant 32767 : i32
      %add3A_676 = vector.broadcast %add3A_675 : i32 to vector<16xi32>
      %add3A_677 = arith.addi %bitcast_convert_type3A_674, %add3A_676 : vector<16xi32>
      %shift_right_arithmetic3A_678 = arith.constant 16 : i32
      %shift_right_arithmetic3A_679 = vector.broadcast %shift_right_arithmetic3A_678 : i32 to vector<16xi32>
      %shift_right_arithmetic3A_680 = arith.shrsi %bitcast_convert_type3A_674, %shift_right_arithmetic3A_679 : vector<16xi32>
      %and3A_681 = arith.constant 1 : i32
      %and3A_682 = vector.broadcast %and3A_681 : i32 to vector<16xi32>
      %and3A_683 = arith.andi %shift_right_arithmetic3A_680, %and3A_682 : vector<16xi32>
      %add3A_684 = arith.addi %add3A_677, %and3A_683 : vector<16xi32>
      %and3A_685 = arith.constant -65536 : i32
      %and3A_686 = vector.broadcast %and3A_685 : i32 to vector<16xi32>
      %and3A_687 = arith.andi %add3A_684, %and3A_686 : vector<16xi32>
      %bitcast_convert_type3A_688 = tpu.bitcast %and3A_687 : vector<16xi32> -> vector<16xf32>
      %bitcast_convert_type3A_689 = tpu.bitcast %gather3A_664 : vector<16xf32> -> vector<16xi32>
      %add3A_690 = arith.constant 32767 : i32
      %add3A_691 = vector.broadcast %add3A_690 : i32 to vector<16xi32>
      %add3A_692 = arith.addi %bitcast_convert_type3A_689, %add3A_691 : vector<16xi32>
      %shift_right_arithmetic3A_693 = arith.constant 16 : i32
      %shift_right_arithmetic3A_694 = vector.broadcast %shift_right_arithmetic3A_693 : i32 to vector<16xi32>
      %shift_right_arithmetic3A_695 = arith.shrsi %bitcast_convert_type3A_689, %shift_right_arithmetic3A_694 : vector<16xi32>
      %and3A_696 = arith.constant 1 : i32
      %and3A_697 = vector.broadcast %and3A_696 : i32 to vector<16xi32>
      %and3A_698 = arith.andi %shift_right_arithmetic3A_695, %and3A_697 : vector<16xi32>
      %add3A_699 = arith.addi %add3A_692, %and3A_698 : vector<16xi32>
      %and3A_700 = arith.constant -65536 : i32
      %and3A_701 = vector.broadcast %and3A_700 : i32 to vector<16xi32>
      %and3A_702 = arith.andi %add3A_699, %and3A_701 : vector<16xi32>
      %bitcast_convert_type3A_703 = tpu.bitcast %and3A_702 : vector<16xi32> -> vector<16xf32>
      %bitcast_convert_type3A_704 = tpu.bitcast %gather3A_668 : vector<16xf32> -> vector<16xi32>
      %add3A_705 = arith.constant 32767 : i32
      %add3A_706 = vector.broadcast %add3A_705 : i32 to vector<16xi32>
      %add3A_707 = arith.addi %bitcast_convert_type3A_704, %add3A_706 : vector<16xi32>
      %shift_right_arithmetic3A_708 = arith.constant 16 : i32
      %shift_right_arithmetic3A_709 = vector.broadcast %shift_right_arithmetic3A_708 : i32 to vector<16xi32>
      %shift_right_arithmetic3A_710 = arith.shrsi %bitcast_convert_type3A_704, %shift_right_arithmetic3A_709 : vector<16xi32>
      %and3A_711 = arith.constant 1 : i32
      %and3A_712 = vector.broadcast %and3A_711 : i32 to vector<16xi32>
      %and3A_713 = arith.andi %shift_right_arithmetic3A_710, %and3A_712 : vector<16xi32>
      %add3A_714 = arith.addi %add3A_707, %and3A_713 : vector<16xi32>
      %and3A_715 = arith.constant -65536 : i32
      %and3A_716 = vector.broadcast %and3A_715 : i32 to vector<16xi32>
      %and3A_717 = arith.andi %add3A_714, %and3A_716 : vector<16xi32>
      %bitcast_convert_type3A_718 = tpu.bitcast %and3A_717 : vector<16xi32> -> vector<16xf32>
      %mul3A_719 = arith.constant 16 : i32
      %mul3A_720 = arith.muli %scan3A_78, %mul3A_719 : i32
      %add3A_721 = arith.addi %add3A_34, %mul3A_720 : i32
      %add3A_722 = arith.constant 4 : i32
      %add3A_723 = arith.addi %add3A_721, %add3A_722 : i32
      %convert_element_type3A_724 = arith.sitofp %add3A_723 : i32 to f32
      %broadcast_in_dim3A_725 = vector.broadcast %convert_element_type3A_724 : f32 to vector<16xf32>
      %scan3A_726 = arith.constant 0 : i32
      %scan3A_727 = arith.constant 256 : i32
      %scan3A_728 = arith.addi %scan3A_726, %scan3A_727 : i32
      %scan3A_729 = arith.constant 1 : i32
      %scan3A_730:2 = scf.for %scan3A_2345 = %scan3A_726 to %scan3A_728 step %scan3A_729 iter_args(%scan3A_2346 = %broadcast_in_dim3A_56, %scan3A_2347 = %broadcast_in_dim3A_56) -> (vector<16xf32>, vector<16xf32>)  : i32 {
        %mul3A_2348 = arith.constant 16 : i32
        %mul3A_2349 = arith.muli %scan3A_2345, %mul3A_2348 : i32
        %mul3A_2350 = arith.constant 16 : i32
        %mul3A_2351 = arith.muli %scan3A_2345, %mul3A_2350 : i32
        %add3A_2352 = arith.constant 0 : i32
        %add3A_2353 = arith.addi %add3A_2352, %mul3A_2351 : i32
        %get3A_2354 = arith.index_cast %add3A_2353 : i32 to index
        %get3A_2355 = tpu.vector_load %arg10[%get3A_2354] {strides = array<i32>} : memref<12288xf32, #tpu.memory_space<vmem>>, vector<16xf32>,
        %get3A_2356 = vector.shape_cast %get3A_2355 : vector<16xf32> to vector<16xf32>
        %mul3A_2357 = arith.constant 16 : i32
        %mul3A_2358 = arith.muli %scan3A_2345, %mul3A_2357 : i32
        %add3A_2359 = arith.constant 4096 : i32
        %add3A_2360 = arith.addi %add3A_2359, %mul3A_2358 : i32
        %get3A_2361 = arith.index_cast %add3A_2360 : i32 to index
        %get3A_2362 = tpu.vector_load %arg10[%get3A_2361] {strides = array<i32>} : memref<12288xf32, #tpu.memory_space<vmem>>, vector<16xf32>,
        %get3A_2363 = vector.shape_cast %get3A_2362 : vector<16xf32> to vector<16xf32>
        %mul3A_2364 = arith.constant 16 : i32
        %mul3A_2365 = arith.muli %scan3A_2345, %mul3A_2364 : i32
        %add3A_2366 = arith.constant 8192 : i32
        %add3A_2367 = arith.addi %add3A_2366, %mul3A_2365 : i32
        %get3A_2368 = arith.index_cast %add3A_2367 : i32 to index
        %get3A_2369 = tpu.vector_load %arg10[%get3A_2368] {strides = array<i32>} : memref<12288xf32, #tpu.memory_space<vmem>>, vector<16xf32>,
        %get3A_2370 = vector.shape_cast %get3A_2369 : vector<16xf32> to vector<16xf32>
        %mul3A_2371 = arith.mulf %bitcast_convert_type3A_688, %get3A_2356 : vector<16xf32>
        %mul3A_2372 = arith.mulf %bitcast_convert_type3A_703, %get3A_2363 : vector<16xf32>
        %add3A_2373 = arith.addf %mul3A_2371, %mul3A_2372 : vector<16xf32>
        %mul3A_2374 = arith.mulf %bitcast_convert_type3A_718, %get3A_2370 : vector<16xf32>
        %add3A_2375 = arith.addf %add3A_2373, %mul3A_2374 : vector<16xf32>
        %get3A_2376 = arith.index_cast %mul3A_2349 : i32 to index
        %get3A_2377 = tpu.vector_load %arg11[%get3A_2376] {strides = array<i32>} : memref<4096xf32, #tpu.memory_space<vmem>>, vector<16xf32>,
        %get3A_2378 = vector.shape_cast %get3A_2377 : vector<16xf32> to vector<16xf32>
        %add3A_2379 = arith.addf %add3A_673, %get3A_2378 : vector<16xf32>
        %mul3A_2380 = arith.constant 2.000000e+00 : f32
        %mul3A_2381 = vector.broadcast %mul3A_2380 : f32 to vector<16xf32>
        %mul3A_2382 = arith.mulf %mul3A_2381, %add3A_2375 : vector<16xf32>
        %sub3A_2383 = arith.subf %add3A_2379, %mul3A_2382 : vector<16xf32>
        %max3A = arith.constant 0.000000e+00 : f32
        %max3A_2384 = vector.broadcast %max3A : f32 to vector<16xf32>
        %max3A_2385 = arith.maximumf %sub3A_2383, %max3A_2384 : vector<16xf32>
        %mul3A_2386 = arith.constant 16 : i32
        %mul3A_2387 = arith.muli %scan3A_2345, %mul3A_2386 : i32
        %convert_element_type3A_2388 = arith.sitofp %mul3A_2387 : i32 to f32
        %add3A_2389 = vector.broadcast %convert_element_type3A_2388 : f32 to vector<16xf32>
        %add3A_2390 = arith.addf %convert_element_type3A, %add3A_2389 : vector<16xf32>
        %lt3A_2391 = arith.cmpf olt, %max3A_2385, %scan3A_2346 : vector<16xf32>
        %select_n3A_2392 = arith.select %lt3A_2391, %max3A_2385, %scan3A_2346 : vector<16xi1>, vector<16xf32>
        %select_n3A_2393 = arith.select %lt3A_2391, %add3A_2390, %scan3A_2347 : vector<16xi1>, vector<16xf32>
        %get3A_2394 = arith.index_cast %mul3A_2349 : i32 to index
        %get3A_2395 = tpu.vector_load %arg12[%get3A_2394] {strides = array<i32>} : memref<4096xf32, #tpu.memory_space<vmem>>, vector<16xf32>,
        %get3A_2396 = vector.shape_cast %get3A_2395 : vector<16xf32> to vector<16xf32>
        %get3A_2397 = arith.index_cast %mul3A_2349 : i32 to index
        %get3A_2398 = tpu.vector_load %arg13[%get3A_2397] {strides = array<i32>} : memref<4096xf32, #tpu.memory_space<vmem>>, vector<16xf32>,
        %get3A_2399 = vector.shape_cast %get3A_2398 : vector<16xf32> to vector<16xf32>
        %lt3A_2400 = arith.cmpf olt, %max3A_2385, %get3A_2396 : vector<16xf32>
        %select_n3A_2401 = arith.select %lt3A_2400, %max3A_2385, %get3A_2396 : vector<16xi1>, vector<16xf32>
        %swap3A_2402 = arith.index_cast %mul3A_2349 : i32 to index
        %swap3A_2403 = tpu.vector_load %arg12[%swap3A_2402] {strides = array<i32>} : memref<4096xf32, #tpu.memory_space<vmem>>, vector<16xf32>,
        %swap3A_2404 = vector.shape_cast %swap3A_2403 : vector<16xf32> to vector<16xf32>
        %swap3A_2405 = vector.shape_cast %select_n3A_2401 : vector<16xf32> to vector<16xf32>
        tpu.vector_store %arg12[%swap3A_2402], %swap3A_2405 {strides = array<i32>} : memref<4096xf32, #tpu.memory_space<vmem>>, vector<16xf32>,
        %select_n3A_2406 = arith.select %lt3A_2400, %broadcast_in_dim3A_725, %get3A_2399 : vector<16xi1>, vector<16xf32>
        %swap3A_2407 = arith.index_cast %mul3A_2349 : i32 to index
        %swap3A_2408 = tpu.vector_load %arg13[%swap3A_2407] {strides = array<i32>} : memref<4096xf32, #tpu.memory_space<vmem>>, vector<16xf32>,
        %swap3A_2409 = vector.shape_cast %swap3A_2408 : vector<16xf32> to vector<16xf32>
        %swap3A_2410 = vector.shape_cast %select_n3A_2406 : vector<16xf32> to vector<16xf32>
        tpu.vector_store %arg13[%swap3A_2407], %swap3A_2410 {strides = array<i32>} : memref<4096xf32, #tpu.memory_space<vmem>>, vector<16xf32>,
        scf.yield %select_n3A_2392, %select_n3A_2393 : vector<16xf32>, vector<16xf32>
      }
      %scan3A_731 = arith.constant 256 : i32
      %xor3A_732 = arith.constant 8 : i32
      %xor3A_733 = vector.broadcast %xor3A_732 : i32 to vector<16xi32>
      %xor3A_734 = arith.xori %iota3A, %xor3A_733 : vector<16xi32>
      %broadcast_in_dim3A_735 = vector.shape_cast %xor3A_734 : vector<16xi32> to vector<16x1xi32>
      %gather3A_736 = vector.shape_cast %broadcast_in_dim3A_735 : vector<16x1xi32> to vector<16xi32>
      %gather3A_737 = tpu.dynamic_gather %scan3A_730#0[%gather3A_736] in [0] : vector<16xf32>, vector<16xi32> -> vector<16xf32>
      %gather3A_738 = vector.shape_cast %broadcast_in_dim3A_735 : vector<16x1xi32> to vector<16xi32>
      %gather3A_739 = tpu.dynamic_gather %scan3A_730#1[%gather3A_738] in [0] : vector<16xf32>, vector<16xi32> -> vector<16xf32>
      %lt3A_740 = arith.cmpf olt, %gather3A_737, %scan3A_730#0 : vector<16xf32>
      %eq3A_741 = arith.cmpf oeq, %gather3A_737, %scan3A_730#0 : vector<16xf32>
      %lt3A_742 = arith.cmpf olt, %gather3A_739, %scan3A_730#1 : vector<16xf32>
      %and3A_743 = arith.andi %eq3A_741, %lt3A_742 : vector<16xi1>
      %or3A_744 = arith.ori %lt3A_740, %and3A_743 : vector<16xi1>
      %select_n3A_745 = arith.select %or3A_744, %gather3A_737, %scan3A_730#0 : vector<16xi1>, vector<16xf32>
      %select_n3A_746 = arith.select %or3A_744, %gather3A_739, %scan3A_730#1 : vector<16xi1>, vector<16xf32>
      %xor3A_747 = arith.constant 4 : i32
      %xor3A_748 = vector.broadcast %xor3A_747 : i32 to vector<16xi32>
      %xor3A_749 = arith.xori %iota3A, %xor3A_748 : vector<16xi32>
      %broadcast_in_dim3A_750 = vector.shape_cast %xor3A_749 : vector<16xi32> to vector<16x1xi32>
      %gather3A_751 = vector.shape_cast %broadcast_in_dim3A_750 : vector<16x1xi32> to vector<16xi32>
      %gather3A_752 = tpu.dynamic_gather %select_n3A_745[%gather3A_751] in [0] : vector<16xf32>, vector<16xi32> -> vector<16xf32>
      %gather3A_753 = vector.shape_cast %broadcast_in_dim3A_750 : vector<16x1xi32> to vector<16xi32>
      %gather3A_754 = tpu.dynamic_gather %select_n3A_746[%gather3A_753] in [0] : vector<16xf32>, vector<16xi32> -> vector<16xf32>
      %lt3A_755 = arith.cmpf olt, %gather3A_752, %select_n3A_745 : vector<16xf32>
      %eq3A_756 = arith.cmpf oeq, %gather3A_752, %select_n3A_745 : vector<16xf32>
      %lt3A_757 = arith.cmpf olt, %gather3A_754, %select_n3A_746 : vector<16xf32>
      %and3A_758 = arith.andi %eq3A_756, %lt3A_757 : vector<16xi1>
      %or3A_759 = arith.ori %lt3A_755, %and3A_758 : vector<16xi1>
      %select_n3A_760 = arith.select %or3A_759, %gather3A_752, %select_n3A_745 : vector<16xi1>, vector<16xf32>
      %select_n3A_761 = arith.select %or3A_759, %gather3A_754, %select_n3A_746 : vector<16xi1>, vector<16xf32>
      %xor3A_762 = arith.constant 2 : i32
      %xor3A_763 = vector.broadcast %xor3A_762 : i32 to vector<16xi32>
      %xor3A_764 = arith.xori %iota3A, %xor3A_763 : vector<16xi32>
      %broadcast_in_dim3A_765 = vector.shape_cast %xor3A_764 : vector<16xi32> to vector<16x1xi32>
      %gather3A_766 = vector.shape_cast %broadcast_in_dim3A_765 : vector<16x1xi32> to vector<16xi32>
      %gather3A_767 = tpu.dynamic_gather %select_n3A_760[%gather3A_766] in [0] : vector<16xf32>, vector<16xi32> -> vector<16xf32>
      %gather3A_768 = vector.shape_cast %broadcast_in_dim3A_765 : vector<16x1xi32> to vector<16xi32>
      %gather3A_769 = tpu.dynamic_gather %select_n3A_761[%gather3A_768] in [0] : vector<16xf32>, vector<16xi32> -> vector<16xf32>
      %lt3A_770 = arith.cmpf olt, %gather3A_767, %select_n3A_760 : vector<16xf32>
      %eq3A_771 = arith.cmpf oeq, %gather3A_767, %select_n3A_760 : vector<16xf32>
      %lt3A_772 = arith.cmpf olt, %gather3A_769, %select_n3A_761 : vector<16xf32>
      %and3A_773 = arith.andi %eq3A_771, %lt3A_772 : vector<16xi1>
      %or3A_774 = arith.ori %lt3A_770, %and3A_773 : vector<16xi1>
      %select_n3A_775 = arith.select %or3A_774, %gather3A_767, %select_n3A_760 : vector<16xi1>, vector<16xf32>
      %select_n3A_776 = arith.select %or3A_774, %gather3A_769, %select_n3A_761 : vector<16xi1>, vector<16xf32>
      %xor3A_777 = arith.constant 1 : i32
      %xor3A_778 = vector.broadcast %xor3A_777 : i32 to vector<16xi32>
      %xor3A_779 = arith.xori %iota3A, %xor3A_778 : vector<16xi32>
      %broadcast_in_dim3A_780 = vector.shape_cast %xor3A_779 : vector<16xi32> to vector<16x1xi32>
      %gather3A_781 = vector.shape_cast %broadcast_in_dim3A_780 : vector<16x1xi32> to vector<16xi32>
      %gather3A_782 = tpu.dynamic_gather %select_n3A_775[%gather3A_781] in [0] : vector<16xf32>, vector<16xi32> -> vector<16xf32>
      %gather3A_783 = vector.shape_cast %broadcast_in_dim3A_780 : vector<16x1xi32> to vector<16xi32>
      %gather3A_784 = tpu.dynamic_gather %select_n3A_776[%gather3A_783] in [0] : vector<16xf32>, vector<16xi32> -> vector<16xf32>
      %lt3A_785 = arith.cmpf olt, %gather3A_782, %select_n3A_775 : vector<16xf32>
      %eq3A_786 = arith.cmpf oeq, %gather3A_782, %select_n3A_775 : vector<16xf32>
      %lt3A_787 = arith.cmpf olt, %gather3A_784, %select_n3A_776 : vector<16xf32>
      %and3A_788 = arith.andi %eq3A_786, %lt3A_787 : vector<16xi1>
      %or3A_789 = arith.ori %lt3A_785, %and3A_788 : vector<16xi1>
      %select_n3A_790 = arith.select %or3A_789, %gather3A_782, %select_n3A_775 : vector<16xi1>, vector<16xf32>
      %select_n3A_791 = arith.select %or3A_789, %gather3A_784, %select_n3A_776 : vector<16xi1>, vector<16xf32>
      %eq3A_792 = arith.constant 4 : i32
      %eq3A_793 = vector.broadcast %eq3A_792 : i32 to vector<16xi32>
      %eq3A_794 = arith.cmpi eq, %iota3A, %eq3A_793 : vector<16xi32>
      %select_n3A_795 = arith.select %eq3A_794, %select_n3A_790, %select_n3A_655 : vector<16xi1>, vector<16xf32>
      %select_n3A_796 = arith.select %eq3A_794, %select_n3A_791, %select_n3A_656 : vector<16xi1>, vector<16xf32>
      %broadcast_in_dim3A_797 = arith.constant 5 : i32
      %broadcast_in_dim3A_798 = vector.broadcast %broadcast_in_dim3A_797 : i32 to vector<16x1xi32>
      %gather3A_799 = vector.shape_cast %broadcast_in_dim3A_798 : vector<16x1xi32> to vector<16xi32>
      %gather3A_800 = tpu.dynamic_gather %get3A_87[%gather3A_799] in [0] : vector<16xf32>, vector<16xi32> -> vector<16xf32>
      %broadcast_in_dim3A_801 = arith.constant 5 : i32
      %broadcast_in_dim3A_802 = vector.broadcast %broadcast_in_dim3A_801 : i32 to vector<16x1xi32>
      %gather3A_803 = vector.shape_cast %broadcast_in_dim3A_802 : vector<16x1xi32> to vector<16xi32>
      %gather3A_804 = tpu.dynamic_gather %get3A_94[%gather3A_803] in [0] : vector<16xf32>, vector<16xi32> -> vector<16xf32>
      %broadcast_in_dim3A_805 = arith.constant 5 : i32
      %broadcast_in_dim3A_806 = vector.broadcast %broadcast_in_dim3A_805 : i32 to vector<16x1xi32>
      %gather3A_807 = vector.shape_cast %broadcast_in_dim3A_806 : vector<16x1xi32> to vector<16xi32>
      %gather3A_808 = tpu.dynamic_gather %get3A_101[%gather3A_807] in [0] : vector<16xf32>, vector<16xi32> -> vector<16xf32>
      %mul3A_809 = arith.mulf %gather3A_800, %gather3A_800 : vector<16xf32>
      %mul3A_810 = arith.mulf %gather3A_804, %gather3A_804 : vector<16xf32>
      %add3A_811 = arith.addf %mul3A_809, %mul3A_810 : vector<16xf32>
      %mul3A_812 = arith.mulf %gather3A_808, %gather3A_808 : vector<16xf32>
      %add3A_813 = arith.addf %add3A_811, %mul3A_812 : vector<16xf32>
      %bitcast_convert_type3A_814 = tpu.bitcast %gather3A_800 : vector<16xf32> -> vector<16xi32>
      %add3A_815 = arith.constant 32767 : i32
      %add3A_816 = vector.broadcast %add3A_815 : i32 to vector<16xi32>
      %add3A_817 = arith.addi %bitcast_convert_type3A_814, %add3A_816 : vector<16xi32>
      %shift_right_arithmetic3A_818 = arith.constant 16 : i32
      %shift_right_arithmetic3A_819 = vector.broadcast %shift_right_arithmetic3A_818 : i32 to vector<16xi32>
      %shift_right_arithmetic3A_820 = arith.shrsi %bitcast_convert_type3A_814, %shift_right_arithmetic3A_819 : vector<16xi32>
      %and3A_821 = arith.constant 1 : i32
      %and3A_822 = vector.broadcast %and3A_821 : i32 to vector<16xi32>
      %and3A_823 = arith.andi %shift_right_arithmetic3A_820, %and3A_822 : vector<16xi32>
      %add3A_824 = arith.addi %add3A_817, %and3A_823 : vector<16xi32>
      %and3A_825 = arith.constant -65536 : i32
      %and3A_826 = vector.broadcast %and3A_825 : i32 to vector<16xi32>
      %and3A_827 = arith.andi %add3A_824, %and3A_826 : vector<16xi32>
      %bitcast_convert_type3A_828 = tpu.bitcast %and3A_827 : vector<16xi32> -> vector<16xf32>
      %bitcast_convert_type3A_829 = tpu.bitcast %gather3A_804 : vector<16xf32> -> vector<16xi32>
      %add3A_830 = arith.constant 32767 : i32
      %add3A_831 = vector.broadcast %add3A_830 : i32 to vector<16xi32>
      %add3A_832 = arith.addi %bitcast_convert_type3A_829, %add3A_831 : vector<16xi32>
      %shift_right_arithmetic3A_833 = arith.constant 16 : i32
      %shift_right_arithmetic3A_834 = vector.broadcast %shift_right_arithmetic3A_833 : i32 to vector<16xi32>
      %shift_right_arithmetic3A_835 = arith.shrsi %bitcast_convert_type3A_829, %shift_right_arithmetic3A_834 : vector<16xi32>
      %and3A_836 = arith.constant 1 : i32
      %and3A_837 = vector.broadcast %and3A_836 : i32 to vector<16xi32>
      %and3A_838 = arith.andi %shift_right_arithmetic3A_835, %and3A_837 : vector<16xi32>
      %add3A_839 = arith.addi %add3A_832, %and3A_838 : vector<16xi32>
      %and3A_840 = arith.constant -65536 : i32
      %and3A_841 = vector.broadcast %and3A_840 : i32 to vector<16xi32>
      %and3A_842 = arith.andi %add3A_839, %and3A_841 : vector<16xi32>
      %bitcast_convert_type3A_843 = tpu.bitcast %and3A_842 : vector<16xi32> -> vector<16xf32>
      %bitcast_convert_type3A_844 = tpu.bitcast %gather3A_808 : vector<16xf32> -> vector<16xi32>
      %add3A_845 = arith.constant 32767 : i32
      %add3A_846 = vector.broadcast %add3A_845 : i32 to vector<16xi32>
      %add3A_847 = arith.addi %bitcast_convert_type3A_844, %add3A_846 : vector<16xi32>
      %shift_right_arithmetic3A_848 = arith.constant 16 : i32
      %shift_right_arithmetic3A_849 = vector.broadcast %shift_right_arithmetic3A_848 : i32 to vector<16xi32>
      %shift_right_arithmetic3A_850 = arith.shrsi %bitcast_convert_type3A_844, %shift_right_arithmetic3A_849 : vector<16xi32>
      %and3A_851 = arith.constant 1 : i32
      %and3A_852 = vector.broadcast %and3A_851 : i32 to vector<16xi32>
      %and3A_853 = arith.andi %shift_right_arithmetic3A_850, %and3A_852 : vector<16xi32>
      %add3A_854 = arith.addi %add3A_847, %and3A_853 : vector<16xi32>
      %and3A_855 = arith.constant -65536 : i32
      %and3A_856 = vector.broadcast %and3A_855 : i32 to vector<16xi32>
      %and3A_857 = arith.andi %add3A_854, %and3A_856 : vector<16xi32>
      %bitcast_convert_type3A_858 = tpu.bitcast %and3A_857 : vector<16xi32> -> vector<16xf32>
      %mul3A_859 = arith.constant 16 : i32
      %mul3A_860 = arith.muli %scan3A_78, %mul3A_859 : i32
      %add3A_861 = arith.addi %add3A_34, %mul3A_860 : i32
      %add3A_862 = arith.constant 5 : i32
      %add3A_863 = arith.addi %add3A_861, %add3A_862 : i32
      %convert_element_type3A_864 = arith.sitofp %add3A_863 : i32 to f32
      %broadcast_in_dim3A_865 = vector.broadcast %convert_element_type3A_864 : f32 to vector<16xf32>
      %scan3A_866 = arith.constant 0 : i32
      %scan3A_867 = arith.constant 256 : i32
      %scan3A_868 = arith.addi %scan3A_866, %scan3A_867 : i32
      %scan3A_869 = arith.constant 1 : i32
      %scan3A_870:2 = scf.for %scan3A_2345 = %scan3A_866 to %scan3A_868 step %scan3A_869 iter_args(%scan3A_2346 = %broadcast_in_dim3A_56, %scan3A_2347 = %broadcast_in_dim3A_56) -> (vector<16xf32>, vector<16xf32>)  : i32 {
        %mul3A_2348 = arith.constant 16 : i32
        %mul3A_2349 = arith.muli %scan3A_2345, %mul3A_2348 : i32
        %mul3A_2350 = arith.constant 16 : i32
        %mul3A_2351 = arith.muli %scan3A_2345, %mul3A_2350 : i32
        %add3A_2352 = arith.constant 0 : i32
        %add3A_2353 = arith.addi %add3A_2352, %mul3A_2351 : i32
        %get3A_2354 = arith.index_cast %add3A_2353 : i32 to index
        %get3A_2355 = tpu.vector_load %arg10[%get3A_2354] {strides = array<i32>} : memref<12288xf32, #tpu.memory_space<vmem>>, vector<16xf32>,
        %get3A_2356 = vector.shape_cast %get3A_2355 : vector<16xf32> to vector<16xf32>
        %mul3A_2357 = arith.constant 16 : i32
        %mul3A_2358 = arith.muli %scan3A_2345, %mul3A_2357 : i32
        %add3A_2359 = arith.constant 4096 : i32
        %add3A_2360 = arith.addi %add3A_2359, %mul3A_2358 : i32
        %get3A_2361 = arith.index_cast %add3A_2360 : i32 to index
        %get3A_2362 = tpu.vector_load %arg10[%get3A_2361] {strides = array<i32>} : memref<12288xf32, #tpu.memory_space<vmem>>, vector<16xf32>,
        %get3A_2363 = vector.shape_cast %get3A_2362 : vector<16xf32> to vector<16xf32>
        %mul3A_2364 = arith.constant 16 : i32
        %mul3A_2365 = arith.muli %scan3A_2345, %mul3A_2364 : i32
        %add3A_2366 = arith.constant 8192 : i32
        %add3A_2367 = arith.addi %add3A_2366, %mul3A_2365 : i32
        %get3A_2368 = arith.index_cast %add3A_2367 : i32 to index
        %get3A_2369 = tpu.vector_load %arg10[%get3A_2368] {strides = array<i32>} : memref<12288xf32, #tpu.memory_space<vmem>>, vector<16xf32>,
        %get3A_2370 = vector.shape_cast %get3A_2369 : vector<16xf32> to vector<16xf32>
        %mul3A_2371 = arith.mulf %bitcast_convert_type3A_828, %get3A_2356 : vector<16xf32>
        %mul3A_2372 = arith.mulf %bitcast_convert_type3A_843, %get3A_2363 : vector<16xf32>
        %add3A_2373 = arith.addf %mul3A_2371, %mul3A_2372 : vector<16xf32>
        %mul3A_2374 = arith.mulf %bitcast_convert_type3A_858, %get3A_2370 : vector<16xf32>
        %add3A_2375 = arith.addf %add3A_2373, %mul3A_2374 : vector<16xf32>
        %get3A_2376 = arith.index_cast %mul3A_2349 : i32 to index
        %get3A_2377 = tpu.vector_load %arg11[%get3A_2376] {strides = array<i32>} : memref<4096xf32, #tpu.memory_space<vmem>>, vector<16xf32>,
        %get3A_2378 = vector.shape_cast %get3A_2377 : vector<16xf32> to vector<16xf32>
        %add3A_2379 = arith.addf %add3A_813, %get3A_2378 : vector<16xf32>
        %mul3A_2380 = arith.constant 2.000000e+00 : f32
        %mul3A_2381 = vector.broadcast %mul3A_2380 : f32 to vector<16xf32>
        %mul3A_2382 = arith.mulf %mul3A_2381, %add3A_2375 : vector<16xf32>
        %sub3A_2383 = arith.subf %add3A_2379, %mul3A_2382 : vector<16xf32>
        %max3A = arith.constant 0.000000e+00 : f32
        %max3A_2384 = vector.broadcast %max3A : f32 to vector<16xf32>
        %max3A_2385 = arith.maximumf %sub3A_2383, %max3A_2384 : vector<16xf32>
        %mul3A_2386 = arith.constant 16 : i32
        %mul3A_2387 = arith.muli %scan3A_2345, %mul3A_2386 : i32
        %convert_element_type3A_2388 = arith.sitofp %mul3A_2387 : i32 to f32
        %add3A_2389 = vector.broadcast %convert_element_type3A_2388 : f32 to vector<16xf32>
        %add3A_2390 = arith.addf %convert_element_type3A, %add3A_2389 : vector<16xf32>
        %lt3A_2391 = arith.cmpf olt, %max3A_2385, %scan3A_2346 : vector<16xf32>
        %select_n3A_2392 = arith.select %lt3A_2391, %max3A_2385, %scan3A_2346 : vector<16xi1>, vector<16xf32>
        %select_n3A_2393 = arith.select %lt3A_2391, %add3A_2390, %scan3A_2347 : vector<16xi1>, vector<16xf32>
        %get3A_2394 = arith.index_cast %mul3A_2349 : i32 to index
        %get3A_2395 = tpu.vector_load %arg12[%get3A_2394] {strides = array<i32>} : memref<4096xf32, #tpu.memory_space<vmem>>, vector<16xf32>,
        %get3A_2396 = vector.shape_cast %get3A_2395 : vector<16xf32> to vector<16xf32>
        %get3A_2397 = arith.index_cast %mul3A_2349 : i32 to index
        %get3A_2398 = tpu.vector_load %arg13[%get3A_2397] {strides = array<i32>} : memref<4096xf32, #tpu.memory_space<vmem>>, vector<16xf32>,
        %get3A_2399 = vector.shape_cast %get3A_2398 : vector<16xf32> to vector<16xf32>
        %lt3A_2400 = arith.cmpf olt, %max3A_2385, %get3A_2396 : vector<16xf32>
        %select_n3A_2401 = arith.select %lt3A_2400, %max3A_2385, %get3A_2396 : vector<16xi1>, vector<16xf32>
        %swap3A_2402 = arith.index_cast %mul3A_2349 : i32 to index
        %swap3A_2403 = tpu.vector_load %arg12[%swap3A_2402] {strides = array<i32>} : memref<4096xf32, #tpu.memory_space<vmem>>, vector<16xf32>,
        %swap3A_2404 = vector.shape_cast %swap3A_2403 : vector<16xf32> to vector<16xf32>
        %swap3A_2405 = vector.shape_cast %select_n3A_2401 : vector<16xf32> to vector<16xf32>
        tpu.vector_store %arg12[%swap3A_2402], %swap3A_2405 {strides = array<i32>} : memref<4096xf32, #tpu.memory_space<vmem>>, vector<16xf32>,
        %select_n3A_2406 = arith.select %lt3A_2400, %broadcast_in_dim3A_865, %get3A_2399 : vector<16xi1>, vector<16xf32>
        %swap3A_2407 = arith.index_cast %mul3A_2349 : i32 to index
        %swap3A_2408 = tpu.vector_load %arg13[%swap3A_2407] {strides = array<i32>} : memref<4096xf32, #tpu.memory_space<vmem>>, vector<16xf32>,
        %swap3A_2409 = vector.shape_cast %swap3A_2408 : vector<16xf32> to vector<16xf32>
        %swap3A_2410 = vector.shape_cast %select_n3A_2406 : vector<16xf32> to vector<16xf32>
        tpu.vector_store %arg13[%swap3A_2407], %swap3A_2410 {strides = array<i32>} : memref<4096xf32, #tpu.memory_space<vmem>>, vector<16xf32>,
        scf.yield %select_n3A_2392, %select_n3A_2393 : vector<16xf32>, vector<16xf32>
      }
      %scan3A_871 = arith.constant 256 : i32
      %xor3A_872 = arith.constant 8 : i32
      %xor3A_873 = vector.broadcast %xor3A_872 : i32 to vector<16xi32>
      %xor3A_874 = arith.xori %iota3A, %xor3A_873 : vector<16xi32>
      %broadcast_in_dim3A_875 = vector.shape_cast %xor3A_874 : vector<16xi32> to vector<16x1xi32>
      %gather3A_876 = vector.shape_cast %broadcast_in_dim3A_875 : vector<16x1xi32> to vector<16xi32>
      %gather3A_877 = tpu.dynamic_gather %scan3A_870#0[%gather3A_876] in [0] : vector<16xf32>, vector<16xi32> -> vector<16xf32>
      %gather3A_878 = vector.shape_cast %broadcast_in_dim3A_875 : vector<16x1xi32> to vector<16xi32>
      %gather3A_879 = tpu.dynamic_gather %scan3A_870#1[%gather3A_878] in [0] : vector<16xf32>, vector<16xi32> -> vector<16xf32>
      %lt3A_880 = arith.cmpf olt, %gather3A_877, %scan3A_870#0 : vector<16xf32>
      %eq3A_881 = arith.cmpf oeq, %gather3A_877, %scan3A_870#0 : vector<16xf32>
      %lt3A_882 = arith.cmpf olt, %gather3A_879, %scan3A_870#1 : vector<16xf32>
      %and3A_883 = arith.andi %eq3A_881, %lt3A_882 : vector<16xi1>
      %or3A_884 = arith.ori %lt3A_880, %and3A_883 : vector<16xi1>
      %select_n3A_885 = arith.select %or3A_884, %gather3A_877, %scan3A_870#0 : vector<16xi1>, vector<16xf32>
      %select_n3A_886 = arith.select %or3A_884, %gather3A_879, %scan3A_870#1 : vector<16xi1>, vector<16xf32>
      %xor3A_887 = arith.constant 4 : i32
      %xor3A_888 = vector.broadcast %xor3A_887 : i32 to vector<16xi32>
      %xor3A_889 = arith.xori %iota3A, %xor3A_888 : vector<16xi32>
      %broadcast_in_dim3A_890 = vector.shape_cast %xor3A_889 : vector<16xi32> to vector<16x1xi32>
      %gather3A_891 = vector.shape_cast %broadcast_in_dim3A_890 : vector<16x1xi32> to vector<16xi32>
      %gather3A_892 = tpu.dynamic_gather %select_n3A_885[%gather3A_891] in [0] : vector<16xf32>, vector<16xi32> -> vector<16xf32>
      %gather3A_893 = vector.shape_cast %broadcast_in_dim3A_890 : vector<16x1xi32> to vector<16xi32>
      %gather3A_894 = tpu.dynamic_gather %select_n3A_886[%gather3A_893] in [0] : vector<16xf32>, vector<16xi32> -> vector<16xf32>
      %lt3A_895 = arith.cmpf olt, %gather3A_892, %select_n3A_885 : vector<16xf32>
      %eq3A_896 = arith.cmpf oeq, %gather3A_892, %select_n3A_885 : vector<16xf32>
      %lt3A_897 = arith.cmpf olt, %gather3A_894, %select_n3A_886 : vector<16xf32>
      %and3A_898 = arith.andi %eq3A_896, %lt3A_897 : vector<16xi1>
      %or3A_899 = arith.ori %lt3A_895, %and3A_898 : vector<16xi1>
      %select_n3A_900 = arith.select %or3A_899, %gather3A_892, %select_n3A_885 : vector<16xi1>, vector<16xf32>
      %select_n3A_901 = arith.select %or3A_899, %gather3A_894, %select_n3A_886 : vector<16xi1>, vector<16xf32>
      %xor3A_902 = arith.constant 2 : i32
      %xor3A_903 = vector.broadcast %xor3A_902 : i32 to vector<16xi32>
      %xor3A_904 = arith.xori %iota3A, %xor3A_903 : vector<16xi32>
      %broadcast_in_dim3A_905 = vector.shape_cast %xor3A_904 : vector<16xi32> to vector<16x1xi32>
      %gather3A_906 = vector.shape_cast %broadcast_in_dim3A_905 : vector<16x1xi32> to vector<16xi32>
      %gather3A_907 = tpu.dynamic_gather %select_n3A_900[%gather3A_906] in [0] : vector<16xf32>, vector<16xi32> -> vector<16xf32>
      %gather3A_908 = vector.shape_cast %broadcast_in_dim3A_905 : vector<16x1xi32> to vector<16xi32>
      %gather3A_909 = tpu.dynamic_gather %select_n3A_901[%gather3A_908] in [0] : vector<16xf32>, vector<16xi32> -> vector<16xf32>
      %lt3A_910 = arith.cmpf olt, %gather3A_907, %select_n3A_900 : vector<16xf32>
      %eq3A_911 = arith.cmpf oeq, %gather3A_907, %select_n3A_900 : vector<16xf32>
      %lt3A_912 = arith.cmpf olt, %gather3A_909, %select_n3A_901 : vector<16xf32>
      %and3A_913 = arith.andi %eq3A_911, %lt3A_912 : vector<16xi1>
      %or3A_914 = arith.ori %lt3A_910, %and3A_913 : vector<16xi1>
      %select_n3A_915 = arith.select %or3A_914, %gather3A_907, %select_n3A_900 : vector<16xi1>, vector<16xf32>
      %select_n3A_916 = arith.select %or3A_914, %gather3A_909, %select_n3A_901 : vector<16xi1>, vector<16xf32>
      %xor3A_917 = arith.constant 1 : i32
      %xor3A_918 = vector.broadcast %xor3A_917 : i32 to vector<16xi32>
      %xor3A_919 = arith.xori %iota3A, %xor3A_918 : vector<16xi32>
      %broadcast_in_dim3A_920 = vector.shape_cast %xor3A_919 : vector<16xi32> to vector<16x1xi32>
      %gather3A_921 = vector.shape_cast %broadcast_in_dim3A_920 : vector<16x1xi32> to vector<16xi32>
      %gather3A_922 = tpu.dynamic_gather %select_n3A_915[%gather3A_921] in [0] : vector<16xf32>, vector<16xi32> -> vector<16xf32>
      %gather3A_923 = vector.shape_cast %broadcast_in_dim3A_920 : vector<16x1xi32> to vector<16xi32>
      %gather3A_924 = tpu.dynamic_gather %select_n3A_916[%gather3A_923] in [0] : vector<16xf32>, vector<16xi32> -> vector<16xf32>
      %lt3A_925 = arith.cmpf olt, %gather3A_922, %select_n3A_915 : vector<16xf32>
      %eq3A_926 = arith.cmpf oeq, %gather3A_922, %select_n3A_915 : vector<16xf32>
      %lt3A_927 = arith.cmpf olt, %gather3A_924, %select_n3A_916 : vector<16xf32>
      %and3A_928 = arith.andi %eq3A_926, %lt3A_927 : vector<16xi1>
      %or3A_929 = arith.ori %lt3A_925, %and3A_928 : vector<16xi1>
      %select_n3A_930 = arith.select %or3A_929, %gather3A_922, %select_n3A_915 : vector<16xi1>, vector<16xf32>
      %select_n3A_931 = arith.select %or3A_929, %gather3A_924, %select_n3A_916 : vector<16xi1>, vector<16xf32>
      %eq3A_932 = arith.constant 5 : i32
      %eq3A_933 = vector.broadcast %eq3A_932 : i32 to vector<16xi32>
      %eq3A_934 = arith.cmpi eq, %iota3A, %eq3A_933 : vector<16xi32>
      %select_n3A_935 = arith.select %eq3A_934, %select_n3A_930, %select_n3A_795 : vector<16xi1>, vector<16xf32>
      %select_n3A_936 = arith.select %eq3A_934, %select_n3A_931, %select_n3A_796 : vector<16xi1>, vector<16xf32>
      %broadcast_in_dim3A_937 = arith.constant 6 : i32
      %broadcast_in_dim3A_938 = vector.broadcast %broadcast_in_dim3A_937 : i32 to vector<16x1xi32>
      %gather3A_939 = vector.shape_cast %broadcast_in_dim3A_938 : vector<16x1xi32> to vector<16xi32>
      %gather3A_940 = tpu.dynamic_gather %get3A_87[%gather3A_939] in [0] : vector<16xf32>, vector<16xi32> -> vector<16xf32>
      %broadcast_in_dim3A_941 = arith.constant 6 : i32
      %broadcast_in_dim3A_942 = vector.broadcast %broadcast_in_dim3A_941 : i32 to vector<16x1xi32>
      %gather3A_943 = vector.shape_cast %broadcast_in_dim3A_942 : vector<16x1xi32> to vector<16xi32>
      %gather3A_944 = tpu.dynamic_gather %get3A_94[%gather3A_943] in [0] : vector<16xf32>, vector<16xi32> -> vector<16xf32>
      %broadcast_in_dim3A_945 = arith.constant 6 : i32
      %broadcast_in_dim3A_946 = vector.broadcast %broadcast_in_dim3A_945 : i32 to vector<16x1xi32>
      %gather3A_947 = vector.shape_cast %broadcast_in_dim3A_946 : vector<16x1xi32> to vector<16xi32>
      %gather3A_948 = tpu.dynamic_gather %get3A_101[%gather3A_947] in [0] : vector<16xf32>, vector<16xi32> -> vector<16xf32>
      %mul3A_949 = arith.mulf %gather3A_940, %gather3A_940 : vector<16xf32>
      %mul3A_950 = arith.mulf %gather3A_944, %gather3A_944 : vector<16xf32>
      %add3A_951 = arith.addf %mul3A_949, %mul3A_950 : vector<16xf32>
      %mul3A_952 = arith.mulf %gather3A_948, %gather3A_948 : vector<16xf32>
      %add3A_953 = arith.addf %add3A_951, %mul3A_952 : vector<16xf32>
      %bitcast_convert_type3A_954 = tpu.bitcast %gather3A_940 : vector<16xf32> -> vector<16xi32>
      %add3A_955 = arith.constant 32767 : i32
      %add3A_956 = vector.broadcast %add3A_955 : i32 to vector<16xi32>
      %add3A_957 = arith.addi %bitcast_convert_type3A_954, %add3A_956 : vector<16xi32>
      %shift_right_arithmetic3A_958 = arith.constant 16 : i32
      %shift_right_arithmetic3A_959 = vector.broadcast %shift_right_arithmetic3A_958 : i32 to vector<16xi32>
      %shift_right_arithmetic3A_960 = arith.shrsi %bitcast_convert_type3A_954, %shift_right_arithmetic3A_959 : vector<16xi32>
      %and3A_961 = arith.constant 1 : i32
      %and3A_962 = vector.broadcast %and3A_961 : i32 to vector<16xi32>
      %and3A_963 = arith.andi %shift_right_arithmetic3A_960, %and3A_962 : vector<16xi32>
      %add3A_964 = arith.addi %add3A_957, %and3A_963 : vector<16xi32>
      %and3A_965 = arith.constant -65536 : i32
      %and3A_966 = vector.broadcast %and3A_965 : i32 to vector<16xi32>
      %and3A_967 = arith.andi %add3A_964, %and3A_966 : vector<16xi32>
      %bitcast_convert_type3A_968 = tpu.bitcast %and3A_967 : vector<16xi32> -> vector<16xf32>
      %bitcast_convert_type3A_969 = tpu.bitcast %gather3A_944 : vector<16xf32> -> vector<16xi32>
      %add3A_970 = arith.constant 32767 : i32
      %add3A_971 = vector.broadcast %add3A_970 : i32 to vector<16xi32>
      %add3A_972 = arith.addi %bitcast_convert_type3A_969, %add3A_971 : vector<16xi32>
      %shift_right_arithmetic3A_973 = arith.constant 16 : i32
      %shift_right_arithmetic3A_974 = vector.broadcast %shift_right_arithmetic3A_973 : i32 to vector<16xi32>
      %shift_right_arithmetic3A_975 = arith.shrsi %bitcast_convert_type3A_969, %shift_right_arithmetic3A_974 : vector<16xi32>
      %and3A_976 = arith.constant 1 : i32
      %and3A_977 = vector.broadcast %and3A_976 : i32 to vector<16xi32>
      %and3A_978 = arith.andi %shift_right_arithmetic3A_975, %and3A_977 : vector<16xi32>
      %add3A_979 = arith.addi %add3A_972, %and3A_978 : vector<16xi32>
      %and3A_980 = arith.constant -65536 : i32
      %and3A_981 = vector.broadcast %and3A_980 : i32 to vector<16xi32>
      %and3A_982 = arith.andi %add3A_979, %and3A_981 : vector<16xi32>
      %bitcast_convert_type3A_983 = tpu.bitcast %and3A_982 : vector<16xi32> -> vector<16xf32>
      %bitcast_convert_type3A_984 = tpu.bitcast %gather3A_948 : vector<16xf32> -> vector<16xi32>
      %add3A_985 = arith.constant 32767 : i32
      %add3A_986 = vector.broadcast %add3A_985 : i32 to vector<16xi32>
      %add3A_987 = arith.addi %bitcast_convert_type3A_984, %add3A_986 : vector<16xi32>
      %shift_right_arithmetic3A_988 = arith.constant 16 : i32
      %shift_right_arithmetic3A_989 = vector.broadcast %shift_right_arithmetic3A_988 : i32 to vector<16xi32>
      %shift_right_arithmetic3A_990 = arith.shrsi %bitcast_convert_type3A_984, %shift_right_arithmetic3A_989 : vector<16xi32>
      %and3A_991 = arith.constant 1 : i32
      %and3A_992 = vector.broadcast %and3A_991 : i32 to vector<16xi32>
      %and3A_993 = arith.andi %shift_right_arithmetic3A_990, %and3A_992 : vector<16xi32>
      %add3A_994 = arith.addi %add3A_987, %and3A_993 : vector<16xi32>
      %and3A_995 = arith.constant -65536 : i32
      %and3A_996 = vector.broadcast %and3A_995 : i32 to vector<16xi32>
      %and3A_997 = arith.andi %add3A_994, %and3A_996 : vector<16xi32>
      %bitcast_convert_type3A_998 = tpu.bitcast %and3A_997 : vector<16xi32> -> vector<16xf32>
      %mul3A_999 = arith.constant 16 : i32
      %mul3A_1000 = arith.muli %scan3A_78, %mul3A_999 : i32
      %add3A_1001 = arith.addi %add3A_34, %mul3A_1000 : i32
      %add3A_1002 = arith.constant 6 : i32
      %add3A_1003 = arith.addi %add3A_1001, %add3A_1002 : i32
      %convert_element_type3A_1004 = arith.sitofp %add3A_1003 : i32 to f32
      %broadcast_in_dim3A_1005 = vector.broadcast %convert_element_type3A_1004 : f32 to vector<16xf32>
      %scan3A_1006 = arith.constant 0 : i32
      %scan3A_1007 = arith.constant 256 : i32
      %scan3A_1008 = arith.addi %scan3A_1006, %scan3A_1007 : i32
      %scan3A_1009 = arith.constant 1 : i32
      %scan3A_1010:2 = scf.for %scan3A_2345 = %scan3A_1006 to %scan3A_1008 step %scan3A_1009 iter_args(%scan3A_2346 = %broadcast_in_dim3A_56, %scan3A_2347 = %broadcast_in_dim3A_56) -> (vector<16xf32>, vector<16xf32>)  : i32 {
        %mul3A_2348 = arith.constant 16 : i32
        %mul3A_2349 = arith.muli %scan3A_2345, %mul3A_2348 : i32
        %mul3A_2350 = arith.constant 16 : i32
        %mul3A_2351 = arith.muli %scan3A_2345, %mul3A_2350 : i32
        %add3A_2352 = arith.constant 0 : i32
        %add3A_2353 = arith.addi %add3A_2352, %mul3A_2351 : i32
        %get3A_2354 = arith.index_cast %add3A_2353 : i32 to index
        %get3A_2355 = tpu.vector_load %arg10[%get3A_2354] {strides = array<i32>} : memref<12288xf32, #tpu.memory_space<vmem>>, vector<16xf32>,
        %get3A_2356 = vector.shape_cast %get3A_2355 : vector<16xf32> to vector<16xf32>
        %mul3A_2357 = arith.constant 16 : i32
        %mul3A_2358 = arith.muli %scan3A_2345, %mul3A_2357 : i32
        %add3A_2359 = arith.constant 4096 : i32
        %add3A_2360 = arith.addi %add3A_2359, %mul3A_2358 : i32
        %get3A_2361 = arith.index_cast %add3A_2360 : i32 to index
        %get3A_2362 = tpu.vector_load %arg10[%get3A_2361] {strides = array<i32>} : memref<12288xf32, #tpu.memory_space<vmem>>, vector<16xf32>,
        %get3A_2363 = vector.shape_cast %get3A_2362 : vector<16xf32> to vector<16xf32>
        %mul3A_2364 = arith.constant 16 : i32
        %mul3A_2365 = arith.muli %scan3A_2345, %mul3A_2364 : i32
        %add3A_2366 = arith.constant 8192 : i32
        %add3A_2367 = arith.addi %add3A_2366, %mul3A_2365 : i32
        %get3A_2368 = arith.index_cast %add3A_2367 : i32 to index
        %get3A_2369 = tpu.vector_load %arg10[%get3A_2368] {strides = array<i32>} : memref<12288xf32, #tpu.memory_space<vmem>>, vector<16xf32>,
        %get3A_2370 = vector.shape_cast %get3A_2369 : vector<16xf32> to vector<16xf32>
        %mul3A_2371 = arith.mulf %bitcast_convert_type3A_968, %get3A_2356 : vector<16xf32>
        %mul3A_2372 = arith.mulf %bitcast_convert_type3A_983, %get3A_2363 : vector<16xf32>
        %add3A_2373 = arith.addf %mul3A_2371, %mul3A_2372 : vector<16xf32>
        %mul3A_2374 = arith.mulf %bitcast_convert_type3A_998, %get3A_2370 : vector<16xf32>
        %add3A_2375 = arith.addf %add3A_2373, %mul3A_2374 : vector<16xf32>
        %get3A_2376 = arith.index_cast %mul3A_2349 : i32 to index
        %get3A_2377 = tpu.vector_load %arg11[%get3A_2376] {strides = array<i32>} : memref<4096xf32, #tpu.memory_space<vmem>>, vector<16xf32>,
        %get3A_2378 = vector.shape_cast %get3A_2377 : vector<16xf32> to vector<16xf32>
        %add3A_2379 = arith.addf %add3A_953, %get3A_2378 : vector<16xf32>
        %mul3A_2380 = arith.constant 2.000000e+00 : f32
        %mul3A_2381 = vector.broadcast %mul3A_2380 : f32 to vector<16xf32>
        %mul3A_2382 = arith.mulf %mul3A_2381, %add3A_2375 : vector<16xf32>
        %sub3A_2383 = arith.subf %add3A_2379, %mul3A_2382 : vector<16xf32>
        %max3A = arith.constant 0.000000e+00 : f32
        %max3A_2384 = vector.broadcast %max3A : f32 to vector<16xf32>
        %max3A_2385 = arith.maximumf %sub3A_2383, %max3A_2384 : vector<16xf32>
        %mul3A_2386 = arith.constant 16 : i32
        %mul3A_2387 = arith.muli %scan3A_2345, %mul3A_2386 : i32
        %convert_element_type3A_2388 = arith.sitofp %mul3A_2387 : i32 to f32
        %add3A_2389 = vector.broadcast %convert_element_type3A_2388 : f32 to vector<16xf32>
        %add3A_2390 = arith.addf %convert_element_type3A, %add3A_2389 : vector<16xf32>
        %lt3A_2391 = arith.cmpf olt, %max3A_2385, %scan3A_2346 : vector<16xf32>
        %select_n3A_2392 = arith.select %lt3A_2391, %max3A_2385, %scan3A_2346 : vector<16xi1>, vector<16xf32>
        %select_n3A_2393 = arith.select %lt3A_2391, %add3A_2390, %scan3A_2347 : vector<16xi1>, vector<16xf32>
        %get3A_2394 = arith.index_cast %mul3A_2349 : i32 to index
        %get3A_2395 = tpu.vector_load %arg12[%get3A_2394] {strides = array<i32>} : memref<4096xf32, #tpu.memory_space<vmem>>, vector<16xf32>,
        %get3A_2396 = vector.shape_cast %get3A_2395 : vector<16xf32> to vector<16xf32>
        %get3A_2397 = arith.index_cast %mul3A_2349 : i32 to index
        %get3A_2398 = tpu.vector_load %arg13[%get3A_2397] {strides = array<i32>} : memref<4096xf32, #tpu.memory_space<vmem>>, vector<16xf32>,
        %get3A_2399 = vector.shape_cast %get3A_2398 : vector<16xf32> to vector<16xf32>
        %lt3A_2400 = arith.cmpf olt, %max3A_2385, %get3A_2396 : vector<16xf32>
        %select_n3A_2401 = arith.select %lt3A_2400, %max3A_2385, %get3A_2396 : vector<16xi1>, vector<16xf32>
        %swap3A_2402 = arith.index_cast %mul3A_2349 : i32 to index
        %swap3A_2403 = tpu.vector_load %arg12[%swap3A_2402] {strides = array<i32>} : memref<4096xf32, #tpu.memory_space<vmem>>, vector<16xf32>,
        %swap3A_2404 = vector.shape_cast %swap3A_2403 : vector<16xf32> to vector<16xf32>
        %swap3A_2405 = vector.shape_cast %select_n3A_2401 : vector<16xf32> to vector<16xf32>
        tpu.vector_store %arg12[%swap3A_2402], %swap3A_2405 {strides = array<i32>} : memref<4096xf32, #tpu.memory_space<vmem>>, vector<16xf32>,
        %select_n3A_2406 = arith.select %lt3A_2400, %broadcast_in_dim3A_1005, %get3A_2399 : vector<16xi1>, vector<16xf32>
        %swap3A_2407 = arith.index_cast %mul3A_2349 : i32 to index
        %swap3A_2408 = tpu.vector_load %arg13[%swap3A_2407] {strides = array<i32>} : memref<4096xf32, #tpu.memory_space<vmem>>, vector<16xf32>,
        %swap3A_2409 = vector.shape_cast %swap3A_2408 : vector<16xf32> to vector<16xf32>
        %swap3A_2410 = vector.shape_cast %select_n3A_2406 : vector<16xf32> to vector<16xf32>
        tpu.vector_store %arg13[%swap3A_2407], %swap3A_2410 {strides = array<i32>} : memref<4096xf32, #tpu.memory_space<vmem>>, vector<16xf32>,
        scf.yield %select_n3A_2392, %select_n3A_2393 : vector<16xf32>, vector<16xf32>
      }
      %scan3A_1011 = arith.constant 256 : i32
      %xor3A_1012 = arith.constant 8 : i32
      %xor3A_1013 = vector.broadcast %xor3A_1012 : i32 to vector<16xi32>
      %xor3A_1014 = arith.xori %iota3A, %xor3A_1013 : vector<16xi32>
      %broadcast_in_dim3A_1015 = vector.shape_cast %xor3A_1014 : vector<16xi32> to vector<16x1xi32>
      %gather3A_1016 = vector.shape_cast %broadcast_in_dim3A_1015 : vector<16x1xi32> to vector<16xi32>
      %gather3A_1017 = tpu.dynamic_gather %scan3A_1010#0[%gather3A_1016] in [0] : vector<16xf32>, vector<16xi32> -> vector<16xf32>
      %gather3A_1018 = vector.shape_cast %broadcast_in_dim3A_1015 : vector<16x1xi32> to vector<16xi32>
      %gather3A_1019 = tpu.dynamic_gather %scan3A_1010#1[%gather3A_1018] in [0] : vector<16xf32>, vector<16xi32> -> vector<16xf32>
      %lt3A_1020 = arith.cmpf olt, %gather3A_1017, %scan3A_1010#0 : vector<16xf32>
      %eq3A_1021 = arith.cmpf oeq, %gather3A_1017, %scan3A_1010#0 : vector<16xf32>
      %lt3A_1022 = arith.cmpf olt, %gather3A_1019, %scan3A_1010#1 : vector<16xf32>
      %and3A_1023 = arith.andi %eq3A_1021, %lt3A_1022 : vector<16xi1>
      %or3A_1024 = arith.ori %lt3A_1020, %and3A_1023 : vector<16xi1>
      %select_n3A_1025 = arith.select %or3A_1024, %gather3A_1017, %scan3A_1010#0 : vector<16xi1>, vector<16xf32>
      %select_n3A_1026 = arith.select %or3A_1024, %gather3A_1019, %scan3A_1010#1 : vector<16xi1>, vector<16xf32>
      %xor3A_1027 = arith.constant 4 : i32
      %xor3A_1028 = vector.broadcast %xor3A_1027 : i32 to vector<16xi32>
      %xor3A_1029 = arith.xori %iota3A, %xor3A_1028 : vector<16xi32>
      %broadcast_in_dim3A_1030 = vector.shape_cast %xor3A_1029 : vector<16xi32> to vector<16x1xi32>
      %gather3A_1031 = vector.shape_cast %broadcast_in_dim3A_1030 : vector<16x1xi32> to vector<16xi32>
      %gather3A_1032 = tpu.dynamic_gather %select_n3A_1025[%gather3A_1031] in [0] : vector<16xf32>, vector<16xi32> -> vector<16xf32>
      %gather3A_1033 = vector.shape_cast %broadcast_in_dim3A_1030 : vector<16x1xi32> to vector<16xi32>
      %gather3A_1034 = tpu.dynamic_gather %select_n3A_1026[%gather3A_1033] in [0] : vector<16xf32>, vector<16xi32> -> vector<16xf32>
      %lt3A_1035 = arith.cmpf olt, %gather3A_1032, %select_n3A_1025 : vector<16xf32>
      %eq3A_1036 = arith.cmpf oeq, %gather3A_1032, %select_n3A_1025 : vector<16xf32>
      %lt3A_1037 = arith.cmpf olt, %gather3A_1034, %select_n3A_1026 : vector<16xf32>
      %and3A_1038 = arith.andi %eq3A_1036, %lt3A_1037 : vector<16xi1>
      %or3A_1039 = arith.ori %lt3A_1035, %and3A_1038 : vector<16xi1>
      %select_n3A_1040 = arith.select %or3A_1039, %gather3A_1032, %select_n3A_1025 : vector<16xi1>, vector<16xf32>
      %select_n3A_1041 = arith.select %or3A_1039, %gather3A_1034, %select_n3A_1026 : vector<16xi1>, vector<16xf32>
      %xor3A_1042 = arith.constant 2 : i32
      %xor3A_1043 = vector.broadcast %xor3A_1042 : i32 to vector<16xi32>
      %xor3A_1044 = arith.xori %iota3A, %xor3A_1043 : vector<16xi32>
      %broadcast_in_dim3A_1045 = vector.shape_cast %xor3A_1044 : vector<16xi32> to vector<16x1xi32>
      %gather3A_1046 = vector.shape_cast %broadcast_in_dim3A_1045 : vector<16x1xi32> to vector<16xi32>
      %gather3A_1047 = tpu.dynamic_gather %select_n3A_1040[%gather3A_1046] in [0] : vector<16xf32>, vector<16xi32> -> vector<16xf32>
      %gather3A_1048 = vector.shape_cast %broadcast_in_dim3A_1045 : vector<16x1xi32> to vector<16xi32>
      %gather3A_1049 = tpu.dynamic_gather %select_n3A_1041[%gather3A_1048] in [0] : vector<16xf32>, vector<16xi32> -> vector<16xf32>
      %lt3A_1050 = arith.cmpf olt, %gather3A_1047, %select_n3A_1040 : vector<16xf32>
      %eq3A_1051 = arith.cmpf oeq, %gather3A_1047, %select_n3A_1040 : vector<16xf32>
      %lt3A_1052 = arith.cmpf olt, %gather3A_1049, %select_n3A_1041 : vector<16xf32>
      %and3A_1053 = arith.andi %eq3A_1051, %lt3A_1052 : vector<16xi1>
      %or3A_1054 = arith.ori %lt3A_1050, %and3A_1053 : vector<16xi1>
      %select_n3A_1055 = arith.select %or3A_1054, %gather3A_1047, %select_n3A_1040 : vector<16xi1>, vector<16xf32>
      %select_n3A_1056 = arith.select %or3A_1054, %gather3A_1049, %select_n3A_1041 : vector<16xi1>, vector<16xf32>
      %xor3A_1057 = arith.constant 1 : i32
      %xor3A_1058 = vector.broadcast %xor3A_1057 : i32 to vector<16xi32>
      %xor3A_1059 = arith.xori %iota3A, %xor3A_1058 : vector<16xi32>
      %broadcast_in_dim3A_1060 = vector.shape_cast %xor3A_1059 : vector<16xi32> to vector<16x1xi32>
      %gather3A_1061 = vector.shape_cast %broadcast_in_dim3A_1060 : vector<16x1xi32> to vector<16xi32>
      %gather3A_1062 = tpu.dynamic_gather %select_n3A_1055[%gather3A_1061] in [0] : vector<16xf32>, vector<16xi32> -> vector<16xf32>
      %gather3A_1063 = vector.shape_cast %broadcast_in_dim3A_1060 : vector<16x1xi32> to vector<16xi32>
      %gather3A_1064 = tpu.dynamic_gather %select_n3A_1056[%gather3A_1063] in [0] : vector<16xf32>, vector<16xi32> -> vector<16xf32>
      %lt3A_1065 = arith.cmpf olt, %gather3A_1062, %select_n3A_1055 : vector<16xf32>
      %eq3A_1066 = arith.cmpf oeq, %gather3A_1062, %select_n3A_1055 : vector<16xf32>
      %lt3A_1067 = arith.cmpf olt, %gather3A_1064, %select_n3A_1056 : vector<16xf32>
      %and3A_1068 = arith.andi %eq3A_1066, %lt3A_1067 : vector<16xi1>
      %or3A_1069 = arith.ori %lt3A_1065, %and3A_1068 : vector<16xi1>
      %select_n3A_1070 = arith.select %or3A_1069, %gather3A_1062, %select_n3A_1055 : vector<16xi1>, vector<16xf32>
      %select_n3A_1071 = arith.select %or3A_1069, %gather3A_1064, %select_n3A_1056 : vector<16xi1>, vector<16xf32>
      %eq3A_1072 = arith.constant 6 : i32
      %eq3A_1073 = vector.broadcast %eq3A_1072 : i32 to vector<16xi32>
      %eq3A_1074 = arith.cmpi eq, %iota3A, %eq3A_1073 : vector<16xi32>
      %select_n3A_1075 = arith.select %eq3A_1074, %select_n3A_1070, %select_n3A_935 : vector<16xi1>, vector<16xf32>
      %select_n3A_1076 = arith.select %eq3A_1074, %select_n3A_1071, %select_n3A_936 : vector<16xi1>, vector<16xf32>
      %broadcast_in_dim3A_1077 = arith.constant 7 : i32
      %broadcast_in_dim3A_1078 = vector.broadcast %broadcast_in_dim3A_1077 : i32 to vector<16x1xi32>
      %gather3A_1079 = vector.shape_cast %broadcast_in_dim3A_1078 : vector<16x1xi32> to vector<16xi32>
      %gather3A_1080 = tpu.dynamic_gather %get3A_87[%gather3A_1079] in [0] : vector<16xf32>, vector<16xi32> -> vector<16xf32>
      %broadcast_in_dim3A_1081 = arith.constant 7 : i32
      %broadcast_in_dim3A_1082 = vector.broadcast %broadcast_in_dim3A_1081 : i32 to vector<16x1xi32>
      %gather3A_1083 = vector.shape_cast %broadcast_in_dim3A_1082 : vector<16x1xi32> to vector<16xi32>
      %gather3A_1084 = tpu.dynamic_gather %get3A_94[%gather3A_1083] in [0] : vector<16xf32>, vector<16xi32> -> vector<16xf32>
      %broadcast_in_dim3A_1085 = arith.constant 7 : i32
      %broadcast_in_dim3A_1086 = vector.broadcast %broadcast_in_dim3A_1085 : i32 to vector<16x1xi32>
      %gather3A_1087 = vector.shape_cast %broadcast_in_dim3A_1086 : vector<16x1xi32> to vector<16xi32>
      %gather3A_1088 = tpu.dynamic_gather %get3A_101[%gather3A_1087] in [0] : vector<16xf32>, vector<16xi32> -> vector<16xf32>
      %mul3A_1089 = arith.mulf %gather3A_1080, %gather3A_1080 : vector<16xf32>
      %mul3A_1090 = arith.mulf %gather3A_1084, %gather3A_1084 : vector<16xf32>
      %add3A_1091 = arith.addf %mul3A_1089, %mul3A_1090 : vector<16xf32>
      %mul3A_1092 = arith.mulf %gather3A_1088, %gather3A_1088 : vector<16xf32>
      %add3A_1093 = arith.addf %add3A_1091, %mul3A_1092 : vector<16xf32>
      %bitcast_convert_type3A_1094 = tpu.bitcast %gather3A_1080 : vector<16xf32> -> vector<16xi32>
      %add3A_1095 = arith.constant 32767 : i32
      %add3A_1096 = vector.broadcast %add3A_1095 : i32 to vector<16xi32>
      %add3A_1097 = arith.addi %bitcast_convert_type3A_1094, %add3A_1096 : vector<16xi32>
      %shift_right_arithmetic3A_1098 = arith.constant 16 : i32
      %shift_right_arithmetic3A_1099 = vector.broadcast %shift_right_arithmetic3A_1098 : i32 to vector<16xi32>
      %shift_right_arithmetic3A_1100 = arith.shrsi %bitcast_convert_type3A_1094, %shift_right_arithmetic3A_1099 : vector<16xi32>
      %and3A_1101 = arith.constant 1 : i32
      %and3A_1102 = vector.broadcast %and3A_1101 : i32 to vector<16xi32>
      %and3A_1103 = arith.andi %shift_right_arithmetic3A_1100, %and3A_1102 : vector<16xi32>
      %add3A_1104 = arith.addi %add3A_1097, %and3A_1103 : vector<16xi32>
      %and3A_1105 = arith.constant -65536 : i32
      %and3A_1106 = vector.broadcast %and3A_1105 : i32 to vector<16xi32>
      %and3A_1107 = arith.andi %add3A_1104, %and3A_1106 : vector<16xi32>
      %bitcast_convert_type3A_1108 = tpu.bitcast %and3A_1107 : vector<16xi32> -> vector<16xf32>
      %bitcast_convert_type3A_1109 = tpu.bitcast %gather3A_1084 : vector<16xf32> -> vector<16xi32>
      %add3A_1110 = arith.constant 32767 : i32
      %add3A_1111 = vector.broadcast %add3A_1110 : i32 to vector<16xi32>
      %add3A_1112 = arith.addi %bitcast_convert_type3A_1109, %add3A_1111 : vector<16xi32>
      %shift_right_arithmetic3A_1113 = arith.constant 16 : i32
      %shift_right_arithmetic3A_1114 = vector.broadcast %shift_right_arithmetic3A_1113 : i32 to vector<16xi32>
      %shift_right_arithmetic3A_1115 = arith.shrsi %bitcast_convert_type3A_1109, %shift_right_arithmetic3A_1114 : vector<16xi32>
      %and3A_1116 = arith.constant 1 : i32
      %and3A_1117 = vector.broadcast %and3A_1116 : i32 to vector<16xi32>
      %and3A_1118 = arith.andi %shift_right_arithmetic3A_1115, %and3A_1117 : vector<16xi32>
      %add3A_1119 = arith.addi %add3A_1112, %and3A_1118 : vector<16xi32>
      %and3A_1120 = arith.constant -65536 : i32
      %and3A_1121 = vector.broadcast %and3A_1120 : i32 to vector<16xi32>
      %and3A_1122 = arith.andi %add3A_1119, %and3A_1121 : vector<16xi32>
      %bitcast_convert_type3A_1123 = tpu.bitcast %and3A_1122 : vector<16xi32> -> vector<16xf32>
      %bitcast_convert_type3A_1124 = tpu.bitcast %gather3A_1088 : vector<16xf32> -> vector<16xi32>
      %add3A_1125 = arith.constant 32767 : i32
      %add3A_1126 = vector.broadcast %add3A_1125 : i32 to vector<16xi32>
      %add3A_1127 = arith.addi %bitcast_convert_type3A_1124, %add3A_1126 : vector<16xi32>
      %shift_right_arithmetic3A_1128 = arith.constant 16 : i32
      %shift_right_arithmetic3A_1129 = vector.broadcast %shift_right_arithmetic3A_1128 : i32 to vector<16xi32>
      %shift_right_arithmetic3A_1130 = arith.shrsi %bitcast_convert_type3A_1124, %shift_right_arithmetic3A_1129 : vector<16xi32>
      %and3A_1131 = arith.constant 1 : i32
      %and3A_1132 = vector.broadcast %and3A_1131 : i32 to vector<16xi32>
      %and3A_1133 = arith.andi %shift_right_arithmetic3A_1130, %and3A_1132 : vector<16xi32>
      %add3A_1134 = arith.addi %add3A_1127, %and3A_1133 : vector<16xi32>
      %and3A_1135 = arith.constant -65536 : i32
      %and3A_1136 = vector.broadcast %and3A_1135 : i32 to vector<16xi32>
      %and3A_1137 = arith.andi %add3A_1134, %and3A_1136 : vector<16xi32>
      %bitcast_convert_type3A_1138 = tpu.bitcast %and3A_1137 : vector<16xi32> -> vector<16xf32>
      %mul3A_1139 = arith.constant 16 : i32
      %mul3A_1140 = arith.muli %scan3A_78, %mul3A_1139 : i32
      %add3A_1141 = arith.addi %add3A_34, %mul3A_1140 : i32
      %add3A_1142 = arith.constant 7 : i32
      %add3A_1143 = arith.addi %add3A_1141, %add3A_1142 : i32
      %convert_element_type3A_1144 = arith.sitofp %add3A_1143 : i32 to f32
      %broadcast_in_dim3A_1145 = vector.broadcast %convert_element_type3A_1144 : f32 to vector<16xf32>
      %scan3A_1146 = arith.constant 0 : i32
      %scan3A_1147 = arith.constant 256 : i32
      %scan3A_1148 = arith.addi %scan3A_1146, %scan3A_1147 : i32
      %scan3A_1149 = arith.constant 1 : i32
      %scan3A_1150:2 = scf.for %scan3A_2345 = %scan3A_1146 to %scan3A_1148 step %scan3A_1149 iter_args(%scan3A_2346 = %broadcast_in_dim3A_56, %scan3A_2347 = %broadcast_in_dim3A_56) -> (vector<16xf32>, vector<16xf32>)  : i32 {
        %mul3A_2348 = arith.constant 16 : i32
        %mul3A_2349 = arith.muli %scan3A_2345, %mul3A_2348 : i32
        %mul3A_2350 = arith.constant 16 : i32
        %mul3A_2351 = arith.muli %scan3A_2345, %mul3A_2350 : i32
        %add3A_2352 = arith.constant 0 : i32
        %add3A_2353 = arith.addi %add3A_2352, %mul3A_2351 : i32
        %get3A_2354 = arith.index_cast %add3A_2353 : i32 to index
        %get3A_2355 = tpu.vector_load %arg10[%get3A_2354] {strides = array<i32>} : memref<12288xf32, #tpu.memory_space<vmem>>, vector<16xf32>,
        %get3A_2356 = vector.shape_cast %get3A_2355 : vector<16xf32> to vector<16xf32>
        %mul3A_2357 = arith.constant 16 : i32
        %mul3A_2358 = arith.muli %scan3A_2345, %mul3A_2357 : i32
        %add3A_2359 = arith.constant 4096 : i32
        %add3A_2360 = arith.addi %add3A_2359, %mul3A_2358 : i32
        %get3A_2361 = arith.index_cast %add3A_2360 : i32 to index
        %get3A_2362 = tpu.vector_load %arg10[%get3A_2361] {strides = array<i32>} : memref<12288xf32, #tpu.memory_space<vmem>>, vector<16xf32>,
        %get3A_2363 = vector.shape_cast %get3A_2362 : vector<16xf32> to vector<16xf32>
        %mul3A_2364 = arith.constant 16 : i32
        %mul3A_2365 = arith.muli %scan3A_2345, %mul3A_2364 : i32
        %add3A_2366 = arith.constant 8192 : i32
        %add3A_2367 = arith.addi %add3A_2366, %mul3A_2365 : i32
        %get3A_2368 = arith.index_cast %add3A_2367 : i32 to index
        %get3A_2369 = tpu.vector_load %arg10[%get3A_2368] {strides = array<i32>} : memref<12288xf32, #tpu.memory_space<vmem>>, vector<16xf32>,
        %get3A_2370 = vector.shape_cast %get3A_2369 : vector<16xf32> to vector<16xf32>
        %mul3A_2371 = arith.mulf %bitcast_convert_type3A_1108, %get3A_2356 : vector<16xf32>
        %mul3A_2372 = arith.mulf %bitcast_convert_type3A_1123, %get3A_2363 : vector<16xf32>
        %add3A_2373 = arith.addf %mul3A_2371, %mul3A_2372 : vector<16xf32>
        %mul3A_2374 = arith.mulf %bitcast_convert_type3A_1138, %get3A_2370 : vector<16xf32>
        %add3A_2375 = arith.addf %add3A_2373, %mul3A_2374 : vector<16xf32>
        %get3A_2376 = arith.index_cast %mul3A_2349 : i32 to index
        %get3A_2377 = tpu.vector_load %arg11[%get3A_2376] {strides = array<i32>} : memref<4096xf32, #tpu.memory_space<vmem>>, vector<16xf32>,
        %get3A_2378 = vector.shape_cast %get3A_2377 : vector<16xf32> to vector<16xf32>
        %add3A_2379 = arith.addf %add3A_1093, %get3A_2378 : vector<16xf32>
        %mul3A_2380 = arith.constant 2.000000e+00 : f32
        %mul3A_2381 = vector.broadcast %mul3A_2380 : f32 to vector<16xf32>
        %mul3A_2382 = arith.mulf %mul3A_2381, %add3A_2375 : vector<16xf32>
        %sub3A_2383 = arith.subf %add3A_2379, %mul3A_2382 : vector<16xf32>
        %max3A = arith.constant 0.000000e+00 : f32
        %max3A_2384 = vector.broadcast %max3A : f32 to vector<16xf32>
        %max3A_2385 = arith.maximumf %sub3A_2383, %max3A_2384 : vector<16xf32>
        %mul3A_2386 = arith.constant 16 : i32
        %mul3A_2387 = arith.muli %scan3A_2345, %mul3A_2386 : i32
        %convert_element_type3A_2388 = arith.sitofp %mul3A_2387 : i32 to f32
        %add3A_2389 = vector.broadcast %convert_element_type3A_2388 : f32 to vector<16xf32>
        %add3A_2390 = arith.addf %convert_element_type3A, %add3A_2389 : vector<16xf32>
        %lt3A_2391 = arith.cmpf olt, %max3A_2385, %scan3A_2346 : vector<16xf32>
        %select_n3A_2392 = arith.select %lt3A_2391, %max3A_2385, %scan3A_2346 : vector<16xi1>, vector<16xf32>
        %select_n3A_2393 = arith.select %lt3A_2391, %add3A_2390, %scan3A_2347 : vector<16xi1>, vector<16xf32>
        %get3A_2394 = arith.index_cast %mul3A_2349 : i32 to index
        %get3A_2395 = tpu.vector_load %arg12[%get3A_2394] {strides = array<i32>} : memref<4096xf32, #tpu.memory_space<vmem>>, vector<16xf32>,
        %get3A_2396 = vector.shape_cast %get3A_2395 : vector<16xf32> to vector<16xf32>
        %get3A_2397 = arith.index_cast %mul3A_2349 : i32 to index
        %get3A_2398 = tpu.vector_load %arg13[%get3A_2397] {strides = array<i32>} : memref<4096xf32, #tpu.memory_space<vmem>>, vector<16xf32>,
        %get3A_2399 = vector.shape_cast %get3A_2398 : vector<16xf32> to vector<16xf32>
        %lt3A_2400 = arith.cmpf olt, %max3A_2385, %get3A_2396 : vector<16xf32>
        %select_n3A_2401 = arith.select %lt3A_2400, %max3A_2385, %get3A_2396 : vector<16xi1>, vector<16xf32>
        %swap3A_2402 = arith.index_cast %mul3A_2349 : i32 to index
        %swap3A_2403 = tpu.vector_load %arg12[%swap3A_2402] {strides = array<i32>} : memref<4096xf32, #tpu.memory_space<vmem>>, vector<16xf32>,
        %swap3A_2404 = vector.shape_cast %swap3A_2403 : vector<16xf32> to vector<16xf32>
        %swap3A_2405 = vector.shape_cast %select_n3A_2401 : vector<16xf32> to vector<16xf32>
        tpu.vector_store %arg12[%swap3A_2402], %swap3A_2405 {strides = array<i32>} : memref<4096xf32, #tpu.memory_space<vmem>>, vector<16xf32>,
        %select_n3A_2406 = arith.select %lt3A_2400, %broadcast_in_dim3A_1145, %get3A_2399 : vector<16xi1>, vector<16xf32>
        %swap3A_2407 = arith.index_cast %mul3A_2349 : i32 to index
        %swap3A_2408 = tpu.vector_load %arg13[%swap3A_2407] {strides = array<i32>} : memref<4096xf32, #tpu.memory_space<vmem>>, vector<16xf32>,
        %swap3A_2409 = vector.shape_cast %swap3A_2408 : vector<16xf32> to vector<16xf32>
        %swap3A_2410 = vector.shape_cast %select_n3A_2406 : vector<16xf32> to vector<16xf32>
        tpu.vector_store %arg13[%swap3A_2407], %swap3A_2410 {strides = array<i32>} : memref<4096xf32, #tpu.memory_space<vmem>>, vector<16xf32>,
        scf.yield %select_n3A_2392, %select_n3A_2393 : vector<16xf32>, vector<16xf32>
      }
      %scan3A_1151 = arith.constant 256 : i32
      %xor3A_1152 = arith.constant 8 : i32
      %xor3A_1153 = vector.broadcast %xor3A_1152 : i32 to vector<16xi32>
      %xor3A_1154 = arith.xori %iota3A, %xor3A_1153 : vector<16xi32>
      %broadcast_in_dim3A_1155 = vector.shape_cast %xor3A_1154 : vector<16xi32> to vector<16x1xi32>
      %gather3A_1156 = vector.shape_cast %broadcast_in_dim3A_1155 : vector<16x1xi32> to vector<16xi32>
      %gather3A_1157 = tpu.dynamic_gather %scan3A_1150#0[%gather3A_1156] in [0] : vector<16xf32>, vector<16xi32> -> vector<16xf32>
      %gather3A_1158 = vector.shape_cast %broadcast_in_dim3A_1155 : vector<16x1xi32> to vector<16xi32>
      %gather3A_1159 = tpu.dynamic_gather %scan3A_1150#1[%gather3A_1158] in [0] : vector<16xf32>, vector<16xi32> -> vector<16xf32>
      %lt3A_1160 = arith.cmpf olt, %gather3A_1157, %scan3A_1150#0 : vector<16xf32>
      %eq3A_1161 = arith.cmpf oeq, %gather3A_1157, %scan3A_1150#0 : vector<16xf32>
      %lt3A_1162 = arith.cmpf olt, %gather3A_1159, %scan3A_1150#1 : vector<16xf32>
      %and3A_1163 = arith.andi %eq3A_1161, %lt3A_1162 : vector<16xi1>
      %or3A_1164 = arith.ori %lt3A_1160, %and3A_1163 : vector<16xi1>
      %select_n3A_1165 = arith.select %or3A_1164, %gather3A_1157, %scan3A_1150#0 : vector<16xi1>, vector<16xf32>
      %select_n3A_1166 = arith.select %or3A_1164, %gather3A_1159, %scan3A_1150#1 : vector<16xi1>, vector<16xf32>
      %xor3A_1167 = arith.constant 4 : i32
      %xor3A_1168 = vector.broadcast %xor3A_1167 : i32 to vector<16xi32>
      %xor3A_1169 = arith.xori %iota3A, %xor3A_1168 : vector<16xi32>
      %broadcast_in_dim3A_1170 = vector.shape_cast %xor3A_1169 : vector<16xi32> to vector<16x1xi32>
      %gather3A_1171 = vector.shape_cast %broadcast_in_dim3A_1170 : vector<16x1xi32> to vector<16xi32>
      %gather3A_1172 = tpu.dynamic_gather %select_n3A_1165[%gather3A_1171] in [0] : vector<16xf32>, vector<16xi32> -> vector<16xf32>
      %gather3A_1173 = vector.shape_cast %broadcast_in_dim3A_1170 : vector<16x1xi32> to vector<16xi32>
      %gather3A_1174 = tpu.dynamic_gather %select_n3A_1166[%gather3A_1173] in [0] : vector<16xf32>, vector<16xi32> -> vector<16xf32>
      %lt3A_1175 = arith.cmpf olt, %gather3A_1172, %select_n3A_1165 : vector<16xf32>
      %eq3A_1176 = arith.cmpf oeq, %gather3A_1172, %select_n3A_1165 : vector<16xf32>
      %lt3A_1177 = arith.cmpf olt, %gather3A_1174, %select_n3A_1166 : vector<16xf32>
      %and3A_1178 = arith.andi %eq3A_1176, %lt3A_1177 : vector<16xi1>
      %or3A_1179 = arith.ori %lt3A_1175, %and3A_1178 : vector<16xi1>
      %select_n3A_1180 = arith.select %or3A_1179, %gather3A_1172, %select_n3A_1165 : vector<16xi1>, vector<16xf32>
      %select_n3A_1181 = arith.select %or3A_1179, %gather3A_1174, %select_n3A_1166 : vector<16xi1>, vector<16xf32>
      %xor3A_1182 = arith.constant 2 : i32
      %xor3A_1183 = vector.broadcast %xor3A_1182 : i32 to vector<16xi32>
      %xor3A_1184 = arith.xori %iota3A, %xor3A_1183 : vector<16xi32>
      %broadcast_in_dim3A_1185 = vector.shape_cast %xor3A_1184 : vector<16xi32> to vector<16x1xi32>
      %gather3A_1186 = vector.shape_cast %broadcast_in_dim3A_1185 : vector<16x1xi32> to vector<16xi32>
      %gather3A_1187 = tpu.dynamic_gather %select_n3A_1180[%gather3A_1186] in [0] : vector<16xf32>, vector<16xi32> -> vector<16xf32>
      %gather3A_1188 = vector.shape_cast %broadcast_in_dim3A_1185 : vector<16x1xi32> to vector<16xi32>
      %gather3A_1189 = tpu.dynamic_gather %select_n3A_1181[%gather3A_1188] in [0] : vector<16xf32>, vector<16xi32> -> vector<16xf32>
      %lt3A_1190 = arith.cmpf olt, %gather3A_1187, %select_n3A_1180 : vector<16xf32>
      %eq3A_1191 = arith.cmpf oeq, %gather3A_1187, %select_n3A_1180 : vector<16xf32>
      %lt3A_1192 = arith.cmpf olt, %gather3A_1189, %select_n3A_1181 : vector<16xf32>
      %and3A_1193 = arith.andi %eq3A_1191, %lt3A_1192 : vector<16xi1>
      %or3A_1194 = arith.ori %lt3A_1190, %and3A_1193 : vector<16xi1>
      %select_n3A_1195 = arith.select %or3A_1194, %gather3A_1187, %select_n3A_1180 : vector<16xi1>, vector<16xf32>
      %select_n3A_1196 = arith.select %or3A_1194, %gather3A_1189, %select_n3A_1181 : vector<16xi1>, vector<16xf32>
      %xor3A_1197 = arith.constant 1 : i32
      %xor3A_1198 = vector.broadcast %xor3A_1197 : i32 to vector<16xi32>
      %xor3A_1199 = arith.xori %iota3A, %xor3A_1198 : vector<16xi32>
      %broadcast_in_dim3A_1200 = vector.shape_cast %xor3A_1199 : vector<16xi32> to vector<16x1xi32>
      %gather3A_1201 = vector.shape_cast %broadcast_in_dim3A_1200 : vector<16x1xi32> to vector<16xi32>
      %gather3A_1202 = tpu.dynamic_gather %select_n3A_1195[%gather3A_1201] in [0] : vector<16xf32>, vector<16xi32> -> vector<16xf32>
      %gather3A_1203 = vector.shape_cast %broadcast_in_dim3A_1200 : vector<16x1xi32> to vector<16xi32>
      %gather3A_1204 = tpu.dynamic_gather %select_n3A_1196[%gather3A_1203] in [0] : vector<16xf32>, vector<16xi32> -> vector<16xf32>
      %lt3A_1205 = arith.cmpf olt, %gather3A_1202, %select_n3A_1195 : vector<16xf32>
      %eq3A_1206 = arith.cmpf oeq, %gather3A_1202, %select_n3A_1195 : vector<16xf32>
      %lt3A_1207 = arith.cmpf olt, %gather3A_1204, %select_n3A_1196 : vector<16xf32>
      %and3A_1208 = arith.andi %eq3A_1206, %lt3A_1207 : vector<16xi1>
      %or3A_1209 = arith.ori %lt3A_1205, %and3A_1208 : vector<16xi1>
      %select_n3A_1210 = arith.select %or3A_1209, %gather3A_1202, %select_n3A_1195 : vector<16xi1>, vector<16xf32>
      %select_n3A_1211 = arith.select %or3A_1209, %gather3A_1204, %select_n3A_1196 : vector<16xi1>, vector<16xf32>
      %eq3A_1212 = arith.constant 7 : i32
      %eq3A_1213 = vector.broadcast %eq3A_1212 : i32 to vector<16xi32>
      %eq3A_1214 = arith.cmpi eq, %iota3A, %eq3A_1213 : vector<16xi32>
      %select_n3A_1215 = arith.select %eq3A_1214, %select_n3A_1210, %select_n3A_1075 : vector<16xi1>, vector<16xf32>
      %select_n3A_1216 = arith.select %eq3A_1214, %select_n3A_1211, %select_n3A_1076 : vector<16xi1>, vector<16xf32>
      %broadcast_in_dim3A_1217 = arith.constant 8 : i32
      %broadcast_in_dim3A_1218 = vector.broadcast %broadcast_in_dim3A_1217 : i32 to vector<16x1xi32>
      %gather3A_1219 = vector.shape_cast %broadcast_in_dim3A_1218 : vector<16x1xi32> to vector<16xi32>
      %gather3A_1220 = tpu.dynamic_gather %get3A_87[%gather3A_1219] in [0] : vector<16xf32>, vector<16xi32> -> vector<16xf32>
      %broadcast_in_dim3A_1221 = arith.constant 8 : i32
      %broadcast_in_dim3A_1222 = vector.broadcast %broadcast_in_dim3A_1221 : i32 to vector<16x1xi32>
      %gather3A_1223 = vector.shape_cast %broadcast_in_dim3A_1222 : vector<16x1xi32> to vector<16xi32>
      %gather3A_1224 = tpu.dynamic_gather %get3A_94[%gather3A_1223] in [0] : vector<16xf32>, vector<16xi32> -> vector<16xf32>
      %broadcast_in_dim3A_1225 = arith.constant 8 : i32
      %broadcast_in_dim3A_1226 = vector.broadcast %broadcast_in_dim3A_1225 : i32 to vector<16x1xi32>
      %gather3A_1227 = vector.shape_cast %broadcast_in_dim3A_1226 : vector<16x1xi32> to vector<16xi32>
      %gather3A_1228 = tpu.dynamic_gather %get3A_101[%gather3A_1227] in [0] : vector<16xf32>, vector<16xi32> -> vector<16xf32>
      %mul3A_1229 = arith.mulf %gather3A_1220, %gather3A_1220 : vector<16xf32>
      %mul3A_1230 = arith.mulf %gather3A_1224, %gather3A_1224 : vector<16xf32>
      %add3A_1231 = arith.addf %mul3A_1229, %mul3A_1230 : vector<16xf32>
      %mul3A_1232 = arith.mulf %gather3A_1228, %gather3A_1228 : vector<16xf32>
      %add3A_1233 = arith.addf %add3A_1231, %mul3A_1232 : vector<16xf32>
      %bitcast_convert_type3A_1234 = tpu.bitcast %gather3A_1220 : vector<16xf32> -> vector<16xi32>
      %add3A_1235 = arith.constant 32767 : i32
      %add3A_1236 = vector.broadcast %add3A_1235 : i32 to vector<16xi32>
      %add3A_1237 = arith.addi %bitcast_convert_type3A_1234, %add3A_1236 : vector<16xi32>
      %shift_right_arithmetic3A_1238 = arith.constant 16 : i32
      %shift_right_arithmetic3A_1239 = vector.broadcast %shift_right_arithmetic3A_1238 : i32 to vector<16xi32>
      %shift_right_arithmetic3A_1240 = arith.shrsi %bitcast_convert_type3A_1234, %shift_right_arithmetic3A_1239 : vector<16xi32>
      %and3A_1241 = arith.constant 1 : i32
      %and3A_1242 = vector.broadcast %and3A_1241 : i32 to vector<16xi32>
      %and3A_1243 = arith.andi %shift_right_arithmetic3A_1240, %and3A_1242 : vector<16xi32>
      %add3A_1244 = arith.addi %add3A_1237, %and3A_1243 : vector<16xi32>
      %and3A_1245 = arith.constant -65536 : i32
      %and3A_1246 = vector.broadcast %and3A_1245 : i32 to vector<16xi32>
      %and3A_1247 = arith.andi %add3A_1244, %and3A_1246 : vector<16xi32>
      %bitcast_convert_type3A_1248 = tpu.bitcast %and3A_1247 : vector<16xi32> -> vector<16xf32>
      %bitcast_convert_type3A_1249 = tpu.bitcast %gather3A_1224 : vector<16xf32> -> vector<16xi32>
      %add3A_1250 = arith.constant 32767 : i32
      %add3A_1251 = vector.broadcast %add3A_1250 : i32 to vector<16xi32>
      %add3A_1252 = arith.addi %bitcast_convert_type3A_1249, %add3A_1251 : vector<16xi32>
      %shift_right_arithmetic3A_1253 = arith.constant 16 : i32
      %shift_right_arithmetic3A_1254 = vector.broadcast %shift_right_arithmetic3A_1253 : i32 to vector<16xi32>
      %shift_right_arithmetic3A_1255 = arith.shrsi %bitcast_convert_type3A_1249, %shift_right_arithmetic3A_1254 : vector<16xi32>
      %and3A_1256 = arith.constant 1 : i32
      %and3A_1257 = vector.broadcast %and3A_1256 : i32 to vector<16xi32>
      %and3A_1258 = arith.andi %shift_right_arithmetic3A_1255, %and3A_1257 : vector<16xi32>
      %add3A_1259 = arith.addi %add3A_1252, %and3A_1258 : vector<16xi32>
      %and3A_1260 = arith.constant -65536 : i32
      %and3A_1261 = vector.broadcast %and3A_1260 : i32 to vector<16xi32>
      %and3A_1262 = arith.andi %add3A_1259, %and3A_1261 : vector<16xi32>
      %bitcast_convert_type3A_1263 = tpu.bitcast %and3A_1262 : vector<16xi32> -> vector<16xf32>
      %bitcast_convert_type3A_1264 = tpu.bitcast %gather3A_1228 : vector<16xf32> -> vector<16xi32>
      %add3A_1265 = arith.constant 32767 : i32
      %add3A_1266 = vector.broadcast %add3A_1265 : i32 to vector<16xi32>
      %add3A_1267 = arith.addi %bitcast_convert_type3A_1264, %add3A_1266 : vector<16xi32>
      %shift_right_arithmetic3A_1268 = arith.constant 16 : i32
      %shift_right_arithmetic3A_1269 = vector.broadcast %shift_right_arithmetic3A_1268 : i32 to vector<16xi32>
      %shift_right_arithmetic3A_1270 = arith.shrsi %bitcast_convert_type3A_1264, %shift_right_arithmetic3A_1269 : vector<16xi32>
      %and3A_1271 = arith.constant 1 : i32
      %and3A_1272 = vector.broadcast %and3A_1271 : i32 to vector<16xi32>
      %and3A_1273 = arith.andi %shift_right_arithmetic3A_1270, %and3A_1272 : vector<16xi32>
      %add3A_1274 = arith.addi %add3A_1267, %and3A_1273 : vector<16xi32>
      %and3A_1275 = arith.constant -65536 : i32
      %and3A_1276 = vector.broadcast %and3A_1275 : i32 to vector<16xi32>
      %and3A_1277 = arith.andi %add3A_1274, %and3A_1276 : vector<16xi32>
      %bitcast_convert_type3A_1278 = tpu.bitcast %and3A_1277 : vector<16xi32> -> vector<16xf32>
      %mul3A_1279 = arith.constant 16 : i32
      %mul3A_1280 = arith.muli %scan3A_78, %mul3A_1279 : i32
      %add3A_1281 = arith.addi %add3A_34, %mul3A_1280 : i32
      %add3A_1282 = arith.constant 8 : i32
      %add3A_1283 = arith.addi %add3A_1281, %add3A_1282 : i32
      %convert_element_type3A_1284 = arith.sitofp %add3A_1283 : i32 to f32
      %broadcast_in_dim3A_1285 = vector.broadcast %convert_element_type3A_1284 : f32 to vector<16xf32>
      %scan3A_1286 = arith.constant 0 : i32
      %scan3A_1287 = arith.constant 256 : i32
      %scan3A_1288 = arith.addi %scan3A_1286, %scan3A_1287 : i32
      %scan3A_1289 = arith.constant 1 : i32
      %scan3A_1290:2 = scf.for %scan3A_2345 = %scan3A_1286 to %scan3A_1288 step %scan3A_1289 iter_args(%scan3A_2346 = %broadcast_in_dim3A_56, %scan3A_2347 = %broadcast_in_dim3A_56) -> (vector<16xf32>, vector<16xf32>)  : i32 {
        %mul3A_2348 = arith.constant 16 : i32
        %mul3A_2349 = arith.muli %scan3A_2345, %mul3A_2348 : i32
        %mul3A_2350 = arith.constant 16 : i32
        %mul3A_2351 = arith.muli %scan3A_2345, %mul3A_2350 : i32
        %add3A_2352 = arith.constant 0 : i32
        %add3A_2353 = arith.addi %add3A_2352, %mul3A_2351 : i32
        %get3A_2354 = arith.index_cast %add3A_2353 : i32 to index
        %get3A_2355 = tpu.vector_load %arg10[%get3A_2354] {strides = array<i32>} : memref<12288xf32, #tpu.memory_space<vmem>>, vector<16xf32>,
        %get3A_2356 = vector.shape_cast %get3A_2355 : vector<16xf32> to vector<16xf32>
        %mul3A_2357 = arith.constant 16 : i32
        %mul3A_2358 = arith.muli %scan3A_2345, %mul3A_2357 : i32
        %add3A_2359 = arith.constant 4096 : i32
        %add3A_2360 = arith.addi %add3A_2359, %mul3A_2358 : i32
        %get3A_2361 = arith.index_cast %add3A_2360 : i32 to index
        %get3A_2362 = tpu.vector_load %arg10[%get3A_2361] {strides = array<i32>} : memref<12288xf32, #tpu.memory_space<vmem>>, vector<16xf32>,
        %get3A_2363 = vector.shape_cast %get3A_2362 : vector<16xf32> to vector<16xf32>
        %mul3A_2364 = arith.constant 16 : i32
        %mul3A_2365 = arith.muli %scan3A_2345, %mul3A_2364 : i32
        %add3A_2366 = arith.constant 8192 : i32
        %add3A_2367 = arith.addi %add3A_2366, %mul3A_2365 : i32
        %get3A_2368 = arith.index_cast %add3A_2367 : i32 to index
        %get3A_2369 = tpu.vector_load %arg10[%get3A_2368] {strides = array<i32>} : memref<12288xf32, #tpu.memory_space<vmem>>, vector<16xf32>,
        %get3A_2370 = vector.shape_cast %get3A_2369 : vector<16xf32> to vector<16xf32>
        %mul3A_2371 = arith.mulf %bitcast_convert_type3A_1248, %get3A_2356 : vector<16xf32>
        %mul3A_2372 = arith.mulf %bitcast_convert_type3A_1263, %get3A_2363 : vector<16xf32>
        %add3A_2373 = arith.addf %mul3A_2371, %mul3A_2372 : vector<16xf32>
        %mul3A_2374 = arith.mulf %bitcast_convert_type3A_1278, %get3A_2370 : vector<16xf32>
        %add3A_2375 = arith.addf %add3A_2373, %mul3A_2374 : vector<16xf32>
        %get3A_2376 = arith.index_cast %mul3A_2349 : i32 to index
        %get3A_2377 = tpu.vector_load %arg11[%get3A_2376] {strides = array<i32>} : memref<4096xf32, #tpu.memory_space<vmem>>, vector<16xf32>,
        %get3A_2378 = vector.shape_cast %get3A_2377 : vector<16xf32> to vector<16xf32>
        %add3A_2379 = arith.addf %add3A_1233, %get3A_2378 : vector<16xf32>
        %mul3A_2380 = arith.constant 2.000000e+00 : f32
        %mul3A_2381 = vector.broadcast %mul3A_2380 : f32 to vector<16xf32>
        %mul3A_2382 = arith.mulf %mul3A_2381, %add3A_2375 : vector<16xf32>
        %sub3A_2383 = arith.subf %add3A_2379, %mul3A_2382 : vector<16xf32>
        %max3A = arith.constant 0.000000e+00 : f32
        %max3A_2384 = vector.broadcast %max3A : f32 to vector<16xf32>
        %max3A_2385 = arith.maximumf %sub3A_2383, %max3A_2384 : vector<16xf32>
        %mul3A_2386 = arith.constant 16 : i32
        %mul3A_2387 = arith.muli %scan3A_2345, %mul3A_2386 : i32
        %convert_element_type3A_2388 = arith.sitofp %mul3A_2387 : i32 to f32
        %add3A_2389 = vector.broadcast %convert_element_type3A_2388 : f32 to vector<16xf32>
        %add3A_2390 = arith.addf %convert_element_type3A, %add3A_2389 : vector<16xf32>
        %lt3A_2391 = arith.cmpf olt, %max3A_2385, %scan3A_2346 : vector<16xf32>
        %select_n3A_2392 = arith.select %lt3A_2391, %max3A_2385, %scan3A_2346 : vector<16xi1>, vector<16xf32>
        %select_n3A_2393 = arith.select %lt3A_2391, %add3A_2390, %scan3A_2347 : vector<16xi1>, vector<16xf32>
        %get3A_2394 = arith.index_cast %mul3A_2349 : i32 to index
        %get3A_2395 = tpu.vector_load %arg12[%get3A_2394] {strides = array<i32>} : memref<4096xf32, #tpu.memory_space<vmem>>, vector<16xf32>,
        %get3A_2396 = vector.shape_cast %get3A_2395 : vector<16xf32> to vector<16xf32>
        %get3A_2397 = arith.index_cast %mul3A_2349 : i32 to index
        %get3A_2398 = tpu.vector_load %arg13[%get3A_2397] {strides = array<i32>} : memref<4096xf32, #tpu.memory_space<vmem>>, vector<16xf32>,
        %get3A_2399 = vector.shape_cast %get3A_2398 : vector<16xf32> to vector<16xf32>
        %lt3A_2400 = arith.cmpf olt, %max3A_2385, %get3A_2396 : vector<16xf32>
        %select_n3A_2401 = arith.select %lt3A_2400, %max3A_2385, %get3A_2396 : vector<16xi1>, vector<16xf32>
        %swap3A_2402 = arith.index_cast %mul3A_2349 : i32 to index
        %swap3A_2403 = tpu.vector_load %arg12[%swap3A_2402] {strides = array<i32>} : memref<4096xf32, #tpu.memory_space<vmem>>, vector<16xf32>,
        %swap3A_2404 = vector.shape_cast %swap3A_2403 : vector<16xf32> to vector<16xf32>
        %swap3A_2405 = vector.shape_cast %select_n3A_2401 : vector<16xf32> to vector<16xf32>
        tpu.vector_store %arg12[%swap3A_2402], %swap3A_2405 {strides = array<i32>} : memref<4096xf32, #tpu.memory_space<vmem>>, vector<16xf32>,
        %select_n3A_2406 = arith.select %lt3A_2400, %broadcast_in_dim3A_1285, %get3A_2399 : vector<16xi1>, vector<16xf32>
        %swap3A_2407 = arith.index_cast %mul3A_2349 : i32 to index
        %swap3A_2408 = tpu.vector_load %arg13[%swap3A_2407] {strides = array<i32>} : memref<4096xf32, #tpu.memory_space<vmem>>, vector<16xf32>,
        %swap3A_2409 = vector.shape_cast %swap3A_2408 : vector<16xf32> to vector<16xf32>
        %swap3A_2410 = vector.shape_cast %select_n3A_2406 : vector<16xf32> to vector<16xf32>
        tpu.vector_store %arg13[%swap3A_2407], %swap3A_2410 {strides = array<i32>} : memref<4096xf32, #tpu.memory_space<vmem>>, vector<16xf32>,
        scf.yield %select_n3A_2392, %select_n3A_2393 : vector<16xf32>, vector<16xf32>
      }
      %scan3A_1291 = arith.constant 256 : i32
      %xor3A_1292 = arith.constant 8 : i32
      %xor3A_1293 = vector.broadcast %xor3A_1292 : i32 to vector<16xi32>
      %xor3A_1294 = arith.xori %iota3A, %xor3A_1293 : vector<16xi32>
      %broadcast_in_dim3A_1295 = vector.shape_cast %xor3A_1294 : vector<16xi32> to vector<16x1xi32>
      %gather3A_1296 = vector.shape_cast %broadcast_in_dim3A_1295 : vector<16x1xi32> to vector<16xi32>
      %gather3A_1297 = tpu.dynamic_gather %scan3A_1290#0[%gather3A_1296] in [0] : vector<16xf32>, vector<16xi32> -> vector<16xf32>
      %gather3A_1298 = vector.shape_cast %broadcast_in_dim3A_1295 : vector<16x1xi32> to vector<16xi32>
      %gather3A_1299 = tpu.dynamic_gather %scan3A_1290#1[%gather3A_1298] in [0] : vector<16xf32>, vector<16xi32> -> vector<16xf32>
      %lt3A_1300 = arith.cmpf olt, %gather3A_1297, %scan3A_1290#0 : vector<16xf32>
      %eq3A_1301 = arith.cmpf oeq, %gather3A_1297, %scan3A_1290#0 : vector<16xf32>
      %lt3A_1302 = arith.cmpf olt, %gather3A_1299, %scan3A_1290#1 : vector<16xf32>
      %and3A_1303 = arith.andi %eq3A_1301, %lt3A_1302 : vector<16xi1>
      %or3A_1304 = arith.ori %lt3A_1300, %and3A_1303 : vector<16xi1>
      %select_n3A_1305 = arith.select %or3A_1304, %gather3A_1297, %scan3A_1290#0 : vector<16xi1>, vector<16xf32>
      %select_n3A_1306 = arith.select %or3A_1304, %gather3A_1299, %scan3A_1290#1 : vector<16xi1>, vector<16xf32>
      %xor3A_1307 = arith.constant 4 : i32
      %xor3A_1308 = vector.broadcast %xor3A_1307 : i32 to vector<16xi32>
      %xor3A_1309 = arith.xori %iota3A, %xor3A_1308 : vector<16xi32>
      %broadcast_in_dim3A_1310 = vector.shape_cast %xor3A_1309 : vector<16xi32> to vector<16x1xi32>
      %gather3A_1311 = vector.shape_cast %broadcast_in_dim3A_1310 : vector<16x1xi32> to vector<16xi32>
      %gather3A_1312 = tpu.dynamic_gather %select_n3A_1305[%gather3A_1311] in [0] : vector<16xf32>, vector<16xi32> -> vector<16xf32>
      %gather3A_1313 = vector.shape_cast %broadcast_in_dim3A_1310 : vector<16x1xi32> to vector<16xi32>
      %gather3A_1314 = tpu.dynamic_gather %select_n3A_1306[%gather3A_1313] in [0] : vector<16xf32>, vector<16xi32> -> vector<16xf32>
      %lt3A_1315 = arith.cmpf olt, %gather3A_1312, %select_n3A_1305 : vector<16xf32>
      %eq3A_1316 = arith.cmpf oeq, %gather3A_1312, %select_n3A_1305 : vector<16xf32>
      %lt3A_1317 = arith.cmpf olt, %gather3A_1314, %select_n3A_1306 : vector<16xf32>
      %and3A_1318 = arith.andi %eq3A_1316, %lt3A_1317 : vector<16xi1>
      %or3A_1319 = arith.ori %lt3A_1315, %and3A_1318 : vector<16xi1>
      %select_n3A_1320 = arith.select %or3A_1319, %gather3A_1312, %select_n3A_1305 : vector<16xi1>, vector<16xf32>
      %select_n3A_1321 = arith.select %or3A_1319, %gather3A_1314, %select_n3A_1306 : vector<16xi1>, vector<16xf32>
      %xor3A_1322 = arith.constant 2 : i32
      %xor3A_1323 = vector.broadcast %xor3A_1322 : i32 to vector<16xi32>
      %xor3A_1324 = arith.xori %iota3A, %xor3A_1323 : vector<16xi32>
      %broadcast_in_dim3A_1325 = vector.shape_cast %xor3A_1324 : vector<16xi32> to vector<16x1xi32>
      %gather3A_1326 = vector.shape_cast %broadcast_in_dim3A_1325 : vector<16x1xi32> to vector<16xi32>
      %gather3A_1327 = tpu.dynamic_gather %select_n3A_1320[%gather3A_1326] in [0] : vector<16xf32>, vector<16xi32> -> vector<16xf32>
      %gather3A_1328 = vector.shape_cast %broadcast_in_dim3A_1325 : vector<16x1xi32> to vector<16xi32>
      %gather3A_1329 = tpu.dynamic_gather %select_n3A_1321[%gather3A_1328] in [0] : vector<16xf32>, vector<16xi32> -> vector<16xf32>
      %lt3A_1330 = arith.cmpf olt, %gather3A_1327, %select_n3A_1320 : vector<16xf32>
      %eq3A_1331 = arith.cmpf oeq, %gather3A_1327, %select_n3A_1320 : vector<16xf32>
      %lt3A_1332 = arith.cmpf olt, %gather3A_1329, %select_n3A_1321 : vector<16xf32>
      %and3A_1333 = arith.andi %eq3A_1331, %lt3A_1332 : vector<16xi1>
      %or3A_1334 = arith.ori %lt3A_1330, %and3A_1333 : vector<16xi1>
      %select_n3A_1335 = arith.select %or3A_1334, %gather3A_1327, %select_n3A_1320 : vector<16xi1>, vector<16xf32>
      %select_n3A_1336 = arith.select %or3A_1334, %gather3A_1329, %select_n3A_1321 : vector<16xi1>, vector<16xf32>
      %xor3A_1337 = arith.constant 1 : i32
      %xor3A_1338 = vector.broadcast %xor3A_1337 : i32 to vector<16xi32>
      %xor3A_1339 = arith.xori %iota3A, %xor3A_1338 : vector<16xi32>
      %broadcast_in_dim3A_1340 = vector.shape_cast %xor3A_1339 : vector<16xi32> to vector<16x1xi32>
      %gather3A_1341 = vector.shape_cast %broadcast_in_dim3A_1340 : vector<16x1xi32> to vector<16xi32>
      %gather3A_1342 = tpu.dynamic_gather %select_n3A_1335[%gather3A_1341] in [0] : vector<16xf32>, vector<16xi32> -> vector<16xf32>
      %gather3A_1343 = vector.shape_cast %broadcast_in_dim3A_1340 : vector<16x1xi32> to vector<16xi32>
      %gather3A_1344 = tpu.dynamic_gather %select_n3A_1336[%gather3A_1343] in [0] : vector<16xf32>, vector<16xi32> -> vector<16xf32>
      %lt3A_1345 = arith.cmpf olt, %gather3A_1342, %select_n3A_1335 : vector<16xf32>
      %eq3A_1346 = arith.cmpf oeq, %gather3A_1342, %select_n3A_1335 : vector<16xf32>
      %lt3A_1347 = arith.cmpf olt, %gather3A_1344, %select_n3A_1336 : vector<16xf32>
      %and3A_1348 = arith.andi %eq3A_1346, %lt3A_1347 : vector<16xi1>
      %or3A_1349 = arith.ori %lt3A_1345, %and3A_1348 : vector<16xi1>
      %select_n3A_1350 = arith.select %or3A_1349, %gather3A_1342, %select_n3A_1335 : vector<16xi1>, vector<16xf32>
      %select_n3A_1351 = arith.select %or3A_1349, %gather3A_1344, %select_n3A_1336 : vector<16xi1>, vector<16xf32>
      %eq3A_1352 = arith.constant 8 : i32
      %eq3A_1353 = vector.broadcast %eq3A_1352 : i32 to vector<16xi32>
      %eq3A_1354 = arith.cmpi eq, %iota3A, %eq3A_1353 : vector<16xi32>
      %select_n3A_1355 = arith.select %eq3A_1354, %select_n3A_1350, %select_n3A_1215 : vector<16xi1>, vector<16xf32>
      %select_n3A_1356 = arith.select %eq3A_1354, %select_n3A_1351, %select_n3A_1216 : vector<16xi1>, vector<16xf32>
      %broadcast_in_dim3A_1357 = arith.constant 9 : i32
      %broadcast_in_dim3A_1358 = vector.broadcast %broadcast_in_dim3A_1357 : i32 to vector<16x1xi32>
      %gather3A_1359 = vector.shape_cast %broadcast_in_dim3A_1358 : vector<16x1xi32> to vector<16xi32>
      %gather3A_1360 = tpu.dynamic_gather %get3A_87[%gather3A_1359] in [0] : vector<16xf32>, vector<16xi32> -> vector<16xf32>
      %broadcast_in_dim3A_1361 = arith.constant 9 : i32
      %broadcast_in_dim3A_1362 = vector.broadcast %broadcast_in_dim3A_1361 : i32 to vector<16x1xi32>
      %gather3A_1363 = vector.shape_cast %broadcast_in_dim3A_1362 : vector<16x1xi32> to vector<16xi32>
      %gather3A_1364 = tpu.dynamic_gather %get3A_94[%gather3A_1363] in [0] : vector<16xf32>, vector<16xi32> -> vector<16xf32>
      %broadcast_in_dim3A_1365 = arith.constant 9 : i32
      %broadcast_in_dim3A_1366 = vector.broadcast %broadcast_in_dim3A_1365 : i32 to vector<16x1xi32>
      %gather3A_1367 = vector.shape_cast %broadcast_in_dim3A_1366 : vector<16x1xi32> to vector<16xi32>
      %gather3A_1368 = tpu.dynamic_gather %get3A_101[%gather3A_1367] in [0] : vector<16xf32>, vector<16xi32> -> vector<16xf32>
      %mul3A_1369 = arith.mulf %gather3A_1360, %gather3A_1360 : vector<16xf32>
      %mul3A_1370 = arith.mulf %gather3A_1364, %gather3A_1364 : vector<16xf32>
      %add3A_1371 = arith.addf %mul3A_1369, %mul3A_1370 : vector<16xf32>
      %mul3A_1372 = arith.mulf %gather3A_1368, %gather3A_1368 : vector<16xf32>
      %add3A_1373 = arith.addf %add3A_1371, %mul3A_1372 : vector<16xf32>
      %bitcast_convert_type3A_1374 = tpu.bitcast %gather3A_1360 : vector<16xf32> -> vector<16xi32>
      %add3A_1375 = arith.constant 32767 : i32
      %add3A_1376 = vector.broadcast %add3A_1375 : i32 to vector<16xi32>
      %add3A_1377 = arith.addi %bitcast_convert_type3A_1374, %add3A_1376 : vector<16xi32>
      %shift_right_arithmetic3A_1378 = arith.constant 16 : i32
      %shift_right_arithmetic3A_1379 = vector.broadcast %shift_right_arithmetic3A_1378 : i32 to vector<16xi32>
      %shift_right_arithmetic3A_1380 = arith.shrsi %bitcast_convert_type3A_1374, %shift_right_arithmetic3A_1379 : vector<16xi32>
      %and3A_1381 = arith.constant 1 : i32
      %and3A_1382 = vector.broadcast %and3A_1381 : i32 to vector<16xi32>
      %and3A_1383 = arith.andi %shift_right_arithmetic3A_1380, %and3A_1382 : vector<16xi32>
      %add3A_1384 = arith.addi %add3A_1377, %and3A_1383 : vector<16xi32>
      %and3A_1385 = arith.constant -65536 : i32
      %and3A_1386 = vector.broadcast %and3A_1385 : i32 to vector<16xi32>
      %and3A_1387 = arith.andi %add3A_1384, %and3A_1386 : vector<16xi32>
      %bitcast_convert_type3A_1388 = tpu.bitcast %and3A_1387 : vector<16xi32> -> vector<16xf32>
      %bitcast_convert_type3A_1389 = tpu.bitcast %gather3A_1364 : vector<16xf32> -> vector<16xi32>
      %add3A_1390 = arith.constant 32767 : i32
      %add3A_1391 = vector.broadcast %add3A_1390 : i32 to vector<16xi32>
      %add3A_1392 = arith.addi %bitcast_convert_type3A_1389, %add3A_1391 : vector<16xi32>
      %shift_right_arithmetic3A_1393 = arith.constant 16 : i32
      %shift_right_arithmetic3A_1394 = vector.broadcast %shift_right_arithmetic3A_1393 : i32 to vector<16xi32>
      %shift_right_arithmetic3A_1395 = arith.shrsi %bitcast_convert_type3A_1389, %shift_right_arithmetic3A_1394 : vector<16xi32>
      %and3A_1396 = arith.constant 1 : i32
      %and3A_1397 = vector.broadcast %and3A_1396 : i32 to vector<16xi32>
      %and3A_1398 = arith.andi %shift_right_arithmetic3A_1395, %and3A_1397 : vector<16xi32>
      %add3A_1399 = arith.addi %add3A_1392, %and3A_1398 : vector<16xi32>
      %and3A_1400 = arith.constant -65536 : i32
      %and3A_1401 = vector.broadcast %and3A_1400 : i32 to vector<16xi32>
      %and3A_1402 = arith.andi %add3A_1399, %and3A_1401 : vector<16xi32>
      %bitcast_convert_type3A_1403 = tpu.bitcast %and3A_1402 : vector<16xi32> -> vector<16xf32>
      %bitcast_convert_type3A_1404 = tpu.bitcast %gather3A_1368 : vector<16xf32> -> vector<16xi32>
      %add3A_1405 = arith.constant 32767 : i32
      %add3A_1406 = vector.broadcast %add3A_1405 : i32 to vector<16xi32>
      %add3A_1407 = arith.addi %bitcast_convert_type3A_1404, %add3A_1406 : vector<16xi32>
      %shift_right_arithmetic3A_1408 = arith.constant 16 : i32
      %shift_right_arithmetic3A_1409 = vector.broadcast %shift_right_arithmetic3A_1408 : i32 to vector<16xi32>
      %shift_right_arithmetic3A_1410 = arith.shrsi %bitcast_convert_type3A_1404, %shift_right_arithmetic3A_1409 : vector<16xi32>
      %and3A_1411 = arith.constant 1 : i32
      %and3A_1412 = vector.broadcast %and3A_1411 : i32 to vector<16xi32>
      %and3A_1413 = arith.andi %shift_right_arithmetic3A_1410, %and3A_1412 : vector<16xi32>
      %add3A_1414 = arith.addi %add3A_1407, %and3A_1413 : vector<16xi32>
      %and3A_1415 = arith.constant -65536 : i32
      %and3A_1416 = vector.broadcast %and3A_1415 : i32 to vector<16xi32>
      %and3A_1417 = arith.andi %add3A_1414, %and3A_1416 : vector<16xi32>
      %bitcast_convert_type3A_1418 = tpu.bitcast %and3A_1417 : vector<16xi32> -> vector<16xf32>
      %mul3A_1419 = arith.constant 16 : i32
      %mul3A_1420 = arith.muli %scan3A_78, %mul3A_1419 : i32
      %add3A_1421 = arith.addi %add3A_34, %mul3A_1420 : i32
      %add3A_1422 = arith.constant 9 : i32
      %add3A_1423 = arith.addi %add3A_1421, %add3A_1422 : i32
      %convert_element_type3A_1424 = arith.sitofp %add3A_1423 : i32 to f32
      %broadcast_in_dim3A_1425 = vector.broadcast %convert_element_type3A_1424 : f32 to vector<16xf32>
      %scan3A_1426 = arith.constant 0 : i32
      %scan3A_1427 = arith.constant 256 : i32
      %scan3A_1428 = arith.addi %scan3A_1426, %scan3A_1427 : i32
      %scan3A_1429 = arith.constant 1 : i32
      %scan3A_1430:2 = scf.for %scan3A_2345 = %scan3A_1426 to %scan3A_1428 step %scan3A_1429 iter_args(%scan3A_2346 = %broadcast_in_dim3A_56, %scan3A_2347 = %broadcast_in_dim3A_56) -> (vector<16xf32>, vector<16xf32>)  : i32 {
        %mul3A_2348 = arith.constant 16 : i32
        %mul3A_2349 = arith.muli %scan3A_2345, %mul3A_2348 : i32
        %mul3A_2350 = arith.constant 16 : i32
        %mul3A_2351 = arith.muli %scan3A_2345, %mul3A_2350 : i32
        %add3A_2352 = arith.constant 0 : i32
        %add3A_2353 = arith.addi %add3A_2352, %mul3A_2351 : i32
        %get3A_2354 = arith.index_cast %add3A_2353 : i32 to index
        %get3A_2355 = tpu.vector_load %arg10[%get3A_2354] {strides = array<i32>} : memref<12288xf32, #tpu.memory_space<vmem>>, vector<16xf32>,
        %get3A_2356 = vector.shape_cast %get3A_2355 : vector<16xf32> to vector<16xf32>
        %mul3A_2357 = arith.constant 16 : i32
        %mul3A_2358 = arith.muli %scan3A_2345, %mul3A_2357 : i32
        %add3A_2359 = arith.constant 4096 : i32
        %add3A_2360 = arith.addi %add3A_2359, %mul3A_2358 : i32
        %get3A_2361 = arith.index_cast %add3A_2360 : i32 to index
        %get3A_2362 = tpu.vector_load %arg10[%get3A_2361] {strides = array<i32>} : memref<12288xf32, #tpu.memory_space<vmem>>, vector<16xf32>,
        %get3A_2363 = vector.shape_cast %get3A_2362 : vector<16xf32> to vector<16xf32>
        %mul3A_2364 = arith.constant 16 : i32
        %mul3A_2365 = arith.muli %scan3A_2345, %mul3A_2364 : i32
        %add3A_2366 = arith.constant 8192 : i32
        %add3A_2367 = arith.addi %add3A_2366, %mul3A_2365 : i32
        %get3A_2368 = arith.index_cast %add3A_2367 : i32 to index
        %get3A_2369 = tpu.vector_load %arg10[%get3A_2368] {strides = array<i32>} : memref<12288xf32, #tpu.memory_space<vmem>>, vector<16xf32>,
        %get3A_2370 = vector.shape_cast %get3A_2369 : vector<16xf32> to vector<16xf32>
        %mul3A_2371 = arith.mulf %bitcast_convert_type3A_1388, %get3A_2356 : vector<16xf32>
        %mul3A_2372 = arith.mulf %bitcast_convert_type3A_1403, %get3A_2363 : vector<16xf32>
        %add3A_2373 = arith.addf %mul3A_2371, %mul3A_2372 : vector<16xf32>
        %mul3A_2374 = arith.mulf %bitcast_convert_type3A_1418, %get3A_2370 : vector<16xf32>
        %add3A_2375 = arith.addf %add3A_2373, %mul3A_2374 : vector<16xf32>
        %get3A_2376 = arith.index_cast %mul3A_2349 : i32 to index
        %get3A_2377 = tpu.vector_load %arg11[%get3A_2376] {strides = array<i32>} : memref<4096xf32, #tpu.memory_space<vmem>>, vector<16xf32>,
        %get3A_2378 = vector.shape_cast %get3A_2377 : vector<16xf32> to vector<16xf32>
        %add3A_2379 = arith.addf %add3A_1373, %get3A_2378 : vector<16xf32>
        %mul3A_2380 = arith.constant 2.000000e+00 : f32
        %mul3A_2381 = vector.broadcast %mul3A_2380 : f32 to vector<16xf32>
        %mul3A_2382 = arith.mulf %mul3A_2381, %add3A_2375 : vector<16xf32>
        %sub3A_2383 = arith.subf %add3A_2379, %mul3A_2382 : vector<16xf32>
        %max3A = arith.constant 0.000000e+00 : f32
        %max3A_2384 = vector.broadcast %max3A : f32 to vector<16xf32>
        %max3A_2385 = arith.maximumf %sub3A_2383, %max3A_2384 : vector<16xf32>
        %mul3A_2386 = arith.constant 16 : i32
        %mul3A_2387 = arith.muli %scan3A_2345, %mul3A_2386 : i32
        %convert_element_type3A_2388 = arith.sitofp %mul3A_2387 : i32 to f32
        %add3A_2389 = vector.broadcast %convert_element_type3A_2388 : f32 to vector<16xf32>
        %add3A_2390 = arith.addf %convert_element_type3A, %add3A_2389 : vector<16xf32>
        %lt3A_2391 = arith.cmpf olt, %max3A_2385, %scan3A_2346 : vector<16xf32>
        %select_n3A_2392 = arith.select %lt3A_2391, %max3A_2385, %scan3A_2346 : vector<16xi1>, vector<16xf32>
        %select_n3A_2393 = arith.select %lt3A_2391, %add3A_2390, %scan3A_2347 : vector<16xi1>, vector<16xf32>
        %get3A_2394 = arith.index_cast %mul3A_2349 : i32 to index
        %get3A_2395 = tpu.vector_load %arg12[%get3A_2394] {strides = array<i32>} : memref<4096xf32, #tpu.memory_space<vmem>>, vector<16xf32>,
        %get3A_2396 = vector.shape_cast %get3A_2395 : vector<16xf32> to vector<16xf32>
        %get3A_2397 = arith.index_cast %mul3A_2349 : i32 to index
        %get3A_2398 = tpu.vector_load %arg13[%get3A_2397] {strides = array<i32>} : memref<4096xf32, #tpu.memory_space<vmem>>, vector<16xf32>,
        %get3A_2399 = vector.shape_cast %get3A_2398 : vector<16xf32> to vector<16xf32>
        %lt3A_2400 = arith.cmpf olt, %max3A_2385, %get3A_2396 : vector<16xf32>
        %select_n3A_2401 = arith.select %lt3A_2400, %max3A_2385, %get3A_2396 : vector<16xi1>, vector<16xf32>
        %swap3A_2402 = arith.index_cast %mul3A_2349 : i32 to index
        %swap3A_2403 = tpu.vector_load %arg12[%swap3A_2402] {strides = array<i32>} : memref<4096xf32, #tpu.memory_space<vmem>>, vector<16xf32>,
        %swap3A_2404 = vector.shape_cast %swap3A_2403 : vector<16xf32> to vector<16xf32>
        %swap3A_2405 = vector.shape_cast %select_n3A_2401 : vector<16xf32> to vector<16xf32>
        tpu.vector_store %arg12[%swap3A_2402], %swap3A_2405 {strides = array<i32>} : memref<4096xf32, #tpu.memory_space<vmem>>, vector<16xf32>,
        %select_n3A_2406 = arith.select %lt3A_2400, %broadcast_in_dim3A_1425, %get3A_2399 : vector<16xi1>, vector<16xf32>
        %swap3A_2407 = arith.index_cast %mul3A_2349 : i32 to index
        %swap3A_2408 = tpu.vector_load %arg13[%swap3A_2407] {strides = array<i32>} : memref<4096xf32, #tpu.memory_space<vmem>>, vector<16xf32>,
        %swap3A_2409 = vector.shape_cast %swap3A_2408 : vector<16xf32> to vector<16xf32>
        %swap3A_2410 = vector.shape_cast %select_n3A_2406 : vector<16xf32> to vector<16xf32>
        tpu.vector_store %arg13[%swap3A_2407], %swap3A_2410 {strides = array<i32>} : memref<4096xf32, #tpu.memory_space<vmem>>, vector<16xf32>,
        scf.yield %select_n3A_2392, %select_n3A_2393 : vector<16xf32>, vector<16xf32>
      }
      %scan3A_1431 = arith.constant 256 : i32
      %xor3A_1432 = arith.constant 8 : i32
      %xor3A_1433 = vector.broadcast %xor3A_1432 : i32 to vector<16xi32>
      %xor3A_1434 = arith.xori %iota3A, %xor3A_1433 : vector<16xi32>
      %broadcast_in_dim3A_1435 = vector.shape_cast %xor3A_1434 : vector<16xi32> to vector<16x1xi32>
      %gather3A_1436 = vector.shape_cast %broadcast_in_dim3A_1435 : vector<16x1xi32> to vector<16xi32>
      %gather3A_1437 = tpu.dynamic_gather %scan3A_1430#0[%gather3A_1436] in [0] : vector<16xf32>, vector<16xi32> -> vector<16xf32>
      %gather3A_1438 = vector.shape_cast %broadcast_in_dim3A_1435 : vector<16x1xi32> to vector<16xi32>
      %gather3A_1439 = tpu.dynamic_gather %scan3A_1430#1[%gather3A_1438] in [0] : vector<16xf32>, vector<16xi32> -> vector<16xf32>
      %lt3A_1440 = arith.cmpf olt, %gather3A_1437, %scan3A_1430#0 : vector<16xf32>
      %eq3A_1441 = arith.cmpf oeq, %gather3A_1437, %scan3A_1430#0 : vector<16xf32>
      %lt3A_1442 = arith.cmpf olt, %gather3A_1439, %scan3A_1430#1 : vector<16xf32>
      %and3A_1443 = arith.andi %eq3A_1441, %lt3A_1442 : vector<16xi1>
      %or3A_1444 = arith.ori %lt3A_1440, %and3A_1443 : vector<16xi1>
      %select_n3A_1445 = arith.select %or3A_1444, %gather3A_1437, %scan3A_1430#0 : vector<16xi1>, vector<16xf32>
      %select_n3A_1446 = arith.select %or3A_1444, %gather3A_1439, %scan3A_1430#1 : vector<16xi1>, vector<16xf32>
      %xor3A_1447 = arith.constant 4 : i32
      %xor3A_1448 = vector.broadcast %xor3A_1447 : i32 to vector<16xi32>
      %xor3A_1449 = arith.xori %iota3A, %xor3A_1448 : vector<16xi32>
      %broadcast_in_dim3A_1450 = vector.shape_cast %xor3A_1449 : vector<16xi32> to vector<16x1xi32>
      %gather3A_1451 = vector.shape_cast %broadcast_in_dim3A_1450 : vector<16x1xi32> to vector<16xi32>
      %gather3A_1452 = tpu.dynamic_gather %select_n3A_1445[%gather3A_1451] in [0] : vector<16xf32>, vector<16xi32> -> vector<16xf32>
      %gather3A_1453 = vector.shape_cast %broadcast_in_dim3A_1450 : vector<16x1xi32> to vector<16xi32>
      %gather3A_1454 = tpu.dynamic_gather %select_n3A_1446[%gather3A_1453] in [0] : vector<16xf32>, vector<16xi32> -> vector<16xf32>
      %lt3A_1455 = arith.cmpf olt, %gather3A_1452, %select_n3A_1445 : vector<16xf32>
      %eq3A_1456 = arith.cmpf oeq, %gather3A_1452, %select_n3A_1445 : vector<16xf32>
      %lt3A_1457 = arith.cmpf olt, %gather3A_1454, %select_n3A_1446 : vector<16xf32>
      %and3A_1458 = arith.andi %eq3A_1456, %lt3A_1457 : vector<16xi1>
      %or3A_1459 = arith.ori %lt3A_1455, %and3A_1458 : vector<16xi1>
      %select_n3A_1460 = arith.select %or3A_1459, %gather3A_1452, %select_n3A_1445 : vector<16xi1>, vector<16xf32>
      %select_n3A_1461 = arith.select %or3A_1459, %gather3A_1454, %select_n3A_1446 : vector<16xi1>, vector<16xf32>
      %xor3A_1462 = arith.constant 2 : i32
      %xor3A_1463 = vector.broadcast %xor3A_1462 : i32 to vector<16xi32>
      %xor3A_1464 = arith.xori %iota3A, %xor3A_1463 : vector<16xi32>
      %broadcast_in_dim3A_1465 = vector.shape_cast %xor3A_1464 : vector<16xi32> to vector<16x1xi32>
      %gather3A_1466 = vector.shape_cast %broadcast_in_dim3A_1465 : vector<16x1xi32> to vector<16xi32>
      %gather3A_1467 = tpu.dynamic_gather %select_n3A_1460[%gather3A_1466] in [0] : vector<16xf32>, vector<16xi32> -> vector<16xf32>
      %gather3A_1468 = vector.shape_cast %broadcast_in_dim3A_1465 : vector<16x1xi32> to vector<16xi32>
      %gather3A_1469 = tpu.dynamic_gather %select_n3A_1461[%gather3A_1468] in [0] : vector<16xf32>, vector<16xi32> -> vector<16xf32>
      %lt3A_1470 = arith.cmpf olt, %gather3A_1467, %select_n3A_1460 : vector<16xf32>
      %eq3A_1471 = arith.cmpf oeq, %gather3A_1467, %select_n3A_1460 : vector<16xf32>
      %lt3A_1472 = arith.cmpf olt, %gather3A_1469, %select_n3A_1461 : vector<16xf32>
      %and3A_1473 = arith.andi %eq3A_1471, %lt3A_1472 : vector<16xi1>
      %or3A_1474 = arith.ori %lt3A_1470, %and3A_1473 : vector<16xi1>
      %select_n3A_1475 = arith.select %or3A_1474, %gather3A_1467, %select_n3A_1460 : vector<16xi1>, vector<16xf32>
      %select_n3A_1476 = arith.select %or3A_1474, %gather3A_1469, %select_n3A_1461 : vector<16xi1>, vector<16xf32>
      %xor3A_1477 = arith.constant 1 : i32
      %xor3A_1478 = vector.broadcast %xor3A_1477 : i32 to vector<16xi32>
      %xor3A_1479 = arith.xori %iota3A, %xor3A_1478 : vector<16xi32>
      %broadcast_in_dim3A_1480 = vector.shape_cast %xor3A_1479 : vector<16xi32> to vector<16x1xi32>
      %gather3A_1481 = vector.shape_cast %broadcast_in_dim3A_1480 : vector<16x1xi32> to vector<16xi32>
      %gather3A_1482 = tpu.dynamic_gather %select_n3A_1475[%gather3A_1481] in [0] : vector<16xf32>, vector<16xi32> -> vector<16xf32>
      %gather3A_1483 = vector.shape_cast %broadcast_in_dim3A_1480 : vector<16x1xi32> to vector<16xi32>
      %gather3A_1484 = tpu.dynamic_gather %select_n3A_1476[%gather3A_1483] in [0] : vector<16xf32>, vector<16xi32> -> vector<16xf32>
      %lt3A_1485 = arith.cmpf olt, %gather3A_1482, %select_n3A_1475 : vector<16xf32>
      %eq3A_1486 = arith.cmpf oeq, %gather3A_1482, %select_n3A_1475 : vector<16xf32>
      %lt3A_1487 = arith.cmpf olt, %gather3A_1484, %select_n3A_1476 : vector<16xf32>
      %and3A_1488 = arith.andi %eq3A_1486, %lt3A_1487 : vector<16xi1>
      %or3A_1489 = arith.ori %lt3A_1485, %and3A_1488 : vector<16xi1>
      %select_n3A_1490 = arith.select %or3A_1489, %gather3A_1482, %select_n3A_1475 : vector<16xi1>, vector<16xf32>
      %select_n3A_1491 = arith.select %or3A_1489, %gather3A_1484, %select_n3A_1476 : vector<16xi1>, vector<16xf32>
      %eq3A_1492 = arith.constant 9 : i32
      %eq3A_1493 = vector.broadcast %eq3A_1492 : i32 to vector<16xi32>
      %eq3A_1494 = arith.cmpi eq, %iota3A, %eq3A_1493 : vector<16xi32>
      %select_n3A_1495 = arith.select %eq3A_1494, %select_n3A_1490, %select_n3A_1355 : vector<16xi1>, vector<16xf32>
      %select_n3A_1496 = arith.select %eq3A_1494, %select_n3A_1491, %select_n3A_1356 : vector<16xi1>, vector<16xf32>
      %broadcast_in_dim3A_1497 = arith.constant 10 : i32
      %broadcast_in_dim3A_1498 = vector.broadcast %broadcast_in_dim3A_1497 : i32 to vector<16x1xi32>
      %gather3A_1499 = vector.shape_cast %broadcast_in_dim3A_1498 : vector<16x1xi32> to vector<16xi32>
      %gather3A_1500 = tpu.dynamic_gather %get3A_87[%gather3A_1499] in [0] : vector<16xf32>, vector<16xi32> -> vector<16xf32>
      %broadcast_in_dim3A_1501 = arith.constant 10 : i32
      %broadcast_in_dim3A_1502 = vector.broadcast %broadcast_in_dim3A_1501 : i32 to vector<16x1xi32>
      %gather3A_1503 = vector.shape_cast %broadcast_in_dim3A_1502 : vector<16x1xi32> to vector<16xi32>
      %gather3A_1504 = tpu.dynamic_gather %get3A_94[%gather3A_1503] in [0] : vector<16xf32>, vector<16xi32> -> vector<16xf32>
      %broadcast_in_dim3A_1505 = arith.constant 10 : i32
      %broadcast_in_dim3A_1506 = vector.broadcast %broadcast_in_dim3A_1505 : i32 to vector<16x1xi32>
      %gather3A_1507 = vector.shape_cast %broadcast_in_dim3A_1506 : vector<16x1xi32> to vector<16xi32>
      %gather3A_1508 = tpu.dynamic_gather %get3A_101[%gather3A_1507] in [0] : vector<16xf32>, vector<16xi32> -> vector<16xf32>
      %mul3A_1509 = arith.mulf %gather3A_1500, %gather3A_1500 : vector<16xf32>
      %mul3A_1510 = arith.mulf %gather3A_1504, %gather3A_1504 : vector<16xf32>
      %add3A_1511 = arith.addf %mul3A_1509, %mul3A_1510 : vector<16xf32>
      %mul3A_1512 = arith.mulf %gather3A_1508, %gather3A_1508 : vector<16xf32>
      %add3A_1513 = arith.addf %add3A_1511, %mul3A_1512 : vector<16xf32>
      %bitcast_convert_type3A_1514 = tpu.bitcast %gather3A_1500 : vector<16xf32> -> vector<16xi32>
      %add3A_1515 = arith.constant 32767 : i32
      %add3A_1516 = vector.broadcast %add3A_1515 : i32 to vector<16xi32>
      %add3A_1517 = arith.addi %bitcast_convert_type3A_1514, %add3A_1516 : vector<16xi32>
      %shift_right_arithmetic3A_1518 = arith.constant 16 : i32
      %shift_right_arithmetic3A_1519 = vector.broadcast %shift_right_arithmetic3A_1518 : i32 to vector<16xi32>
      %shift_right_arithmetic3A_1520 = arith.shrsi %bitcast_convert_type3A_1514, %shift_right_arithmetic3A_1519 : vector<16xi32>
      %and3A_1521 = arith.constant 1 : i32
      %and3A_1522 = vector.broadcast %and3A_1521 : i32 to vector<16xi32>
      %and3A_1523 = arith.andi %shift_right_arithmetic3A_1520, %and3A_1522 : vector<16xi32>
      %add3A_1524 = arith.addi %add3A_1517, %and3A_1523 : vector<16xi32>
      %and3A_1525 = arith.constant -65536 : i32
      %and3A_1526 = vector.broadcast %and3A_1525 : i32 to vector<16xi32>
      %and3A_1527 = arith.andi %add3A_1524, %and3A_1526 : vector<16xi32>
      %bitcast_convert_type3A_1528 = tpu.bitcast %and3A_1527 : vector<16xi32> -> vector<16xf32>
      %bitcast_convert_type3A_1529 = tpu.bitcast %gather3A_1504 : vector<16xf32> -> vector<16xi32>
      %add3A_1530 = arith.constant 32767 : i32
      %add3A_1531 = vector.broadcast %add3A_1530 : i32 to vector<16xi32>
      %add3A_1532 = arith.addi %bitcast_convert_type3A_1529, %add3A_1531 : vector<16xi32>
      %shift_right_arithmetic3A_1533 = arith.constant 16 : i32
      %shift_right_arithmetic3A_1534 = vector.broadcast %shift_right_arithmetic3A_1533 : i32 to vector<16xi32>
      %shift_right_arithmetic3A_1535 = arith.shrsi %bitcast_convert_type3A_1529, %shift_right_arithmetic3A_1534 : vector<16xi32>
      %and3A_1536 = arith.constant 1 : i32
      %and3A_1537 = vector.broadcast %and3A_1536 : i32 to vector<16xi32>
      %and3A_1538 = arith.andi %shift_right_arithmetic3A_1535, %and3A_1537 : vector<16xi32>
      %add3A_1539 = arith.addi %add3A_1532, %and3A_1538 : vector<16xi32>
      %and3A_1540 = arith.constant -65536 : i32
      %and3A_1541 = vector.broadcast %and3A_1540 : i32 to vector<16xi32>
      %and3A_1542 = arith.andi %add3A_1539, %and3A_1541 : vector<16xi32>
      %bitcast_convert_type3A_1543 = tpu.bitcast %and3A_1542 : vector<16xi32> -> vector<16xf32>
      %bitcast_convert_type3A_1544 = tpu.bitcast %gather3A_1508 : vector<16xf32> -> vector<16xi32>
      %add3A_1545 = arith.constant 32767 : i32
      %add3A_1546 = vector.broadcast %add3A_1545 : i32 to vector<16xi32>
      %add3A_1547 = arith.addi %bitcast_convert_type3A_1544, %add3A_1546 : vector<16xi32>
      %shift_right_arithmetic3A_1548 = arith.constant 16 : i32
      %shift_right_arithmetic3A_1549 = vector.broadcast %shift_right_arithmetic3A_1548 : i32 to vector<16xi32>
      %shift_right_arithmetic3A_1550 = arith.shrsi %bitcast_convert_type3A_1544, %shift_right_arithmetic3A_1549 : vector<16xi32>
      %and3A_1551 = arith.constant 1 : i32
      %and3A_1552 = vector.broadcast %and3A_1551 : i32 to vector<16xi32>
      %and3A_1553 = arith.andi %shift_right_arithmetic3A_1550, %and3A_1552 : vector<16xi32>
      %add3A_1554 = arith.addi %add3A_1547, %and3A_1553 : vector<16xi32>
      %and3A_1555 = arith.constant -65536 : i32
      %and3A_1556 = vector.broadcast %and3A_1555 : i32 to vector<16xi32>
      %and3A_1557 = arith.andi %add3A_1554, %and3A_1556 : vector<16xi32>
      %bitcast_convert_type3A_1558 = tpu.bitcast %and3A_1557 : vector<16xi32> -> vector<16xf32>
      %mul3A_1559 = arith.constant 16 : i32
      %mul3A_1560 = arith.muli %scan3A_78, %mul3A_1559 : i32
      %add3A_1561 = arith.addi %add3A_34, %mul3A_1560 : i32
      %add3A_1562 = arith.constant 10 : i32
      %add3A_1563 = arith.addi %add3A_1561, %add3A_1562 : i32
      %convert_element_type3A_1564 = arith.sitofp %add3A_1563 : i32 to f32
      %broadcast_in_dim3A_1565 = vector.broadcast %convert_element_type3A_1564 : f32 to vector<16xf32>
      %scan3A_1566 = arith.constant 0 : i32
      %scan3A_1567 = arith.constant 256 : i32
      %scan3A_1568 = arith.addi %scan3A_1566, %scan3A_1567 : i32
      %scan3A_1569 = arith.constant 1 : i32
      %scan3A_1570:2 = scf.for %scan3A_2345 = %scan3A_1566 to %scan3A_1568 step %scan3A_1569 iter_args(%scan3A_2346 = %broadcast_in_dim3A_56, %scan3A_2347 = %broadcast_in_dim3A_56) -> (vector<16xf32>, vector<16xf32>)  : i32 {
        %mul3A_2348 = arith.constant 16 : i32
        %mul3A_2349 = arith.muli %scan3A_2345, %mul3A_2348 : i32
        %mul3A_2350 = arith.constant 16 : i32
        %mul3A_2351 = arith.muli %scan3A_2345, %mul3A_2350 : i32
        %add3A_2352 = arith.constant 0 : i32
        %add3A_2353 = arith.addi %add3A_2352, %mul3A_2351 : i32
        %get3A_2354 = arith.index_cast %add3A_2353 : i32 to index
        %get3A_2355 = tpu.vector_load %arg10[%get3A_2354] {strides = array<i32>} : memref<12288xf32, #tpu.memory_space<vmem>>, vector<16xf32>,
        %get3A_2356 = vector.shape_cast %get3A_2355 : vector<16xf32> to vector<16xf32>
        %mul3A_2357 = arith.constant 16 : i32
        %mul3A_2358 = arith.muli %scan3A_2345, %mul3A_2357 : i32
        %add3A_2359 = arith.constant 4096 : i32
        %add3A_2360 = arith.addi %add3A_2359, %mul3A_2358 : i32
        %get3A_2361 = arith.index_cast %add3A_2360 : i32 to index
        %get3A_2362 = tpu.vector_load %arg10[%get3A_2361] {strides = array<i32>} : memref<12288xf32, #tpu.memory_space<vmem>>, vector<16xf32>,
        %get3A_2363 = vector.shape_cast %get3A_2362 : vector<16xf32> to vector<16xf32>
        %mul3A_2364 = arith.constant 16 : i32
        %mul3A_2365 = arith.muli %scan3A_2345, %mul3A_2364 : i32
        %add3A_2366 = arith.constant 8192 : i32
        %add3A_2367 = arith.addi %add3A_2366, %mul3A_2365 : i32
        %get3A_2368 = arith.index_cast %add3A_2367 : i32 to index
        %get3A_2369 = tpu.vector_load %arg10[%get3A_2368] {strides = array<i32>} : memref<12288xf32, #tpu.memory_space<vmem>>, vector<16xf32>,
        %get3A_2370 = vector.shape_cast %get3A_2369 : vector<16xf32> to vector<16xf32>
        %mul3A_2371 = arith.mulf %bitcast_convert_type3A_1528, %get3A_2356 : vector<16xf32>
        %mul3A_2372 = arith.mulf %bitcast_convert_type3A_1543, %get3A_2363 : vector<16xf32>
        %add3A_2373 = arith.addf %mul3A_2371, %mul3A_2372 : vector<16xf32>
        %mul3A_2374 = arith.mulf %bitcast_convert_type3A_1558, %get3A_2370 : vector<16xf32>
        %add3A_2375 = arith.addf %add3A_2373, %mul3A_2374 : vector<16xf32>
        %get3A_2376 = arith.index_cast %mul3A_2349 : i32 to index
        %get3A_2377 = tpu.vector_load %arg11[%get3A_2376] {strides = array<i32>} : memref<4096xf32, #tpu.memory_space<vmem>>, vector<16xf32>,
        %get3A_2378 = vector.shape_cast %get3A_2377 : vector<16xf32> to vector<16xf32>
        %add3A_2379 = arith.addf %add3A_1513, %get3A_2378 : vector<16xf32>
        %mul3A_2380 = arith.constant 2.000000e+00 : f32
        %mul3A_2381 = vector.broadcast %mul3A_2380 : f32 to vector<16xf32>
        %mul3A_2382 = arith.mulf %mul3A_2381, %add3A_2375 : vector<16xf32>
        %sub3A_2383 = arith.subf %add3A_2379, %mul3A_2382 : vector<16xf32>
        %max3A = arith.constant 0.000000e+00 : f32
        %max3A_2384 = vector.broadcast %max3A : f32 to vector<16xf32>
        %max3A_2385 = arith.maximumf %sub3A_2383, %max3A_2384 : vector<16xf32>
        %mul3A_2386 = arith.constant 16 : i32
        %mul3A_2387 = arith.muli %scan3A_2345, %mul3A_2386 : i32
        %convert_element_type3A_2388 = arith.sitofp %mul3A_2387 : i32 to f32
        %add3A_2389 = vector.broadcast %convert_element_type3A_2388 : f32 to vector<16xf32>
        %add3A_2390 = arith.addf %convert_element_type3A, %add3A_2389 : vector<16xf32>
        %lt3A_2391 = arith.cmpf olt, %max3A_2385, %scan3A_2346 : vector<16xf32>
        %select_n3A_2392 = arith.select %lt3A_2391, %max3A_2385, %scan3A_2346 : vector<16xi1>, vector<16xf32>
        %select_n3A_2393 = arith.select %lt3A_2391, %add3A_2390, %scan3A_2347 : vector<16xi1>, vector<16xf32>
        %get3A_2394 = arith.index_cast %mul3A_2349 : i32 to index
        %get3A_2395 = tpu.vector_load %arg12[%get3A_2394] {strides = array<i32>} : memref<4096xf32, #tpu.memory_space<vmem>>, vector<16xf32>,
        %get3A_2396 = vector.shape_cast %get3A_2395 : vector<16xf32> to vector<16xf32>
        %get3A_2397 = arith.index_cast %mul3A_2349 : i32 to index
        %get3A_2398 = tpu.vector_load %arg13[%get3A_2397] {strides = array<i32>} : memref<4096xf32, #tpu.memory_space<vmem>>, vector<16xf32>,
        %get3A_2399 = vector.shape_cast %get3A_2398 : vector<16xf32> to vector<16xf32>
        %lt3A_2400 = arith.cmpf olt, %max3A_2385, %get3A_2396 : vector<16xf32>
        %select_n3A_2401 = arith.select %lt3A_2400, %max3A_2385, %get3A_2396 : vector<16xi1>, vector<16xf32>
        %swap3A_2402 = arith.index_cast %mul3A_2349 : i32 to index
        %swap3A_2403 = tpu.vector_load %arg12[%swap3A_2402] {strides = array<i32>} : memref<4096xf32, #tpu.memory_space<vmem>>, vector<16xf32>,
        %swap3A_2404 = vector.shape_cast %swap3A_2403 : vector<16xf32> to vector<16xf32>
        %swap3A_2405 = vector.shape_cast %select_n3A_2401 : vector<16xf32> to vector<16xf32>
        tpu.vector_store %arg12[%swap3A_2402], %swap3A_2405 {strides = array<i32>} : memref<4096xf32, #tpu.memory_space<vmem>>, vector<16xf32>,
        %select_n3A_2406 = arith.select %lt3A_2400, %broadcast_in_dim3A_1565, %get3A_2399 : vector<16xi1>, vector<16xf32>
        %swap3A_2407 = arith.index_cast %mul3A_2349 : i32 to index
        %swap3A_2408 = tpu.vector_load %arg13[%swap3A_2407] {strides = array<i32>} : memref<4096xf32, #tpu.memory_space<vmem>>, vector<16xf32>,
        %swap3A_2409 = vector.shape_cast %swap3A_2408 : vector<16xf32> to vector<16xf32>
        %swap3A_2410 = vector.shape_cast %select_n3A_2406 : vector<16xf32> to vector<16xf32>
        tpu.vector_store %arg13[%swap3A_2407], %swap3A_2410 {strides = array<i32>} : memref<4096xf32, #tpu.memory_space<vmem>>, vector<16xf32>,
        scf.yield %select_n3A_2392, %select_n3A_2393 : vector<16xf32>, vector<16xf32>
      }
      %scan3A_1571 = arith.constant 256 : i32
      %xor3A_1572 = arith.constant 8 : i32
      %xor3A_1573 = vector.broadcast %xor3A_1572 : i32 to vector<16xi32>
      %xor3A_1574 = arith.xori %iota3A, %xor3A_1573 : vector<16xi32>
      %broadcast_in_dim3A_1575 = vector.shape_cast %xor3A_1574 : vector<16xi32> to vector<16x1xi32>
      %gather3A_1576 = vector.shape_cast %broadcast_in_dim3A_1575 : vector<16x1xi32> to vector<16xi32>
      %gather3A_1577 = tpu.dynamic_gather %scan3A_1570#0[%gather3A_1576] in [0] : vector<16xf32>, vector<16xi32> -> vector<16xf32>
      %gather3A_1578 = vector.shape_cast %broadcast_in_dim3A_1575 : vector<16x1xi32> to vector<16xi32>
      %gather3A_1579 = tpu.dynamic_gather %scan3A_1570#1[%gather3A_1578] in [0] : vector<16xf32>, vector<16xi32> -> vector<16xf32>
      %lt3A_1580 = arith.cmpf olt, %gather3A_1577, %scan3A_1570#0 : vector<16xf32>
      %eq3A_1581 = arith.cmpf oeq, %gather3A_1577, %scan3A_1570#0 : vector<16xf32>
      %lt3A_1582 = arith.cmpf olt, %gather3A_1579, %scan3A_1570#1 : vector<16xf32>
      %and3A_1583 = arith.andi %eq3A_1581, %lt3A_1582 : vector<16xi1>
      %or3A_1584 = arith.ori %lt3A_1580, %and3A_1583 : vector<16xi1>
      %select_n3A_1585 = arith.select %or3A_1584, %gather3A_1577, %scan3A_1570#0 : vector<16xi1>, vector<16xf32>
      %select_n3A_1586 = arith.select %or3A_1584, %gather3A_1579, %scan3A_1570#1 : vector<16xi1>, vector<16xf32>
      %xor3A_1587 = arith.constant 4 : i32
      %xor3A_1588 = vector.broadcast %xor3A_1587 : i32 to vector<16xi32>
      %xor3A_1589 = arith.xori %iota3A, %xor3A_1588 : vector<16xi32>
      %broadcast_in_dim3A_1590 = vector.shape_cast %xor3A_1589 : vector<16xi32> to vector<16x1xi32>
      %gather3A_1591 = vector.shape_cast %broadcast_in_dim3A_1590 : vector<16x1xi32> to vector<16xi32>
      %gather3A_1592 = tpu.dynamic_gather %select_n3A_1585[%gather3A_1591] in [0] : vector<16xf32>, vector<16xi32> -> vector<16xf32>
      %gather3A_1593 = vector.shape_cast %broadcast_in_dim3A_1590 : vector<16x1xi32> to vector<16xi32>
      %gather3A_1594 = tpu.dynamic_gather %select_n3A_1586[%gather3A_1593] in [0] : vector<16xf32>, vector<16xi32> -> vector<16xf32>
      %lt3A_1595 = arith.cmpf olt, %gather3A_1592, %select_n3A_1585 : vector<16xf32>
      %eq3A_1596 = arith.cmpf oeq, %gather3A_1592, %select_n3A_1585 : vector<16xf32>
      %lt3A_1597 = arith.cmpf olt, %gather3A_1594, %select_n3A_1586 : vector<16xf32>
      %and3A_1598 = arith.andi %eq3A_1596, %lt3A_1597 : vector<16xi1>
      %or3A_1599 = arith.ori %lt3A_1595, %and3A_1598 : vector<16xi1>
      %select_n3A_1600 = arith.select %or3A_1599, %gather3A_1592, %select_n3A_1585 : vector<16xi1>, vector<16xf32>
      %select_n3A_1601 = arith.select %or3A_1599, %gather3A_1594, %select_n3A_1586 : vector<16xi1>, vector<16xf32>
      %xor3A_1602 = arith.constant 2 : i32
      %xor3A_1603 = vector.broadcast %xor3A_1602 : i32 to vector<16xi32>
      %xor3A_1604 = arith.xori %iota3A, %xor3A_1603 : vector<16xi32>
      %broadcast_in_dim3A_1605 = vector.shape_cast %xor3A_1604 : vector<16xi32> to vector<16x1xi32>
      %gather3A_1606 = vector.shape_cast %broadcast_in_dim3A_1605 : vector<16x1xi32> to vector<16xi32>
      %gather3A_1607 = tpu.dynamic_gather %select_n3A_1600[%gather3A_1606] in [0] : vector<16xf32>, vector<16xi32> -> vector<16xf32>
      %gather3A_1608 = vector.shape_cast %broadcast_in_dim3A_1605 : vector<16x1xi32> to vector<16xi32>
      %gather3A_1609 = tpu.dynamic_gather %select_n3A_1601[%gather3A_1608] in [0] : vector<16xf32>, vector<16xi32> -> vector<16xf32>
      %lt3A_1610 = arith.cmpf olt, %gather3A_1607, %select_n3A_1600 : vector<16xf32>
      %eq3A_1611 = arith.cmpf oeq, %gather3A_1607, %select_n3A_1600 : vector<16xf32>
      %lt3A_1612 = arith.cmpf olt, %gather3A_1609, %select_n3A_1601 : vector<16xf32>
      %and3A_1613 = arith.andi %eq3A_1611, %lt3A_1612 : vector<16xi1>
      %or3A_1614 = arith.ori %lt3A_1610, %and3A_1613 : vector<16xi1>
      %select_n3A_1615 = arith.select %or3A_1614, %gather3A_1607, %select_n3A_1600 : vector<16xi1>, vector<16xf32>
      %select_n3A_1616 = arith.select %or3A_1614, %gather3A_1609, %select_n3A_1601 : vector<16xi1>, vector<16xf32>
      %xor3A_1617 = arith.constant 1 : i32
      %xor3A_1618 = vector.broadcast %xor3A_1617 : i32 to vector<16xi32>
      %xor3A_1619 = arith.xori %iota3A, %xor3A_1618 : vector<16xi32>
      %broadcast_in_dim3A_1620 = vector.shape_cast %xor3A_1619 : vector<16xi32> to vector<16x1xi32>
      %gather3A_1621 = vector.shape_cast %broadcast_in_dim3A_1620 : vector<16x1xi32> to vector<16xi32>
      %gather3A_1622 = tpu.dynamic_gather %select_n3A_1615[%gather3A_1621] in [0] : vector<16xf32>, vector<16xi32> -> vector<16xf32>
      %gather3A_1623 = vector.shape_cast %broadcast_in_dim3A_1620 : vector<16x1xi32> to vector<16xi32>
      %gather3A_1624 = tpu.dynamic_gather %select_n3A_1616[%gather3A_1623] in [0] : vector<16xf32>, vector<16xi32> -> vector<16xf32>
      %lt3A_1625 = arith.cmpf olt, %gather3A_1622, %select_n3A_1615 : vector<16xf32>
      %eq3A_1626 = arith.cmpf oeq, %gather3A_1622, %select_n3A_1615 : vector<16xf32>
      %lt3A_1627 = arith.cmpf olt, %gather3A_1624, %select_n3A_1616 : vector<16xf32>
      %and3A_1628 = arith.andi %eq3A_1626, %lt3A_1627 : vector<16xi1>
      %or3A_1629 = arith.ori %lt3A_1625, %and3A_1628 : vector<16xi1>
      %select_n3A_1630 = arith.select %or3A_1629, %gather3A_1622, %select_n3A_1615 : vector<16xi1>, vector<16xf32>
      %select_n3A_1631 = arith.select %or3A_1629, %gather3A_1624, %select_n3A_1616 : vector<16xi1>, vector<16xf32>
      %eq3A_1632 = arith.constant 10 : i32
      %eq3A_1633 = vector.broadcast %eq3A_1632 : i32 to vector<16xi32>
      %eq3A_1634 = arith.cmpi eq, %iota3A, %eq3A_1633 : vector<16xi32>
      %select_n3A_1635 = arith.select %eq3A_1634, %select_n3A_1630, %select_n3A_1495 : vector<16xi1>, vector<16xf32>
      %select_n3A_1636 = arith.select %eq3A_1634, %select_n3A_1631, %select_n3A_1496 : vector<16xi1>, vector<16xf32>
      %broadcast_in_dim3A_1637 = arith.constant 11 : i32
      %broadcast_in_dim3A_1638 = vector.broadcast %broadcast_in_dim3A_1637 : i32 to vector<16x1xi32>
      %gather3A_1639 = vector.shape_cast %broadcast_in_dim3A_1638 : vector<16x1xi32> to vector<16xi32>
      %gather3A_1640 = tpu.dynamic_gather %get3A_87[%gather3A_1639] in [0] : vector<16xf32>, vector<16xi32> -> vector<16xf32>
      %broadcast_in_dim3A_1641 = arith.constant 11 : i32
      %broadcast_in_dim3A_1642 = vector.broadcast %broadcast_in_dim3A_1641 : i32 to vector<16x1xi32>
      %gather3A_1643 = vector.shape_cast %broadcast_in_dim3A_1642 : vector<16x1xi32> to vector<16xi32>
      %gather3A_1644 = tpu.dynamic_gather %get3A_94[%gather3A_1643] in [0] : vector<16xf32>, vector<16xi32> -> vector<16xf32>
      %broadcast_in_dim3A_1645 = arith.constant 11 : i32
      %broadcast_in_dim3A_1646 = vector.broadcast %broadcast_in_dim3A_1645 : i32 to vector<16x1xi32>
      %gather3A_1647 = vector.shape_cast %broadcast_in_dim3A_1646 : vector<16x1xi32> to vector<16xi32>
      %gather3A_1648 = tpu.dynamic_gather %get3A_101[%gather3A_1647] in [0] : vector<16xf32>, vector<16xi32> -> vector<16xf32>
      %mul3A_1649 = arith.mulf %gather3A_1640, %gather3A_1640 : vector<16xf32>
      %mul3A_1650 = arith.mulf %gather3A_1644, %gather3A_1644 : vector<16xf32>
      %add3A_1651 = arith.addf %mul3A_1649, %mul3A_1650 : vector<16xf32>
      %mul3A_1652 = arith.mulf %gather3A_1648, %gather3A_1648 : vector<16xf32>
      %add3A_1653 = arith.addf %add3A_1651, %mul3A_1652 : vector<16xf32>
      %bitcast_convert_type3A_1654 = tpu.bitcast %gather3A_1640 : vector<16xf32> -> vector<16xi32>
      %add3A_1655 = arith.constant 32767 : i32
      %add3A_1656 = vector.broadcast %add3A_1655 : i32 to vector<16xi32>
      %add3A_1657 = arith.addi %bitcast_convert_type3A_1654, %add3A_1656 : vector<16xi32>
      %shift_right_arithmetic3A_1658 = arith.constant 16 : i32
      %shift_right_arithmetic3A_1659 = vector.broadcast %shift_right_arithmetic3A_1658 : i32 to vector<16xi32>
      %shift_right_arithmetic3A_1660 = arith.shrsi %bitcast_convert_type3A_1654, %shift_right_arithmetic3A_1659 : vector<16xi32>
      %and3A_1661 = arith.constant 1 : i32
      %and3A_1662 = vector.broadcast %and3A_1661 : i32 to vector<16xi32>
      %and3A_1663 = arith.andi %shift_right_arithmetic3A_1660, %and3A_1662 : vector<16xi32>
      %add3A_1664 = arith.addi %add3A_1657, %and3A_1663 : vector<16xi32>
      %and3A_1665 = arith.constant -65536 : i32
      %and3A_1666 = vector.broadcast %and3A_1665 : i32 to vector<16xi32>
      %and3A_1667 = arith.andi %add3A_1664, %and3A_1666 : vector<16xi32>
      %bitcast_convert_type3A_1668 = tpu.bitcast %and3A_1667 : vector<16xi32> -> vector<16xf32>
      %bitcast_convert_type3A_1669 = tpu.bitcast %gather3A_1644 : vector<16xf32> -> vector<16xi32>
      %add3A_1670 = arith.constant 32767 : i32
      %add3A_1671 = vector.broadcast %add3A_1670 : i32 to vector<16xi32>
      %add3A_1672 = arith.addi %bitcast_convert_type3A_1669, %add3A_1671 : vector<16xi32>
      %shift_right_arithmetic3A_1673 = arith.constant 16 : i32
      %shift_right_arithmetic3A_1674 = vector.broadcast %shift_right_arithmetic3A_1673 : i32 to vector<16xi32>
      %shift_right_arithmetic3A_1675 = arith.shrsi %bitcast_convert_type3A_1669, %shift_right_arithmetic3A_1674 : vector<16xi32>
      %and3A_1676 = arith.constant 1 : i32
      %and3A_1677 = vector.broadcast %and3A_1676 : i32 to vector<16xi32>
      %and3A_1678 = arith.andi %shift_right_arithmetic3A_1675, %and3A_1677 : vector<16xi32>
      %add3A_1679 = arith.addi %add3A_1672, %and3A_1678 : vector<16xi32>
      %and3A_1680 = arith.constant -65536 : i32
      %and3A_1681 = vector.broadcast %and3A_1680 : i32 to vector<16xi32>
      %and3A_1682 = arith.andi %add3A_1679, %and3A_1681 : vector<16xi32>
      %bitcast_convert_type3A_1683 = tpu.bitcast %and3A_1682 : vector<16xi32> -> vector<16xf32>
      %bitcast_convert_type3A_1684 = tpu.bitcast %gather3A_1648 : vector<16xf32> -> vector<16xi32>
      %add3A_1685 = arith.constant 32767 : i32
      %add3A_1686 = vector.broadcast %add3A_1685 : i32 to vector<16xi32>
      %add3A_1687 = arith.addi %bitcast_convert_type3A_1684, %add3A_1686 : vector<16xi32>
      %shift_right_arithmetic3A_1688 = arith.constant 16 : i32
      %shift_right_arithmetic3A_1689 = vector.broadcast %shift_right_arithmetic3A_1688 : i32 to vector<16xi32>
      %shift_right_arithmetic3A_1690 = arith.shrsi %bitcast_convert_type3A_1684, %shift_right_arithmetic3A_1689 : vector<16xi32>
      %and3A_1691 = arith.constant 1 : i32
      %and3A_1692 = vector.broadcast %and3A_1691 : i32 to vector<16xi32>
      %and3A_1693 = arith.andi %shift_right_arithmetic3A_1690, %and3A_1692 : vector<16xi32>
      %add3A_1694 = arith.addi %add3A_1687, %and3A_1693 : vector<16xi32>
      %and3A_1695 = arith.constant -65536 : i32
      %and3A_1696 = vector.broadcast %and3A_1695 : i32 to vector<16xi32>
      %and3A_1697 = arith.andi %add3A_1694, %and3A_1696 : vector<16xi32>
      %bitcast_convert_type3A_1698 = tpu.bitcast %and3A_1697 : vector<16xi32> -> vector<16xf32>
      %mul3A_1699 = arith.constant 16 : i32
      %mul3A_1700 = arith.muli %scan3A_78, %mul3A_1699 : i32
      %add3A_1701 = arith.addi %add3A_34, %mul3A_1700 : i32
      %add3A_1702 = arith.constant 11 : i32
      %add3A_1703 = arith.addi %add3A_1701, %add3A_1702 : i32
      %convert_element_type3A_1704 = arith.sitofp %add3A_1703 : i32 to f32
      %broadcast_in_dim3A_1705 = vector.broadcast %convert_element_type3A_1704 : f32 to vector<16xf32>
      %scan3A_1706 = arith.constant 0 : i32
      %scan3A_1707 = arith.constant 256 : i32
      %scan3A_1708 = arith.addi %scan3A_1706, %scan3A_1707 : i32
      %scan3A_1709 = arith.constant 1 : i32
      %scan3A_1710:2 = scf.for %scan3A_2345 = %scan3A_1706 to %scan3A_1708 step %scan3A_1709 iter_args(%scan3A_2346 = %broadcast_in_dim3A_56, %scan3A_2347 = %broadcast_in_dim3A_56) -> (vector<16xf32>, vector<16xf32>)  : i32 {
        %mul3A_2348 = arith.constant 16 : i32
        %mul3A_2349 = arith.muli %scan3A_2345, %mul3A_2348 : i32
        %mul3A_2350 = arith.constant 16 : i32
        %mul3A_2351 = arith.muli %scan3A_2345, %mul3A_2350 : i32
        %add3A_2352 = arith.constant 0 : i32
        %add3A_2353 = arith.addi %add3A_2352, %mul3A_2351 : i32
        %get3A_2354 = arith.index_cast %add3A_2353 : i32 to index
        %get3A_2355 = tpu.vector_load %arg10[%get3A_2354] {strides = array<i32>} : memref<12288xf32, #tpu.memory_space<vmem>>, vector<16xf32>,
        %get3A_2356 = vector.shape_cast %get3A_2355 : vector<16xf32> to vector<16xf32>
        %mul3A_2357 = arith.constant 16 : i32
        %mul3A_2358 = arith.muli %scan3A_2345, %mul3A_2357 : i32
        %add3A_2359 = arith.constant 4096 : i32
        %add3A_2360 = arith.addi %add3A_2359, %mul3A_2358 : i32
        %get3A_2361 = arith.index_cast %add3A_2360 : i32 to index
        %get3A_2362 = tpu.vector_load %arg10[%get3A_2361] {strides = array<i32>} : memref<12288xf32, #tpu.memory_space<vmem>>, vector<16xf32>,
        %get3A_2363 = vector.shape_cast %get3A_2362 : vector<16xf32> to vector<16xf32>
        %mul3A_2364 = arith.constant 16 : i32
        %mul3A_2365 = arith.muli %scan3A_2345, %mul3A_2364 : i32
        %add3A_2366 = arith.constant 8192 : i32
        %add3A_2367 = arith.addi %add3A_2366, %mul3A_2365 : i32
        %get3A_2368 = arith.index_cast %add3A_2367 : i32 to index
        %get3A_2369 = tpu.vector_load %arg10[%get3A_2368] {strides = array<i32>} : memref<12288xf32, #tpu.memory_space<vmem>>, vector<16xf32>,
        %get3A_2370 = vector.shape_cast %get3A_2369 : vector<16xf32> to vector<16xf32>
        %mul3A_2371 = arith.mulf %bitcast_convert_type3A_1668, %get3A_2356 : vector<16xf32>
        %mul3A_2372 = arith.mulf %bitcast_convert_type3A_1683, %get3A_2363 : vector<16xf32>
        %add3A_2373 = arith.addf %mul3A_2371, %mul3A_2372 : vector<16xf32>
        %mul3A_2374 = arith.mulf %bitcast_convert_type3A_1698, %get3A_2370 : vector<16xf32>
        %add3A_2375 = arith.addf %add3A_2373, %mul3A_2374 : vector<16xf32>
        %get3A_2376 = arith.index_cast %mul3A_2349 : i32 to index
        %get3A_2377 = tpu.vector_load %arg11[%get3A_2376] {strides = array<i32>} : memref<4096xf32, #tpu.memory_space<vmem>>, vector<16xf32>,
        %get3A_2378 = vector.shape_cast %get3A_2377 : vector<16xf32> to vector<16xf32>
        %add3A_2379 = arith.addf %add3A_1653, %get3A_2378 : vector<16xf32>
        %mul3A_2380 = arith.constant 2.000000e+00 : f32
        %mul3A_2381 = vector.broadcast %mul3A_2380 : f32 to vector<16xf32>
        %mul3A_2382 = arith.mulf %mul3A_2381, %add3A_2375 : vector<16xf32>
        %sub3A_2383 = arith.subf %add3A_2379, %mul3A_2382 : vector<16xf32>
        %max3A = arith.constant 0.000000e+00 : f32
        %max3A_2384 = vector.broadcast %max3A : f32 to vector<16xf32>
        %max3A_2385 = arith.maximumf %sub3A_2383, %max3A_2384 : vector<16xf32>
        %mul3A_2386 = arith.constant 16 : i32
        %mul3A_2387 = arith.muli %scan3A_2345, %mul3A_2386 : i32
        %convert_element_type3A_2388 = arith.sitofp %mul3A_2387 : i32 to f32
        %add3A_2389 = vector.broadcast %convert_element_type3A_2388 : f32 to vector<16xf32>
        %add3A_2390 = arith.addf %convert_element_type3A, %add3A_2389 : vector<16xf32>
        %lt3A_2391 = arith.cmpf olt, %max3A_2385, %scan3A_2346 : vector<16xf32>
        %select_n3A_2392 = arith.select %lt3A_2391, %max3A_2385, %scan3A_2346 : vector<16xi1>, vector<16xf32>
        %select_n3A_2393 = arith.select %lt3A_2391, %add3A_2390, %scan3A_2347 : vector<16xi1>, vector<16xf32>
        %get3A_2394 = arith.index_cast %mul3A_2349 : i32 to index
        %get3A_2395 = tpu.vector_load %arg12[%get3A_2394] {strides = array<i32>} : memref<4096xf32, #tpu.memory_space<vmem>>, vector<16xf32>,
        %get3A_2396 = vector.shape_cast %get3A_2395 : vector<16xf32> to vector<16xf32>
        %get3A_2397 = arith.index_cast %mul3A_2349 : i32 to index
        %get3A_2398 = tpu.vector_load %arg13[%get3A_2397] {strides = array<i32>} : memref<4096xf32, #tpu.memory_space<vmem>>, vector<16xf32>,
        %get3A_2399 = vector.shape_cast %get3A_2398 : vector<16xf32> to vector<16xf32>
        %lt3A_2400 = arith.cmpf olt, %max3A_2385, %get3A_2396 : vector<16xf32>
        %select_n3A_2401 = arith.select %lt3A_2400, %max3A_2385, %get3A_2396 : vector<16xi1>, vector<16xf32>
        %swap3A_2402 = arith.index_cast %mul3A_2349 : i32 to index
        %swap3A_2403 = tpu.vector_load %arg12[%swap3A_2402] {strides = array<i32>} : memref<4096xf32, #tpu.memory_space<vmem>>, vector<16xf32>,
        %swap3A_2404 = vector.shape_cast %swap3A_2403 : vector<16xf32> to vector<16xf32>
        %swap3A_2405 = vector.shape_cast %select_n3A_2401 : vector<16xf32> to vector<16xf32>
        tpu.vector_store %arg12[%swap3A_2402], %swap3A_2405 {strides = array<i32>} : memref<4096xf32, #tpu.memory_space<vmem>>, vector<16xf32>,
        %select_n3A_2406 = arith.select %lt3A_2400, %broadcast_in_dim3A_1705, %get3A_2399 : vector<16xi1>, vector<16xf32>
        %swap3A_2407 = arith.index_cast %mul3A_2349 : i32 to index
        %swap3A_2408 = tpu.vector_load %arg13[%swap3A_2407] {strides = array<i32>} : memref<4096xf32, #tpu.memory_space<vmem>>, vector<16xf32>,
        %swap3A_2409 = vector.shape_cast %swap3A_2408 : vector<16xf32> to vector<16xf32>
        %swap3A_2410 = vector.shape_cast %select_n3A_2406 : vector<16xf32> to vector<16xf32>
        tpu.vector_store %arg13[%swap3A_2407], %swap3A_2410 {strides = array<i32>} : memref<4096xf32, #tpu.memory_space<vmem>>, vector<16xf32>,
        scf.yield %select_n3A_2392, %select_n3A_2393 : vector<16xf32>, vector<16xf32>
      }
      %scan3A_1711 = arith.constant 256 : i32
      %xor3A_1712 = arith.constant 8 : i32
      %xor3A_1713 = vector.broadcast %xor3A_1712 : i32 to vector<16xi32>
      %xor3A_1714 = arith.xori %iota3A, %xor3A_1713 : vector<16xi32>
      %broadcast_in_dim3A_1715 = vector.shape_cast %xor3A_1714 : vector<16xi32> to vector<16x1xi32>
      %gather3A_1716 = vector.shape_cast %broadcast_in_dim3A_1715 : vector<16x1xi32> to vector<16xi32>
      %gather3A_1717 = tpu.dynamic_gather %scan3A_1710#0[%gather3A_1716] in [0] : vector<16xf32>, vector<16xi32> -> vector<16xf32>
      %gather3A_1718 = vector.shape_cast %broadcast_in_dim3A_1715 : vector<16x1xi32> to vector<16xi32>
      %gather3A_1719 = tpu.dynamic_gather %scan3A_1710#1[%gather3A_1718] in [0] : vector<16xf32>, vector<16xi32> -> vector<16xf32>
      %lt3A_1720 = arith.cmpf olt, %gather3A_1717, %scan3A_1710#0 : vector<16xf32>
      %eq3A_1721 = arith.cmpf oeq, %gather3A_1717, %scan3A_1710#0 : vector<16xf32>
      %lt3A_1722 = arith.cmpf olt, %gather3A_1719, %scan3A_1710#1 : vector<16xf32>
      %and3A_1723 = arith.andi %eq3A_1721, %lt3A_1722 : vector<16xi1>
      %or3A_1724 = arith.ori %lt3A_1720, %and3A_1723 : vector<16xi1>
      %select_n3A_1725 = arith.select %or3A_1724, %gather3A_1717, %scan3A_1710#0 : vector<16xi1>, vector<16xf32>
      %select_n3A_1726 = arith.select %or3A_1724, %gather3A_1719, %scan3A_1710#1 : vector<16xi1>, vector<16xf32>
      %xor3A_1727 = arith.constant 4 : i32
      %xor3A_1728 = vector.broadcast %xor3A_1727 : i32 to vector<16xi32>
      %xor3A_1729 = arith.xori %iota3A, %xor3A_1728 : vector<16xi32>
      %broadcast_in_dim3A_1730 = vector.shape_cast %xor3A_1729 : vector<16xi32> to vector<16x1xi32>
      %gather3A_1731 = vector.shape_cast %broadcast_in_dim3A_1730 : vector<16x1xi32> to vector<16xi32>
      %gather3A_1732 = tpu.dynamic_gather %select_n3A_1725[%gather3A_1731] in [0] : vector<16xf32>, vector<16xi32> -> vector<16xf32>
      %gather3A_1733 = vector.shape_cast %broadcast_in_dim3A_1730 : vector<16x1xi32> to vector<16xi32>
      %gather3A_1734 = tpu.dynamic_gather %select_n3A_1726[%gather3A_1733] in [0] : vector<16xf32>, vector<16xi32> -> vector<16xf32>
      %lt3A_1735 = arith.cmpf olt, %gather3A_1732, %select_n3A_1725 : vector<16xf32>
      %eq3A_1736 = arith.cmpf oeq, %gather3A_1732, %select_n3A_1725 : vector<16xf32>
      %lt3A_1737 = arith.cmpf olt, %gather3A_1734, %select_n3A_1726 : vector<16xf32>
      %and3A_1738 = arith.andi %eq3A_1736, %lt3A_1737 : vector<16xi1>
      %or3A_1739 = arith.ori %lt3A_1735, %and3A_1738 : vector<16xi1>
      %select_n3A_1740 = arith.select %or3A_1739, %gather3A_1732, %select_n3A_1725 : vector<16xi1>, vector<16xf32>
      %select_n3A_1741 = arith.select %or3A_1739, %gather3A_1734, %select_n3A_1726 : vector<16xi1>, vector<16xf32>
      %xor3A_1742 = arith.constant 2 : i32
      %xor3A_1743 = vector.broadcast %xor3A_1742 : i32 to vector<16xi32>
      %xor3A_1744 = arith.xori %iota3A, %xor3A_1743 : vector<16xi32>
      %broadcast_in_dim3A_1745 = vector.shape_cast %xor3A_1744 : vector<16xi32> to vector<16x1xi32>
      %gather3A_1746 = vector.shape_cast %broadcast_in_dim3A_1745 : vector<16x1xi32> to vector<16xi32>
      %gather3A_1747 = tpu.dynamic_gather %select_n3A_1740[%gather3A_1746] in [0] : vector<16xf32>, vector<16xi32> -> vector<16xf32>
      %gather3A_1748 = vector.shape_cast %broadcast_in_dim3A_1745 : vector<16x1xi32> to vector<16xi32>
      %gather3A_1749 = tpu.dynamic_gather %select_n3A_1741[%gather3A_1748] in [0] : vector<16xf32>, vector<16xi32> -> vector<16xf32>
      %lt3A_1750 = arith.cmpf olt, %gather3A_1747, %select_n3A_1740 : vector<16xf32>
      %eq3A_1751 = arith.cmpf oeq, %gather3A_1747, %select_n3A_1740 : vector<16xf32>
      %lt3A_1752 = arith.cmpf olt, %gather3A_1749, %select_n3A_1741 : vector<16xf32>
      %and3A_1753 = arith.andi %eq3A_1751, %lt3A_1752 : vector<16xi1>
      %or3A_1754 = arith.ori %lt3A_1750, %and3A_1753 : vector<16xi1>
      %select_n3A_1755 = arith.select %or3A_1754, %gather3A_1747, %select_n3A_1740 : vector<16xi1>, vector<16xf32>
      %select_n3A_1756 = arith.select %or3A_1754, %gather3A_1749, %select_n3A_1741 : vector<16xi1>, vector<16xf32>
      %xor3A_1757 = arith.constant 1 : i32
      %xor3A_1758 = vector.broadcast %xor3A_1757 : i32 to vector<16xi32>
      %xor3A_1759 = arith.xori %iota3A, %xor3A_1758 : vector<16xi32>
      %broadcast_in_dim3A_1760 = vector.shape_cast %xor3A_1759 : vector<16xi32> to vector<16x1xi32>
      %gather3A_1761 = vector.shape_cast %broadcast_in_dim3A_1760 : vector<16x1xi32> to vector<16xi32>
      %gather3A_1762 = tpu.dynamic_gather %select_n3A_1755[%gather3A_1761] in [0] : vector<16xf32>, vector<16xi32> -> vector<16xf32>
      %gather3A_1763 = vector.shape_cast %broadcast_in_dim3A_1760 : vector<16x1xi32> to vector<16xi32>
      %gather3A_1764 = tpu.dynamic_gather %select_n3A_1756[%gather3A_1763] in [0] : vector<16xf32>, vector<16xi32> -> vector<16xf32>
      %lt3A_1765 = arith.cmpf olt, %gather3A_1762, %select_n3A_1755 : vector<16xf32>
      %eq3A_1766 = arith.cmpf oeq, %gather3A_1762, %select_n3A_1755 : vector<16xf32>
      %lt3A_1767 = arith.cmpf olt, %gather3A_1764, %select_n3A_1756 : vector<16xf32>
      %and3A_1768 = arith.andi %eq3A_1766, %lt3A_1767 : vector<16xi1>
      %or3A_1769 = arith.ori %lt3A_1765, %and3A_1768 : vector<16xi1>
      %select_n3A_1770 = arith.select %or3A_1769, %gather3A_1762, %select_n3A_1755 : vector<16xi1>, vector<16xf32>
      %select_n3A_1771 = arith.select %or3A_1769, %gather3A_1764, %select_n3A_1756 : vector<16xi1>, vector<16xf32>
      %eq3A_1772 = arith.constant 11 : i32
      %eq3A_1773 = vector.broadcast %eq3A_1772 : i32 to vector<16xi32>
      %eq3A_1774 = arith.cmpi eq, %iota3A, %eq3A_1773 : vector<16xi32>
      %select_n3A_1775 = arith.select %eq3A_1774, %select_n3A_1770, %select_n3A_1635 : vector<16xi1>, vector<16xf32>
      %select_n3A_1776 = arith.select %eq3A_1774, %select_n3A_1771, %select_n3A_1636 : vector<16xi1>, vector<16xf32>
      %broadcast_in_dim3A_1777 = arith.constant 12 : i32
      %broadcast_in_dim3A_1778 = vector.broadcast %broadcast_in_dim3A_1777 : i32 to vector<16x1xi32>
      %gather3A_1779 = vector.shape_cast %broadcast_in_dim3A_1778 : vector<16x1xi32> to vector<16xi32>
      %gather3A_1780 = tpu.dynamic_gather %get3A_87[%gather3A_1779] in [0] : vector<16xf32>, vector<16xi32> -> vector<16xf32>
      %broadcast_in_dim3A_1781 = arith.constant 12 : i32
      %broadcast_in_dim3A_1782 = vector.broadcast %broadcast_in_dim3A_1781 : i32 to vector<16x1xi32>
      %gather3A_1783 = vector.shape_cast %broadcast_in_dim3A_1782 : vector<16x1xi32> to vector<16xi32>
      %gather3A_1784 = tpu.dynamic_gather %get3A_94[%gather3A_1783] in [0] : vector<16xf32>, vector<16xi32> -> vector<16xf32>
      %broadcast_in_dim3A_1785 = arith.constant 12 : i32
      %broadcast_in_dim3A_1786 = vector.broadcast %broadcast_in_dim3A_1785 : i32 to vector<16x1xi32>
      %gather3A_1787 = vector.shape_cast %broadcast_in_dim3A_1786 : vector<16x1xi32> to vector<16xi32>
      %gather3A_1788 = tpu.dynamic_gather %get3A_101[%gather3A_1787] in [0] : vector<16xf32>, vector<16xi32> -> vector<16xf32>
      %mul3A_1789 = arith.mulf %gather3A_1780, %gather3A_1780 : vector<16xf32>
      %mul3A_1790 = arith.mulf %gather3A_1784, %gather3A_1784 : vector<16xf32>
      %add3A_1791 = arith.addf %mul3A_1789, %mul3A_1790 : vector<16xf32>
      %mul3A_1792 = arith.mulf %gather3A_1788, %gather3A_1788 : vector<16xf32>
      %add3A_1793 = arith.addf %add3A_1791, %mul3A_1792 : vector<16xf32>
      %bitcast_convert_type3A_1794 = tpu.bitcast %gather3A_1780 : vector<16xf32> -> vector<16xi32>
      %add3A_1795 = arith.constant 32767 : i32
      %add3A_1796 = vector.broadcast %add3A_1795 : i32 to vector<16xi32>
      %add3A_1797 = arith.addi %bitcast_convert_type3A_1794, %add3A_1796 : vector<16xi32>
      %shift_right_arithmetic3A_1798 = arith.constant 16 : i32
      %shift_right_arithmetic3A_1799 = vector.broadcast %shift_right_arithmetic3A_1798 : i32 to vector<16xi32>
      %shift_right_arithmetic3A_1800 = arith.shrsi %bitcast_convert_type3A_1794, %shift_right_arithmetic3A_1799 : vector<16xi32>
      %and3A_1801 = arith.constant 1 : i32
      %and3A_1802 = vector.broadcast %and3A_1801 : i32 to vector<16xi32>
      %and3A_1803 = arith.andi %shift_right_arithmetic3A_1800, %and3A_1802 : vector<16xi32>
      %add3A_1804 = arith.addi %add3A_1797, %and3A_1803 : vector<16xi32>
      %and3A_1805 = arith.constant -65536 : i32
      %and3A_1806 = vector.broadcast %and3A_1805 : i32 to vector<16xi32>
      %and3A_1807 = arith.andi %add3A_1804, %and3A_1806 : vector<16xi32>
      %bitcast_convert_type3A_1808 = tpu.bitcast %and3A_1807 : vector<16xi32> -> vector<16xf32>
      %bitcast_convert_type3A_1809 = tpu.bitcast %gather3A_1784 : vector<16xf32> -> vector<16xi32>
      %add3A_1810 = arith.constant 32767 : i32
      %add3A_1811 = vector.broadcast %add3A_1810 : i32 to vector<16xi32>
      %add3A_1812 = arith.addi %bitcast_convert_type3A_1809, %add3A_1811 : vector<16xi32>
      %shift_right_arithmetic3A_1813 = arith.constant 16 : i32
      %shift_right_arithmetic3A_1814 = vector.broadcast %shift_right_arithmetic3A_1813 : i32 to vector<16xi32>
      %shift_right_arithmetic3A_1815 = arith.shrsi %bitcast_convert_type3A_1809, %shift_right_arithmetic3A_1814 : vector<16xi32>
      %and3A_1816 = arith.constant 1 : i32
      %and3A_1817 = vector.broadcast %and3A_1816 : i32 to vector<16xi32>
      %and3A_1818 = arith.andi %shift_right_arithmetic3A_1815, %and3A_1817 : vector<16xi32>
      %add3A_1819 = arith.addi %add3A_1812, %and3A_1818 : vector<16xi32>
      %and3A_1820 = arith.constant -65536 : i32
      %and3A_1821 = vector.broadcast %and3A_1820 : i32 to vector<16xi32>
      %and3A_1822 = arith.andi %add3A_1819, %and3A_1821 : vector<16xi32>
      %bitcast_convert_type3A_1823 = tpu.bitcast %and3A_1822 : vector<16xi32> -> vector<16xf32>
      %bitcast_convert_type3A_1824 = tpu.bitcast %gather3A_1788 : vector<16xf32> -> vector<16xi32>
      %add3A_1825 = arith.constant 32767 : i32
      %add3A_1826 = vector.broadcast %add3A_1825 : i32 to vector<16xi32>
      %add3A_1827 = arith.addi %bitcast_convert_type3A_1824, %add3A_1826 : vector<16xi32>
      %shift_right_arithmetic3A_1828 = arith.constant 16 : i32
      %shift_right_arithmetic3A_1829 = vector.broadcast %shift_right_arithmetic3A_1828 : i32 to vector<16xi32>
      %shift_right_arithmetic3A_1830 = arith.shrsi %bitcast_convert_type3A_1824, %shift_right_arithmetic3A_1829 : vector<16xi32>
      %and3A_1831 = arith.constant 1 : i32
      %and3A_1832 = vector.broadcast %and3A_1831 : i32 to vector<16xi32>
      %and3A_1833 = arith.andi %shift_right_arithmetic3A_1830, %and3A_1832 : vector<16xi32>
      %add3A_1834 = arith.addi %add3A_1827, %and3A_1833 : vector<16xi32>
      %and3A_1835 = arith.constant -65536 : i32
      %and3A_1836 = vector.broadcast %and3A_1835 : i32 to vector<16xi32>
      %and3A_1837 = arith.andi %add3A_1834, %and3A_1836 : vector<16xi32>
      %bitcast_convert_type3A_1838 = tpu.bitcast %and3A_1837 : vector<16xi32> -> vector<16xf32>
      %mul3A_1839 = arith.constant 16 : i32
      %mul3A_1840 = arith.muli %scan3A_78, %mul3A_1839 : i32
      %add3A_1841 = arith.addi %add3A_34, %mul3A_1840 : i32
      %add3A_1842 = arith.constant 12 : i32
      %add3A_1843 = arith.addi %add3A_1841, %add3A_1842 : i32
      %convert_element_type3A_1844 = arith.sitofp %add3A_1843 : i32 to f32
      %broadcast_in_dim3A_1845 = vector.broadcast %convert_element_type3A_1844 : f32 to vector<16xf32>
      %scan3A_1846 = arith.constant 0 : i32
      %scan3A_1847 = arith.constant 256 : i32
      %scan3A_1848 = arith.addi %scan3A_1846, %scan3A_1847 : i32
      %scan3A_1849 = arith.constant 1 : i32
      %scan3A_1850:2 = scf.for %scan3A_2345 = %scan3A_1846 to %scan3A_1848 step %scan3A_1849 iter_args(%scan3A_2346 = %broadcast_in_dim3A_56, %scan3A_2347 = %broadcast_in_dim3A_56) -> (vector<16xf32>, vector<16xf32>)  : i32 {
        %mul3A_2348 = arith.constant 16 : i32
        %mul3A_2349 = arith.muli %scan3A_2345, %mul3A_2348 : i32
        %mul3A_2350 = arith.constant 16 : i32
        %mul3A_2351 = arith.muli %scan3A_2345, %mul3A_2350 : i32
        %add3A_2352 = arith.constant 0 : i32
        %add3A_2353 = arith.addi %add3A_2352, %mul3A_2351 : i32
        %get3A_2354 = arith.index_cast %add3A_2353 : i32 to index
        %get3A_2355 = tpu.vector_load %arg10[%get3A_2354] {strides = array<i32>} : memref<12288xf32, #tpu.memory_space<vmem>>, vector<16xf32>,
        %get3A_2356 = vector.shape_cast %get3A_2355 : vector<16xf32> to vector<16xf32>
        %mul3A_2357 = arith.constant 16 : i32
        %mul3A_2358 = arith.muli %scan3A_2345, %mul3A_2357 : i32
        %add3A_2359 = arith.constant 4096 : i32
        %add3A_2360 = arith.addi %add3A_2359, %mul3A_2358 : i32
        %get3A_2361 = arith.index_cast %add3A_2360 : i32 to index
        %get3A_2362 = tpu.vector_load %arg10[%get3A_2361] {strides = array<i32>} : memref<12288xf32, #tpu.memory_space<vmem>>, vector<16xf32>,
        %get3A_2363 = vector.shape_cast %get3A_2362 : vector<16xf32> to vector<16xf32>
        %mul3A_2364 = arith.constant 16 : i32
        %mul3A_2365 = arith.muli %scan3A_2345, %mul3A_2364 : i32
        %add3A_2366 = arith.constant 8192 : i32
        %add3A_2367 = arith.addi %add3A_2366, %mul3A_2365 : i32
        %get3A_2368 = arith.index_cast %add3A_2367 : i32 to index
        %get3A_2369 = tpu.vector_load %arg10[%get3A_2368] {strides = array<i32>} : memref<12288xf32, #tpu.memory_space<vmem>>, vector<16xf32>,
        %get3A_2370 = vector.shape_cast %get3A_2369 : vector<16xf32> to vector<16xf32>
        %mul3A_2371 = arith.mulf %bitcast_convert_type3A_1808, %get3A_2356 : vector<16xf32>
        %mul3A_2372 = arith.mulf %bitcast_convert_type3A_1823, %get3A_2363 : vector<16xf32>
        %add3A_2373 = arith.addf %mul3A_2371, %mul3A_2372 : vector<16xf32>
        %mul3A_2374 = arith.mulf %bitcast_convert_type3A_1838, %get3A_2370 : vector<16xf32>
        %add3A_2375 = arith.addf %add3A_2373, %mul3A_2374 : vector<16xf32>
        %get3A_2376 = arith.index_cast %mul3A_2349 : i32 to index
        %get3A_2377 = tpu.vector_load %arg11[%get3A_2376] {strides = array<i32>} : memref<4096xf32, #tpu.memory_space<vmem>>, vector<16xf32>,
        %get3A_2378 = vector.shape_cast %get3A_2377 : vector<16xf32> to vector<16xf32>
        %add3A_2379 = arith.addf %add3A_1793, %get3A_2378 : vector<16xf32>
        %mul3A_2380 = arith.constant 2.000000e+00 : f32
        %mul3A_2381 = vector.broadcast %mul3A_2380 : f32 to vector<16xf32>
        %mul3A_2382 = arith.mulf %mul3A_2381, %add3A_2375 : vector<16xf32>
        %sub3A_2383 = arith.subf %add3A_2379, %mul3A_2382 : vector<16xf32>
        %max3A = arith.constant 0.000000e+00 : f32
        %max3A_2384 = vector.broadcast %max3A : f32 to vector<16xf32>
        %max3A_2385 = arith.maximumf %sub3A_2383, %max3A_2384 : vector<16xf32>
        %mul3A_2386 = arith.constant 16 : i32
        %mul3A_2387 = arith.muli %scan3A_2345, %mul3A_2386 : i32
        %convert_element_type3A_2388 = arith.sitofp %mul3A_2387 : i32 to f32
        %add3A_2389 = vector.broadcast %convert_element_type3A_2388 : f32 to vector<16xf32>
        %add3A_2390 = arith.addf %convert_element_type3A, %add3A_2389 : vector<16xf32>
        %lt3A_2391 = arith.cmpf olt, %max3A_2385, %scan3A_2346 : vector<16xf32>
        %select_n3A_2392 = arith.select %lt3A_2391, %max3A_2385, %scan3A_2346 : vector<16xi1>, vector<16xf32>
        %select_n3A_2393 = arith.select %lt3A_2391, %add3A_2390, %scan3A_2347 : vector<16xi1>, vector<16xf32>
        %get3A_2394 = arith.index_cast %mul3A_2349 : i32 to index
        %get3A_2395 = tpu.vector_load %arg12[%get3A_2394] {strides = array<i32>} : memref<4096xf32, #tpu.memory_space<vmem>>, vector<16xf32>,
        %get3A_2396 = vector.shape_cast %get3A_2395 : vector<16xf32> to vector<16xf32>
        %get3A_2397 = arith.index_cast %mul3A_2349 : i32 to index
        %get3A_2398 = tpu.vector_load %arg13[%get3A_2397] {strides = array<i32>} : memref<4096xf32, #tpu.memory_space<vmem>>, vector<16xf32>,
        %get3A_2399 = vector.shape_cast %get3A_2398 : vector<16xf32> to vector<16xf32>
        %lt3A_2400 = arith.cmpf olt, %max3A_2385, %get3A_2396 : vector<16xf32>
        %select_n3A_2401 = arith.select %lt3A_2400, %max3A_2385, %get3A_2396 : vector<16xi1>, vector<16xf32>
        %swap3A_2402 = arith.index_cast %mul3A_2349 : i32 to index
        %swap3A_2403 = tpu.vector_load %arg12[%swap3A_2402] {strides = array<i32>} : memref<4096xf32, #tpu.memory_space<vmem>>, vector<16xf32>,
        %swap3A_2404 = vector.shape_cast %swap3A_2403 : vector<16xf32> to vector<16xf32>
        %swap3A_2405 = vector.shape_cast %select_n3A_2401 : vector<16xf32> to vector<16xf32>
        tpu.vector_store %arg12[%swap3A_2402], %swap3A_2405 {strides = array<i32>} : memref<4096xf32, #tpu.memory_space<vmem>>, vector<16xf32>,
        %select_n3A_2406 = arith.select %lt3A_2400, %broadcast_in_dim3A_1845, %get3A_2399 : vector<16xi1>, vector<16xf32>
        %swap3A_2407 = arith.index_cast %mul3A_2349 : i32 to index
        %swap3A_2408 = tpu.vector_load %arg13[%swap3A_2407] {strides = array<i32>} : memref<4096xf32, #tpu.memory_space<vmem>>, vector<16xf32>,
        %swap3A_2409 = vector.shape_cast %swap3A_2408 : vector<16xf32> to vector<16xf32>
        %swap3A_2410 = vector.shape_cast %select_n3A_2406 : vector<16xf32> to vector<16xf32>
        tpu.vector_store %arg13[%swap3A_2407], %swap3A_2410 {strides = array<i32>} : memref<4096xf32, #tpu.memory_space<vmem>>, vector<16xf32>,
        scf.yield %select_n3A_2392, %select_n3A_2393 : vector<16xf32>, vector<16xf32>
      }
      %scan3A_1851 = arith.constant 256 : i32
      %xor3A_1852 = arith.constant 8 : i32
      %xor3A_1853 = vector.broadcast %xor3A_1852 : i32 to vector<16xi32>
      %xor3A_1854 = arith.xori %iota3A, %xor3A_1853 : vector<16xi32>
      %broadcast_in_dim3A_1855 = vector.shape_cast %xor3A_1854 : vector<16xi32> to vector<16x1xi32>
      %gather3A_1856 = vector.shape_cast %broadcast_in_dim3A_1855 : vector<16x1xi32> to vector<16xi32>
      %gather3A_1857 = tpu.dynamic_gather %scan3A_1850#0[%gather3A_1856] in [0] : vector<16xf32>, vector<16xi32> -> vector<16xf32>
      %gather3A_1858 = vector.shape_cast %broadcast_in_dim3A_1855 : vector<16x1xi32> to vector<16xi32>
      %gather3A_1859 = tpu.dynamic_gather %scan3A_1850#1[%gather3A_1858] in [0] : vector<16xf32>, vector<16xi32> -> vector<16xf32>
      %lt3A_1860 = arith.cmpf olt, %gather3A_1857, %scan3A_1850#0 : vector<16xf32>
      %eq3A_1861 = arith.cmpf oeq, %gather3A_1857, %scan3A_1850#0 : vector<16xf32>
      %lt3A_1862 = arith.cmpf olt, %gather3A_1859, %scan3A_1850#1 : vector<16xf32>
      %and3A_1863 = arith.andi %eq3A_1861, %lt3A_1862 : vector<16xi1>
      %or3A_1864 = arith.ori %lt3A_1860, %and3A_1863 : vector<16xi1>
      %select_n3A_1865 = arith.select %or3A_1864, %gather3A_1857, %scan3A_1850#0 : vector<16xi1>, vector<16xf32>
      %select_n3A_1866 = arith.select %or3A_1864, %gather3A_1859, %scan3A_1850#1 : vector<16xi1>, vector<16xf32>
      %xor3A_1867 = arith.constant 4 : i32
      %xor3A_1868 = vector.broadcast %xor3A_1867 : i32 to vector<16xi32>
      %xor3A_1869 = arith.xori %iota3A, %xor3A_1868 : vector<16xi32>
      %broadcast_in_dim3A_1870 = vector.shape_cast %xor3A_1869 : vector<16xi32> to vector<16x1xi32>
      %gather3A_1871 = vector.shape_cast %broadcast_in_dim3A_1870 : vector<16x1xi32> to vector<16xi32>
      %gather3A_1872 = tpu.dynamic_gather %select_n3A_1865[%gather3A_1871] in [0] : vector<16xf32>, vector<16xi32> -> vector<16xf32>
      %gather3A_1873 = vector.shape_cast %broadcast_in_dim3A_1870 : vector<16x1xi32> to vector<16xi32>
      %gather3A_1874 = tpu.dynamic_gather %select_n3A_1866[%gather3A_1873] in [0] : vector<16xf32>, vector<16xi32> -> vector<16xf32>
      %lt3A_1875 = arith.cmpf olt, %gather3A_1872, %select_n3A_1865 : vector<16xf32>
      %eq3A_1876 = arith.cmpf oeq, %gather3A_1872, %select_n3A_1865 : vector<16xf32>
      %lt3A_1877 = arith.cmpf olt, %gather3A_1874, %select_n3A_1866 : vector<16xf32>
      %and3A_1878 = arith.andi %eq3A_1876, %lt3A_1877 : vector<16xi1>
      %or3A_1879 = arith.ori %lt3A_1875, %and3A_1878 : vector<16xi1>
      %select_n3A_1880 = arith.select %or3A_1879, %gather3A_1872, %select_n3A_1865 : vector<16xi1>, vector<16xf32>
      %select_n3A_1881 = arith.select %or3A_1879, %gather3A_1874, %select_n3A_1866 : vector<16xi1>, vector<16xf32>
      %xor3A_1882 = arith.constant 2 : i32
      %xor3A_1883 = vector.broadcast %xor3A_1882 : i32 to vector<16xi32>
      %xor3A_1884 = arith.xori %iota3A, %xor3A_1883 : vector<16xi32>
      %broadcast_in_dim3A_1885 = vector.shape_cast %xor3A_1884 : vector<16xi32> to vector<16x1xi32>
      %gather3A_1886 = vector.shape_cast %broadcast_in_dim3A_1885 : vector<16x1xi32> to vector<16xi32>
      %gather3A_1887 = tpu.dynamic_gather %select_n3A_1880[%gather3A_1886] in [0] : vector<16xf32>, vector<16xi32> -> vector<16xf32>
      %gather3A_1888 = vector.shape_cast %broadcast_in_dim3A_1885 : vector<16x1xi32> to vector<16xi32>
      %gather3A_1889 = tpu.dynamic_gather %select_n3A_1881[%gather3A_1888] in [0] : vector<16xf32>, vector<16xi32> -> vector<16xf32>
      %lt3A_1890 = arith.cmpf olt, %gather3A_1887, %select_n3A_1880 : vector<16xf32>
      %eq3A_1891 = arith.cmpf oeq, %gather3A_1887, %select_n3A_1880 : vector<16xf32>
      %lt3A_1892 = arith.cmpf olt, %gather3A_1889, %select_n3A_1881 : vector<16xf32>
      %and3A_1893 = arith.andi %eq3A_1891, %lt3A_1892 : vector<16xi1>
      %or3A_1894 = arith.ori %lt3A_1890, %and3A_1893 : vector<16xi1>
      %select_n3A_1895 = arith.select %or3A_1894, %gather3A_1887, %select_n3A_1880 : vector<16xi1>, vector<16xf32>
      %select_n3A_1896 = arith.select %or3A_1894, %gather3A_1889, %select_n3A_1881 : vector<16xi1>, vector<16xf32>
      %xor3A_1897 = arith.constant 1 : i32
      %xor3A_1898 = vector.broadcast %xor3A_1897 : i32 to vector<16xi32>
      %xor3A_1899 = arith.xori %iota3A, %xor3A_1898 : vector<16xi32>
      %broadcast_in_dim3A_1900 = vector.shape_cast %xor3A_1899 : vector<16xi32> to vector<16x1xi32>
      %gather3A_1901 = vector.shape_cast %broadcast_in_dim3A_1900 : vector<16x1xi32> to vector<16xi32>
      %gather3A_1902 = tpu.dynamic_gather %select_n3A_1895[%gather3A_1901] in [0] : vector<16xf32>, vector<16xi32> -> vector<16xf32>
      %gather3A_1903 = vector.shape_cast %broadcast_in_dim3A_1900 : vector<16x1xi32> to vector<16xi32>
      %gather3A_1904 = tpu.dynamic_gather %select_n3A_1896[%gather3A_1903] in [0] : vector<16xf32>, vector<16xi32> -> vector<16xf32>
      %lt3A_1905 = arith.cmpf olt, %gather3A_1902, %select_n3A_1895 : vector<16xf32>
      %eq3A_1906 = arith.cmpf oeq, %gather3A_1902, %select_n3A_1895 : vector<16xf32>
      %lt3A_1907 = arith.cmpf olt, %gather3A_1904, %select_n3A_1896 : vector<16xf32>
      %and3A_1908 = arith.andi %eq3A_1906, %lt3A_1907 : vector<16xi1>
      %or3A_1909 = arith.ori %lt3A_1905, %and3A_1908 : vector<16xi1>
      %select_n3A_1910 = arith.select %or3A_1909, %gather3A_1902, %select_n3A_1895 : vector<16xi1>, vector<16xf32>
      %select_n3A_1911 = arith.select %or3A_1909, %gather3A_1904, %select_n3A_1896 : vector<16xi1>, vector<16xf32>
      %eq3A_1912 = arith.constant 12 : i32
      %eq3A_1913 = vector.broadcast %eq3A_1912 : i32 to vector<16xi32>
      %eq3A_1914 = arith.cmpi eq, %iota3A, %eq3A_1913 : vector<16xi32>
      %select_n3A_1915 = arith.select %eq3A_1914, %select_n3A_1910, %select_n3A_1775 : vector<16xi1>, vector<16xf32>
      %select_n3A_1916 = arith.select %eq3A_1914, %select_n3A_1911, %select_n3A_1776 : vector<16xi1>, vector<16xf32>
      %broadcast_in_dim3A_1917 = arith.constant 13 : i32
      %broadcast_in_dim3A_1918 = vector.broadcast %broadcast_in_dim3A_1917 : i32 to vector<16x1xi32>
      %gather3A_1919 = vector.shape_cast %broadcast_in_dim3A_1918 : vector<16x1xi32> to vector<16xi32>
      %gather3A_1920 = tpu.dynamic_gather %get3A_87[%gather3A_1919] in [0] : vector<16xf32>, vector<16xi32> -> vector<16xf32>
      %broadcast_in_dim3A_1921 = arith.constant 13 : i32
      %broadcast_in_dim3A_1922 = vector.broadcast %broadcast_in_dim3A_1921 : i32 to vector<16x1xi32>
      %gather3A_1923 = vector.shape_cast %broadcast_in_dim3A_1922 : vector<16x1xi32> to vector<16xi32>
      %gather3A_1924 = tpu.dynamic_gather %get3A_94[%gather3A_1923] in [0] : vector<16xf32>, vector<16xi32> -> vector<16xf32>
      %broadcast_in_dim3A_1925 = arith.constant 13 : i32
      %broadcast_in_dim3A_1926 = vector.broadcast %broadcast_in_dim3A_1925 : i32 to vector<16x1xi32>
      %gather3A_1927 = vector.shape_cast %broadcast_in_dim3A_1926 : vector<16x1xi32> to vector<16xi32>
      %gather3A_1928 = tpu.dynamic_gather %get3A_101[%gather3A_1927] in [0] : vector<16xf32>, vector<16xi32> -> vector<16xf32>
      %mul3A_1929 = arith.mulf %gather3A_1920, %gather3A_1920 : vector<16xf32>
      %mul3A_1930 = arith.mulf %gather3A_1924, %gather3A_1924 : vector<16xf32>
      %add3A_1931 = arith.addf %mul3A_1929, %mul3A_1930 : vector<16xf32>
      %mul3A_1932 = arith.mulf %gather3A_1928, %gather3A_1928 : vector<16xf32>
      %add3A_1933 = arith.addf %add3A_1931, %mul3A_1932 : vector<16xf32>
      %bitcast_convert_type3A_1934 = tpu.bitcast %gather3A_1920 : vector<16xf32> -> vector<16xi32>
      %add3A_1935 = arith.constant 32767 : i32
      %add3A_1936 = vector.broadcast %add3A_1935 : i32 to vector<16xi32>
      %add3A_1937 = arith.addi %bitcast_convert_type3A_1934, %add3A_1936 : vector<16xi32>
      %shift_right_arithmetic3A_1938 = arith.constant 16 : i32
      %shift_right_arithmetic3A_1939 = vector.broadcast %shift_right_arithmetic3A_1938 : i32 to vector<16xi32>
      %shift_right_arithmetic3A_1940 = arith.shrsi %bitcast_convert_type3A_1934, %shift_right_arithmetic3A_1939 : vector<16xi32>
      %and3A_1941 = arith.constant 1 : i32
      %and3A_1942 = vector.broadcast %and3A_1941 : i32 to vector<16xi32>
      %and3A_1943 = arith.andi %shift_right_arithmetic3A_1940, %and3A_1942 : vector<16xi32>
      %add3A_1944 = arith.addi %add3A_1937, %and3A_1943 : vector<16xi32>
      %and3A_1945 = arith.constant -65536 : i32
      %and3A_1946 = vector.broadcast %and3A_1945 : i32 to vector<16xi32>
      %and3A_1947 = arith.andi %add3A_1944, %and3A_1946 : vector<16xi32>
      %bitcast_convert_type3A_1948 = tpu.bitcast %and3A_1947 : vector<16xi32> -> vector<16xf32>
      %bitcast_convert_type3A_1949 = tpu.bitcast %gather3A_1924 : vector<16xf32> -> vector<16xi32>
      %add3A_1950 = arith.constant 32767 : i32
      %add3A_1951 = vector.broadcast %add3A_1950 : i32 to vector<16xi32>
      %add3A_1952 = arith.addi %bitcast_convert_type3A_1949, %add3A_1951 : vector<16xi32>
      %shift_right_arithmetic3A_1953 = arith.constant 16 : i32
      %shift_right_arithmetic3A_1954 = vector.broadcast %shift_right_arithmetic3A_1953 : i32 to vector<16xi32>
      %shift_right_arithmetic3A_1955 = arith.shrsi %bitcast_convert_type3A_1949, %shift_right_arithmetic3A_1954 : vector<16xi32>
      %and3A_1956 = arith.constant 1 : i32
      %and3A_1957 = vector.broadcast %and3A_1956 : i32 to vector<16xi32>
      %and3A_1958 = arith.andi %shift_right_arithmetic3A_1955, %and3A_1957 : vector<16xi32>
      %add3A_1959 = arith.addi %add3A_1952, %and3A_1958 : vector<16xi32>
      %and3A_1960 = arith.constant -65536 : i32
      %and3A_1961 = vector.broadcast %and3A_1960 : i32 to vector<16xi32>
      %and3A_1962 = arith.andi %add3A_1959, %and3A_1961 : vector<16xi32>
      %bitcast_convert_type3A_1963 = tpu.bitcast %and3A_1962 : vector<16xi32> -> vector<16xf32>
      %bitcast_convert_type3A_1964 = tpu.bitcast %gather3A_1928 : vector<16xf32> -> vector<16xi32>
      %add3A_1965 = arith.constant 32767 : i32
      %add3A_1966 = vector.broadcast %add3A_1965 : i32 to vector<16xi32>
      %add3A_1967 = arith.addi %bitcast_convert_type3A_1964, %add3A_1966 : vector<16xi32>
      %shift_right_arithmetic3A_1968 = arith.constant 16 : i32
      %shift_right_arithmetic3A_1969 = vector.broadcast %shift_right_arithmetic3A_1968 : i32 to vector<16xi32>
      %shift_right_arithmetic3A_1970 = arith.shrsi %bitcast_convert_type3A_1964, %shift_right_arithmetic3A_1969 : vector<16xi32>
      %and3A_1971 = arith.constant 1 : i32
      %and3A_1972 = vector.broadcast %and3A_1971 : i32 to vector<16xi32>
      %and3A_1973 = arith.andi %shift_right_arithmetic3A_1970, %and3A_1972 : vector<16xi32>
      %add3A_1974 = arith.addi %add3A_1967, %and3A_1973 : vector<16xi32>
      %and3A_1975 = arith.constant -65536 : i32
      %and3A_1976 = vector.broadcast %and3A_1975 : i32 to vector<16xi32>
      %and3A_1977 = arith.andi %add3A_1974, %and3A_1976 : vector<16xi32>
      %bitcast_convert_type3A_1978 = tpu.bitcast %and3A_1977 : vector<16xi32> -> vector<16xf32>
      %mul3A_1979 = arith.constant 16 : i32
      %mul3A_1980 = arith.muli %scan3A_78, %mul3A_1979 : i32
      %add3A_1981 = arith.addi %add3A_34, %mul3A_1980 : i32
      %add3A_1982 = arith.constant 13 : i32
      %add3A_1983 = arith.addi %add3A_1981, %add3A_1982 : i32
      %convert_element_type3A_1984 = arith.sitofp %add3A_1983 : i32 to f32
      %broadcast_in_dim3A_1985 = vector.broadcast %convert_element_type3A_1984 : f32 to vector<16xf32>
      %scan3A_1986 = arith.constant 0 : i32
      %scan3A_1987 = arith.constant 256 : i32
      %scan3A_1988 = arith.addi %scan3A_1986, %scan3A_1987 : i32
      %scan3A_1989 = arith.constant 1 : i32
      %scan3A_1990:2 = scf.for %scan3A_2345 = %scan3A_1986 to %scan3A_1988 step %scan3A_1989 iter_args(%scan3A_2346 = %broadcast_in_dim3A_56, %scan3A_2347 = %broadcast_in_dim3A_56) -> (vector<16xf32>, vector<16xf32>)  : i32 {
        %mul3A_2348 = arith.constant 16 : i32
        %mul3A_2349 = arith.muli %scan3A_2345, %mul3A_2348 : i32
        %mul3A_2350 = arith.constant 16 : i32
        %mul3A_2351 = arith.muli %scan3A_2345, %mul3A_2350 : i32
        %add3A_2352 = arith.constant 0 : i32
        %add3A_2353 = arith.addi %add3A_2352, %mul3A_2351 : i32
        %get3A_2354 = arith.index_cast %add3A_2353 : i32 to index
        %get3A_2355 = tpu.vector_load %arg10[%get3A_2354] {strides = array<i32>} : memref<12288xf32, #tpu.memory_space<vmem>>, vector<16xf32>,
        %get3A_2356 = vector.shape_cast %get3A_2355 : vector<16xf32> to vector<16xf32>
        %mul3A_2357 = arith.constant 16 : i32
        %mul3A_2358 = arith.muli %scan3A_2345, %mul3A_2357 : i32
        %add3A_2359 = arith.constant 4096 : i32
        %add3A_2360 = arith.addi %add3A_2359, %mul3A_2358 : i32
        %get3A_2361 = arith.index_cast %add3A_2360 : i32 to index
        %get3A_2362 = tpu.vector_load %arg10[%get3A_2361] {strides = array<i32>} : memref<12288xf32, #tpu.memory_space<vmem>>, vector<16xf32>,
        %get3A_2363 = vector.shape_cast %get3A_2362 : vector<16xf32> to vector<16xf32>
        %mul3A_2364 = arith.constant 16 : i32
        %mul3A_2365 = arith.muli %scan3A_2345, %mul3A_2364 : i32
        %add3A_2366 = arith.constant 8192 : i32
        %add3A_2367 = arith.addi %add3A_2366, %mul3A_2365 : i32
        %get3A_2368 = arith.index_cast %add3A_2367 : i32 to index
        %get3A_2369 = tpu.vector_load %arg10[%get3A_2368] {strides = array<i32>} : memref<12288xf32, #tpu.memory_space<vmem>>, vector<16xf32>,
        %get3A_2370 = vector.shape_cast %get3A_2369 : vector<16xf32> to vector<16xf32>
        %mul3A_2371 = arith.mulf %bitcast_convert_type3A_1948, %get3A_2356 : vector<16xf32>
        %mul3A_2372 = arith.mulf %bitcast_convert_type3A_1963, %get3A_2363 : vector<16xf32>
        %add3A_2373 = arith.addf %mul3A_2371, %mul3A_2372 : vector<16xf32>
        %mul3A_2374 = arith.mulf %bitcast_convert_type3A_1978, %get3A_2370 : vector<16xf32>
        %add3A_2375 = arith.addf %add3A_2373, %mul3A_2374 : vector<16xf32>
        %get3A_2376 = arith.index_cast %mul3A_2349 : i32 to index
        %get3A_2377 = tpu.vector_load %arg11[%get3A_2376] {strides = array<i32>} : memref<4096xf32, #tpu.memory_space<vmem>>, vector<16xf32>,
        %get3A_2378 = vector.shape_cast %get3A_2377 : vector<16xf32> to vector<16xf32>
        %add3A_2379 = arith.addf %add3A_1933, %get3A_2378 : vector<16xf32>
        %mul3A_2380 = arith.constant 2.000000e+00 : f32
        %mul3A_2381 = vector.broadcast %mul3A_2380 : f32 to vector<16xf32>
        %mul3A_2382 = arith.mulf %mul3A_2381, %add3A_2375 : vector<16xf32>
        %sub3A_2383 = arith.subf %add3A_2379, %mul3A_2382 : vector<16xf32>
        %max3A = arith.constant 0.000000e+00 : f32
        %max3A_2384 = vector.broadcast %max3A : f32 to vector<16xf32>
        %max3A_2385 = arith.maximumf %sub3A_2383, %max3A_2384 : vector<16xf32>
        %mul3A_2386 = arith.constant 16 : i32
        %mul3A_2387 = arith.muli %scan3A_2345, %mul3A_2386 : i32
        %convert_element_type3A_2388 = arith.sitofp %mul3A_2387 : i32 to f32
        %add3A_2389 = vector.broadcast %convert_element_type3A_2388 : f32 to vector<16xf32>
        %add3A_2390 = arith.addf %convert_element_type3A, %add3A_2389 : vector<16xf32>
        %lt3A_2391 = arith.cmpf olt, %max3A_2385, %scan3A_2346 : vector<16xf32>
        %select_n3A_2392 = arith.select %lt3A_2391, %max3A_2385, %scan3A_2346 : vector<16xi1>, vector<16xf32>
        %select_n3A_2393 = arith.select %lt3A_2391, %add3A_2390, %scan3A_2347 : vector<16xi1>, vector<16xf32>
        %get3A_2394 = arith.index_cast %mul3A_2349 : i32 to index
        %get3A_2395 = tpu.vector_load %arg12[%get3A_2394] {strides = array<i32>} : memref<4096xf32, #tpu.memory_space<vmem>>, vector<16xf32>,
        %get3A_2396 = vector.shape_cast %get3A_2395 : vector<16xf32> to vector<16xf32>
        %get3A_2397 = arith.index_cast %mul3A_2349 : i32 to index
        %get3A_2398 = tpu.vector_load %arg13[%get3A_2397] {strides = array<i32>} : memref<4096xf32, #tpu.memory_space<vmem>>, vector<16xf32>,
        %get3A_2399 = vector.shape_cast %get3A_2398 : vector<16xf32> to vector<16xf32>
        %lt3A_2400 = arith.cmpf olt, %max3A_2385, %get3A_2396 : vector<16xf32>
        %select_n3A_2401 = arith.select %lt3A_2400, %max3A_2385, %get3A_2396 : vector<16xi1>, vector<16xf32>
        %swap3A_2402 = arith.index_cast %mul3A_2349 : i32 to index
        %swap3A_2403 = tpu.vector_load %arg12[%swap3A_2402] {strides = array<i32>} : memref<4096xf32, #tpu.memory_space<vmem>>, vector<16xf32>,
        %swap3A_2404 = vector.shape_cast %swap3A_2403 : vector<16xf32> to vector<16xf32>
        %swap3A_2405 = vector.shape_cast %select_n3A_2401 : vector<16xf32> to vector<16xf32>
        tpu.vector_store %arg12[%swap3A_2402], %swap3A_2405 {strides = array<i32>} : memref<4096xf32, #tpu.memory_space<vmem>>, vector<16xf32>,
        %select_n3A_2406 = arith.select %lt3A_2400, %broadcast_in_dim3A_1985, %get3A_2399 : vector<16xi1>, vector<16xf32>
        %swap3A_2407 = arith.index_cast %mul3A_2349 : i32 to index
        %swap3A_2408 = tpu.vector_load %arg13[%swap3A_2407] {strides = array<i32>} : memref<4096xf32, #tpu.memory_space<vmem>>, vector<16xf32>,
        %swap3A_2409 = vector.shape_cast %swap3A_2408 : vector<16xf32> to vector<16xf32>
        %swap3A_2410 = vector.shape_cast %select_n3A_2406 : vector<16xf32> to vector<16xf32>
        tpu.vector_store %arg13[%swap3A_2407], %swap3A_2410 {strides = array<i32>} : memref<4096xf32, #tpu.memory_space<vmem>>, vector<16xf32>,
        scf.yield %select_n3A_2392, %select_n3A_2393 : vector<16xf32>, vector<16xf32>
      }
      %scan3A_1991 = arith.constant 256 : i32
      %xor3A_1992 = arith.constant 8 : i32
      %xor3A_1993 = vector.broadcast %xor3A_1992 : i32 to vector<16xi32>
      %xor3A_1994 = arith.xori %iota3A, %xor3A_1993 : vector<16xi32>
      %broadcast_in_dim3A_1995 = vector.shape_cast %xor3A_1994 : vector<16xi32> to vector<16x1xi32>
      %gather3A_1996 = vector.shape_cast %broadcast_in_dim3A_1995 : vector<16x1xi32> to vector<16xi32>
      %gather3A_1997 = tpu.dynamic_gather %scan3A_1990#0[%gather3A_1996] in [0] : vector<16xf32>, vector<16xi32> -> vector<16xf32>
      %gather3A_1998 = vector.shape_cast %broadcast_in_dim3A_1995 : vector<16x1xi32> to vector<16xi32>
      %gather3A_1999 = tpu.dynamic_gather %scan3A_1990#1[%gather3A_1998] in [0] : vector<16xf32>, vector<16xi32> -> vector<16xf32>
      %lt3A_2000 = arith.cmpf olt, %gather3A_1997, %scan3A_1990#0 : vector<16xf32>
      %eq3A_2001 = arith.cmpf oeq, %gather3A_1997, %scan3A_1990#0 : vector<16xf32>
      %lt3A_2002 = arith.cmpf olt, %gather3A_1999, %scan3A_1990#1 : vector<16xf32>
      %and3A_2003 = arith.andi %eq3A_2001, %lt3A_2002 : vector<16xi1>
      %or3A_2004 = arith.ori %lt3A_2000, %and3A_2003 : vector<16xi1>
      %select_n3A_2005 = arith.select %or3A_2004, %gather3A_1997, %scan3A_1990#0 : vector<16xi1>, vector<16xf32>
      %select_n3A_2006 = arith.select %or3A_2004, %gather3A_1999, %scan3A_1990#1 : vector<16xi1>, vector<16xf32>
      %xor3A_2007 = arith.constant 4 : i32
      %xor3A_2008 = vector.broadcast %xor3A_2007 : i32 to vector<16xi32>
      %xor3A_2009 = arith.xori %iota3A, %xor3A_2008 : vector<16xi32>
      %broadcast_in_dim3A_2010 = vector.shape_cast %xor3A_2009 : vector<16xi32> to vector<16x1xi32>
      %gather3A_2011 = vector.shape_cast %broadcast_in_dim3A_2010 : vector<16x1xi32> to vector<16xi32>
      %gather3A_2012 = tpu.dynamic_gather %select_n3A_2005[%gather3A_2011] in [0] : vector<16xf32>, vector<16xi32> -> vector<16xf32>
      %gather3A_2013 = vector.shape_cast %broadcast_in_dim3A_2010 : vector<16x1xi32> to vector<16xi32>
      %gather3A_2014 = tpu.dynamic_gather %select_n3A_2006[%gather3A_2013] in [0] : vector<16xf32>, vector<16xi32> -> vector<16xf32>
      %lt3A_2015 = arith.cmpf olt, %gather3A_2012, %select_n3A_2005 : vector<16xf32>
      %eq3A_2016 = arith.cmpf oeq, %gather3A_2012, %select_n3A_2005 : vector<16xf32>
      %lt3A_2017 = arith.cmpf olt, %gather3A_2014, %select_n3A_2006 : vector<16xf32>
      %and3A_2018 = arith.andi %eq3A_2016, %lt3A_2017 : vector<16xi1>
      %or3A_2019 = arith.ori %lt3A_2015, %and3A_2018 : vector<16xi1>
      %select_n3A_2020 = arith.select %or3A_2019, %gather3A_2012, %select_n3A_2005 : vector<16xi1>, vector<16xf32>
      %select_n3A_2021 = arith.select %or3A_2019, %gather3A_2014, %select_n3A_2006 : vector<16xi1>, vector<16xf32>
      %xor3A_2022 = arith.constant 2 : i32
      %xor3A_2023 = vector.broadcast %xor3A_2022 : i32 to vector<16xi32>
      %xor3A_2024 = arith.xori %iota3A, %xor3A_2023 : vector<16xi32>
      %broadcast_in_dim3A_2025 = vector.shape_cast %xor3A_2024 : vector<16xi32> to vector<16x1xi32>
      %gather3A_2026 = vector.shape_cast %broadcast_in_dim3A_2025 : vector<16x1xi32> to vector<16xi32>
      %gather3A_2027 = tpu.dynamic_gather %select_n3A_2020[%gather3A_2026] in [0] : vector<16xf32>, vector<16xi32> -> vector<16xf32>
      %gather3A_2028 = vector.shape_cast %broadcast_in_dim3A_2025 : vector<16x1xi32> to vector<16xi32>
      %gather3A_2029 = tpu.dynamic_gather %select_n3A_2021[%gather3A_2028] in [0] : vector<16xf32>, vector<16xi32> -> vector<16xf32>
      %lt3A_2030 = arith.cmpf olt, %gather3A_2027, %select_n3A_2020 : vector<16xf32>
      %eq3A_2031 = arith.cmpf oeq, %gather3A_2027, %select_n3A_2020 : vector<16xf32>
      %lt3A_2032 = arith.cmpf olt, %gather3A_2029, %select_n3A_2021 : vector<16xf32>
      %and3A_2033 = arith.andi %eq3A_2031, %lt3A_2032 : vector<16xi1>
      %or3A_2034 = arith.ori %lt3A_2030, %and3A_2033 : vector<16xi1>
      %select_n3A_2035 = arith.select %or3A_2034, %gather3A_2027, %select_n3A_2020 : vector<16xi1>, vector<16xf32>
      %select_n3A_2036 = arith.select %or3A_2034, %gather3A_2029, %select_n3A_2021 : vector<16xi1>, vector<16xf32>
      %xor3A_2037 = arith.constant 1 : i32
      %xor3A_2038 = vector.broadcast %xor3A_2037 : i32 to vector<16xi32>
      %xor3A_2039 = arith.xori %iota3A, %xor3A_2038 : vector<16xi32>
      %broadcast_in_dim3A_2040 = vector.shape_cast %xor3A_2039 : vector<16xi32> to vector<16x1xi32>
      %gather3A_2041 = vector.shape_cast %broadcast_in_dim3A_2040 : vector<16x1xi32> to vector<16xi32>
      %gather3A_2042 = tpu.dynamic_gather %select_n3A_2035[%gather3A_2041] in [0] : vector<16xf32>, vector<16xi32> -> vector<16xf32>
      %gather3A_2043 = vector.shape_cast %broadcast_in_dim3A_2040 : vector<16x1xi32> to vector<16xi32>
      %gather3A_2044 = tpu.dynamic_gather %select_n3A_2036[%gather3A_2043] in [0] : vector<16xf32>, vector<16xi32> -> vector<16xf32>
      %lt3A_2045 = arith.cmpf olt, %gather3A_2042, %select_n3A_2035 : vector<16xf32>
      %eq3A_2046 = arith.cmpf oeq, %gather3A_2042, %select_n3A_2035 : vector<16xf32>
      %lt3A_2047 = arith.cmpf olt, %gather3A_2044, %select_n3A_2036 : vector<16xf32>
      %and3A_2048 = arith.andi %eq3A_2046, %lt3A_2047 : vector<16xi1>
      %or3A_2049 = arith.ori %lt3A_2045, %and3A_2048 : vector<16xi1>
      %select_n3A_2050 = arith.select %or3A_2049, %gather3A_2042, %select_n3A_2035 : vector<16xi1>, vector<16xf32>
      %select_n3A_2051 = arith.select %or3A_2049, %gather3A_2044, %select_n3A_2036 : vector<16xi1>, vector<16xf32>
      %eq3A_2052 = arith.constant 13 : i32
      %eq3A_2053 = vector.broadcast %eq3A_2052 : i32 to vector<16xi32>
      %eq3A_2054 = arith.cmpi eq, %iota3A, %eq3A_2053 : vector<16xi32>
      %select_n3A_2055 = arith.select %eq3A_2054, %select_n3A_2050, %select_n3A_1915 : vector<16xi1>, vector<16xf32>
      %select_n3A_2056 = arith.select %eq3A_2054, %select_n3A_2051, %select_n3A_1916 : vector<16xi1>, vector<16xf32>
      %broadcast_in_dim3A_2057 = arith.constant 14 : i32
      %broadcast_in_dim3A_2058 = vector.broadcast %broadcast_in_dim3A_2057 : i32 to vector<16x1xi32>
      %gather3A_2059 = vector.shape_cast %broadcast_in_dim3A_2058 : vector<16x1xi32> to vector<16xi32>
      %gather3A_2060 = tpu.dynamic_gather %get3A_87[%gather3A_2059] in [0] : vector<16xf32>, vector<16xi32> -> vector<16xf32>
      %broadcast_in_dim3A_2061 = arith.constant 14 : i32
      %broadcast_in_dim3A_2062 = vector.broadcast %broadcast_in_dim3A_2061 : i32 to vector<16x1xi32>
      %gather3A_2063 = vector.shape_cast %broadcast_in_dim3A_2062 : vector<16x1xi32> to vector<16xi32>
      %gather3A_2064 = tpu.dynamic_gather %get3A_94[%gather3A_2063] in [0] : vector<16xf32>, vector<16xi32> -> vector<16xf32>
      %broadcast_in_dim3A_2065 = arith.constant 14 : i32
      %broadcast_in_dim3A_2066 = vector.broadcast %broadcast_in_dim3A_2065 : i32 to vector<16x1xi32>
      %gather3A_2067 = vector.shape_cast %broadcast_in_dim3A_2066 : vector<16x1xi32> to vector<16xi32>
      %gather3A_2068 = tpu.dynamic_gather %get3A_101[%gather3A_2067] in [0] : vector<16xf32>, vector<16xi32> -> vector<16xf32>
      %mul3A_2069 = arith.mulf %gather3A_2060, %gather3A_2060 : vector<16xf32>
      %mul3A_2070 = arith.mulf %gather3A_2064, %gather3A_2064 : vector<16xf32>
      %add3A_2071 = arith.addf %mul3A_2069, %mul3A_2070 : vector<16xf32>
      %mul3A_2072 = arith.mulf %gather3A_2068, %gather3A_2068 : vector<16xf32>
      %add3A_2073 = arith.addf %add3A_2071, %mul3A_2072 : vector<16xf32>
      %bitcast_convert_type3A_2074 = tpu.bitcast %gather3A_2060 : vector<16xf32> -> vector<16xi32>
      %add3A_2075 = arith.constant 32767 : i32
      %add3A_2076 = vector.broadcast %add3A_2075 : i32 to vector<16xi32>
      %add3A_2077 = arith.addi %bitcast_convert_type3A_2074, %add3A_2076 : vector<16xi32>
      %shift_right_arithmetic3A_2078 = arith.constant 16 : i32
      %shift_right_arithmetic3A_2079 = vector.broadcast %shift_right_arithmetic3A_2078 : i32 to vector<16xi32>
      %shift_right_arithmetic3A_2080 = arith.shrsi %bitcast_convert_type3A_2074, %shift_right_arithmetic3A_2079 : vector<16xi32>
      %and3A_2081 = arith.constant 1 : i32
      %and3A_2082 = vector.broadcast %and3A_2081 : i32 to vector<16xi32>
      %and3A_2083 = arith.andi %shift_right_arithmetic3A_2080, %and3A_2082 : vector<16xi32>
      %add3A_2084 = arith.addi %add3A_2077, %and3A_2083 : vector<16xi32>
      %and3A_2085 = arith.constant -65536 : i32
      %and3A_2086 = vector.broadcast %and3A_2085 : i32 to vector<16xi32>
      %and3A_2087 = arith.andi %add3A_2084, %and3A_2086 : vector<16xi32>
      %bitcast_convert_type3A_2088 = tpu.bitcast %and3A_2087 : vector<16xi32> -> vector<16xf32>
      %bitcast_convert_type3A_2089 = tpu.bitcast %gather3A_2064 : vector<16xf32> -> vector<16xi32>
      %add3A_2090 = arith.constant 32767 : i32
      %add3A_2091 = vector.broadcast %add3A_2090 : i32 to vector<16xi32>
      %add3A_2092 = arith.addi %bitcast_convert_type3A_2089, %add3A_2091 : vector<16xi32>
      %shift_right_arithmetic3A_2093 = arith.constant 16 : i32
      %shift_right_arithmetic3A_2094 = vector.broadcast %shift_right_arithmetic3A_2093 : i32 to vector<16xi32>
      %shift_right_arithmetic3A_2095 = arith.shrsi %bitcast_convert_type3A_2089, %shift_right_arithmetic3A_2094 : vector<16xi32>
      %and3A_2096 = arith.constant 1 : i32
      %and3A_2097 = vector.broadcast %and3A_2096 : i32 to vector<16xi32>
      %and3A_2098 = arith.andi %shift_right_arithmetic3A_2095, %and3A_2097 : vector<16xi32>
      %add3A_2099 = arith.addi %add3A_2092, %and3A_2098 : vector<16xi32>
      %and3A_2100 = arith.constant -65536 : i32
      %and3A_2101 = vector.broadcast %and3A_2100 : i32 to vector<16xi32>
      %and3A_2102 = arith.andi %add3A_2099, %and3A_2101 : vector<16xi32>
      %bitcast_convert_type3A_2103 = tpu.bitcast %and3A_2102 : vector<16xi32> -> vector<16xf32>
      %bitcast_convert_type3A_2104 = tpu.bitcast %gather3A_2068 : vector<16xf32> -> vector<16xi32>
      %add3A_2105 = arith.constant 32767 : i32
      %add3A_2106 = vector.broadcast %add3A_2105 : i32 to vector<16xi32>
      %add3A_2107 = arith.addi %bitcast_convert_type3A_2104, %add3A_2106 : vector<16xi32>
      %shift_right_arithmetic3A_2108 = arith.constant 16 : i32
      %shift_right_arithmetic3A_2109 = vector.broadcast %shift_right_arithmetic3A_2108 : i32 to vector<16xi32>
      %shift_right_arithmetic3A_2110 = arith.shrsi %bitcast_convert_type3A_2104, %shift_right_arithmetic3A_2109 : vector<16xi32>
      %and3A_2111 = arith.constant 1 : i32
      %and3A_2112 = vector.broadcast %and3A_2111 : i32 to vector<16xi32>
      %and3A_2113 = arith.andi %shift_right_arithmetic3A_2110, %and3A_2112 : vector<16xi32>
      %add3A_2114 = arith.addi %add3A_2107, %and3A_2113 : vector<16xi32>
      %and3A_2115 = arith.constant -65536 : i32
      %and3A_2116 = vector.broadcast %and3A_2115 : i32 to vector<16xi32>
      %and3A_2117 = arith.andi %add3A_2114, %and3A_2116 : vector<16xi32>
      %bitcast_convert_type3A_2118 = tpu.bitcast %and3A_2117 : vector<16xi32> -> vector<16xf32>
      %mul3A_2119 = arith.constant 16 : i32
      %mul3A_2120 = arith.muli %scan3A_78, %mul3A_2119 : i32
      %add3A_2121 = arith.addi %add3A_34, %mul3A_2120 : i32
      %add3A_2122 = arith.constant 14 : i32
      %add3A_2123 = arith.addi %add3A_2121, %add3A_2122 : i32
      %convert_element_type3A_2124 = arith.sitofp %add3A_2123 : i32 to f32
      %broadcast_in_dim3A_2125 = vector.broadcast %convert_element_type3A_2124 : f32 to vector<16xf32>
      %scan3A_2126 = arith.constant 0 : i32
      %scan3A_2127 = arith.constant 256 : i32
      %scan3A_2128 = arith.addi %scan3A_2126, %scan3A_2127 : i32
      %scan3A_2129 = arith.constant 1 : i32
      %scan3A_2130:2 = scf.for %scan3A_2345 = %scan3A_2126 to %scan3A_2128 step %scan3A_2129 iter_args(%scan3A_2346 = %broadcast_in_dim3A_56, %scan3A_2347 = %broadcast_in_dim3A_56) -> (vector<16xf32>, vector<16xf32>)  : i32 {
        %mul3A_2348 = arith.constant 16 : i32
        %mul3A_2349 = arith.muli %scan3A_2345, %mul3A_2348 : i32
        %mul3A_2350 = arith.constant 16 : i32
        %mul3A_2351 = arith.muli %scan3A_2345, %mul3A_2350 : i32
        %add3A_2352 = arith.constant 0 : i32
        %add3A_2353 = arith.addi %add3A_2352, %mul3A_2351 : i32
        %get3A_2354 = arith.index_cast %add3A_2353 : i32 to index
        %get3A_2355 = tpu.vector_load %arg10[%get3A_2354] {strides = array<i32>} : memref<12288xf32, #tpu.memory_space<vmem>>, vector<16xf32>,
        %get3A_2356 = vector.shape_cast %get3A_2355 : vector<16xf32> to vector<16xf32>
        %mul3A_2357 = arith.constant 16 : i32
        %mul3A_2358 = arith.muli %scan3A_2345, %mul3A_2357 : i32
        %add3A_2359 = arith.constant 4096 : i32
        %add3A_2360 = arith.addi %add3A_2359, %mul3A_2358 : i32
        %get3A_2361 = arith.index_cast %add3A_2360 : i32 to index
        %get3A_2362 = tpu.vector_load %arg10[%get3A_2361] {strides = array<i32>} : memref<12288xf32, #tpu.memory_space<vmem>>, vector<16xf32>,
        %get3A_2363 = vector.shape_cast %get3A_2362 : vector<16xf32> to vector<16xf32>
        %mul3A_2364 = arith.constant 16 : i32
        %mul3A_2365 = arith.muli %scan3A_2345, %mul3A_2364 : i32
        %add3A_2366 = arith.constant 8192 : i32
        %add3A_2367 = arith.addi %add3A_2366, %mul3A_2365 : i32
        %get3A_2368 = arith.index_cast %add3A_2367 : i32 to index
        %get3A_2369 = tpu.vector_load %arg10[%get3A_2368] {strides = array<i32>} : memref<12288xf32, #tpu.memory_space<vmem>>, vector<16xf32>,
        %get3A_2370 = vector.shape_cast %get3A_2369 : vector<16xf32> to vector<16xf32>
        %mul3A_2371 = arith.mulf %bitcast_convert_type3A_2088, %get3A_2356 : vector<16xf32>
        %mul3A_2372 = arith.mulf %bitcast_convert_type3A_2103, %get3A_2363 : vector<16xf32>
        %add3A_2373 = arith.addf %mul3A_2371, %mul3A_2372 : vector<16xf32>
        %mul3A_2374 = arith.mulf %bitcast_convert_type3A_2118, %get3A_2370 : vector<16xf32>
        %add3A_2375 = arith.addf %add3A_2373, %mul3A_2374 : vector<16xf32>
        %get3A_2376 = arith.index_cast %mul3A_2349 : i32 to index
        %get3A_2377 = tpu.vector_load %arg11[%get3A_2376] {strides = array<i32>} : memref<4096xf32, #tpu.memory_space<vmem>>, vector<16xf32>,
        %get3A_2378 = vector.shape_cast %get3A_2377 : vector<16xf32> to vector<16xf32>
        %add3A_2379 = arith.addf %add3A_2073, %get3A_2378 : vector<16xf32>
        %mul3A_2380 = arith.constant 2.000000e+00 : f32
        %mul3A_2381 = vector.broadcast %mul3A_2380 : f32 to vector<16xf32>
        %mul3A_2382 = arith.mulf %mul3A_2381, %add3A_2375 : vector<16xf32>
        %sub3A_2383 = arith.subf %add3A_2379, %mul3A_2382 : vector<16xf32>
        %max3A = arith.constant 0.000000e+00 : f32
        %max3A_2384 = vector.broadcast %max3A : f32 to vector<16xf32>
        %max3A_2385 = arith.maximumf %sub3A_2383, %max3A_2384 : vector<16xf32>
        %mul3A_2386 = arith.constant 16 : i32
        %mul3A_2387 = arith.muli %scan3A_2345, %mul3A_2386 : i32
        %convert_element_type3A_2388 = arith.sitofp %mul3A_2387 : i32 to f32
        %add3A_2389 = vector.broadcast %convert_element_type3A_2388 : f32 to vector<16xf32>
        %add3A_2390 = arith.addf %convert_element_type3A, %add3A_2389 : vector<16xf32>
        %lt3A_2391 = arith.cmpf olt, %max3A_2385, %scan3A_2346 : vector<16xf32>
        %select_n3A_2392 = arith.select %lt3A_2391, %max3A_2385, %scan3A_2346 : vector<16xi1>, vector<16xf32>
        %select_n3A_2393 = arith.select %lt3A_2391, %add3A_2390, %scan3A_2347 : vector<16xi1>, vector<16xf32>
        %get3A_2394 = arith.index_cast %mul3A_2349 : i32 to index
        %get3A_2395 = tpu.vector_load %arg12[%get3A_2394] {strides = array<i32>} : memref<4096xf32, #tpu.memory_space<vmem>>, vector<16xf32>,
        %get3A_2396 = vector.shape_cast %get3A_2395 : vector<16xf32> to vector<16xf32>
        %get3A_2397 = arith.index_cast %mul3A_2349 : i32 to index
        %get3A_2398 = tpu.vector_load %arg13[%get3A_2397] {strides = array<i32>} : memref<4096xf32, #tpu.memory_space<vmem>>, vector<16xf32>,
        %get3A_2399 = vector.shape_cast %get3A_2398 : vector<16xf32> to vector<16xf32>
        %lt3A_2400 = arith.cmpf olt, %max3A_2385, %get3A_2396 : vector<16xf32>
        %select_n3A_2401 = arith.select %lt3A_2400, %max3A_2385, %get3A_2396 : vector<16xi1>, vector<16xf32>
        %swap3A_2402 = arith.index_cast %mul3A_2349 : i32 to index
        %swap3A_2403 = tpu.vector_load %arg12[%swap3A_2402] {strides = array<i32>} : memref<4096xf32, #tpu.memory_space<vmem>>, vector<16xf32>,
        %swap3A_2404 = vector.shape_cast %swap3A_2403 : vector<16xf32> to vector<16xf32>
        %swap3A_2405 = vector.shape_cast %select_n3A_2401 : vector<16xf32> to vector<16xf32>
        tpu.vector_store %arg12[%swap3A_2402], %swap3A_2405 {strides = array<i32>} : memref<4096xf32, #tpu.memory_space<vmem>>, vector<16xf32>,
        %select_n3A_2406 = arith.select %lt3A_2400, %broadcast_in_dim3A_2125, %get3A_2399 : vector<16xi1>, vector<16xf32>
        %swap3A_2407 = arith.index_cast %mul3A_2349 : i32 to index
        %swap3A_2408 = tpu.vector_load %arg13[%swap3A_2407] {strides = array<i32>} : memref<4096xf32, #tpu.memory_space<vmem>>, vector<16xf32>,
        %swap3A_2409 = vector.shape_cast %swap3A_2408 : vector<16xf32> to vector<16xf32>
        %swap3A_2410 = vector.shape_cast %select_n3A_2406 : vector<16xf32> to vector<16xf32>
        tpu.vector_store %arg13[%swap3A_2407], %swap3A_2410 {strides = array<i32>} : memref<4096xf32, #tpu.memory_space<vmem>>, vector<16xf32>,
        scf.yield %select_n3A_2392, %select_n3A_2393 : vector<16xf32>, vector<16xf32>
      }
      %scan3A_2131 = arith.constant 256 : i32
      %xor3A_2132 = arith.constant 8 : i32
      %xor3A_2133 = vector.broadcast %xor3A_2132 : i32 to vector<16xi32>
      %xor3A_2134 = arith.xori %iota3A, %xor3A_2133 : vector<16xi32>
      %broadcast_in_dim3A_2135 = vector.shape_cast %xor3A_2134 : vector<16xi32> to vector<16x1xi32>
      %gather3A_2136 = vector.shape_cast %broadcast_in_dim3A_2135 : vector<16x1xi32> to vector<16xi32>
      %gather3A_2137 = tpu.dynamic_gather %scan3A_2130#0[%gather3A_2136] in [0] : vector<16xf32>, vector<16xi32> -> vector<16xf32>
      %gather3A_2138 = vector.shape_cast %broadcast_in_dim3A_2135 : vector<16x1xi32> to vector<16xi32>
      %gather3A_2139 = tpu.dynamic_gather %scan3A_2130#1[%gather3A_2138] in [0] : vector<16xf32>, vector<16xi32> -> vector<16xf32>
      %lt3A_2140 = arith.cmpf olt, %gather3A_2137, %scan3A_2130#0 : vector<16xf32>
      %eq3A_2141 = arith.cmpf oeq, %gather3A_2137, %scan3A_2130#0 : vector<16xf32>
      %lt3A_2142 = arith.cmpf olt, %gather3A_2139, %scan3A_2130#1 : vector<16xf32>
      %and3A_2143 = arith.andi %eq3A_2141, %lt3A_2142 : vector<16xi1>
      %or3A_2144 = arith.ori %lt3A_2140, %and3A_2143 : vector<16xi1>
      %select_n3A_2145 = arith.select %or3A_2144, %gather3A_2137, %scan3A_2130#0 : vector<16xi1>, vector<16xf32>
      %select_n3A_2146 = arith.select %or3A_2144, %gather3A_2139, %scan3A_2130#1 : vector<16xi1>, vector<16xf32>
      %xor3A_2147 = arith.constant 4 : i32
      %xor3A_2148 = vector.broadcast %xor3A_2147 : i32 to vector<16xi32>
      %xor3A_2149 = arith.xori %iota3A, %xor3A_2148 : vector<16xi32>
      %broadcast_in_dim3A_2150 = vector.shape_cast %xor3A_2149 : vector<16xi32> to vector<16x1xi32>
      %gather3A_2151 = vector.shape_cast %broadcast_in_dim3A_2150 : vector<16x1xi32> to vector<16xi32>
      %gather3A_2152 = tpu.dynamic_gather %select_n3A_2145[%gather3A_2151] in [0] : vector<16xf32>, vector<16xi32> -> vector<16xf32>
      %gather3A_2153 = vector.shape_cast %broadcast_in_dim3A_2150 : vector<16x1xi32> to vector<16xi32>
      %gather3A_2154 = tpu.dynamic_gather %select_n3A_2146[%gather3A_2153] in [0] : vector<16xf32>, vector<16xi32> -> vector<16xf32>
      %lt3A_2155 = arith.cmpf olt, %gather3A_2152, %select_n3A_2145 : vector<16xf32>
      %eq3A_2156 = arith.cmpf oeq, %gather3A_2152, %select_n3A_2145 : vector<16xf32>
      %lt3A_2157 = arith.cmpf olt, %gather3A_2154, %select_n3A_2146 : vector<16xf32>
      %and3A_2158 = arith.andi %eq3A_2156, %lt3A_2157 : vector<16xi1>
      %or3A_2159 = arith.ori %lt3A_2155, %and3A_2158 : vector<16xi1>
      %select_n3A_2160 = arith.select %or3A_2159, %gather3A_2152, %select_n3A_2145 : vector<16xi1>, vector<16xf32>
      %select_n3A_2161 = arith.select %or3A_2159, %gather3A_2154, %select_n3A_2146 : vector<16xi1>, vector<16xf32>
      %xor3A_2162 = arith.constant 2 : i32
      %xor3A_2163 = vector.broadcast %xor3A_2162 : i32 to vector<16xi32>
      %xor3A_2164 = arith.xori %iota3A, %xor3A_2163 : vector<16xi32>
      %broadcast_in_dim3A_2165 = vector.shape_cast %xor3A_2164 : vector<16xi32> to vector<16x1xi32>
      %gather3A_2166 = vector.shape_cast %broadcast_in_dim3A_2165 : vector<16x1xi32> to vector<16xi32>
      %gather3A_2167 = tpu.dynamic_gather %select_n3A_2160[%gather3A_2166] in [0] : vector<16xf32>, vector<16xi32> -> vector<16xf32>
      %gather3A_2168 = vector.shape_cast %broadcast_in_dim3A_2165 : vector<16x1xi32> to vector<16xi32>
      %gather3A_2169 = tpu.dynamic_gather %select_n3A_2161[%gather3A_2168] in [0] : vector<16xf32>, vector<16xi32> -> vector<16xf32>
      %lt3A_2170 = arith.cmpf olt, %gather3A_2167, %select_n3A_2160 : vector<16xf32>
      %eq3A_2171 = arith.cmpf oeq, %gather3A_2167, %select_n3A_2160 : vector<16xf32>
      %lt3A_2172 = arith.cmpf olt, %gather3A_2169, %select_n3A_2161 : vector<16xf32>
      %and3A_2173 = arith.andi %eq3A_2171, %lt3A_2172 : vector<16xi1>
      %or3A_2174 = arith.ori %lt3A_2170, %and3A_2173 : vector<16xi1>
      %select_n3A_2175 = arith.select %or3A_2174, %gather3A_2167, %select_n3A_2160 : vector<16xi1>, vector<16xf32>
      %select_n3A_2176 = arith.select %or3A_2174, %gather3A_2169, %select_n3A_2161 : vector<16xi1>, vector<16xf32>
      %xor3A_2177 = arith.constant 1 : i32
      %xor3A_2178 = vector.broadcast %xor3A_2177 : i32 to vector<16xi32>
      %xor3A_2179 = arith.xori %iota3A, %xor3A_2178 : vector<16xi32>
      %broadcast_in_dim3A_2180 = vector.shape_cast %xor3A_2179 : vector<16xi32> to vector<16x1xi32>
      %gather3A_2181 = vector.shape_cast %broadcast_in_dim3A_2180 : vector<16x1xi32> to vector<16xi32>
      %gather3A_2182 = tpu.dynamic_gather %select_n3A_2175[%gather3A_2181] in [0] : vector<16xf32>, vector<16xi32> -> vector<16xf32>
      %gather3A_2183 = vector.shape_cast %broadcast_in_dim3A_2180 : vector<16x1xi32> to vector<16xi32>
      %gather3A_2184 = tpu.dynamic_gather %select_n3A_2176[%gather3A_2183] in [0] : vector<16xf32>, vector<16xi32> -> vector<16xf32>
      %lt3A_2185 = arith.cmpf olt, %gather3A_2182, %select_n3A_2175 : vector<16xf32>
      %eq3A_2186 = arith.cmpf oeq, %gather3A_2182, %select_n3A_2175 : vector<16xf32>
      %lt3A_2187 = arith.cmpf olt, %gather3A_2184, %select_n3A_2176 : vector<16xf32>
      %and3A_2188 = arith.andi %eq3A_2186, %lt3A_2187 : vector<16xi1>
      %or3A_2189 = arith.ori %lt3A_2185, %and3A_2188 : vector<16xi1>
      %select_n3A_2190 = arith.select %or3A_2189, %gather3A_2182, %select_n3A_2175 : vector<16xi1>, vector<16xf32>
      %select_n3A_2191 = arith.select %or3A_2189, %gather3A_2184, %select_n3A_2176 : vector<16xi1>, vector<16xf32>
      %eq3A_2192 = arith.constant 14 : i32
      %eq3A_2193 = vector.broadcast %eq3A_2192 : i32 to vector<16xi32>
      %eq3A_2194 = arith.cmpi eq, %iota3A, %eq3A_2193 : vector<16xi32>
      %select_n3A_2195 = arith.select %eq3A_2194, %select_n3A_2190, %select_n3A_2055 : vector<16xi1>, vector<16xf32>
      %select_n3A_2196 = arith.select %eq3A_2194, %select_n3A_2191, %select_n3A_2056 : vector<16xi1>, vector<16xf32>
      %broadcast_in_dim3A_2197 = arith.constant 15 : i32
      %broadcast_in_dim3A_2198 = vector.broadcast %broadcast_in_dim3A_2197 : i32 to vector<16x1xi32>
      %gather3A_2199 = vector.shape_cast %broadcast_in_dim3A_2198 : vector<16x1xi32> to vector<16xi32>
      %gather3A_2200 = tpu.dynamic_gather %get3A_87[%gather3A_2199] in [0] : vector<16xf32>, vector<16xi32> -> vector<16xf32>
      %broadcast_in_dim3A_2201 = arith.constant 15 : i32
      %broadcast_in_dim3A_2202 = vector.broadcast %broadcast_in_dim3A_2201 : i32 to vector<16x1xi32>
      %gather3A_2203 = vector.shape_cast %broadcast_in_dim3A_2202 : vector<16x1xi32> to vector<16xi32>
      %gather3A_2204 = tpu.dynamic_gather %get3A_94[%gather3A_2203] in [0] : vector<16xf32>, vector<16xi32> -> vector<16xf32>
      %broadcast_in_dim3A_2205 = arith.constant 15 : i32
      %broadcast_in_dim3A_2206 = vector.broadcast %broadcast_in_dim3A_2205 : i32 to vector<16x1xi32>
      %gather3A_2207 = vector.shape_cast %broadcast_in_dim3A_2206 : vector<16x1xi32> to vector<16xi32>
      %gather3A_2208 = tpu.dynamic_gather %get3A_101[%gather3A_2207] in [0] : vector<16xf32>, vector<16xi32> -> vector<16xf32>
      %mul3A_2209 = arith.mulf %gather3A_2200, %gather3A_2200 : vector<16xf32>
      %mul3A_2210 = arith.mulf %gather3A_2204, %gather3A_2204 : vector<16xf32>
      %add3A_2211 = arith.addf %mul3A_2209, %mul3A_2210 : vector<16xf32>
      %mul3A_2212 = arith.mulf %gather3A_2208, %gather3A_2208 : vector<16xf32>
      %add3A_2213 = arith.addf %add3A_2211, %mul3A_2212 : vector<16xf32>
      %bitcast_convert_type3A_2214 = tpu.bitcast %gather3A_2200 : vector<16xf32> -> vector<16xi32>
      %add3A_2215 = arith.constant 32767 : i32
      %add3A_2216 = vector.broadcast %add3A_2215 : i32 to vector<16xi32>
      %add3A_2217 = arith.addi %bitcast_convert_type3A_2214, %add3A_2216 : vector<16xi32>
      %shift_right_arithmetic3A_2218 = arith.constant 16 : i32
      %shift_right_arithmetic3A_2219 = vector.broadcast %shift_right_arithmetic3A_2218 : i32 to vector<16xi32>
      %shift_right_arithmetic3A_2220 = arith.shrsi %bitcast_convert_type3A_2214, %shift_right_arithmetic3A_2219 : vector<16xi32>
      %and3A_2221 = arith.constant 1 : i32
      %and3A_2222 = vector.broadcast %and3A_2221 : i32 to vector<16xi32>
      %and3A_2223 = arith.andi %shift_right_arithmetic3A_2220, %and3A_2222 : vector<16xi32>
      %add3A_2224 = arith.addi %add3A_2217, %and3A_2223 : vector<16xi32>
      %and3A_2225 = arith.constant -65536 : i32
      %and3A_2226 = vector.broadcast %and3A_2225 : i32 to vector<16xi32>
      %and3A_2227 = arith.andi %add3A_2224, %and3A_2226 : vector<16xi32>
      %bitcast_convert_type3A_2228 = tpu.bitcast %and3A_2227 : vector<16xi32> -> vector<16xf32>
      %bitcast_convert_type3A_2229 = tpu.bitcast %gather3A_2204 : vector<16xf32> -> vector<16xi32>
      %add3A_2230 = arith.constant 32767 : i32
      %add3A_2231 = vector.broadcast %add3A_2230 : i32 to vector<16xi32>
      %add3A_2232 = arith.addi %bitcast_convert_type3A_2229, %add3A_2231 : vector<16xi32>
      %shift_right_arithmetic3A_2233 = arith.constant 16 : i32
      %shift_right_arithmetic3A_2234 = vector.broadcast %shift_right_arithmetic3A_2233 : i32 to vector<16xi32>
      %shift_right_arithmetic3A_2235 = arith.shrsi %bitcast_convert_type3A_2229, %shift_right_arithmetic3A_2234 : vector<16xi32>
      %and3A_2236 = arith.constant 1 : i32
      %and3A_2237 = vector.broadcast %and3A_2236 : i32 to vector<16xi32>
      %and3A_2238 = arith.andi %shift_right_arithmetic3A_2235, %and3A_2237 : vector<16xi32>
      %add3A_2239 = arith.addi %add3A_2232, %and3A_2238 : vector<16xi32>
      %and3A_2240 = arith.constant -65536 : i32
      %and3A_2241 = vector.broadcast %and3A_2240 : i32 to vector<16xi32>
      %and3A_2242 = arith.andi %add3A_2239, %and3A_2241 : vector<16xi32>
      %bitcast_convert_type3A_2243 = tpu.bitcast %and3A_2242 : vector<16xi32> -> vector<16xf32>
      %bitcast_convert_type3A_2244 = tpu.bitcast %gather3A_2208 : vector<16xf32> -> vector<16xi32>
      %add3A_2245 = arith.constant 32767 : i32
      %add3A_2246 = vector.broadcast %add3A_2245 : i32 to vector<16xi32>
      %add3A_2247 = arith.addi %bitcast_convert_type3A_2244, %add3A_2246 : vector<16xi32>
      %shift_right_arithmetic3A_2248 = arith.constant 16 : i32
      %shift_right_arithmetic3A_2249 = vector.broadcast %shift_right_arithmetic3A_2248 : i32 to vector<16xi32>
      %shift_right_arithmetic3A_2250 = arith.shrsi %bitcast_convert_type3A_2244, %shift_right_arithmetic3A_2249 : vector<16xi32>
      %and3A_2251 = arith.constant 1 : i32
      %and3A_2252 = vector.broadcast %and3A_2251 : i32 to vector<16xi32>
      %and3A_2253 = arith.andi %shift_right_arithmetic3A_2250, %and3A_2252 : vector<16xi32>
      %add3A_2254 = arith.addi %add3A_2247, %and3A_2253 : vector<16xi32>
      %and3A_2255 = arith.constant -65536 : i32
      %and3A_2256 = vector.broadcast %and3A_2255 : i32 to vector<16xi32>
      %and3A_2257 = arith.andi %add3A_2254, %and3A_2256 : vector<16xi32>
      %bitcast_convert_type3A_2258 = tpu.bitcast %and3A_2257 : vector<16xi32> -> vector<16xf32>
      %mul3A_2259 = arith.constant 16 : i32
      %mul3A_2260 = arith.muli %scan3A_78, %mul3A_2259 : i32
      %add3A_2261 = arith.addi %add3A_34, %mul3A_2260 : i32
      %add3A_2262 = arith.constant 15 : i32
      %add3A_2263 = arith.addi %add3A_2261, %add3A_2262 : i32
      %convert_element_type3A_2264 = arith.sitofp %add3A_2263 : i32 to f32
      %broadcast_in_dim3A_2265 = vector.broadcast %convert_element_type3A_2264 : f32 to vector<16xf32>
      %scan3A_2266 = arith.constant 0 : i32
      %scan3A_2267 = arith.constant 256 : i32
      %scan3A_2268 = arith.addi %scan3A_2266, %scan3A_2267 : i32
      %scan3A_2269 = arith.constant 1 : i32
      %scan3A_2270:2 = scf.for %scan3A_2345 = %scan3A_2266 to %scan3A_2268 step %scan3A_2269 iter_args(%scan3A_2346 = %broadcast_in_dim3A_56, %scan3A_2347 = %broadcast_in_dim3A_56) -> (vector<16xf32>, vector<16xf32>)  : i32 {
        %mul3A_2348 = arith.constant 16 : i32
        %mul3A_2349 = arith.muli %scan3A_2345, %mul3A_2348 : i32
        %mul3A_2350 = arith.constant 16 : i32
        %mul3A_2351 = arith.muli %scan3A_2345, %mul3A_2350 : i32
        %add3A_2352 = arith.constant 0 : i32
        %add3A_2353 = arith.addi %add3A_2352, %mul3A_2351 : i32
        %get3A_2354 = arith.index_cast %add3A_2353 : i32 to index
        %get3A_2355 = tpu.vector_load %arg10[%get3A_2354] {strides = array<i32>} : memref<12288xf32, #tpu.memory_space<vmem>>, vector<16xf32>,
        %get3A_2356 = vector.shape_cast %get3A_2355 : vector<16xf32> to vector<16xf32>
        %mul3A_2357 = arith.constant 16 : i32
        %mul3A_2358 = arith.muli %scan3A_2345, %mul3A_2357 : i32
        %add3A_2359 = arith.constant 4096 : i32
        %add3A_2360 = arith.addi %add3A_2359, %mul3A_2358 : i32
        %get3A_2361 = arith.index_cast %add3A_2360 : i32 to index
        %get3A_2362 = tpu.vector_load %arg10[%get3A_2361] {strides = array<i32>} : memref<12288xf32, #tpu.memory_space<vmem>>, vector<16xf32>,
        %get3A_2363 = vector.shape_cast %get3A_2362 : vector<16xf32> to vector<16xf32>
        %mul3A_2364 = arith.constant 16 : i32
        %mul3A_2365 = arith.muli %scan3A_2345, %mul3A_2364 : i32
        %add3A_2366 = arith.constant 8192 : i32
        %add3A_2367 = arith.addi %add3A_2366, %mul3A_2365 : i32
        %get3A_2368 = arith.index_cast %add3A_2367 : i32 to index
        %get3A_2369 = tpu.vector_load %arg10[%get3A_2368] {strides = array<i32>} : memref<12288xf32, #tpu.memory_space<vmem>>, vector<16xf32>,
        %get3A_2370 = vector.shape_cast %get3A_2369 : vector<16xf32> to vector<16xf32>
        %mul3A_2371 = arith.mulf %bitcast_convert_type3A_2228, %get3A_2356 : vector<16xf32>
        %mul3A_2372 = arith.mulf %bitcast_convert_type3A_2243, %get3A_2363 : vector<16xf32>
        %add3A_2373 = arith.addf %mul3A_2371, %mul3A_2372 : vector<16xf32>
        %mul3A_2374 = arith.mulf %bitcast_convert_type3A_2258, %get3A_2370 : vector<16xf32>
        %add3A_2375 = arith.addf %add3A_2373, %mul3A_2374 : vector<16xf32>
        %get3A_2376 = arith.index_cast %mul3A_2349 : i32 to index
        %get3A_2377 = tpu.vector_load %arg11[%get3A_2376] {strides = array<i32>} : memref<4096xf32, #tpu.memory_space<vmem>>, vector<16xf32>,
        %get3A_2378 = vector.shape_cast %get3A_2377 : vector<16xf32> to vector<16xf32>
        %add3A_2379 = arith.addf %add3A_2213, %get3A_2378 : vector<16xf32>
        %mul3A_2380 = arith.constant 2.000000e+00 : f32
        %mul3A_2381 = vector.broadcast %mul3A_2380 : f32 to vector<16xf32>
        %mul3A_2382 = arith.mulf %mul3A_2381, %add3A_2375 : vector<16xf32>
        %sub3A_2383 = arith.subf %add3A_2379, %mul3A_2382 : vector<16xf32>
        %max3A = arith.constant 0.000000e+00 : f32
        %max3A_2384 = vector.broadcast %max3A : f32 to vector<16xf32>
        %max3A_2385 = arith.maximumf %sub3A_2383, %max3A_2384 : vector<16xf32>
        %mul3A_2386 = arith.constant 16 : i32
        %mul3A_2387 = arith.muli %scan3A_2345, %mul3A_2386 : i32
        %convert_element_type3A_2388 = arith.sitofp %mul3A_2387 : i32 to f32
        %add3A_2389 = vector.broadcast %convert_element_type3A_2388 : f32 to vector<16xf32>
        %add3A_2390 = arith.addf %convert_element_type3A, %add3A_2389 : vector<16xf32>
        %lt3A_2391 = arith.cmpf olt, %max3A_2385, %scan3A_2346 : vector<16xf32>
        %select_n3A_2392 = arith.select %lt3A_2391, %max3A_2385, %scan3A_2346 : vector<16xi1>, vector<16xf32>
        %select_n3A_2393 = arith.select %lt3A_2391, %add3A_2390, %scan3A_2347 : vector<16xi1>, vector<16xf32>
        %get3A_2394 = arith.index_cast %mul3A_2349 : i32 to index
        %get3A_2395 = tpu.vector_load %arg12[%get3A_2394] {strides = array<i32>} : memref<4096xf32, #tpu.memory_space<vmem>>, vector<16xf32>,
        %get3A_2396 = vector.shape_cast %get3A_2395 : vector<16xf32> to vector<16xf32>
        %get3A_2397 = arith.index_cast %mul3A_2349 : i32 to index
        %get3A_2398 = tpu.vector_load %arg13[%get3A_2397] {strides = array<i32>} : memref<4096xf32, #tpu.memory_space<vmem>>, vector<16xf32>,
        %get3A_2399 = vector.shape_cast %get3A_2398 : vector<16xf32> to vector<16xf32>
        %lt3A_2400 = arith.cmpf olt, %max3A_2385, %get3A_2396 : vector<16xf32>
        %select_n3A_2401 = arith.select %lt3A_2400, %max3A_2385, %get3A_2396 : vector<16xi1>, vector<16xf32>
        %swap3A_2402 = arith.index_cast %mul3A_2349 : i32 to index
        %swap3A_2403 = tpu.vector_load %arg12[%swap3A_2402] {strides = array<i32>} : memref<4096xf32, #tpu.memory_space<vmem>>, vector<16xf32>,
        %swap3A_2404 = vector.shape_cast %swap3A_2403 : vector<16xf32> to vector<16xf32>
        %swap3A_2405 = vector.shape_cast %select_n3A_2401 : vector<16xf32> to vector<16xf32>
        tpu.vector_store %arg12[%swap3A_2402], %swap3A_2405 {strides = array<i32>} : memref<4096xf32, #tpu.memory_space<vmem>>, vector<16xf32>,
        %select_n3A_2406 = arith.select %lt3A_2400, %broadcast_in_dim3A_2265, %get3A_2399 : vector<16xi1>, vector<16xf32>
        %swap3A_2407 = arith.index_cast %mul3A_2349 : i32 to index
        %swap3A_2408 = tpu.vector_load %arg13[%swap3A_2407] {strides = array<i32>} : memref<4096xf32, #tpu.memory_space<vmem>>, vector<16xf32>,
        %swap3A_2409 = vector.shape_cast %swap3A_2408 : vector<16xf32> to vector<16xf32>
        %swap3A_2410 = vector.shape_cast %select_n3A_2406 : vector<16xf32> to vector<16xf32>
        tpu.vector_store %arg13[%swap3A_2407], %swap3A_2410 {strides = array<i32>} : memref<4096xf32, #tpu.memory_space<vmem>>, vector<16xf32>,
        scf.yield %select_n3A_2392, %select_n3A_2393 : vector<16xf32>, vector<16xf32>
      }
      %scan3A_2271 = arith.constant 256 : i32
      %xor3A_2272 = arith.constant 8 : i32
      %xor3A_2273 = vector.broadcast %xor3A_2272 : i32 to vector<16xi32>
      %xor3A_2274 = arith.xori %iota3A, %xor3A_2273 : vector<16xi32>
      %broadcast_in_dim3A_2275 = vector.shape_cast %xor3A_2274 : vector<16xi32> to vector<16x1xi32>
      %gather3A_2276 = vector.shape_cast %broadcast_in_dim3A_2275 : vector<16x1xi32> to vector<16xi32>
      %gather3A_2277 = tpu.dynamic_gather %scan3A_2270#0[%gather3A_2276] in [0] : vector<16xf32>, vector<16xi32> -> vector<16xf32>
      %gather3A_2278 = vector.shape_cast %broadcast_in_dim3A_2275 : vector<16x1xi32> to vector<16xi32>
      %gather3A_2279 = tpu.dynamic_gather %scan3A_2270#1[%gather3A_2278] in [0] : vector<16xf32>, vector<16xi32> -> vector<16xf32>
      %lt3A_2280 = arith.cmpf olt, %gather3A_2277, %scan3A_2270#0 : vector<16xf32>
      %eq3A_2281 = arith.cmpf oeq, %gather3A_2277, %scan3A_2270#0 : vector<16xf32>
      %lt3A_2282 = arith.cmpf olt, %gather3A_2279, %scan3A_2270#1 : vector<16xf32>
      %and3A_2283 = arith.andi %eq3A_2281, %lt3A_2282 : vector<16xi1>
      %or3A_2284 = arith.ori %lt3A_2280, %and3A_2283 : vector<16xi1>
      %select_n3A_2285 = arith.select %or3A_2284, %gather3A_2277, %scan3A_2270#0 : vector<16xi1>, vector<16xf32>
      %select_n3A_2286 = arith.select %or3A_2284, %gather3A_2279, %scan3A_2270#1 : vector<16xi1>, vector<16xf32>
      %xor3A_2287 = arith.constant 4 : i32
      %xor3A_2288 = vector.broadcast %xor3A_2287 : i32 to vector<16xi32>
      %xor3A_2289 = arith.xori %iota3A, %xor3A_2288 : vector<16xi32>
      %broadcast_in_dim3A_2290 = vector.shape_cast %xor3A_2289 : vector<16xi32> to vector<16x1xi32>
      %gather3A_2291 = vector.shape_cast %broadcast_in_dim3A_2290 : vector<16x1xi32> to vector<16xi32>
      %gather3A_2292 = tpu.dynamic_gather %select_n3A_2285[%gather3A_2291] in [0] : vector<16xf32>, vector<16xi32> -> vector<16xf32>
      %gather3A_2293 = vector.shape_cast %broadcast_in_dim3A_2290 : vector<16x1xi32> to vector<16xi32>
      %gather3A_2294 = tpu.dynamic_gather %select_n3A_2286[%gather3A_2293] in [0] : vector<16xf32>, vector<16xi32> -> vector<16xf32>
      %lt3A_2295 = arith.cmpf olt, %gather3A_2292, %select_n3A_2285 : vector<16xf32>
      %eq3A_2296 = arith.cmpf oeq, %gather3A_2292, %select_n3A_2285 : vector<16xf32>
      %lt3A_2297 = arith.cmpf olt, %gather3A_2294, %select_n3A_2286 : vector<16xf32>
      %and3A_2298 = arith.andi %eq3A_2296, %lt3A_2297 : vector<16xi1>
      %or3A_2299 = arith.ori %lt3A_2295, %and3A_2298 : vector<16xi1>
      %select_n3A_2300 = arith.select %or3A_2299, %gather3A_2292, %select_n3A_2285 : vector<16xi1>, vector<16xf32>
      %select_n3A_2301 = arith.select %or3A_2299, %gather3A_2294, %select_n3A_2286 : vector<16xi1>, vector<16xf32>
      %xor3A_2302 = arith.constant 2 : i32
      %xor3A_2303 = vector.broadcast %xor3A_2302 : i32 to vector<16xi32>
      %xor3A_2304 = arith.xori %iota3A, %xor3A_2303 : vector<16xi32>
      %broadcast_in_dim3A_2305 = vector.shape_cast %xor3A_2304 : vector<16xi32> to vector<16x1xi32>
      %gather3A_2306 = vector.shape_cast %broadcast_in_dim3A_2305 : vector<16x1xi32> to vector<16xi32>
      %gather3A_2307 = tpu.dynamic_gather %select_n3A_2300[%gather3A_2306] in [0] : vector<16xf32>, vector<16xi32> -> vector<16xf32>
      %gather3A_2308 = vector.shape_cast %broadcast_in_dim3A_2305 : vector<16x1xi32> to vector<16xi32>
      %gather3A_2309 = tpu.dynamic_gather %select_n3A_2301[%gather3A_2308] in [0] : vector<16xf32>, vector<16xi32> -> vector<16xf32>
      %lt3A_2310 = arith.cmpf olt, %gather3A_2307, %select_n3A_2300 : vector<16xf32>
      %eq3A_2311 = arith.cmpf oeq, %gather3A_2307, %select_n3A_2300 : vector<16xf32>
      %lt3A_2312 = arith.cmpf olt, %gather3A_2309, %select_n3A_2301 : vector<16xf32>
      %and3A_2313 = arith.andi %eq3A_2311, %lt3A_2312 : vector<16xi1>
      %or3A_2314 = arith.ori %lt3A_2310, %and3A_2313 : vector<16xi1>
      %select_n3A_2315 = arith.select %or3A_2314, %gather3A_2307, %select_n3A_2300 : vector<16xi1>, vector<16xf32>
      %select_n3A_2316 = arith.select %or3A_2314, %gather3A_2309, %select_n3A_2301 : vector<16xi1>, vector<16xf32>
      %xor3A_2317 = arith.constant 1 : i32
      %xor3A_2318 = vector.broadcast %xor3A_2317 : i32 to vector<16xi32>
      %xor3A_2319 = arith.xori %iota3A, %xor3A_2318 : vector<16xi32>
      %broadcast_in_dim3A_2320 = vector.shape_cast %xor3A_2319 : vector<16xi32> to vector<16x1xi32>
      %gather3A_2321 = vector.shape_cast %broadcast_in_dim3A_2320 : vector<16x1xi32> to vector<16xi32>
      %gather3A_2322 = tpu.dynamic_gather %select_n3A_2315[%gather3A_2321] in [0] : vector<16xf32>, vector<16xi32> -> vector<16xf32>
      %gather3A_2323 = vector.shape_cast %broadcast_in_dim3A_2320 : vector<16x1xi32> to vector<16xi32>
      %gather3A_2324 = tpu.dynamic_gather %select_n3A_2316[%gather3A_2323] in [0] : vector<16xf32>, vector<16xi32> -> vector<16xf32>
      %lt3A_2325 = arith.cmpf olt, %gather3A_2322, %select_n3A_2315 : vector<16xf32>
      %eq3A_2326 = arith.cmpf oeq, %gather3A_2322, %select_n3A_2315 : vector<16xf32>
      %lt3A_2327 = arith.cmpf olt, %gather3A_2324, %select_n3A_2316 : vector<16xf32>
      %and3A_2328 = arith.andi %eq3A_2326, %lt3A_2327 : vector<16xi1>
      %or3A_2329 = arith.ori %lt3A_2325, %and3A_2328 : vector<16xi1>
      %select_n3A_2330 = arith.select %or3A_2329, %gather3A_2322, %select_n3A_2315 : vector<16xi1>, vector<16xf32>
      %select_n3A_2331 = arith.select %or3A_2329, %gather3A_2324, %select_n3A_2316 : vector<16xi1>, vector<16xf32>
      %eq3A_2332 = arith.constant 15 : i32
      %eq3A_2333 = vector.broadcast %eq3A_2332 : i32 to vector<16xi32>
      %eq3A_2334 = arith.cmpi eq, %iota3A, %eq3A_2333 : vector<16xi32>
      %select_n3A_2335 = arith.select %eq3A_2334, %select_n3A_2330, %select_n3A_2195 : vector<16xi1>, vector<16xf32>
      %select_n3A_2336 = arith.select %eq3A_2334, %select_n3A_2331, %select_n3A_2196 : vector<16xi1>, vector<16xf32>
      %swap3A = arith.index_cast %mul3A_81 : i32 to index
      %swap3A_2337 = tpu.vector_load %arg14[%swap3A] {strides = array<i32>} : memref<64xf32, #tpu.memory_space<vmem>>, vector<16xf32>,
      %swap3A_2338 = vector.shape_cast %swap3A_2337 : vector<16xf32> to vector<16xf32>
      %swap3A_2339 = vector.shape_cast %select_n3A_2335 : vector<16xf32> to vector<16xf32>
      tpu.vector_store %arg14[%swap3A], %swap3A_2339 {strides = array<i32>} : memref<64xf32, #tpu.memory_space<vmem>>, vector<16xf32>,
      %swap3A_2340 = arith.index_cast %mul3A_81 : i32 to index
      %swap3A_2341 = tpu.vector_load %arg15[%swap3A_2340] {strides = array<i32>} : memref<64xf32, #tpu.memory_space<vmem>>, vector<16xf32>,
      %swap3A_2342 = vector.shape_cast %swap3A_2341 : vector<16xf32> to vector<16xf32>
      %swap3A_2343 = vector.shape_cast %select_n3A_2336 : vector<16xf32> to vector<16xf32>
      tpu.vector_store %arg15[%swap3A_2340], %swap3A_2343 {strides = array<i32>} : memref<64xf32, #tpu.memory_space<vmem>>, vector<16xf32>,
      %scan3A_2344 = arith.constant 0 : i32
      scf.yield %scan3A_2344 : i32
    }
    %scan3A_69 = arith.constant 4 : i32
    %mul3A_70 = arith.constant 64 : i32
    %mul3A_71 = arith.muli %add3A, %mul3A_70 : i32
    "tpu.region"() ({
      %run_scoped3A = tpu.sem_alloc : memref<!tpu.dma_semaphore, #tpu.memory_space<semaphore_mem>>
      %dma_start3A = tpu.memref_slice %arg4[%mul3A_71] : memref<2048xf32, #tpu.memory_space<hbm>> -> memref<64xf32, #tpu.memory_space<hbm>>
      %dma_start3A_78 = tpu.memref_slice %arg4[%mul3A_71] : memref<2048xf32, #tpu.memory_space<hbm>> -> memref<64xf32, #tpu.memory_space<hbm>>
      tpu.enqueue_dma source(%arg14 : memref<64xf32, #tpu.memory_space<vmem>>) target(%dma_start3A_78 : memref<64xf32, #tpu.memory_space<hbm>>) target_semaphore(%run_scoped3A : memref<!tpu.dma_semaphore, #tpu.memory_space<semaphore_mem>>)
      %dma_wait3A = tpu.memref_slice %arg4[%mul3A_71] : memref<2048xf32, #tpu.memory_space<hbm>> -> memref<64xf32, #tpu.memory_space<hbm>>
      %dma_wait3A_79 = tpu.memref_slice %arg4[%mul3A_71] : memref<2048xf32, #tpu.memory_space<hbm>> -> memref<64xf32, #tpu.memory_space<hbm>>
      tpu.wait_dma2 semaphore(%run_scoped3A : memref<!tpu.dma_semaphore, #tpu.memory_space<semaphore_mem>>) src(%arg14 : memref<64xf32, #tpu.memory_space<vmem>>) dst(%dma_wait3A_79 : memref<64xf32, #tpu.memory_space<hbm>>)
      tpu.yield
    }) : () -> ()
    %mul3A_72 = arith.constant 64 : i32
    %mul3A_73 = arith.muli %add3A, %mul3A_72 : i32
    "tpu.region"() ({
      %run_scoped3A = tpu.sem_alloc : memref<!tpu.dma_semaphore, #tpu.memory_space<semaphore_mem>>
      %dma_start3A = tpu.memref_slice %arg5[%mul3A_73] : memref<2048xf32, #tpu.memory_space<hbm>> -> memref<64xf32, #tpu.memory_space<hbm>>
      %dma_start3A_78 = tpu.memref_slice %arg5[%mul3A_73] : memref<2048xf32, #tpu.memory_space<hbm>> -> memref<64xf32, #tpu.memory_space<hbm>>
      tpu.enqueue_dma source(%arg15 : memref<64xf32, #tpu.memory_space<vmem>>) target(%dma_start3A_78 : memref<64xf32, #tpu.memory_space<hbm>>) target_semaphore(%run_scoped3A : memref<!tpu.dma_semaphore, #tpu.memory_space<semaphore_mem>>)
      %dma_wait3A = tpu.memref_slice %arg5[%mul3A_73] : memref<2048xf32, #tpu.memory_space<hbm>> -> memref<64xf32, #tpu.memory_space<hbm>>
      %dma_wait3A_79 = tpu.memref_slice %arg5[%mul3A_73] : memref<2048xf32, #tpu.memory_space<hbm>> -> memref<64xf32, #tpu.memory_space<hbm>>
      tpu.wait_dma2 semaphore(%run_scoped3A : memref<!tpu.dma_semaphore, #tpu.memory_space<semaphore_mem>>) src(%arg15 : memref<64xf32, #tpu.memory_space<vmem>>) dst(%dma_wait3A_79 : memref<64xf32, #tpu.memory_space<hbm>>)
      tpu.yield
    }) : () -> ()
    %mul3A_74 = arith.constant 4096 : i32
    %mul3A_75 = arith.muli %add3A, %mul3A_74 : i32
    "tpu.region"() ({
      %run_scoped3A = tpu.sem_alloc : memref<!tpu.dma_semaphore, #tpu.memory_space<semaphore_mem>>
      %dma_start3A = tpu.memref_slice %arg6[%mul3A_75] : memref<131072xf32, #tpu.memory_space<hbm>> -> memref<4096xf32, #tpu.memory_space<hbm>>
      %dma_start3A_78 = tpu.memref_slice %arg6[%mul3A_75] : memref<131072xf32, #tpu.memory_space<hbm>> -> memref<4096xf32, #tpu.memory_space<hbm>>
      tpu.enqueue_dma source(%arg12 : memref<4096xf32, #tpu.memory_space<vmem>>) target(%dma_start3A_78 : memref<4096xf32, #tpu.memory_space<hbm>>) target_semaphore(%run_scoped3A : memref<!tpu.dma_semaphore, #tpu.memory_space<semaphore_mem>>)
      %dma_wait3A = tpu.memref_slice %arg6[%mul3A_75] : memref<131072xf32, #tpu.memory_space<hbm>> -> memref<4096xf32, #tpu.memory_space<hbm>>
      %dma_wait3A_79 = tpu.memref_slice %arg6[%mul3A_75] : memref<131072xf32, #tpu.memory_space<hbm>> -> memref<4096xf32, #tpu.memory_space<hbm>>
      tpu.wait_dma2 semaphore(%run_scoped3A : memref<!tpu.dma_semaphore, #tpu.memory_space<semaphore_mem>>) src(%arg12 : memref<4096xf32, #tpu.memory_space<vmem>>) dst(%dma_wait3A_79 : memref<4096xf32, #tpu.memory_space<hbm>>)
      tpu.yield
    }) : () -> ()
    %mul3A_76 = arith.constant 4096 : i32
    %mul3A_77 = arith.muli %add3A, %mul3A_76 : i32
    "tpu.region"() ({
      %run_scoped3A = tpu.sem_alloc : memref<!tpu.dma_semaphore, #tpu.memory_space<semaphore_mem>>
      %dma_start3A = tpu.memref_slice %arg7[%mul3A_77] : memref<131072xf32, #tpu.memory_space<hbm>> -> memref<4096xf32, #tpu.memory_space<hbm>>
      %dma_start3A_78 = tpu.memref_slice %arg7[%mul3A_77] : memref<131072xf32, #tpu.memory_space<hbm>> -> memref<4096xf32, #tpu.memory_space<hbm>>
      tpu.enqueue_dma source(%arg13 : memref<4096xf32, #tpu.memory_space<vmem>>) target(%dma_start3A_78 : memref<4096xf32, #tpu.memory_space<hbm>>) target_semaphore(%run_scoped3A : memref<!tpu.dma_semaphore, #tpu.memory_space<semaphore_mem>>)
      %dma_wait3A = tpu.memref_slice %arg7[%mul3A_77] : memref<131072xf32, #tpu.memory_space<hbm>> -> memref<4096xf32, #tpu.memory_space<hbm>>
      %dma_wait3A_79 = tpu.memref_slice %arg7[%mul3A_77] : memref<131072xf32, #tpu.memory_space<hbm>> -> memref<4096xf32, #tpu.memory_space<hbm>>
      tpu.wait_dma2 semaphore(%run_scoped3A : memref<!tpu.dma_semaphore, #tpu.memory_space<semaphore_mem>>) src(%arg13 : memref<4096xf32, #tpu.memory_space<vmem>>) dst(%dma_wait3A_79 : memref<4096xf32, #tpu.memory_space<hbm>>)
      tpu.yield
    }) : () -> ()
    return
  }
}

module attributes {stable_mosaic.version = 14 : i64} {
  func.func @_tc_body(%arg0: i32, %arg1: i32, %arg2: memref<1x1792x8xf32, #tpu.memory_space<vmem>>, %arg3: memref<1x8x4096xf32, #tpu.memory_space<vmem>>, %arg4: memref<1x1792x1xf32, #tpu.memory_space<vmem>>, %arg5: memref<1x1792x1xi32, #tpu.memory_space<vmem>>, %arg6: memref<1x1x4096xf32, #tpu.memory_space<vmem>>, %arg7: memref<1x1x4096xi32, #tpu.memory_space<vmem>>) attributes {dimension_semantics = [#tpu.dimension_semantics<parallel>, #tpu.dimension_semantics<arbitrary>], iteration_bounds = array<i64: 4, 2>, scalar_prefetch = 0 : i64, scratch_operands = 0 : i64, tpu.core_type = #tpu.core_type<tc>, window_params = [{transform_indices = @transform_0, window_bounds = array<i64: 1, 1792, 8>}, {transform_indices = @transform_1, window_bounds = array<i64: 1, 8, 4096>}, {transform_indices = @transform_2, window_bounds = array<i64: 1, 1792, 1>}, {transform_indices = @transform_3, window_bounds = array<i64: 1, 1792, 1>}, {transform_indices = @transform_4, window_bounds = array<i64: 1, 1, 4096>}, {transform_indices = @transform_5, window_bounds = array<i64: 1, 1, 4096>}]} {
    %get3A = arith.constant 0 : index
    %get3A_0 = arith.constant 0 : index
    %get3A_1 = arith.constant 0 : index
    %get3A_2 = vector.load %arg2[%get3A, %get3A_0, %get3A_1] : memref<1x1792x8xf32, #tpu.memory_space<vmem>>, vector<1x1792x8xf32>
    %get3A_3 = vector.shape_cast %get3A_2 : vector<1x1792x8xf32> to vector<1792x8xf32>
    %get3A_4 = arith.constant 0 : index
    %get3A_5 = arith.constant 0 : index
    %get3A_6 = arith.constant 0 : index
    %get3A_7 = vector.load %arg3[%get3A_4, %get3A_5, %get3A_6] : memref<1x8x4096xf32, #tpu.memory_space<vmem>>, vector<1x8x4096xf32>
    %get3A_8 = vector.shape_cast %get3A_7 : vector<1x8x4096xf32> to vector<8x4096xf32>
    %mul3A = arith.mulf %get3A_3, %get3A_3 : vector<1792x8xf32>
    %reduce_sum3A = arith.constant dense<0.000000e+00> : vector<1792xf32>
    %reduce_sum3A_9 = vector.multi_reduction <add>, %mul3A, %reduce_sum3A [1] : vector<1792x8xf32> to vector<1792xf32>
    %broadcast_in_dim3A = vector.shape_cast %reduce_sum3A_9 : vector<1792xf32> to vector<1792x1xf32>
    %mul3A_10 = arith.constant -5.000000e-01 : f32
    %mul3A_11 = vector.broadcast %mul3A_10 : f32 to vector<8x4096xf32>
    %mul3A_12 = arith.mulf %mul3A_11, %get3A_8 : vector<8x4096xf32>
    %mul3A_13 = arith.mulf %mul3A_12, %mul3A_12 : vector<8x4096xf32>
    %reduce_sum3A_14 = arith.constant dense<0.000000e+00> : vector<4096xf32>
    %reduce_sum3A_15 = vector.multi_reduction <add>, %mul3A_13, %reduce_sum3A_14 [0] : vector<8x4096xf32> to vector<4096xf32>
    %broadcast_in_dim3A_16 = vector.shape_cast %reduce_sum3A_15 : vector<4096xf32> to vector<1x4096xf32>
    %dot_general3A = arith.constant dense<0.000000e+00> : vector<1792x4096xf32>
    %dot_general3A_17 = tpu.matmul %get3A_3, %get3A_8, %dot_general3A {dimension_numbers = #tpu.dot_dimension_numbers<[1], [0], [0], [1], [0, 0, 1, 1], [], []>, transpose_lhs_hint = false} : vector<1792x8xf32>, vector<8x4096xf32>, vector<1792x4096xf32> -> vector<1792x4096xf32>
    %add3A = vector.broadcast %broadcast_in_dim3A : vector<1792x1xf32> to vector<1792x4096xf32>
    %add3A_18 = vector.broadcast %broadcast_in_dim3A_16 : vector<1x4096xf32> to vector<1792x4096xf32>
    %add3A_19 = arith.addf %add3A, %add3A_18 : vector<1792x4096xf32>
    %add3A_20 = arith.addf %add3A_19, %dot_general3A_17 : vector<1792x4096xf32>
    %max3A = arith.constant 0.000000e+00 : f32
    %max3A_21 = vector.broadcast %max3A : f32 to vector<1792x4096xf32>
    %max3A_22 = arith.maximumf %add3A_20, %max3A_21 : vector<1792x4096xf32>
    %reduce_min3A = arith.constant dense<0x7F800000> : vector<1792xf32>
    %reduce_min3A_23 = vector.multi_reduction <minimumf>, %max3A_22, %reduce_min3A [1] : vector<1792x4096xf32> to vector<1792xf32>
    %broadcast_in_dim3A_24 = vector.shape_cast %reduce_min3A_23 : vector<1792xf32> to vector<1792x1xf32>
    %iota3A = tpu.iota {dimensions = array<i32: 1>} : vector<1x4096xi32>
    %convert_element_type3A = arith.sitofp %iota3A : vector<1x4096xi32> to vector<1x4096xf32>
    %eq3A = vector.broadcast %broadcast_in_dim3A_24 : vector<1792x1xf32> to vector<1792x4096xf32>
    %eq3A_25 = arith.cmpf oeq, %max3A_22, %eq3A : vector<1792x4096xf32>
    %jit3A = arith.constant 1.07374182E+9 : f32
    %broadcast_in_dim3A_26 = vector.shape_cast %convert_element_type3A : vector<1x4096xf32> to vector<1x4096xf32>
    %broadcast_in_dim3A_27 = vector.broadcast %broadcast_in_dim3A_26 : vector<1x4096xf32> to vector<1792x4096xf32>
    %broadcast_in_dim3A_28 = vector.broadcast %jit3A : f32 to vector<1792x4096xf32>
    %select_n3A = arith.select %eq3A_25, %broadcast_in_dim3A_27, %broadcast_in_dim3A_28 : vector<1792x4096xi1>, vector<1792x4096xf32>
    %reduce_min3A_29 = arith.constant dense<0x7F800000> : vector<1792xf32>
    %reduce_min3A_30 = vector.multi_reduction <minimumf>, %select_n3A, %reduce_min3A_29 [1] : vector<1792x4096xf32> to vector<1792xf32>
    %broadcast_in_dim3A_31 = vector.shape_cast %reduce_min3A_30 : vector<1792xf32> to vector<1792x1xf32>
    %convert_element_type3A_32 = arith.fptosi %broadcast_in_dim3A_31 : vector<1792x1xf32> to vector<1792x1xi32>
    %swap3A = arith.constant 0 : index
    %swap3A_33 = arith.constant 0 : index
    %swap3A_34 = arith.constant 0 : index
    %swap3A_35 = vector.load %arg4[%swap3A, %swap3A_33, %swap3A_34] : memref<1x1792x1xf32, #tpu.memory_space<vmem>>, vector<1x1792x1xf32>
    %swap3A_36 = vector.shape_cast %swap3A_35 : vector<1x1792x1xf32> to vector<1792x1xf32>
    %swap3A_37 = vector.shape_cast %broadcast_in_dim3A_24 : vector<1792x1xf32> to vector<1x1792x1xf32>
    tpu.vector_store %arg4[%swap3A, %swap3A_33, %swap3A_34], %swap3A_37 {strides = array<i32>} : memref<1x1792x1xf32, #tpu.memory_space<vmem>>, vector<1x1792x1xf32>,
    %swap3A_38 = arith.constant 0 : index
    %swap3A_39 = arith.constant 0 : index
    %swap3A_40 = arith.constant 0 : index
    %swap3A_41 = vector.load %arg5[%swap3A_38, %swap3A_39, %swap3A_40] : memref<1x1792x1xi32, #tpu.memory_space<vmem>>, vector<1x1792x1xi32>
    %swap3A_42 = vector.shape_cast %swap3A_41 : vector<1x1792x1xi32> to vector<1792x1xi32>
    %swap3A_43 = vector.shape_cast %convert_element_type3A_32 : vector<1792x1xi32> to vector<1x1792x1xi32>
    tpu.vector_store %arg5[%swap3A_38, %swap3A_39, %swap3A_40], %swap3A_43 {strides = array<i32>} : memref<1x1792x1xi32, #tpu.memory_space<vmem>>, vector<1x1792x1xi32>,
    %reduce_min3A_44 = arith.constant dense<0x7F800000> : vector<4096xf32>
    %reduce_min3A_45 = vector.multi_reduction <minimumf>, %max3A_22, %reduce_min3A_44 [0] : vector<1792x4096xf32> to vector<4096xf32>
    %broadcast_in_dim3A_46 = vector.shape_cast %reduce_min3A_45 : vector<4096xf32> to vector<1x4096xf32>
    %iota3A_47 = tpu.iota {dimensions = array<i32: 0>} : vector<1792x1xi32>
    %mul3A_48 = arith.constant 1792 : i32
    %mul3A_49 = arith.muli %arg1, %mul3A_48 : i32
    %add3A_50 = vector.broadcast %mul3A_49 : i32 to vector<1792x1xi32>
    %add3A_51 = arith.addi %iota3A_47, %add3A_50 : vector<1792x1xi32>
    %convert_element_type3A_52 = arith.sitofp %add3A_51 : vector<1792x1xi32> to vector<1792x1xf32>
    %eq3A_53 = vector.broadcast %broadcast_in_dim3A_46 : vector<1x4096xf32> to vector<1792x4096xf32>
    %eq3A_54 = arith.cmpf oeq, %max3A_22, %eq3A_53 : vector<1792x4096xf32>
    %jit3A_55 = arith.constant 1.07374182E+9 : f32
    %broadcast_in_dim3A_56 = vector.shape_cast %convert_element_type3A_52 : vector<1792x1xf32> to vector<1792x1xf32>
    %broadcast_in_dim3A_57 = vector.broadcast %broadcast_in_dim3A_56 : vector<1792x1xf32> to vector<1792x4096xf32>
    %broadcast_in_dim3A_58 = vector.broadcast %jit3A_55 : f32 to vector<1792x4096xf32>
    %select_n3A_59 = arith.select %eq3A_54, %broadcast_in_dim3A_57, %broadcast_in_dim3A_58 : vector<1792x4096xi1>, vector<1792x4096xf32>
    %reduce_min3A_60 = arith.constant dense<0x7F800000> : vector<4096xf32>
    %reduce_min3A_61 = vector.multi_reduction <minimumf>, %select_n3A_59, %reduce_min3A_60 [0] : vector<1792x4096xf32> to vector<4096xf32>
    %broadcast_in_dim3A_62 = vector.shape_cast %reduce_min3A_61 : vector<4096xf32> to vector<1x4096xf32>
    %convert_element_type3A_63 = arith.fptosi %broadcast_in_dim3A_62 : vector<1x4096xf32> to vector<1x4096xi32>
    %eq3A_64 = arith.constant 0 : i32
    %eq3A_65 = arith.cmpi eq, %arg1, %eq3A_64 : i32
    %convert_element_type3A_66 = arith.extui %eq3A_65 : i1 to i32
    %cond3A = arith.constant 0 : i32
    %cond3A_67 = arith.cmpi ne, %convert_element_type3A_66, %cond3A : i32
    scf.if %cond3A_67 {
      %swap3A_72 = arith.constant 0 : index
      %swap3A_73 = arith.constant 0 : index
      %swap3A_74 = arith.constant 0 : index
      %swap3A_75 = vector.load %arg6[%swap3A_72, %swap3A_73, %swap3A_74] : memref<1x1x4096xf32, #tpu.memory_space<vmem>>, vector<1x1x4096xf32>
      %swap3A_76 = vector.shape_cast %swap3A_75 : vector<1x1x4096xf32> to vector<1x4096xf32>
      %swap3A_77 = vector.shape_cast %broadcast_in_dim3A_46 : vector<1x4096xf32> to vector<1x1x4096xf32>
      tpu.vector_store %arg6[%swap3A_72, %swap3A_73, %swap3A_74], %swap3A_77 {strides = array<i32>} : memref<1x1x4096xf32, #tpu.memory_space<vmem>>, vector<1x1x4096xf32>,
      %swap3A_78 = arith.constant 0 : index
      %swap3A_79 = arith.constant 0 : index
      %swap3A_80 = arith.constant 0 : index
      %swap3A_81 = vector.load %arg7[%swap3A_78, %swap3A_79, %swap3A_80] : memref<1x1x4096xi32, #tpu.memory_space<vmem>>, vector<1x1x4096xi32>
      %swap3A_82 = vector.shape_cast %swap3A_81 : vector<1x1x4096xi32> to vector<1x4096xi32>
      %swap3A_83 = vector.shape_cast %convert_element_type3A_63 : vector<1x4096xi32> to vector<1x1x4096xi32>
      tpu.vector_store %arg7[%swap3A_78, %swap3A_79, %swap3A_80], %swap3A_83 {strides = array<i32>} : memref<1x1x4096xi32, #tpu.memory_space<vmem>>, vector<1x1x4096xi32>,
    } else {
    }
    %gt3A = arith.constant 0 : i32
    %gt3A_68 = arith.cmpi sgt, %arg1, %gt3A : i32
    %convert_element_type3A_69 = arith.extui %gt3A_68 : i1 to i32
    %cond3A_70 = arith.constant 0 : i32
    %cond3A_71 = arith.cmpi ne, %convert_element_type3A_69, %cond3A_70 : i32
    scf.if %cond3A_71 {
      %get3A_72 = arith.constant 0 : index
      %get3A_73 = arith.constant 0 : index
      %get3A_74 = arith.constant 0 : index
      %get3A_75 = vector.load %arg6[%get3A_72, %get3A_73, %get3A_74] : memref<1x1x4096xf32, #tpu.memory_space<vmem>>, vector<1x1x4096xf32>
      %get3A_76 = vector.shape_cast %get3A_75 : vector<1x1x4096xf32> to vector<1x4096xf32>
      %get3A_77 = arith.constant 0 : index
      %get3A_78 = arith.constant 0 : index
      %get3A_79 = arith.constant 0 : index
      %get3A_80 = vector.load %arg7[%get3A_77, %get3A_78, %get3A_79] : memref<1x1x4096xi32, #tpu.memory_space<vmem>>, vector<1x1x4096xi32>
      %get3A_81 = vector.shape_cast %get3A_80 : vector<1x1x4096xi32> to vector<1x4096xi32>
      %lt3A = arith.cmpf olt, %broadcast_in_dim3A_46, %get3A_76 : vector<1x4096xf32>
      %select_n3A_82 = arith.select %lt3A, %broadcast_in_dim3A_46, %get3A_76 : vector<1x4096xi1>, vector<1x4096xf32>
      %swap3A_83 = arith.constant 0 : index
      %swap3A_84 = arith.constant 0 : index
      %swap3A_85 = arith.constant 0 : index
      %swap3A_86 = vector.load %arg6[%swap3A_83, %swap3A_84, %swap3A_85] : memref<1x1x4096xf32, #tpu.memory_space<vmem>>, vector<1x1x4096xf32>
      %swap3A_87 = vector.shape_cast %swap3A_86 : vector<1x1x4096xf32> to vector<1x4096xf32>
      %swap3A_88 = vector.shape_cast %select_n3A_82 : vector<1x4096xf32> to vector<1x1x4096xf32>
      tpu.vector_store %arg6[%swap3A_83, %swap3A_84, %swap3A_85], %swap3A_88 {strides = array<i32>} : memref<1x1x4096xf32, #tpu.memory_space<vmem>>, vector<1x1x4096xf32>,
      %select_n3A_89 = arith.select %lt3A, %convert_element_type3A_63, %get3A_81 : vector<1x4096xi1>, vector<1x4096xi32>
      %swap3A_90 = arith.constant 0 : index
      %swap3A_91 = arith.constant 0 : index
      %swap3A_92 = arith.constant 0 : index
      %swap3A_93 = vector.load %arg7[%swap3A_90, %swap3A_91, %swap3A_92] : memref<1x1x4096xi32, #tpu.memory_space<vmem>>, vector<1x1x4096xi32>
      %swap3A_94 = vector.shape_cast %swap3A_93 : vector<1x1x4096xi32> to vector<1x4096xi32>
      %swap3A_95 = vector.shape_cast %select_n3A_89 : vector<1x4096xi32> to vector<1x1x4096xi32>
      tpu.vector_store %arg7[%swap3A_90, %swap3A_91, %swap3A_92], %swap3A_95 {strides = array<i32>} : memref<1x1x4096xi32, #tpu.memory_space<vmem>>, vector<1x1x4096xi32>,
    } else {
    }
    return
  }
  func.func @transform_0(%arg0: i32, %arg1: i32) -> (i32, i32, i32) {
    %c0_i32 = arith.constant 0 : i32
    %c0_i32_0 = arith.constant 0 : i32
    return %arg0, %arg1, %c0_i32 : i32, i32, i32
  }
  func.func @transform_1(%arg0: i32, %arg1: i32) -> (i32, i32, i32) {
    %c0_i32 = arith.constant 0 : i32
    %c0_i32_0 = arith.constant 0 : i32
    %c0_i32_1 = arith.constant 0 : i32
    return %arg0, %c0_i32, %c0_i32_0 : i32, i32, i32
  }
  func.func @transform_2(%arg0: i32, %arg1: i32) -> (i32, i32, i32) {
    %c0_i32 = arith.constant 0 : i32
    %c0_i32_0 = arith.constant 0 : i32
    return %arg0, %arg1, %c0_i32 : i32, i32, i32
  }
  func.func @transform_3(%arg0: i32, %arg1: i32) -> (i32, i32, i32) {
    %c0_i32 = arith.constant 0 : i32
    %c0_i32_0 = arith.constant 0 : i32
    return %arg0, %arg1, %c0_i32 : i32, i32, i32
  }
  func.func @transform_4(%arg0: i32, %arg1: i32) -> (i32, i32, i32) {
    %c0_i32 = arith.constant 0 : i32
    %c0_i32_0 = arith.constant 0 : i32
    %c0_i32_1 = arith.constant 0 : i32
    return %arg0, %c0_i32, %c0_i32_0 : i32, i32, i32
  }
  func.func @transform_5(%arg0: i32, %arg1: i32) -> (i32, i32, i32) {
    %c0_i32 = arith.constant 0 : i32
    %c0_i32_0 = arith.constant 0 : i32
    %c0_i32_1 = arith.constant 0 : i32
    return %arg0, %c0_i32, %c0_i32_0 : i32, i32, i32
  }
}

module attributes {stable_mosaic.version = 14 : i64} {
  func.func @_merge_body(%arg0: i32, %arg1: memref<1x1x4096xf32, #tpu.memory_space<vmem>>, %arg2: memref<1x1x4096xi32, #tpu.memory_space<vmem>>, %arg3: memref<1x8x4096xf32, #tpu.memory_space<vmem>>, %arg4: memref<1x8x4096xf32, #tpu.memory_space<vmem>>, %arg5: memref<1x1x4096xf32, #tpu.memory_space<vmem>>, %arg6: memref<1x1x4096xi32, #tpu.memory_space<vmem>>) attributes {dimension_semantics = [#tpu.dimension_semantics<arbitrary>], iteration_bounds = array<i64: 4>, scalar_prefetch = 0 : i64, scratch_operands = 0 : i64, tpu.core_type = #tpu.core_type<tc>, window_params = [{transform_indices = @transform_0, window_bounds = array<i64: 1, 1, 4096>}, {transform_indices = @transform_1, window_bounds = array<i64: 1, 1, 4096>}, {transform_indices = @transform_2, window_bounds = array<i64: 1, 8, 4096>}, {transform_indices = @transform_3, window_bounds = array<i64: 1, 8, 4096>}, {transform_indices = @transform_4, window_bounds = array<i64: 1, 1, 4096>}, {transform_indices = @transform_5, window_bounds = array<i64: 1, 1, 4096>}]} {
    %get3A = arith.constant 0 : index
    %get3A_0 = arith.constant 0 : index
    %get3A_1 = arith.constant 0 : index
    %get3A_2 = vector.load %arg1[%get3A, %get3A_0, %get3A_1] : memref<1x1x4096xf32, #tpu.memory_space<vmem>>, vector<1x1x4096xf32>
    %get3A_3 = vector.shape_cast %get3A_2 : vector<1x1x4096xf32> to vector<1x4096xf32>
    %get3A_4 = arith.constant 0 : index
    %get3A_5 = arith.constant 0 : index
    %get3A_6 = arith.constant 0 : index
    %get3A_7 = vector.load %arg2[%get3A_4, %get3A_5, %get3A_6] : memref<1x1x4096xi32, #tpu.memory_space<vmem>>, vector<1x1x4096xi32>
    %get3A_8 = vector.shape_cast %get3A_7 : vector<1x1x4096xi32> to vector<1x4096xi32>
    %convert_element_type3A = arith.sitofp %get3A_8 : vector<1x4096xi32> to vector<1x4096xf32>
    %get3A_9 = arith.constant 0 : index
    %get3A_10 = arith.constant 0 : index
    %get3A_11 = arith.constant 0 : index
    %get3A_12 = vector.load %arg3[%get3A_9, %get3A_10, %get3A_11] : memref<1x8x4096xf32, #tpu.memory_space<vmem>>, vector<1x8x4096xf32>
    %get3A_13 = vector.shape_cast %get3A_12 : vector<1x8x4096xf32> to vector<8x4096xf32>
    %get3A_14 = arith.constant 0 : index
    %get3A_15 = arith.constant 0 : index
    %get3A_16 = arith.constant 0 : index
    %get3A_17 = vector.load %arg4[%get3A_14, %get3A_15, %get3A_16] : memref<1x8x4096xf32, #tpu.memory_space<vmem>>, vector<1x8x4096xf32>
    %get3A_18 = vector.shape_cast %get3A_17 : vector<1x8x4096xf32> to vector<8x4096xf32>
    %slice3A = vector.extract_strided_slice %get3A_13 {offsets = [0, 0], sizes = [1, 4096], strides = [1, 1]} : vector<8x4096xf32> to vector<1x4096xf32>
    %slice3A_19 = vector.extract_strided_slice %get3A_18 {offsets = [0, 0], sizes = [1, 4096], strides = [1, 1]} : vector<8x4096xf32> to vector<1x4096xf32>
    %lt3A = arith.cmpf olt, %slice3A, %get3A_3 : vector<1x4096xf32>
    %eq3A = arith.cmpf oeq, %slice3A, %get3A_3 : vector<1x4096xf32>
    %lt3A_20 = arith.cmpf olt, %slice3A_19, %convert_element_type3A : vector<1x4096xf32>
    %and3A = arith.andi %eq3A, %lt3A_20 : vector<1x4096xi1>
    %or3A = arith.ori %lt3A, %and3A : vector<1x4096xi1>
    %select_n3A = arith.select %or3A, %slice3A, %get3A_3 : vector<1x4096xi1>, vector<1x4096xf32>
    %select_n3A_21 = arith.select %or3A, %slice3A_19, %convert_element_type3A : vector<1x4096xi1>, vector<1x4096xf32>
    %slice3A_22 = vector.extract_strided_slice %get3A_13 {offsets = [1, 0], sizes = [1, 4096], strides = [1, 1]} : vector<8x4096xf32> to vector<1x4096xf32>
    %slice3A_23 = vector.extract_strided_slice %get3A_18 {offsets = [1, 0], sizes = [1, 4096], strides = [1, 1]} : vector<8x4096xf32> to vector<1x4096xf32>
    %lt3A_24 = arith.cmpf olt, %slice3A_22, %select_n3A : vector<1x4096xf32>
    %eq3A_25 = arith.cmpf oeq, %slice3A_22, %select_n3A : vector<1x4096xf32>
    %lt3A_26 = arith.cmpf olt, %slice3A_23, %select_n3A_21 : vector<1x4096xf32>
    %and3A_27 = arith.andi %eq3A_25, %lt3A_26 : vector<1x4096xi1>
    %or3A_28 = arith.ori %lt3A_24, %and3A_27 : vector<1x4096xi1>
    %select_n3A_29 = arith.select %or3A_28, %slice3A_22, %select_n3A : vector<1x4096xi1>, vector<1x4096xf32>
    %select_n3A_30 = arith.select %or3A_28, %slice3A_23, %select_n3A_21 : vector<1x4096xi1>, vector<1x4096xf32>
    %slice3A_31 = vector.extract_strided_slice %get3A_13 {offsets = [2, 0], sizes = [1, 4096], strides = [1, 1]} : vector<8x4096xf32> to vector<1x4096xf32>
    %slice3A_32 = vector.extract_strided_slice %get3A_18 {offsets = [2, 0], sizes = [1, 4096], strides = [1, 1]} : vector<8x4096xf32> to vector<1x4096xf32>
    %lt3A_33 = arith.cmpf olt, %slice3A_31, %select_n3A_29 : vector<1x4096xf32>
    %eq3A_34 = arith.cmpf oeq, %slice3A_31, %select_n3A_29 : vector<1x4096xf32>
    %lt3A_35 = arith.cmpf olt, %slice3A_32, %select_n3A_30 : vector<1x4096xf32>
    %and3A_36 = arith.andi %eq3A_34, %lt3A_35 : vector<1x4096xi1>
    %or3A_37 = arith.ori %lt3A_33, %and3A_36 : vector<1x4096xi1>
    %select_n3A_38 = arith.select %or3A_37, %slice3A_31, %select_n3A_29 : vector<1x4096xi1>, vector<1x4096xf32>
    %select_n3A_39 = arith.select %or3A_37, %slice3A_32, %select_n3A_30 : vector<1x4096xi1>, vector<1x4096xf32>
    %slice3A_40 = vector.extract_strided_slice %get3A_13 {offsets = [3, 0], sizes = [1, 4096], strides = [1, 1]} : vector<8x4096xf32> to vector<1x4096xf32>
    %slice3A_41 = vector.extract_strided_slice %get3A_18 {offsets = [3, 0], sizes = [1, 4096], strides = [1, 1]} : vector<8x4096xf32> to vector<1x4096xf32>
    %lt3A_42 = arith.cmpf olt, %slice3A_40, %select_n3A_38 : vector<1x4096xf32>
    %eq3A_43 = arith.cmpf oeq, %slice3A_40, %select_n3A_38 : vector<1x4096xf32>
    %lt3A_44 = arith.cmpf olt, %slice3A_41, %select_n3A_39 : vector<1x4096xf32>
    %and3A_45 = arith.andi %eq3A_43, %lt3A_44 : vector<1x4096xi1>
    %or3A_46 = arith.ori %lt3A_42, %and3A_45 : vector<1x4096xi1>
    %select_n3A_47 = arith.select %or3A_46, %slice3A_40, %select_n3A_38 : vector<1x4096xi1>, vector<1x4096xf32>
    %select_n3A_48 = arith.select %or3A_46, %slice3A_41, %select_n3A_39 : vector<1x4096xi1>, vector<1x4096xf32>
    %slice3A_49 = vector.extract_strided_slice %get3A_13 {offsets = [4, 0], sizes = [1, 4096], strides = [1, 1]} : vector<8x4096xf32> to vector<1x4096xf32>
    %slice3A_50 = vector.extract_strided_slice %get3A_18 {offsets = [4, 0], sizes = [1, 4096], strides = [1, 1]} : vector<8x4096xf32> to vector<1x4096xf32>
    %lt3A_51 = arith.cmpf olt, %slice3A_49, %select_n3A_47 : vector<1x4096xf32>
    %eq3A_52 = arith.cmpf oeq, %slice3A_49, %select_n3A_47 : vector<1x4096xf32>
    %lt3A_53 = arith.cmpf olt, %slice3A_50, %select_n3A_48 : vector<1x4096xf32>
    %and3A_54 = arith.andi %eq3A_52, %lt3A_53 : vector<1x4096xi1>
    %or3A_55 = arith.ori %lt3A_51, %and3A_54 : vector<1x4096xi1>
    %select_n3A_56 = arith.select %or3A_55, %slice3A_49, %select_n3A_47 : vector<1x4096xi1>, vector<1x4096xf32>
    %select_n3A_57 = arith.select %or3A_55, %slice3A_50, %select_n3A_48 : vector<1x4096xi1>, vector<1x4096xf32>
    %slice3A_58 = vector.extract_strided_slice %get3A_13 {offsets = [5, 0], sizes = [1, 4096], strides = [1, 1]} : vector<8x4096xf32> to vector<1x4096xf32>
    %slice3A_59 = vector.extract_strided_slice %get3A_18 {offsets = [5, 0], sizes = [1, 4096], strides = [1, 1]} : vector<8x4096xf32> to vector<1x4096xf32>
    %lt3A_60 = arith.cmpf olt, %slice3A_58, %select_n3A_56 : vector<1x4096xf32>
    %eq3A_61 = arith.cmpf oeq, %slice3A_58, %select_n3A_56 : vector<1x4096xf32>
    %lt3A_62 = arith.cmpf olt, %slice3A_59, %select_n3A_57 : vector<1x4096xf32>
    %and3A_63 = arith.andi %eq3A_61, %lt3A_62 : vector<1x4096xi1>
    %or3A_64 = arith.ori %lt3A_60, %and3A_63 : vector<1x4096xi1>
    %select_n3A_65 = arith.select %or3A_64, %slice3A_58, %select_n3A_56 : vector<1x4096xi1>, vector<1x4096xf32>
    %select_n3A_66 = arith.select %or3A_64, %slice3A_59, %select_n3A_57 : vector<1x4096xi1>, vector<1x4096xf32>
    %slice3A_67 = vector.extract_strided_slice %get3A_13 {offsets = [6, 0], sizes = [1, 4096], strides = [1, 1]} : vector<8x4096xf32> to vector<1x4096xf32>
    %slice3A_68 = vector.extract_strided_slice %get3A_18 {offsets = [6, 0], sizes = [1, 4096], strides = [1, 1]} : vector<8x4096xf32> to vector<1x4096xf32>
    %lt3A_69 = arith.cmpf olt, %slice3A_67, %select_n3A_65 : vector<1x4096xf32>
    %eq3A_70 = arith.cmpf oeq, %slice3A_67, %select_n3A_65 : vector<1x4096xf32>
    %lt3A_71 = arith.cmpf olt, %slice3A_68, %select_n3A_66 : vector<1x4096xf32>
    %and3A_72 = arith.andi %eq3A_70, %lt3A_71 : vector<1x4096xi1>
    %or3A_73 = arith.ori %lt3A_69, %and3A_72 : vector<1x4096xi1>
    %select_n3A_74 = arith.select %or3A_73, %slice3A_67, %select_n3A_65 : vector<1x4096xi1>, vector<1x4096xf32>
    %select_n3A_75 = arith.select %or3A_73, %slice3A_68, %select_n3A_66 : vector<1x4096xi1>, vector<1x4096xf32>
    %slice3A_76 = vector.extract_strided_slice %get3A_13 {offsets = [7, 0], sizes = [1, 4096], strides = [1, 1]} : vector<8x4096xf32> to vector<1x4096xf32>
    %slice3A_77 = vector.extract_strided_slice %get3A_18 {offsets = [7, 0], sizes = [1, 4096], strides = [1, 1]} : vector<8x4096xf32> to vector<1x4096xf32>
    %lt3A_78 = arith.cmpf olt, %slice3A_76, %select_n3A_74 : vector<1x4096xf32>
    %eq3A_79 = arith.cmpf oeq, %slice3A_76, %select_n3A_74 : vector<1x4096xf32>
    %lt3A_80 = arith.cmpf olt, %slice3A_77, %select_n3A_75 : vector<1x4096xf32>
    %and3A_81 = arith.andi %eq3A_79, %lt3A_80 : vector<1x4096xi1>
    %or3A_82 = arith.ori %lt3A_78, %and3A_81 : vector<1x4096xi1>
    %select_n3A_83 = arith.select %or3A_82, %slice3A_76, %select_n3A_74 : vector<1x4096xi1>, vector<1x4096xf32>
    %select_n3A_84 = arith.select %or3A_82, %slice3A_77, %select_n3A_75 : vector<1x4096xi1>, vector<1x4096xf32>
    %swap3A = arith.constant 0 : index
    %swap3A_85 = arith.constant 0 : index
    %swap3A_86 = arith.constant 0 : index
    %swap3A_87 = vector.load %arg5[%swap3A, %swap3A_85, %swap3A_86] : memref<1x1x4096xf32, #tpu.memory_space<vmem>>, vector<1x1x4096xf32>
    %swap3A_88 = vector.shape_cast %swap3A_87 : vector<1x1x4096xf32> to vector<1x4096xf32>
    %swap3A_89 = vector.shape_cast %select_n3A_83 : vector<1x4096xf32> to vector<1x1x4096xf32>
    tpu.vector_store %arg5[%swap3A, %swap3A_85, %swap3A_86], %swap3A_89 {strides = array<i32>} : memref<1x1x4096xf32, #tpu.memory_space<vmem>>, vector<1x1x4096xf32>,
    %convert_element_type3A_90 = arith.fptosi %select_n3A_84 : vector<1x4096xf32> to vector<1x4096xi32>
    %swap3A_91 = arith.constant 0 : index
    %swap3A_92 = arith.constant 0 : index
    %swap3A_93 = arith.constant 0 : index
    %swap3A_94 = vector.load %arg6[%swap3A_91, %swap3A_92, %swap3A_93] : memref<1x1x4096xi32, #tpu.memory_space<vmem>>, vector<1x1x4096xi32>
    %swap3A_95 = vector.shape_cast %swap3A_94 : vector<1x1x4096xi32> to vector<1x4096xi32>
    %swap3A_96 = vector.shape_cast %convert_element_type3A_90 : vector<1x4096xi32> to vector<1x1x4096xi32>
    tpu.vector_store %arg6[%swap3A_91, %swap3A_92, %swap3A_93], %swap3A_96 {strides = array<i32>} : memref<1x1x4096xi32, #tpu.memory_space<vmem>>, vector<1x1x4096xi32>,
    return
  }
  func.func @transform_0(%arg0: i32) -> (i32, i32, i32) {
    %c0_i32 = arith.constant 0 : i32
    %c0_i32_0 = arith.constant 0 : i32
    %c0_i32_1 = arith.constant 0 : i32
    return %arg0, %c0_i32, %c0_i32_0 : i32, i32, i32
  }
  func.func @transform_1(%arg0: i32) -> (i32, i32, i32) {
    %c0_i32 = arith.constant 0 : i32
    %c0_i32_0 = arith.constant 0 : i32
    %c0_i32_1 = arith.constant 0 : i32
    return %arg0, %c0_i32, %c0_i32_0 : i32, i32, i32
  }
  func.func @transform_2(%arg0: i32) -> (i32, i32, i32) {
    %c0_i32 = arith.constant 0 : i32
    %c0_i32_0 = arith.constant 0 : i32
    %c0_i32_1 = arith.constant 0 : i32
    return %arg0, %c0_i32, %c0_i32_0 : i32, i32, i32
  }
  func.func @transform_3(%arg0: i32) -> (i32, i32, i32) {
    %c0_i32 = arith.constant 0 : i32
    %c0_i32_0 = arith.constant 0 : i32
    %c0_i32_1 = arith.constant 0 : i32
    return %arg0, %c0_i32, %c0_i32_0 : i32, i32, i32
  }
  func.func @transform_4(%arg0: i32) -> (i32, i32, i32) {
    %c0_i32 = arith.constant 0 : i32
    %c0_i32_0 = arith.constant 0 : i32
    %c0_i32_1 = arith.constant 0 : i32
    return %arg0, %c0_i32, %c0_i32_0 : i32, i32, i32
  }
  func.func @transform_5(%arg0: i32) -> (i32, i32, i32) {
    %c0_i32 = arith.constant 0 : i32
    %c0_i32_0 = arith.constant 0 : i32
    %c0_i32_1 = arith.constant 0 : i32
    return %arg0, %c0_i32, %c0_i32_0 : i32, i32, i32
  }
}

</mosaic_0001>

<sc_bundles>
// kernel: kernel.5.cloned.1.call-start
scs
__scs_entry_jumppad:
0x0: {  	(pc) =	sbr.rel $0x88, $3  }
0x1: {  	(tag) =	ssettag $0x0;
	lr =	simm.s32 $0x1  }
0x2: {  	[smem:$0x3F9F] =	sst lr;
	_ =	strace $0xD0000000  }
0x3: {  	_ = 	snop  }
0x4: {  	_ = 	snop  }
0x5: {  	_ = 	snop  }
0x6: {  	_ = 	snop  }
0x7: {  	_ = 	snop  }
__scs_overlays_trampoline_lowered:
0x8: {  	[smem:$0x3FAE] =	sst s0  }
0x9: {  	[smem:$0x3FAF] =	sst s1  }
0xa: {  	[smem:$0x3FB0] =	sst s2  }
0xb: {  	[smem:$0x3FB1] =	sst s3  }
0xc: {  	[smem:$0x3FB2] =	sst s4  }
0xd: {  	[smem:$0x3FB3] =	sst s5  }
0xe: {  	[smem:$0x3FB4] =	sst s6  }
0xf: {  	[smem:$0x3FB5] =	sst s7  }
0x10: {  	[smem:$0x3FB6] =	sst s8  }
0x11: {  	[smem:$0x3FB7] =	sst s9;
	s0 =	simm.s32 @!p0 $0x0  }
0x12: {  	s1 =	sld [smem:$0x3F9D];
	s0 =	simm.s32 @p0 $0x1  }
0x13: {  	[smem:$0x3FB8] =	sst s0;
	s0 =	simm.s32 @!p1 $0x0  }
0x14: {  	s2 =	sld [smem:$0x3F9C];
	s0 =	simm.s32 @p1 $0x1  }
0x15: {  	[smem:$0x3FB9] =	sst s0;
	s0 =	simm.s32 @!p2 $0x0  }
0x16: {  	s3 =	sld [smem:$0x3FDB];
	s0 =	simm.s32 @p2 $0x1  }
0x17: {  	s4 =	simm.s32 $0x1BF5;
	[smem:$0x3FBB] =	sst s0  }
0x18: {  	s0 =	sld [smem:$0x3F9E];
	_ =	swait.ge [sflag:s4], $0x0  }
0x19: {  	s7 =	sld [smem:$0x3F9F]  }
0x1a: {  	s8 =	sadd.s32 $0xFFFFE003, lr  }
0x1b: {  	s9 =	sadd.s32 $0xFFFFFEF7, lr;
	s5 =	simm.s32 $0xFFFFFFFF;
	p2 =	slt.u32 s8, $0xFFFFF086  }
0x1c: {  	p1 =	slt.u32 s9, $0xF7A;
	s5 =	simm.s32 @!p2 $0x0  }
0x1d: {  	s5 =	simm.s32 @p1 $0x1;
	p0 =	seq.s32 s7, s2  }
0x1e: {  	s7 =	smul.u32 @!p0 $0xF7A, s2;
	p2 =	seq.s32 @!p0 s5, $0x0  }
0x1f: {  	s9 =	smul.u32 $0xF7A, s1;
	s8 =	simm.s32 @!p0 $0x1BF5;
	p2 =	por !p2, p0  }
0x20: {  	[sflag:s8] =	ssyncset.s32 @!p0 $0xFFFFF086;
	s6 =	sadd.s32 @!p0 s3, s7;
	s7 =	simm.s32 @!p0 $0x108  }
0x21: {  	s3 =	sadd.s32 s3, s9;
	s6 =	sadd.s32 @!p0 $0x88, s6;
	s7 =	simm.s32 @p2 $0x1082  }
0x22: {  	[simem:s7], [sflag:s8] =	dma.local @!p0 [hbm:s6], $0xF7A  }
0x23: {  	s9 =	sor.u32 $0xD0000000, s2;
	s6 =	simm.s32 $0x108;
	_ =	swait.ge @!p0 [sflag:s8], $0x0  }
0x24: {  	s3 =	sadd.s32 $0x88, s3;
	s6 =	simm.s32 @!p1 $0x1082;
	[sflag:s4] =	ssyncset.s32 $0xFFFFF086  }
0x25: {  	[simem:s6], [sflag:s4] =	dma.local [hbm:s3], $0xF7A  }
0x26: {  	[smem:$0x3F9F] =	sst s1;
	(tag) =	ssettag s2;
	_ =	strace s9  }
0x27: {  	s1 =	sld [smem:$0x3FAF]  }
0x28: {  	s2 =	sld [smem:$0x3FB0]  }
0x29: {  	s4 =	sld [smem:$0x3FB2]  }
0x2a: {  	p0 =	seq.s32 s5, $0x0;
	s5 =	sld [smem:$0x3FB3]  }
0x2b: {  	s6 =	sld [smem:$0x3FB4]  }
0x2c: {  	s7 =	sld [smem:$0x3FB5]  }
0x2d: {  	s3 =	simm.s32 $0x108;
	s8 =	sld [smem:$0x3FB6]  }
0x2e: {  	s3 =	simm.s32 @!p0 $0x1082;
	s9 =	sld [smem:$0x3FB7]  }
0x2f: {  	lr =	sadd.s32 s0, s3;
	s0 =	sld [smem:$0x3FAE]  }
0x30: {  	s3 =	sld [smem:$0x3FB1]  }
0x31: {  	[smem:$0x3FBA] =	sst s10  }
0x32: {  	s10 =	sld [smem:$0x3FB8];
	_ =	sdelay $0x3  }
0x33: {  	p0 =	seq.s32 s10, $0x1;
	s10 =	sld [smem:$0x3FBA];
	_ =	sdelay $0x3  }
0x34: {  	[smem:$0x3FBA] =	sst s10  }
0x35: {  	s10 =	sld [smem:$0x3FB9];
	_ =	sdelay $0x3  }
0x36: {  	p1 =	seq.s32 s10, $0x1;
	s10 =	sld [smem:$0x3FBA];
	_ =	sdelay $0x3  }
0x37: {  	[smem:$0x3FBA] =	sst s10  }
0x38: {  	s10 =	sld [smem:$0x3FBB]  }
0x39: {  	_ = 	snop;
	(pc) =	sbr.ind lr, $3  }
0x3a: {  	_ = 	snop  }
0x3b: {  	_ = 	snop  }
0x3c: {  	p2 =	seq.s32 s10, $0x1;
	s10 =	sld [smem:$0x3FBA]  }
0x3d: {  	_ =	shalt  }
0x3e: {  	_ =	shalt  }
0x3f: {  	_ =	shalt  }
0x40: {  	_ =	shalt  }
0x41: {  	_ =	shalt  }
0x42: {  	_ =	shalt  }
0x43: {  	_ =	shalt  }
0x44: {  	_ =	shalt  }
0x45: {  	_ =	shalt  }
0x46: {  	_ =	shalt  }
0x47: {  	_ =	shalt  }
0x48: {  	_ =	shalt  }
0x49: {  	_ =	shalt  }
0x4a: {  	_ =	shalt  }
0x4b: {  	_ =	shalt  }
0x4c: {  	_ =	shalt  }
0x4d: {  	_ =	shalt  }
0x4e: {  	_ =	shalt  }
0x4f: {  	_ =	shalt  }
0x50: {  	_ =	shalt  }
0x51: {  	_ =	shalt  }
0x52: {  	_ =	shalt  }
0x53: {  	_ =	shalt  }
0x54: {  	_ =	shalt  }
0x55: {  	_ =	shalt  }
0x56: {  	_ =	shalt  }
0x57: {  	_ =	shalt  }
0x58: {  	_ =	shalt  }
0x59: {  	_ =	shalt  }
0x5a: {  	_ =	shalt  }
0x5b: {  	_ =	shalt  }
0x5c: {  	_ =	shalt  }
0x5d: {  	_ =	shalt  }
0x5e: {  	_ =	shalt  }
0x5f: {  	_ =	shalt  }
0x60: {  	_ =	shalt  }
0x61: {  	_ =	shalt  }
0x62: {  	_ =	shalt  }
0x63: {  	_ =	shalt  }
0x64: {  	_ =	shalt  }
0x65: {  	_ =	shalt  }
0x66: {  	_ =	shalt  }
0x67: {  	_ =	shalt  }
0x68: {  	_ =	shalt  }
0x69: {  	_ =	shalt  }
0x6a: {  	_ =	shalt  }
0x6b: {  	_ =	shalt  }
0x6c: {  	_ =	shalt  }
0x6d: {  	_ =	shalt  }
0x6e: {  	_ =	shalt  }
0x6f: {  	_ =	shalt  }
0x70: {  	_ =	shalt  }
0x71: {  	_ =	shalt  }
0x72: {  	_ =	shalt  }
0x73: {  	_ =	shalt  }
0x74: {  	_ =	shalt  }
0x75: {  	_ =	shalt  }
0x76: {  	_ =	shalt  }
0x77: {  	_ =	shalt  }
0x78: {  	_ =	shalt  }
0x79: {  	_ =	shalt  }
0x7a: {  	_ =	shalt  }
0x7b: {  	_ =	shalt  }
0x7c: {  	_ =	shalt  }
0x7d: {  	_ =	shalt  }
0x7e: {  	_ =	shalt  }
0x7f: {  	_ =	shalt  }
0x80: {  	_ =	shalt  }
0x81: {  	_ =	shalt  }
0x82: {  	_ =	shalt  }
0x83: {  	_ =	shalt  }
0x84: {  	_ =	shalt  }
0x85: {  	_ =	shalt  }
0x86: {  	_ =	shalt  }
0x87: {  	_ =	shalt  }
.Lfunc_end0:
.L_simem_size_0:
called_computation_lowered:
.L_overlay_start_0:
0x88: {  	s2 =	sld [smem:$0x3FD9]  }
0x89: {  	s3 =	sld [smem:$0x3FFE];
	_ =	sdelay $0x1  }
0x8a: {  	s1 =	srdreg.scid  }
0x8b: {  	s0 =	sand.u32 $0x1, s1  }
0x8c: {  	s14 =	sshll.u32 s0, $0xA;
	s2 =	sadd.s32 s3, s2  }
0x8d: {  	s2 =	sadd.s32 s2, s14  }
0x8e: {  	[smem:$0x3FC6] =	sst s2  }
0x8f: {  	_ = 	snop  }
0x90: {  	s2 =	sld [smem:$0x3FD0];
	_ =	sdelay $0x2  }
0x91: {  	s15 =	simm.s32 $0xA;
	s4 =	simm.s32 $0x10  }
0x92: {  	[smem:s4], [sflag:s15] =	dma.local [hbm:s2], $0x1  }
0x93: {  	_ =	swait.eq [sflag:s15], $0x1  }
0x94: {  	[sflag:s15] =	ssyncset.done $0x0  }
0x95: {  	s16 =	sld [smem:$0x10];
	[sflag:s15] =	ssyncadd.s32 $0xFFFFFFFF  }
0x96: {  	s17 =	sld [smem:$0x12];
	(tm) =	ssettm $0x1  }
0x97: {  	s18 =	sld [smem:$0x3FFB];
	_ =	sdelay $0x3  }
0x98: {  	_ =	strace s18  }
0x99: {  	s4 =	sld [smem:$0x3FFC];
	_ =	sdelay $0x3  }
0x9a: {  	_ =	strace s4  }
0x9b: {  	s4 =	sld [smem:$0x3FFD];
	_ =	sdelay $0x3  }
0x9c: {  	_ =	strace s4  }
0x9d: {  	_ =	strace $0x8FFFFFFF  }
0x9e: {  	s19 =	sld [smem:$0x3FDB];
	_ =	sdelay $0x1  }
0x9f: {  	s5 =	simm.s32 $_scs_section_size  }
0xa0: {  	s6 =	simm.s32 $_size__tile_overlayer_lowered;
	s7 =	simm.s32 $_tile_overlayer_lowered  }
0xa1: {  	s22 =	simm.s32 $0x1BFF;
	s21 =	sshll.u32 s7, $0x1;
	s4 =	sadd.s32 s5, s19  }
0xa2: {  	s8 =	simm.s32 $0x0;
	s20 =	sshll.u32 s6, $0x1;
	s6 =	sadd.s32 s21, s4  }
0xa3: {  	[timem:s8], [sflag:s22] =	dma.local [hbm:s6], s20  }
0xa4: {  	_ =	swait.ge [sflag:s22], s20  }
0xa5: {  	s5 =	ssub.s32 $0x0, s20;
	[sflag:s22] =	ssyncset.done $0x0  }
0xa6: {  	[sflag:s22] =	ssyncadd.s32 s5;
	_ =	sdelay $0x1  }
0xa7: {  	s23 =	simm.s32 $0x1B8B  }
0xa8: {  	_ =	swait.ge [sflag:s23], $0x1  }
0xa9: {  	[sflag:s23] =	ssyncset.done $0x0  }
0xaa: {  	s25 =	simm.s32 $0x1B8E;
	s24 =	sld [smem:$0x3FFE];
	[sflag:s23] =	ssyncadd.s32 $0xFFFFFFFF  }
0xab: {  	s26 =	simm.s32 $execute0_lowered;
	[smem:$0x3FD2] =	sst s25  }
0xac: {  	s6 =	sshll.u32 s26, $0x1;
	_ =	strace $0x80000046;
	[dreg:$0x1] =	wrdreg $0xFFFFFFFF  }
0xad: {  	s28 =	simm.s32 $_size_execute0_lowered;
	s4 =	sadd.s32 s4, s6;
	[dreg:$0x0] =	wrdreg $0x0  }
0xae: {  	s6 =	sshll.u32 s28, $0x1;
	[dreg:$0x2] =	wrdreg s4  }
0xaf: {  	[dreg:$0x3] =	wrdreg s6  }
0xb0: {  	[dreg:$0x4] =	wrdreg $0xC0  }
0xb1: {  	_ =	task [dreg:s8], $0x5FFFF  }
0xb2: {  	[dreg:$0x1] =	wrdreg $0xFFFFFFFF  }
0xb3: {  	[dreg:$0x0] =	wrdreg $0x60  }
0xb4: {  	[dreg:$0x2] =	wrdreg s24  }
0xb5: {  	[dreg:$0x3] =	wrdreg s17  }
0xb6: {  	[dreg:$0x4] =	wrdreg s16  }
0xb7: {  	[dreg:$0x5] =	wrdreg $0x9  }
0xb8: {  	_ =	task.clear_ibuf [dreg:s8], $0x6FFFF;
	_ =	strace $0x90000046  }
0xb9: {  	s29 =	simm.s32 $0x9;
	_ =	strace $0x80000048  }
0xba: {  	_ =	swait.ge [sflag:s29], $0x1  }
0xbb: {  	[sflag:s29] =	ssyncadd.s32 $0xFFFFFFFF  }
0xbc: {  	_ =	strace $0x90000048  }
0xbd: {  	_ =	sfence  }
0xbe: {  	s30 =	sld [smem:$0x0];
	_ =	sdelay $0x2  }
0xbf: {  	s31 =	sshll.u32 s1, $0xD;
	s1 =	sshrl.u32 s1, $0x2  }
0xc0: {  	s3 =	sand.u32 $0x4000, s31;
	s1 =	sadd.s32 s1, s30  }
0xc1: {  	s0 =	sor.u32 s3, s0;
	s1 =	sshll.u32 s1, $0x11  }
0xc2: {  	s0 =	sor.u32 s1, s0  }
0xc3: {  	s0 =	sadd.s32 $0x8F2B, s0  }
0xc4: {  	[sflag:s0] =	ssyncadd.remote.s32 $0x1  }
0xc5: {  	_ =	sfence.sel $0xFFFF  }
0xc6: {  	[dreg:$0x0] =	wrdreg $0xFFFFFFFF;
	(pc) =	sbr.abs _section_cstart, $3  }
0xc7: {  	[dreg:$0x1] =	wrdreg $0xFFFFFFFF  }
0xc8: {  	_ =	task.clear_ibuf [dreg:s8], $0x2FFFF;
	_ =	strace $0x9FFFFFFF  }
0xc9: {  	(tm) =	ssettm $0x7FFFFFFF  }
tec
execute0_lowered:
.L_overlay_start_1:
0x0: {  	(tag) =	ssettag $0x1  }
0x1: {  	v0 =	vimm.f32 $1.500000000e+01;
	vm0 =	vcmask $0x300  }
0x2: {  	vm14 =	vcmask $0x704;
	vm15 =	vcmask $0xB08;
	vm4 =	vcmask $0xF0C;
	s4 =	rddreg [dreg:$0x0]  }
0x3: {  	vm5 =	vcmask $0x1310;
	vm6 =	vcmask $0x1714;
	vm7 =	vcmask $0x1B18;
	s0 =	rddreg [dreg:$0x1]  }
0x4: {  	s2 =	srdreg.scid;
	vm8 =	vcmask $0x1F1C;
	s1 =	rddreg [dreg:$0x2];
	vm9 =	vcmask $0x2320;
	vm10 =	vcmask $0x2724  }
0x5: {  	s8 =	stileid.u32;
	vm11 =	vcmask $0x2B28;
	vm12 =	vcmask $0x2F2C;
	v2 =	vimm.s32 $0xFEDCBA98;
	s3 =	sand.u32 $0x1, s2;
	s2 =	simm.s32 $0x0  }
0x6: {  	v3 =	vimm.s32 $0x76543210;
	v4 =	vimm.s32 $0xBA98FEDC;
	s20 =	sand.u32 $0x7, s8;
	s9 =	sadd.s32 $0x1C00, s4;
	s10 =	sadd.s32 $0x400, s4  }
0x7: {  	vm13 =	vcmask $0x3330;
	v5 =	vimm.s32 $0x32107654;
	v6 =	vimm.s32 $0xDCFE98BA;
	s21 =	sshll.u32 s8, $0x6;
	s5 =	sshll.u32 s3, $0x4;
	[smem:$0x7FF] =	sst s2  }
0x8: {  	v7 =	vimm.s32 $0x54761032;
	v8 =	vimm.s32 $0xEFCDAB89;
	v0 =	vsel vm0, $0x0, v0;
	p1 =	sne.s32 s20, $0x0;
	s22 =	ssub.s32 $0x2, s3;
	s11 =	sor.u32 s8, s5  }
0x9: {  	v9 =	vimm.s32 $0x67452301;
	v2 =	vunpack.c.l.s4.s8 v2;
	v0 =	vsel vm14, $0x3F800000, v0;
	s3 =	sor.u32 $0xE00, s21;
	_ =	strace $0x80000047;
	p0 =	seq.s32 s11, $0x0  }
0xa: {  	v3 =	vunpack.c.l.s4.s8 v3;
	v4 =	vunpack.c.l.s4.s8 v4;
	v0 =	vsel vm15, $0x40000000, v0;
	s5 =	simm.s32 $0x1;
	s23 =	sshrl.u32 s22, $0x1;
	p0 =	por !p1, !p0  }
0xb: {  	v5 =	vunpack.c.l.s4.s8 v5;
	v6 =	vunpack.c.l.s4.s8 v6;
	v0 =	vsel vm4, $0x40400000, v0;
	s6 =	sshll.u32 s11, $0x9;
	s7 =	sshrl.u32 s11, $0x3;
	p0 =	por !p0, !p0  }
0xc: {  	v7 =	vunpack.c.l.s4.s8 v7;
	v8 =	vunpack.c.l.s4.s8 v8;
	s15 =	ssub.s32 s22, s23;
	s31 =	sshll.u32 s11, $0x3;
	v0 =	vsel vm5, $0x40800000, v0;
	s5 =	simm.s32 @!p0 $0x0  }
0xd: {  	v9 =	vunpack.c.l.s4.s8 v9;
	vm14 =	vcmask $0x3734;
	s14 =	sadd.s32 s6, s4;
	s4 =	simm.s32 $0x1;
	v0 =	vsel vm6, $0x40A00000, v0;
	s5 =	ssub.s32 s7, s5  }
0xe: {  	v2 =	vunpack.c.0.s8.s32 v2;
	v4 =	vunpack.c.0.s8.s32 v4;
	s11 =	sadd.s32 s0, s31;
	s15 =	smax.u32 s15, $0x1;
	v0 =	vsel vm7, $0x40C00000, v0;
	s12 =	sshll.u32 s5, $0xC  }
0xf: {  	v5 =	vunpack.c.0.s8.s32 v5;
	v6 =	vunpack.c.0.s8.s32 v6;
	v0 =	vsel vm8, $0x40E00000, v0;
	s24 =	sor.u32 s3, s12;
	s28 =	sshrl.u32 s12, $0x3;
	s29 =	sadd.s32 $0x4000, s12  }
0x10: {  	v7 =	vunpack.c.0.s8.s32 v7;
	v8 =	vunpack.c.0.s8.s32 v8;
	v1 =	vsel vm9, $0x41000000, v0;
	s12 =	sadd.s32 $0x8000, s12;
	s25 =	sshrl.u32 s24, $0x3;
	s26 =	sadd.s32 $0x4000, s24  }
0x11: {  	v9 =	vunpack.c.0.s8.s32 v9;
	vm15 =	vcmask $0x3B38;
	v1 =	vsel vm10, $0x41100000, v1;
	s6 =	sadd.s32 s10, s28;
	s16 =	sadd.s32 $0x8000, s24;
	s12 =	sshrl.u32 s12, $0x3  }
.Ltmp0:
0x12: {  	v3 =	vunpack.c.0.s8.s32 v3;
	v4 =	vcombine.low v5, v4;
	v1 =	vsel vm11, $0x41200000, v1;
	s24 =	simm.s32 $0x8100;
	s5 =	sadd.s32 s9, s25;
	(pc) =	sbr.rel .LBB2_1-.Ltmp0, $4  }
0x13: {  	v5 =	vand.u32 $0xF, v2;
	v6 =	vcombine.low v7, v6;
	v1 =	vsel vm12, $0x41300000, v1;
	s13 =	sshrl.u32 s26, $0x3;
	s30 =	sshrl.u32 s16, $0x3;
	s25 =	simm.s32 $0x0  }
0x14: {  	v7 =	vcombine.low v9, v8;
	v3 =	vcombine.low v5, v3;
	s26 =	simm.s32 $0x0;
	v1 =	vsel vm13, $0x41400000, v1;
	s7 =	sadd.s32 s9, s13;
	s13 =	sshrl.u32 s29, $0x3  }
0x15: {  	v4 =	vand.u32 $0xF, v4;
	v5 =	vand.u32 $0xF, v6;
	s9 =	sadd.s32 s9, s30;
	v1 =	vsel vm14, $0x41500000, v1;
	s8 =	sadd.s32 s10, s13;
	s10 =	sadd.s32 s10, s12  }
0x16: {  	v6 =	vand.u32 $0xF, v7;
	v0 =	vimm.f32 $1.073741820e+09;
	s12 =	sadd.s32 s1, s31;
	s13 =	sadd.s32 $0x3400, s14;
	s14 =	sadd.s32 $0x7400, s14;
	v2 =	vsel vm15, $0x41600000, v1  }
.LBB2_40:
0x17: {  	s0 =	simm.s32 $0x9100  }
0x18: {  	[hbm4b:s11+s2] =	stream.linear.scatter [tilespmem:s0], [sflag:$0x1], $0x40, $0x38;
	[tilespmem:$0x9200] =	vst v63  }
0x19: {  	_ =	swait.ge [sflag:s4], $0x40  }
0x1a: {  	[sflag:s4] =	ssyncset.done $0x0  }
0x1b: {  	s30 =	simm.s32 $0x9180;
	[sflag:s4] =	ssyncadd.s32 $0xFFFFFFC0  }
0x1c: {  	[hbm4b:s12+s2] =	stream.linear.scatter [tilespmem:s30], [sflag:$0x1], $0x40, $0x38;
	[tilespmem:$0x9200] =	vst v63  }
0x1d: {  	_ =	swait.ge [sflag:s4], $0x40  }
0x1e: {  	[sflag:s4] =	ssyncset.done $0x0  }
0x1f: {  	s31 =	simm.s32 $0x7100;
	[sflag:s4] =	ssyncadd.s32 $0xFFFFFFC0  }
0x20: {  	[hbm4b:s13+s2] =	stream.linear.scatter [tilespmem:s31], [sflag:$0x1], $0x1000, $0x38;
	[tilespmem:$0x9200] =	vst v63  }
0x21: {  	s25 =	sadd.s32 $0x1, s25;
	_ =	swait.ge [sflag:s4], $0x1000  }
0x22: {  	p0 =	sne.s32 s25, s15;
	[sflag:s4] =	ssyncset.done $0x0  }
.Ltmp1:
0x23: {  	[sflag:s4] =	ssyncadd.s32 $0xFFFFF000;
	(pc) =	sbr.rel @!p0 .LBB2_41-.Ltmp1, $4  }
0x24: {  	[hbm4b:s14+s2] =	stream.linear.scatter [tilespmem:s24], [sflag:$0x1], $0x1000, $0x38;
	[tilespmem:$0x9200] =	vst v63  }
0x25: {  	_ =	swait.ge [sflag:s4], $0x1000  }
0x26: {  	[sflag:s4] =	ssyncset.done $0x0  }
0x27: {  	[sflag:s4] =	ssyncadd.s32 $0xFFFFF000  }
.LBB2_1:
0x28: {  	[tilespmem:s2], [sflag:$0x1] =	stream.linear.gather [hbm4b:s5+s2], $0x40, $0x38;
	[tilespmem:$0x9200] =	vst v63  }
0x29: {  	_ =	swait.ge [sflag:s4], $0x40  }
0x2a: {  	[sflag:s4] =	ssyncset.done $0x0  }
0x2b: {  	s0 =	simm.s32 $0x100;
	[sflag:s4] =	ssyncadd.s32 $0xFFFFFFC0  }
0x2c: {  	[tilespmem:s0], [sflag:$0x1] =	stream.linear.gather [hbm4b:s6+s2], $0x1000, $0x38;
	[tilespmem:$0x9200] =	vst v63  }
0x2d: {  	_ =	swait.ge [sflag:s4], $0x1000  }
0x2e: {  	[sflag:s4] =	ssyncset.done $0x0  }
0x2f: {  	s28 =	simm.s32 $0x40;
	[sflag:s4] =	ssyncadd.s32 $0xFFFFF000  }
0x30: {  	[tilespmem:s28], [sflag:$0x1] =	stream.linear.gather [hbm4b:s7+s2], $0x40, $0x38;
	[tilespmem:$0x9200] =	vst v63  }
0x31: {  	_ =	swait.ge [sflag:s4], $0x40  }
0x32: {  	[sflag:s4] =	ssyncset.done $0x0  }
0x33: {  	s29 =	simm.s32 $0x1100;
	[sflag:s4] =	ssyncadd.s32 $0xFFFFFFC0  }
0x34: {  	[tilespmem:s29], [sflag:$0x1] =	stream.linear.gather [hbm4b:s8+s2], $0x1000, $0x38;
	[tilespmem:$0x9200] =	vst v63  }
0x35: {  	_ =	swait.ge [sflag:s4], $0x1000  }
0x36: {  	[sflag:s4] =	ssyncset.done $0x0  }
0x37: {  	s30 =	simm.s32 $0x80;
	[sflag:s4] =	ssyncadd.s32 $0xFFFFF000  }
0x38: {  	[tilespmem:s30], [sflag:$0x1] =	stream.linear.gather [hbm4b:s9+s2], $0x40, $0x38;
	[tilespmem:$0x9200] =	vst v63  }
0x39: {  	_ =	swait.ge [sflag:s4], $0x40  }
0x3a: {  	[sflag:s4] =	ssyncset.done $0x0  }
0x3b: {  	s31 =	simm.s32 $0x2100;
	[sflag:s4] =	ssyncadd.s32 $0xFFFFFFC0  }
0x3c: {  	[tilespmem:s31], [sflag:$0x1] =	stream.linear.gather [hbm4b:s10+s2], $0x1000, $0x38;
	[tilespmem:$0x9200] =	vst v63  }
0x3d: {  	_ =	swait.ge [sflag:s4], $0x1000  }
0x3e: {  	[sflag:s4] =	ssyncset.done $0x0  }
0x3f: {  	s1 =	simm.s32 $0x0;
	[sflag:s4] =	ssyncadd.s32 $0xFFFFF000  }
0x40: {  	v1 =	vld [tilespmem:s1+$0x100]  }
0x41: {  	v7 =	vld [tilespmem:s1+$0x1100];
	_ =	sdelay $0x1  }
0x42: {  	[tilespmem:s1+$0x7100] =	vst v0;
	v10 =	vld [tilespmem:s1+$0x2100]  }
0x43: {  	s0 =	simm.s32 $0x10;
	[tilespmem:s1+$0x8100] =	vst v0  }
0x44: {  	v9 =	vld [tilespmem:s0+$0x1100]  }
0x45: {  	v11 =	vmul.f32 v1, v1;
	v12 =	vmul.f32 v7, v7;
	v13 =	vshrl.u32 v1, $0x10  }
0x46: {  	v8 =	vld [tilespmem:s0+$0x100];
	v14 =	vshrl.u32 v7, $0x10;
	v13 =	vand.u32 $0x1, v13  }
0x47: {  	v14 =	vand.u32 $0x1, v14;
	v11 =	vadd.f32 v12, v11;
	v12 =	vmul.f32 v10, v10  }
0x48: {  	v15 =	vshrl.u32 v10, $0x10;
	v13 =	vadd.s32 v13, v1;
	v7 =	vadd.s32 v14, v7  }
0x49: {  	[tilespmem:s0+$0x7100] =	vst v0;
	v1 =	vld [tilespmem:s0+$0x2100];
	v14 =	vmul.f32 v9, v9;
	v7 =	vadd.s32 $0x7FFF, v7;
	v11 =	vadd.f32 v12, v11  }
0x4a: {  	[tilespmem:s0+$0x8100] =	vst v0;
	v13 =	vadd.s32 $0x7FFF, v13;
	v12 =	vand.u32 $0x1, v15;
	v15 =	vand.u32 $0xFFFF0000, v7  }
0x4b: {  	v10 =	vadd.s32 v12, v10;
	v12 =	vand.u32 $0xFFFF0000, v13;
	v13 =	vshrl.u32 v8, $0x10;
	[tilespmem:s1+$0x6100] =	vst v11  }
0x4c: {  	s16 =	simm.s32 $0x20;
	v10 =	vadd.s32 $0x7FFF, v10;
	[tilespmem:s1+$0x3100] =	vst v12;
	v11 =	vmul.f32 v8, v8;
	v12 =	vshrl.u32 v9, $0x10  }
0x4d: {  	s17 =	simm.s32 $0xC0;
	v13 =	vand.u32 $0x1, v13;
	v10 =	vand.u32 $0xFFFF0000, v10;
	v7 =	vld [tilespmem:s16+$0x100];
	v12 =	vand.u32 $0x1, v12;
	[tilespmem:s1+$0x4100] =	vst v15  }
.LBB2_2:
0x4e: {  	p0 =	sne.s32 s17, $0x3FC0;
	v15 =	vld [tilespmem:s16+$0x1100];
	v11 =	vadd.f32 v14, v11;
	v14 =	vmul.f32 v1, v1;
	v16 =	vshrl.u32 v1, $0x10;
	[tilespmem:s1+$0x5100] =	vst v10;
	s1 =	smov.u32 s0;
	s0 =	smov.u32 s16  }
0x4f: {  	v8 =	vadd.s32 v13, v8;
	v9 =	vadd.s32 v12, v9;
	[tilespmem:s0+$0x7100] =	vst v0;
	v10 =	vand.u32 $0x1, v16  }
.Ltmp2:
0x50: {  	v17 =	vadd.s32 $0x7FFF, v8;
	[tilespmem:s0+$0x8100] =	vst v0;
	v11 =	vadd.f32 v14, v11;
	v10 =	vadd.s32 v10, v1;
	v1 =	vld [tilespmem:s0+$0x2100];
	(pc) =	sbr.rel @p0 .LBB2_2-.Ltmp2, $4  }
0x51: {  	v12 =	vand.u32 $0xFFFF0000, v17;
	v14 =	vadd.s32 $0x7FFF, v9;
	v18 =	vadd.s32 $0x7FFF, v10  }
0x52: {  	v16 =	vand.u32 $0xFFFF0000, v14;
	v13 =	vshrl.u32 v7, $0x10;
	[tilespmem:s1+$0x6100] =	vst v11;
	v10 =	vand.u32 $0xFFFF0000, v18;
	v8 =	vmovc v7  }
0x53: {  	s16 =	sshra.s32 s17, $0x2;
	v11 =	vmul.f32 v7, v8;
	v14 =	vmul.f32 v15, v15;
	v17 =	vshrl.u32 v15, $0x10;
	[tilespmem:s1+$0x3100] =	vst v12;
	v9 =	vmovc v15  }
0x54: {  	s17 =	sadd.s32 $0x40, s17;
	v13 =	vand.u32 $0x1, v13;
	v7 =	vld [tilespmem:s16+$0x100];
	v12 =	vand.u32 $0x1, v17;
	[tilespmem:s1+$0x4100] =	vst v16  }
0x55: {  	v15 =	vld [tilespmem:s16+$0x1100];
	[tilespmem:s1+$0x5100] =	vst v10;
	v53 =	vadd.f32 v14, v11;
	v54 =	vmul.f32 v1, v1  }
0x56: {  	v55 =	vshrl.u32 v1, $0x10;
	v8 =	vadd.s32 v13, v8;
	v9 =	vadd.s32 v12, v9;
	v56 =	vld [tilespmem:s16+$0x2100]  }
0x57: {  	v57 =	vand.u32 $0x1, v55;
	v8 =	vadd.s32 $0x7FFF, v8;
	v9 =	vadd.s32 $0x7FFF, v9  }
0x58: {  	v10 =	vadd.f32 v54, v53;
	v1 =	vadd.s32 v57, v1;
	v8 =	vand.u32 $0xFFFF0000, v8  }
0x59: {  	[tilespmem:s16+$0x7100] =	vst v0;
	v9 =	vand.u32 $0xFFFF0000, v9;
	v1 =	vadd.s32 $0x7FFF, v1;
	v58 =	vmul.f32 v7, v7  }
0x5a: {  	[tilespmem:s16+$0x8100] =	vst v0;
	v60 =	vshrl.u32 v7, $0x10;
	v1 =	vand.u32 $0xFFFF0000, v1;
	v59 =	vmul.f32 v15, v15  }
0x5b: {  	[tilespmem:s0+$0x3100] =	vst v8;
	v61 =	vshrl.u32 v15, $0x10;
	v8 =	vand.u32 $0x1, v60;
	v62 =	vmul.f32 v56, v56  }
0x5c: {  	[tilespmem:s0+$0x6100] =	vst v10;
	v10 =	vand.u32 $0x1, v61;
	v7 =	vadd.s32 v8, v7;
	v11 =	vadd.f32 v59, v58  }
0x5d: {  	[tilespmem:s0+$0x5100] =	vst v1;
	v63 =	vshrl.u32 v56, $0x10;
	v1 =	vadd.s32 v10, v15;
	v7 =	vadd.s32 $0x7FFF, v7  }
0x5e: {  	[tilespmem:s0+$0x4100] =	vst v9;
	v9 =	vand.u32 $0x1, v63;
	v7 =	vand.u32 $0xFFFF0000, v7;
	v8 =	vadd.f32 v62, v11  }
0x5f: {  	v9 =	vadd.s32 v9, v56;
	v1 =	vadd.s32 $0x7FFF, v1;
	[tilespmem:s16+$0x3100] =	vst v7  }
0x60: {  	v1 =	vand.u32 $0xFFFF0000, v1;
	[tilespmem:s16+$0x6100] =	vst v8;
	v8 =	vadd.s32 $0x7FFF, v9  }
0x61: {  	[tilespmem:s16+$0x4100] =	vst v1;
	v7 =	vand.u32 $0xFFFF0000, v8  }
0x62: {  	s28 =	simm.s32 $0x0;
	[tilespmem:s16+$0x5100] =	vst v7  }
.LBB2_4:
0x63: {  	s29 =	sshll.u32 s28, $0x4  }
0x64: {  	v23 =	vld [tilespmem:s29+$0x0]  }
0x65: {  	v24 =	vld [tilespmem:s29+$0x40]  }
0x66: {  	v22 =	vld [tilespmem:s29+$0x80];
	_ =	sdelay $0x2  }
0x67: {  	v8 =	vimm.s32 $0x0  }
0x68: {  	v1 =	vperm.xlane v23, v8;
	v7 =	vperm.xlane v24, v8  }
0x69: {  	v9 =	vperm.xlane v22, v8  }
0x6a: {  	v8 =	vmul.f32 v1, v1;
	v10 =	vmul.f32 v7, v7;
	_ =	sdelay $0x1  }
0x6b: {  	v8 =	vadd.f32 v10, v8;
	v10 =	vmul.f32 v9, v9;
	_ =	sdelay $0x1  }
0x6c: {  	p1 =	por $0x1, $0x1;
	v11 =	vshrl.u32 v7, $0x10;
	v8 =	vadd.f32 v10, v8;
	v10 =	vshrl.u32 v1, $0x10  }
.Ltmp3:
0x6d: {  	v12 =	vshrl.u32 v9, $0x10;
	v11 =	vand.u32 $0x1, v11;
	v10 =	vand.u32 $0x1, v10;
	(pc) =	sbr.rel @!p1 .LBB2_5-.Ltmp3, $4  }
0x6e: {  	s30 =	sor.u32 s3, s29;
	v7 =	vadd.s32 v11, v7;
	v1 =	vadd.s32 v10, v1;
	v10 =	vand.u32 $0x1, v12  }
0x6f: {  	s23 =	sand.u32 $0xFF0, s26;
	s0 =	scvt.s32.f32 s30;
	v7 =	vadd.s32 $0x7FFF, v7;
	v1 =	vadd.s32 $0x7FFF, v1;
	v11 =	vadd.s32 v10, v9  }
0x70: {  	s16 =	simm.s32 $0x3100;
	s1 =	simm.s32 $0x6100;
	s31 =	simm.s32 $0x7100;
	v14 =	vld [tilespmem:s23+$0x4100];
	v10 =	vand.u32 $0xFFFF0000, v7;
	v9 =	vand.u32 $0xFFFF0000, v1;
	v1 =	vadd.s32 $0x7FFF, v11  }
0x71: {  	s17 =	simm.s32 $0x10;
	p0 =	por $0x0, $0x0;
	v15 =	vld [tilespmem:s16+$0x0];
	v7 =	vmov s0;
	s0 =	simm.s32 $0x8100;
	v11 =	vand.u32 $0xFFFF0000, v1;
	v1 =	vimm.f32 $1.073741820e+09  }
0x72: {  	_ = 	snop  }
0x73: {  	v12 =	vld [tilespmem:s23+$0x5100];
	_ =	sdelay $0x2  }
0x74: {  	v14 =	vmul.f32 v10, v14;
	v13 =	vmul.f32 v9, v15  }
0x75: {  	v15 =	vld [tilespmem:s1+$0x0]  }
0x76: {  	v12 =	vmul.f32 v11, v12;
	v13 =	vadd.f32 v14, v13;
	_ =	sdelay $0x1  }
0x77: {  	v12 =	vadd.f32 v12, v13;
	_ =	sdelay $0x1  }
0x78: {  	v14 =	vld [tilespmem:s31+$0x0];
	v13 =	vadd.f32 v15, v8;
	v12 =	vadd.f32 v12, v12;
	_ =	sdelay $0x1  }
0x79: {  	v12 =	vsub.f32 v13, v12;
	v13 =	vld [tilespmem:s0+$0x0];
	_ =	sdelay $0x1  }
0x7a: {  	v12 =	vmax.f32 v12, $0.0e+00  }
0x7b: {  	p1 =	por $0x1, $0x1;
	vm0 =	vlt.f32 v12, v14  }
.Ltmp4:
0x7c: {  	s18 =	scvt.s32.f32 s26;
	v14 =	vsel vm0, v12, v14;
	(pc) =	sbr.rel @!p1 .LBB2_7-.Ltmp4, $4  }
0x7d: {  	[tilespmem:s31+$0x0] =	vst v14;
	v13 =	vsel vm0, v7, v13  }
0x7e: {  	s23 =	sand.u32 $0xFF0, s17;
	v15 =	vadd.f32 s18, v2;
	[tilespmem:s0+$0x0] =	vst v13  }
0x7f: {  	s21 =	simm.s32 $0x3110;
	s22 =	simm.s32 $0x20;
	p0 =	por $0x1, $0x1;
	vm15 =	vlt.f32 v12, v1;
	v14 =	vld [tilespmem:s23+$0x4100]  }
0x80: {  	s20 =	simm.s32 $0x6100;
	s19 =	simm.s32 $0x7100;
	s18 =	simm.s32 $0x8100;
	v12 =	vsel vm15, v12, v1;
	v13 =	vsel vm15, v15, v1;
	v15 =	vld [tilespmem:s21+$0x0]  }
.LBB2_8:
0x81: {  	p1 =	sne.s32 s22, $0xFF0  }
0x82: {  	v16 =	vld [tilespmem:s23+$0x5100];
	_ =	sdelay $0x2  }
0x83: {  	s20 =	sadd.s32 $0x10, s20;
	v14 =	vmul.f32 v10, v14;
	v15 =	vmul.f32 v9, v15  }
0x84: {  	v17 =	vld [tilespmem:s20+$0x0]  }
0x85: {  	v14 =	vadd.f32 v14, v15;
	v15 =	vmul.f32 v11, v16;
	_ =	sdelay $0x1  }
0x86: {  	v14 =	vadd.f32 v15, v14  }
0x87: {  	s19 =	sadd.s32 $0x10, s19  }
0x88: {  	v15 =	vadd.f32 v17, v8;
	v14 =	vadd.f32 v14, v14;
	v16 =	vld [tilespmem:s19+$0x0]  }
0x89: {  	s18 =	sadd.s32 $0x10, s18  }
0x8a: {  	s23 =	scvt.s32.f32 s17;
	s17 =	smov.u32 s22;
	v14 =	vsub.f32 v15, v14;
	v15 =	vld [tilespmem:s18+$0x0];
	_ =	sdelay $0x1  }
0x8b: {  	v17 =	vadd.f32 s23, v2;
	v14 =	vmax.f32 v14, $0.0e+00  }
0x8c: {  	vm0 =	vlt.f32 v14, v12;
	vm1 =	vlt.f32 v14, v16  }
.Ltmp5:
0x8d: {  	v12 =	vsel vm0, v14, v12;
	v13 =	vsel vm0, v17, v13;
	v14 =	vsel vm1, v14, v16;
	(pc) =	sbr.rel @p1 .LBB2_8-.Ltmp5, $4  }
0x8e: {  	[tilespmem:s19+$0x0] =	vst v14;
	v14 =	vsel vm1, v7, v15  }
0x8f: {  	s23 =	sand.u32 $0xFF0, s22;
	[tilespmem:s18+$0x0] =	vst v14  }
0x90: {  	s21 =	sadd.s32 $0x10, s21;
	v14 =	vld [tilespmem:s23+$0x4100]  }
0x91: {  	s22 =	sadd.s32 $0x10, s22;
	v15 =	vld [tilespmem:s21+$0x0]  }
.LBB2_9:
0x92: {  	_ = 	snop  }
0x93: {  	v16 =	vld [tilespmem:s23+$0x5100];
	_ =	sdelay $0x1  }
0x94: {  	s20 =	sadd.s32 @p0 $0x10, s20;
	s21 =	simm.s32 $0x6100  }
0x95: {  	s21 =	smov.u32 @p0 s20;
	v10 =	vmul.f32 v10, v14;
	v9 =	vmul.f32 v9, v15  }
0x96: {  	v14 =	vld [tilespmem:s21+$0x0]  }
0x97: {  	v9 =	vadd.f32 v10, v9;
	v10 =	vmul.f32 v11, v16;
	_ =	sdelay $0x1  }
0x98: {  	v9 =	vadd.f32 v10, v9;
	_ =	sdelay $0x1  }
0x99: {  	s19 =	sadd.s32 @p0 $0x10, s19;
	s20 =	simm.s32 $0x7100;
	v8 =	vadd.f32 v14, v8;
	v9 =	vadd.f32 v9, v9  }
0x9a: {  	s18 =	sadd.s32 @p0 $0x10, s18;
	s20 =	smov.u32 @p0 s19;
	s19 =	simm.s32 $0x8100  }
0x9b: {  	s17 =	scvt.s32.f32 s17;
	s19 =	smov.u32 @p0 s18;
	v8 =	vsub.f32 v8, v9;
	v9 =	vld [tilespmem:s20+$0x0]  }
0x9c: {  	v11 =	vld [tilespmem:s19+$0x0]  }
0x9d: {  	v10 =	vadd.f32 s17, v2;
	v8 =	vmax.f32 v8, $0.0e+00  }
0x9e: {  	vm0 =	vlt.f32 v8, v12  }
0x9f: {  	v12 =	vsel vm0, v8, v12;
	v10 =	vsel vm0, v10, v13  }
0xa0: {  	v13 =	vperm.xlane v12, v3;
	v14 =	vperm.xlane v10, v3;
	vm5 =	vlt.f32 v8, v9  }
0xa1: {  	v8 =	vsel vm5, v8, v9;
	v7 =	vsel vm5, v7, v11;
	v9 =	vimm.s32 $0x1  }
0xa2: {  	vm1 =	veq.f32 v13, v12;
	vm2 =	vlt.f32 v14, v10;
	[tilespmem:s20+$0x0] =	vst v8;
	v8 =	vperm.xlane v24, v9  }
0xa3: {  	vm6 =	vlt.f32 v13, v12;
	vm1 =	vmand vm1, vm2;
	[tilespmem:s19+$0x0] =	vst v7;
	v7 =	vperm.xlane v23, v9  }
0xa4: {  	vm7 =	vmor vm6, vm1;
	v58 =	vshrl.u32 v8, $0x10;
	v18 =	vmul.f32 v8, v8  }
0xa5: {  	s21 =	simm.s32 $0x0;
	v11 =	vsel vm7, v13, v12;
	v12 =	vsel vm7, v14, v10;
	v10 =	vperm.xlane v22, v9  }
0xa6: {  	s22 =	sand.u32 $0xFF0, s21;
	v17 =	vld [tilespmem:s16+$0x0];
	v14 =	vmul.f32 v7, v7;
	v15 =	vshrl.u32 v7, $0x10;
	v16 =	vand.u32 $0x1, v58  }
0xa7: {  	v9 =	vld [tilespmem:s22+$0x4100];
	v13 =	vperm.xlane v11, v4;
	v15 =	vand.u32 $0x1, v15;
	v8 =	vadd.s32 v16, v8  }
0xa8: {  	v20 =	vperm.xlane v12, v4;
	v7 =	vadd.s32 v15, v7;
	v15 =	vshrl.u32 v10, $0x10  }
0xa9: {  	v59 =	vld [tilespmem:s22+$0x5100];
	v8 =	vadd.s32 $0x7FFF, v8;
	v14 =	vadd.f32 v18, v14;
	v7 =	vadd.s32 $0x7FFF, v7  }
0xaa: {  	v15 =	vand.u32 $0x1, v15;
	v8 =	vand.u32 $0xFFFF0000, v8;
	vm8 =	veq.f32 v13, v11  }
0xab: {  	vm9 =	vlt.f32 v20, v12;
	v7 =	vand.u32 $0xFFFF0000, v7;
	v15 =	vadd.s32 v15, v10  }
0xac: {  	v15 =	vadd.s32 $0x7FFF, v15;
	v17 =	vmul.f32 v7, v17;
	v19 =	vmul.f32 v8, v9  }
0xad: {  	vm10 =	vlt.f32 v13, v11;
	v10 =	vmul.f32 v10, v10;
	v9 =	vand.u32 $0xFFFF0000, v15;
	v15 =	vld [tilespmem:s1+$0x0]  }
0xae: {  	vm0 =	vmand vm8, vm9;
	v17 =	vadd.f32 v19, v17;
	v16 =	vmul.f32 v9, v59  }
0xaf: {  	vm0 =	vmor vm10, vm0  }
0xb0: {  	v10 =	vadd.f32 v10, v14;
	v13 =	vsel vm0, v13, v11;
	v14 =	vadd.f32 v16, v17  }
0xb1: {  	v12 =	vsel vm0, v20, v12;
	v61 =	vperm.xlane v13, v5  }
0xb2: {  	v60 =	vld [tilespmem:s31+$0x0];
	v62 =	vperm.xlane v12, v5;
	v15 =	vadd.f32 v15, v10;
	v14 =	vadd.f32 v14, v14;
	_ =	sdelay $0x1  }
0xb3: {  	vm11 =	veq.f32 v61, v13;
	vm12 =	vlt.f32 v62, v12;
	v11 =	vsub.f32 v15, v14;
	v14 =	vld [tilespmem:s0+$0x0]  }
0xb4: {  	s23 =	sor.u32 $0x1, s30;
	vm14 =	vlt.f32 v61, v13;
	vm0 =	vmand vm11, vm12  }
0xb5: {  	s16 =	scvt.s32.f32 s23;
	vm0 =	vmor vm14, vm0;
	v15 =	vmax.f32 v11, $0.0e+00  }
0xb6: {  	v12 =	vsel vm0, v62, v12;
	vm13 =	vlt.f32 v15, v60  }
0xb7: {  	s17 =	scvt.s32.f32 s21;
	v25 =	vsel vm0, v61, v13;
	[tilespmem:$0x1FFE0] =	vst v12;
	v11 =	vmov s16;
	v16 =	vsel vm13, v15, v60  }
0xb8: {  	v13 =	vperm.xlane v25, v6;
	s16 =	simm.s32 $0x10;
	[tilespmem:s31+$0x0] =	vst v16;
	v14 =	vsel vm13, v11, v14  }
0xb9: {  	v63 =	vadd.f32 s17, v2;
	v12 =	vperm.xlane v12, v6;
	s19 =	sand.u32 $0xFF0, s16;
	[tilespmem:s0+$0x0] =	vst v14  }
0xba: {  	s17 =	simm.s32 $0x3110;
	[tilespmem:$0x1FFD0] =	vst v13;
	vm15 =	vlt.f32 v15, v1;
	v13 =	vld [tilespmem:s19+$0x4100]  }
0xbb: {  	s18 =	simm.s32 $0x20;
	[tilespmem:$0x1FFF0] =	vst v12;
	v12 =	vsel vm15, v15, v1;
	v1 =	vsel vm15, v63, v1;
	v14 =	vld [tilespmem:s17+$0x0]  }
.LBB2_10:
0xbc: {  	p0 =	sne.s32 s18, $0xFF0  }
0xbd: {  	v15 =	vld [tilespmem:s19+$0x5100];
	_ =	sdelay $0x2  }
0xbe: {  	s1 =	sadd.s32 $0x10, s1;
	v13 =	vmul.f32 v8, v13;
	v14 =	vmul.f32 v7, v14  }
0xbf: {  	v16 =	vld [tilespmem:s1+$0x0]  }
0xc0: {  	v13 =	vadd.f32 v13, v14;
	v14 =	vmul.f32 v9, v15;
	_ =	sdelay $0x1  }
0xc1: {  	v13 =	vadd.f32 v14, v13  }
0xc2: {  	s31 =	sadd.s32 $0x10, s31  }
0xc3: {  	v14 =	vadd.f32 v16, v10;
	v13 =	vadd.f32 v13, v13;
	v15 =	vld [tilespmem:s31+$0x0]  }
0xc4: {  	s0 =	sadd.s32 $0x10, s0  }
0xc5: {  	s19 =	scvt.s32.f32 s16;
	s16 =	smov.u32 s18;
	v13 =	vsub.f32 v14, v13;
	v14 =	vld [tilespmem:s0+$0x0];
	_ =	sdelay $0x1  }
0xc6: {  	v16 =	vadd.f32 s19, v2;
	v13 =	vmax.f32 v13, $0.0e+00  }
0xc7: {  	vm0 =	vlt.f32 v13, v12;
	vm1 =	vlt.f32 v13, v15  }
.Ltmp6:
0xc8: {  	v12 =	vsel vm0, v13, v12;
	v1 =	vsel vm0, v16, v1;
	v13 =	vsel vm1, v13, v15;
	(pc) =	sbr.rel @p0 .LBB2_10-.Ltmp6, $4  }
0xc9: {  	[tilespmem:s31+$0x0] =	vst v13;
	v13 =	vsel vm1, v11, v14  }
0xca: {  	s19 =	sand.u32 $0xFF0, s18;
	[tilespmem:s0+$0x0] =	vst v13  }
0xcb: {  	s17 =	sadd.s32 $0x10, s17;
	v13 =	vld [tilespmem:s19+$0x4100]  }
0xcc: {  	s18 =	sadd.s32 $0x10, s18;
	v14 =	vld [tilespmem:s17+$0x0]  }
0xcd: {  	_ = 	snop  }
0xce: {  	v15 =	vld [tilespmem:s19+$0x5100];
	_ =	sdelay $0x2  }
0xcf: {  	s1 =	sadd.s32 $0x10, s1;
	v8 =	vmul.f32 v8, v13;
	v7 =	vmul.f32 v7, v14  }
0xd0: {  	v13 =	vld [tilespmem:s1+$0x0]  }
0xd1: {  	v7 =	vadd.f32 v8, v7;
	v8 =	vmul.f32 v9, v15;
	_ =	sdelay $0x1  }
0xd2: {  	v7 =	vadd.f32 v8, v7;
	_ =	sdelay $0x1  }
0xd3: {  	v8 =	vadd.f32 v13, v10;
	v7 =	vadd.f32 v7, v7;
	_ =	sdelay $0x1  }
0xd4: {  	s20 =	scvt.s32.f32 s16;
	v7 =	vsub.f32 v8, v7;
	_ =	sdelay $0x1  }
0xd5: {  	s21 =	sadd.s32 $0x10, s31;
	v9 =	vadd.f32 s20, v2;
	v7 =	vmax.f32 v7, $0.0e+00  }
0xd6: {  	v8 =	vld [tilespmem:s21+$0x0];
	vm0 =	vlt.f32 v7, v12  }
0xd7: {  	s0 =	sadd.s32 $0x10, s0;
	v12 =	vsel vm0, v7, v12;
	v1 =	vsel vm0, v9, v1  }
0xd8: {  	v10 =	vld [tilespmem:s0+$0x0];
	v9 =	vperm.xlane v12, v3;
	v13 =	vperm.xlane v1, v3;
	_ =	sdelay $0x1  }
0xd9: {  	vm1 =	veq.f32 v9, v12;
	vm2 =	vlt.f32 v13, v1  }
0xda: {  	vm5 =	vlt.f32 v7, v8;
	vm6 =	vlt.f32 v9, v12;
	vm1 =	vmand vm1, vm2  }
0xdb: {  	v7 =	vsel vm5, v7, v8;
	vm7 =	vmor vm6, vm1  }
0xdc: {  	[tilespmem:s21+$0x0] =	vst v7;
	v7 =	vsel vm5, v11, v10;
	v10 =	vsel vm7, v9, v12;
	v9 =	vimm.s32 $0x2  }
0xdd: {  	[tilespmem:s0+$0x0] =	vst v7;
	v7 =	vperm.xlane v23, v9  }
0xde: {  	v11 =	vsel vm7, v13, v1;
	v8 =	vperm.xlane v24, v9;
	v12 =	vperm.xlane v10, v4  }
0xdf: {  	s17 =	simm.s32 $0x0;
	s23 =	simm.s32 $0x3100;
	v9 =	vperm.xlane v22, v9;
	v18 =	vperm.xlane v11, v4  }
0xe0: {  	s22 =	sand.u32 $0xFF0, s17;
	v16 =	vld [tilespmem:s23+$0x0];
	v14 =	vmul.f32 v7, v7;
	v1 =	vshrl.u32 v7, $0x10;
	v15 =	vshrl.u32 v8, $0x10  }
0xe1: {  	v13 =	vld [tilespmem:s22+$0x4100];
	v17 =	vmul.f32 v8, v8;
	vm8 =	veq.f32 v12, v10;
	vm9 =	vlt.f32 v18, v11  }
0xe2: {  	vm10 =	vlt.f32 v12, v10;
	v1 =	vand.u32 $0x1, v1;
	v15 =	vand.u32 $0x1, v15  }
0xe3: {  	v1 =	vadd.s32 v1, v7;
	v7 =	vadd.s32 v15, v8;
	v8 =	vshrl.u32 v9, $0x10;
	v15 =	vld [tilespmem:s22+$0x5100]  }
0xe4: {  	v1 =	vadd.s32 $0x7FFF, v1;
	v7 =	vadd.s32 $0x7FFF, v7;
	v8 =	vand.u32 $0x1, v8  }
0xe5: {  	v1 =	vand.u32 $0xFFFF0000, v1;
	v7 =	vand.u32 $0xFFFF0000, v7;
	v8 =	vadd.s32 v8, v9  }
0xe6: {  	s0 =	simm.s32 $0x6100;
	v8 =	vadd.s32 $0x7FFF, v8;
	v16 =	vmul.f32 v1, v16;
	v13 =	vmul.f32 v7, v13  }
0xe7: {  	v61 =	vld [tilespmem:s0+$0x0];
	vm0 =	vmand vm8, vm9;
	v14 =	vadd.f32 v17, v14;
	v8 =	vand.u32 $0xFFFF0000, v8  }
0xe8: {  	v9 =	vmul.f32 v9, v9;
	v13 =	vadd.f32 v13, v16;
	v15 =	vmul.f32 v8, v15  }
0xe9: {  	vm0 =	vmor vm10, vm0  }
0xea: {  	v12 =	vsel vm0, v12, v10;
	v9 =	vadd.f32 v9, v14;
	v13 =	vadd.f32 v15, v13  }
0xeb: {  	s1 =	simm.s32 $0x7100;
	v11 =	vsel vm0, v18, v11;
	v62 =	vperm.xlane v12, v5  }
0xec: {  	v63 =	vperm.xlane v11, v5;
	v14 =	vadd.f32 v61, v9;
	v15 =	vld [tilespmem:s1+$0x0];
	v13 =	vadd.f32 v13, v13  }
0xed: {  	s16 =	simm.s32 $0x8100  }
0xee: {  	vm11 =	veq.f32 v62, v12;
	vm12 =	vlt.f32 v63, v11;
	v10 =	vsub.f32 v14, v13;
	v13 =	vld [tilespmem:s16+$0x0]  }
0xef: {  	s18 =	sor.u32 $0x2, s30;
	vm14 =	vlt.f32 v62, v12;
	vm0 =	vmand vm11, vm12  }
0xf0: {  	s18 =	scvt.s32.f32 s18;
	vm0 =	vmor vm14, vm0;
	v14 =	vmax.f32 v10, $0.0e+00  }
0xf1: {  	v11 =	vsel vm0, v63, v11;
	vm13 =	vlt.f32 v14, v15  }
0xf2: {  	s31 =	scvt.s32.f32 s17;
	v29 =	vsel vm0, v62, v12;
	[tilespmem:$0x1FFB0] =	vst v11;
	v10 =	vmov s18;
	v15 =	vsel vm13, v14, v15  }
0xf3: {  	v12 =	vimm.f32 $1.073741820e+09;
	v11 =	vperm.xlane v11, v6;
	[tilespmem:s1+$0x0] =	vst v15;
	v13 =	vsel vm13, v10, v13  }
0xf4: {  	s17 =	simm.s32 $0x10;
	s18 =	simm.s32 $0x3110;
	vm15 =	vlt.f32 v14, v12;
	v15 =	vadd.f32 s31, v2;
	[tilespmem:s16+$0x0] =	vst v13;
	v13 =	vperm.xlane v29, v6  }
0xf5: {  	s20 =	sand.u32 $0xFF0, s17;
	[tilespmem:$0x1FFC0] =	vst v11;
	v11 =	vsel vm15, v14, v12;
	v14 =	vld [tilespmem:s18+$0x0]  }
0xf6: {  	s19 =	simm.s32 $0x20;
	v12 =	vsel vm15, v15, v12;
	[tilespmem:$0x1FFA0] =	vst v13;
	v13 =	vld [tilespmem:s20+$0x4100]  }
.LBB2_12:
0xf7: {  	p0 =	sne.s32 s19, $0xFF0  }
0xf8: {  	v15 =	vld [tilespmem:s20+$0x5100];
	_ =	sdelay $0x2  }
0xf9: {  	s0 =	sadd.s32 $0x10, s0;
	v13 =	vmul.f32 v7, v13;
	v14 =	vmul.f32 v1, v14  }
0xfa: {  	v16 =	vld [tilespmem:s0+$0x0]  }
0xfb: {  	v13 =	vadd.f32 v13, v14;
	v14 =	vmul.f32 v8, v15;
	_ =	sdelay $0x1  }
0xfc: {  	v13 =	vadd.f32 v14, v13  }
0xfd: {  	s1 =	sadd.s32 $0x10, s1  }
0xfe: {  	v14 =	vadd.f32 v16, v9;
	v13 =	vadd.f32 v13, v13;
	v15 =	vld [tilespmem:s1+$0x0]  }
0xff: {  	s16 =	sadd.s32 $0x10, s16  }
0x100: {  	s20 =	scvt.s32.f32 s17;
	s17 =	smov.u32 s19;
	v13 =	vsub.f32 v14, v13;
	v14 =	vld [tilespmem:s16+$0x0];
	_ =	sdelay $0x1  }
0x101: {  	v16 =	vadd.f32 s20, v2;
	v13 =	vmax.f32 v13, $0.0e+00  }
0x102: {  	vm0 =	vlt.f32 v13, v11;
	vm1 =	vlt.f32 v13, v15  }
.Ltmp7:
0x103: {  	v11 =	vsel vm0, v13, v11;
	v12 =	vsel vm0, v16, v12;
	v13 =	vsel vm1, v13, v15;
	(pc) =	sbr.rel @p0 .LBB2_12-.Ltmp7, $4  }
0x104: {  	[tilespmem:s1+$0x0] =	vst v13;
	v13 =	vsel vm1, v10, v14  }
0x105: {  	s20 =	sand.u32 $0xFF0, s19;
	[tilespmem:s16+$0x0] =	vst v13  }
0x106: {  	s18 =	sadd.s32 $0x10, s18;
	v13 =	vld [tilespmem:s20+$0x4100]  }
0x107: {  	s19 =	sadd.s32 $0x10, s19;
	v14 =	vld [tilespmem:s18+$0x0]  }
0x108: {  	_ = 	snop  }
0x109: {  	v15 =	vld [tilespmem:s20+$0x5100];
	_ =	sdelay $0x2  }
0x10a: {  	s0 =	sadd.s32 $0x10, s0;
	v7 =	vmul.f32 v7, v13;
	v1 =	vmul.f32 v1, v14  }
0x10b: {  	v13 =	vld [tilespmem:s0+$0x0]  }
0x10c: {  	v1 =	vadd.f32 v7, v1;
	v7 =	vmul.f32 v8, v15;
	_ =	sdelay $0x1  }
0x10d: {  	v1 =	vadd.f32 v7, v1;
	_ =	sdelay $0x1  }
0x10e: {  	v7 =	vadd.f32 v13, v9;
	v1 =	vadd.f32 v1, v1  }
0x10f: {  	s1 =	sadd.s32 $0x10, s1  }
0x110: {  	s19 =	scvt.s32.f32 s17;
	v1 =	vsub.f32 v7, v1;
	v7 =	vld [tilespmem:s1+$0x0];
	_ =	sdelay $0x1  }
0x111: {  	s20 =	sadd.s32 $0x10, s16;
	v8 =	vadd.f32 s19, v2;
	v1 =	vmax.f32 v1, $0.0e+00  }
0x112: {  	v9 =	vld [tilespmem:s20+$0x0];
	vm0 =	vlt.f32 v1, v11  }
0x113: {  	v11 =	vsel vm0, v1, v11;
	v8 =	vsel vm0, v8, v12  }
0x114: {  	v12 =	vperm.xlane v11, v3;
	v13 =	vperm.xlane v8, v3;
	vm5 =	vlt.f32 v1, v7  }
0x115: {  	v1 =	vsel vm5, v1, v7  }
0x116: {  	vm1 =	veq.f32 v12, v11;
	vm2 =	vlt.f32 v13, v8;
	vm6 =	vlt.f32 v12, v11  }
0x117: {  	[tilespmem:s1+$0x0] =	vst v1;
	v1 =	vsel vm5, v10, v9;
	v9 =	vimm.s32 $0x3;
	vm1 =	vmand vm1, vm2  }
0x118: {  	[tilespmem:s20+$0x0] =	vst v1;
	v1 =	vperm.xlane v23, v9;
	vm7 =	vmor vm6, vm1  }
0x119: {  	v7 =	vperm.xlane v24, v9;
	v9 =	vperm.xlane v22, v9;
	v10 =	vsel vm7, v12, v11  }
0x11a: {  	s21 =	simm.s32 $0x0;
	s23 =	simm.s32 $0x3100;
	v11 =	vsel vm7, v13, v8;
	v13 =	vmul.f32 v1, v1;
	v14 =	vshrl.u32 v1, $0x10  }
0x11b: {  	s22 =	sand.u32 $0xFF0, s21;
	v16 =	vld [tilespmem:s23+$0x0];
	v15 =	vshrl.u32 v7, $0x10;
	v17 =	vmul.f32 v7, v7;
	v12 =	vperm.xlane v10, v4  }
0x11c: {  	v8 =	vld [tilespmem:s22+$0x4100];
	v14 =	vand.u32 $0x1, v14;
	v15 =	vand.u32 $0x1, v15;
	v19 =	vperm.xlane v11, v4  }
0x11d: {  	v1 =	vadd.s32 v14, v1;
	v7 =	vadd.s32 v15, v7;
	v14 =	vshrl.u32 v9, $0x10  }
0x11e: {  	v15 =	vld [tilespmem:s22+$0x5100];
	v13 =	vadd.f32 v17, v13;
	v1 =	vadd.s32 $0x7FFF, v1;
	v7 =	vadd.s32 $0x7FFF, v7  }
0x11f: {  	v14 =	vand.u32 $0x1, v14;
	vm8 =	veq.f32 v12, v10;
	vm9 =	vlt.f32 v19, v11  }
0x120: {  	v1 =	vand.u32 $0xFFFF0000, v1;
	v7 =	vand.u32 $0xFFFF0000, v7;
	v14 =	vadd.s32 v14, v9  }
0x121: {  	s0 =	simm.s32 $0x6100;
	v14 =	vadd.s32 $0x7FFF, v14;
	v16 =	vmul.f32 v1, v16;
	v18 =	vmul.f32 v7, v8  }
0x122: {  	vm10 =	vlt.f32 v12, v10;
	v9 =	vmul.f32 v9, v9;
	v8 =	vand.u32 $0xFFFF0000, v14;
	v14 =	vld [tilespmem:s0+$0x0]  }
0x123: {  	vm0 =	vmand vm8, vm9;
	v16 =	vadd.f32 v18, v16;
	v15 =	vmul.f32 v8, v15  }
0x124: {  	vm0 =	vmor vm10, vm0  }
0x125: {  	v9 =	vadd.f32 v9, v13;
	v12 =	vsel vm0, v12, v10;
	v13 =	vadd.f32 v15, v16  }
0x126: {  	s1 =	simm.s32 $0x7100;
	v11 =	vsel vm0, v19, v11;
	v62 =	vperm.xlane v12, v5  }
0x127: {  	v63 =	vperm.xlane v11, v5;
	v15 =	vld [tilespmem:s1+$0x0];
	v14 =	vadd.f32 v14, v9;
	v13 =	vadd.f32 v13, v13  }
0x128: {  	s16 =	simm.s32 $0x8100  }
0x129: {  	vm11 =	veq.f32 v62, v12;
	vm12 =	vlt.f32 v63, v11;
	v10 =	vsub.f32 v14, v13;
	v13 =	vld [tilespmem:s16+$0x0]  }
0x12a: {  	s18 =	sor.u32 $0x3, s30;
	vm14 =	vlt.f32 v62, v12;
	vm0 =	vmand vm11, vm12  }
0x12b: {  	s18 =	scvt.s32.f32 s18;
	vm0 =	vmor vm14, vm0;
	v14 =	vmax.f32 v10, $0.0e+00  }
0x12c: {  	v11 =	vsel vm0, v63, v11;
	vm13 =	vlt.f32 v14, v15  }
0x12d: {  	s31 =	scvt.s32.f32 s21;
	v33 =	vsel vm0, v62, v12;
	[tilespmem:$0x1FF80] =	vst v11;
	v10 =	vmov s18;
	v15 =	vsel vm13, v14, v15  }
0x12e: {  	v12 =	vimm.f32 $1.073741820e+09;
	v11 =	vperm.xlane v11, v6;
	[tilespmem:s1+$0x0] =	vst v15;
	v13 =	vsel vm13, v10, v13  }
0x12f: {  	s17 =	simm.s32 $0x10;
	s18 =	simm.s32 $0x3110;
	vm15 =	vlt.f32 v14, v12;
	v15 =	vadd.f32 s31, v2;
	[tilespmem:s16+$0x0] =	vst v13;
	v13 =	vperm.xlane v33, v6  }
0x130: {  	s20 =	sand.u32 $0xFF0, s17;
	[tilespmem:$0x1FF90] =	vst v11;
	v11 =	vsel vm15, v14, v12;
	v14 =	vld [tilespmem:s18+$0x0]  }
0x131: {  	s19 =	simm.s32 $0x20;
	v12 =	vsel vm15, v15, v12;
	[tilespmem:$0x1FF70] =	vst v13;
	v13 =	vld [tilespmem:s20+$0x4100]  }
.LBB2_14:
0x132: {  	p0 =	sne.s32 s19, $0xFF0  }
0x133: {  	v15 =	vld [tilespmem:s20+$0x5100];
	_ =	sdelay $0x2  }
0x134: {  	s0 =	sadd.s32 $0x10, s0;
	v13 =	vmul.f32 v7, v13;
	v14 =	vmul.f32 v1, v14  }
0x135: {  	v16 =	vld [tilespmem:s0+$0x0]  }
0x136: {  	v13 =	vadd.f32 v13, v14;
	v14 =	vmul.f32 v8, v15;
	_ =	sdelay $0x1  }
0x137: {  	v13 =	vadd.f32 v14, v13  }
0x138: {  	s1 =	sadd.s32 $0x10, s1  }
0x139: {  	v14 =	vadd.f32 v16, v9;
	v13 =	vadd.f32 v13, v13;
	v15 =	vld [tilespmem:s1+$0x0]  }
0x13a: {  	s16 =	sadd.s32 $0x10, s16  }
0x13b: {  	s20 =	scvt.s32.f32 s17;
	s17 =	smov.u32 s19;
	v13 =	vsub.f32 v14, v13;
	v14 =	vld [tilespmem:s16+$0x0];
	_ =	sdelay $0x1  }
0x13c: {  	v16 =	vadd.f32 s20, v2;
	v13 =	vmax.f32 v13, $0.0e+00  }
0x13d: {  	vm0 =	vlt.f32 v13, v11;
	vm1 =	vlt.f32 v13, v15  }
.Ltmp8:
0x13e: {  	v11 =	vsel vm0, v13, v11;
	v12 =	vsel vm0, v16, v12;
	v13 =	vsel vm1, v13, v15;
	(pc) =	sbr.rel @p0 .LBB2_14-.Ltmp8, $4  }
0x13f: {  	[tilespmem:s1+$0x0] =	vst v13;
	v13 =	vsel vm1, v10, v14  }
0x140: {  	s20 =	sand.u32 $0xFF0, s19;
	[tilespmem:s16+$0x0] =	vst v13  }
0x141: {  	s18 =	sadd.s32 $0x10, s18;
	v13 =	vld [tilespmem:s20+$0x4100]  }
0x142: {  	s19 =	sadd.s32 $0x10, s19;
	v14 =	vld [tilespmem:s18+$0x0]  }
0x143: {  	_ = 	snop  }
0x144: {  	v15 =	vld [tilespmem:s20+$0x5100];
	_ =	sdelay $0x2  }
0x145: {  	s0 =	sadd.s32 $0x10, s0;
	v7 =	vmul.f32 v7, v13;
	v1 =	vmul.f32 v1, v14  }
0x146: {  	v13 =	vld [tilespmem:s0+$0x0]  }
0x147: {  	v1 =	vadd.f32 v7, v1;
	v7 =	vmul.f32 v8, v15;
	_ =	sdelay $0x1  }
0x148: {  	v1 =	vadd.f32 v7, v1;
	_ =	sdelay $0x1  }
0x149: {  	v7 =	vadd.f32 v13, v9;
	v1 =	vadd.f32 v1, v1  }
0x14a: {  	s1 =	sadd.s32 $0x10, s1  }
0x14b: {  	s19 =	scvt.s32.f32 s17;
	v1 =	vsub.f32 v7, v1;
	v7 =	vld [tilespmem:s1+$0x0];
	_ =	sdelay $0x1  }
0x14c: {  	s20 =	sadd.s32 $0x10, s16;
	v8 =	vadd.f32 s19, v2;
	v1 =	vmax.f32 v1, $0.0e+00  }
0x14d: {  	v9 =	vld [tilespmem:s20+$0x0];
	vm0 =	vlt.f32 v1, v11  }
0x14e: {  	v11 =	vsel vm0, v1, v11;
	v8 =	vsel vm0, v8, v12  }
0x14f: {  	v12 =	vperm.xlane v11, v3;
	v13 =	vperm.xlane v8, v3;
	vm5 =	vlt.f32 v1, v7  }
0x150: {  	v1 =	vsel vm5, v1, v7  }
0x151: {  	vm1 =	veq.f32 v12, v11;
	vm2 =	vlt.f32 v13, v8;
	vm6 =	vlt.f32 v12, v11  }
0x152: {  	[tilespmem:s1+$0x0] =	vst v1;
	v1 =	vsel vm5, v10, v9;
	v9 =	vimm.s32 $0x4;
	vm1 =	vmand vm1, vm2  }
0x153: {  	[tilespmem:s20+$0x0] =	vst v1;
	v1 =	vperm.xlane v23, v9;
	vm7 =	vmor vm6, vm1  }
0x154: {  	v7 =	vperm.xlane v24, v9;
	v9 =	vperm.xlane v22, v9;
	v10 =	vsel vm7, v12, v11  }
0x155: {  	s21 =	simm.s32 $0x0;
	s23 =	simm.s32 $0x3100;
	v11 =	vsel vm7, v13, v8;
	v13 =	vmul.f32 v1, v1;
	v14 =	vshrl.u32 v1, $0x10  }
0x156: {  	s22 =	sand.u32 $0xFF0, s21;
	v16 =	vld [tilespmem:s23+$0x0];
	v15 =	vshrl.u32 v7, $0x10;
	v17 =	vmul.f32 v7, v7;
	v12 =	vperm.xlane v10, v4  }
0x157: {  	v8 =	vld [tilespmem:s22+$0x4100];
	v14 =	vand.u32 $0x1, v14;
	v15 =	vand.u32 $0x1, v15;
	v19 =	vperm.xlane v11, v4  }
0x158: {  	v1 =	vadd.s32 v14, v1;
	v7 =	vadd.s32 v15, v7;
	v14 =	vshrl.u32 v9, $0x10  }
0x159: {  	v15 =	vld [tilespmem:s22+$0x5100];
	v13 =	vadd.f32 v17, v13;
	v1 =	vadd.s32 $0x7FFF, v1;
	v7 =	vadd.s32 $0x7FFF, v7  }
0x15a: {  	v14 =	vand.u32 $0x1, v14;
	vm8 =	veq.f32 v12, v10;
	vm9 =	vlt.f32 v19, v11  }
0x15b: {  	v1 =	vand.u32 $0xFFFF0000, v1;
	v7 =	vand.u32 $0xFFFF0000, v7;
	v14 =	vadd.s32 v14, v9  }
0x15c: {  	s0 =	simm.s32 $0x6100;
	v14 =	vadd.s32 $0x7FFF, v14;
	v16 =	vmul.f32 v1, v16;
	v18 =	vmul.f32 v7, v8  }
0x15d: {  	vm10 =	vlt.f32 v12, v10;
	v9 =	vmul.f32 v9, v9;
	v8 =	vand.u32 $0xFFFF0000, v14;
	v14 =	vld [tilespmem:s0+$0x0]  }
0x15e: {  	vm0 =	vmand vm8, vm9;
	v16 =	vadd.f32 v18, v16;
	v15 =	vmul.f32 v8, v15  }
0x15f: {  	vm0 =	vmor vm10, vm0  }
0x160: {  	v9 =	vadd.f32 v9, v13;
	v12 =	vsel vm0, v12, v10;
	v13 =	vadd.f32 v15, v16  }
0x161: {  	s1 =	simm.s32 $0x7100;
	v11 =	vsel vm0, v19, v11;
	v62 =	vperm.xlane v12, v5  }
0x162: {  	v63 =	vperm.xlane v11, v5;
	v15 =	vld [tilespmem:s1+$0x0];
	v14 =	vadd.f32 v14, v9;
	v13 =	vadd.f32 v13, v13  }
0x163: {  	s16 =	simm.s32 $0x8100  }
0x164: {  	vm11 =	veq.f32 v62, v12;
	vm12 =	vlt.f32 v63, v11;
	v10 =	vsub.f32 v14, v13;
	v13 =	vld [tilespmem:s16+$0x0]  }
0x165: {  	s18 =	sor.u32 $0x4, s30;
	vm14 =	vlt.f32 v62, v12;
	vm0 =	vmand vm11, vm12  }
0x166: {  	s18 =	scvt.s32.f32 s18;
	vm0 =	vmor vm14, vm0;
	v14 =	vmax.f32 v10, $0.0e+00  }
0x167: {  	v11 =	vsel vm0, v63, v11;
	vm13 =	vlt.f32 v14, v15  }
0x168: {  	s31 =	scvt.s32.f32 s21;
	[tilespmem:$0x1FF50] =	vst v11;
	v10 =	vmov s18;
	v15 =	vsel vm13, v14, v15  }
0x169: {  	s17 =	simm.s32 $0x10;
	v37 =	vsel vm0, v62, v12;
	[tilespmem:s1+$0x0] =	vst v15;
	v13 =	vsel vm13, v10, v13  }
0x16a: {  	s20 =	sand.u32 $0xFF0, s17;
	v12 =	vimm.f32 $1.073741820e+09;
	v11 =	vperm.xlane v11, v6;
	v15 =	vadd.f32 s31, v2;
	[tilespmem:s16+$0x0] =	vst v13  }
0x16b: {  	s18 =	simm.s32 $0x3110;
	vm15 =	vlt.f32 v14, v12;
	v13 =	vld [tilespmem:s20+$0x4100]  }
0x16c: {  	s19 =	simm.s32 $0x20;
	v39 =	vperm.xlane v37, v6;
	[tilespmem:$0x1FF60] =	vst v11;
	v11 =	vsel vm15, v14, v12;
	v12 =	vsel vm15, v15, v12;
	v14 =	vld [tilespmem:s18+$0x0]  }
.LBB2_16:
0x16d: {  	p0 =	sne.s32 s19, $0xFF0  }
0x16e: {  	v15 =	vld [tilespmem:s20+$0x5100];
	_ =	sdelay $0x2  }
0x16f: {  	s0 =	sadd.s32 $0x10, s0;
	v13 =	vmul.f32 v7, v13;
	v14 =	vmul.f32 v1, v14  }
0x170: {  	v16 =	vld [tilespmem:s0+$0x0]  }
0x171: {  	v13 =	vadd.f32 v13, v14;
	v14 =	vmul.f32 v8, v15;
	_ =	sdelay $0x1  }
0x172: {  	v13 =	vadd.f32 v14, v13  }
0x173: {  	s1 =	sadd.s32 $0x10, s1  }
0x174: {  	v14 =	vadd.f32 v16, v9;
	v13 =	vadd.f32 v13, v13;
	v15 =	vld [tilespmem:s1+$0x0]  }
0x175: {  	s16 =	sadd.s32 $0x10, s16  }
0x176: {  	s20 =	scvt.s32.f32 s17;
	s17 =	smov.u32 s19;
	v13 =	vsub.f32 v14, v13;
	v14 =	vld [tilespmem:s16+$0x0];
	_ =	sdelay $0x1  }
0x177: {  	v16 =	vadd.f32 s20, v2;
	v13 =	vmax.f32 v13, $0.0e+00  }
0x178: {  	vm0 =	vlt.f32 v13, v11;
	vm1 =	vlt.f32 v13, v15  }
.Ltmp9:
0x179: {  	v11 =	vsel vm0, v13, v11;
	v12 =	vsel vm0, v16, v12;
	v13 =	vsel vm1, v13, v15;
	(pc) =	sbr.rel @p0 .LBB2_16-.Ltmp9, $4  }
0x17a: {  	[tilespmem:s1+$0x0] =	vst v13;
	v13 =	vsel vm1, v10, v14  }
0x17b: {  	s20 =	sand.u32 $0xFF0, s19;
	[tilespmem:s16+$0x0] =	vst v13  }
0x17c: {  	s18 =	sadd.s32 $0x10, s18;
	v13 =	vld [tilespmem:s20+$0x4100]  }
0x17d: {  	s19 =	sadd.s32 $0x10, s19;
	v14 =	vld [tilespmem:s18+$0x0]  }
0x17e: {  	_ = 	snop  }
0x17f: {  	v15 =	vld [tilespmem:s20+$0x5100];
	_ =	sdelay $0x2  }
0x180: {  	s0 =	sadd.s32 $0x10, s0;
	v7 =	vmul.f32 v7, v13;
	v1 =	vmul.f32 v1, v14  }
0x181: {  	v13 =	vld [tilespmem:s0+$0x0]  }
0x182: {  	v1 =	vadd.f32 v7, v1;
	v7 =	vmul.f32 v8, v15;
	_ =	sdelay $0x1  }
0x183: {  	v1 =	vadd.f32 v7, v1;
	_ =	sdelay $0x1  }
0x184: {  	v7 =	vadd.f32 v13, v9;
	v1 =	vadd.f32 v1, v1;
	_ =	sdelay $0x1  }
0x185: {  	s1 =	sadd.s32 $0x10, s1;
	v1 =	vsub.f32 v7, v1  }
0x186: {  	s19 =	scvt.s32.f32 s17;
	v7 =	vld [tilespmem:s1+$0x0]  }
0x187: {  	s20 =	sadd.s32 $0x10, s16;
	v1 =	vmax.f32 v1, $0.0e+00  }
0x188: {  	v8 =	vadd.f32 s19, v2;
	v9 =	vld [tilespmem:s20+$0x0];
	vm0 =	vlt.f32 v1, v11  }
0x189: {  	v11 =	vsel vm0, v1, v11  }
0x18a: {  	v8 =	vsel vm0, v8, v12;
	v12 =	vperm.xlane v11, v3  }
0x18b: {  	v13 =	vperm.xlane v8, v3;
	vm5 =	vlt.f32 v1, v7  }
0x18c: {  	v1 =	vsel vm5, v1, v7;
	vm1 =	veq.f32 v12, v11  }
0x18d: {  	vm2 =	vlt.f32 v13, v8;
	[tilespmem:s1+$0x0] =	vst v1;
	v1 =	vsel vm5, v10, v9;
	v9 =	vimm.s32 $0x5  }
0x18e: {  	vm6 =	vlt.f32 v12, v11;
	vm1 =	vmand vm1, vm2;
	[tilespmem:s20+$0x0] =	vst v1;
	v1 =	vperm.xlane v23, v9  }
0x18f: {  	s21 =	simm.s32 $0x0;
	s23 =	simm.s32 $0x3100;
	v7 =	vperm.xlane v24, v9;
	v9 =	vperm.xlane v22, v9;
	vm7 =	vmor vm6, vm1  }
0x190: {  	s22 =	sand.u32 $0xFF0, s21;
	v16 =	vld [tilespmem:s23+$0x0];
	v10 =	vsel vm7, v12, v11;
	v11 =	vsel vm7, v13, v8;
	v13 =	vmul.f32 v1, v1  }
0x191: {  	v8 =	vld [tilespmem:s22+$0x4100];
	v14 =	vshrl.u32 v1, $0x10;
	v15 =	vshrl.u32 v7, $0x10;
	v17 =	vmul.f32 v7, v7  }
0x192: {  	v12 =	vperm.xlane v10, v4;
	v14 =	vand.u32 $0x1, v14;
	v15 =	vand.u32 $0x1, v15  }
0x193: {  	v1 =	vadd.s32 v14, v1;
	v7 =	vadd.s32 v15, v7;
	v14 =	vshrl.u32 v9, $0x10;
	v15 =	vld [tilespmem:s22+$0x5100]  }
0x194: {  	v1 =	vadd.s32 $0x7FFF, v1;
	v7 =	vadd.s32 $0x7FFF, v7;
	v14 =	vand.u32 $0x1, v14  }
0x195: {  	v1 =	vand.u32 $0xFFFF0000, v1;
	v7 =	vand.u32 $0xFFFF0000, v7;
	v14 =	vadd.s32 v14, v9  }
0x196: {  	s0 =	simm.s32 $0x6100;
	v14 =	vadd.s32 $0x7FFF, v14;
	v16 =	vmul.f32 v1, v16;
	v18 =	vmul.f32 v7, v8  }
0x197: {  	v19 =	vperm.xlane v11, v4;
	v13 =	vadd.f32 v17, v13;
	v8 =	vand.u32 $0xFFFF0000, v14;
	v14 =	vld [tilespmem:s0+$0x0]  }
0x198: {  	v9 =	vmul.f32 v9, v9;
	v16 =	vadd.f32 v18, v16;
	v15 =	vmul.f32 v8, v15  }
0x199: {  	vm8 =	veq.f32 v12, v10  }
0x19a: {  	vm9 =	vlt.f32 v19, v11;
	v9 =	vadd.f32 v9, v13;
	v13 =	vadd.f32 v15, v16  }
0x19b: {  	s1 =	simm.s32 $0x7100;
	vm10 =	vlt.f32 v12, v10;
	vm0 =	vmand vm8, vm9  }
0x19c: {  	vm0 =	vmor vm10, vm0;
	v15 =	vld [tilespmem:s1+$0x0];
	v14 =	vadd.f32 v14, v9;
	v13 =	vadd.f32 v13, v13  }
0x19d: {  	s16 =	simm.s32 $0x8100;
	v12 =	vsel vm0, v12, v10;
	v11 =	vsel vm0, v19, v11  }
0x19e: {  	v62 =	vperm.xlane v12, v5;
	v63 =	vperm.xlane v11, v5;
	v10 =	vsub.f32 v14, v13;
	v13 =	vld [tilespmem:s16+$0x0]  }
0x19f: {  	s18 =	sor.u32 $0x5, s30  }
0x1a0: {  	s18 =	scvt.s32.f32 s18;
	vm11 =	veq.f32 v62, v12;
	vm12 =	vlt.f32 v63, v11;
	v14 =	vmax.f32 v10, $0.0e+00  }
0x1a1: {  	vm14 =	vlt.f32 v62, v12;
	vm0 =	vmand vm11, vm12;
	vm13 =	vlt.f32 v14, v15  }
0x1a2: {  	s31 =	scvt.s32.f32 s21;
	vm0 =	vmor vm14, vm0;
	v10 =	vmov s18;
	v15 =	vsel vm13, v14, v15  }
0x1a3: {  	s17 =	simm.s32 $0x10;
	v41 =	vsel vm0, v62, v12;
	v42 =	vsel vm0, v63, v11;
	[tilespmem:s1+$0x0] =	vst v15;
	v13 =	vsel vm13, v10, v13  }
0x1a4: {  	s20 =	sand.u32 $0xFF0, s17;
	v12 =	vimm.f32 $1.073741820e+09;
	v11 =	vperm.xlane v42, v6;
	v15 =	vadd.f32 s31, v2;
	[tilespmem:s16+$0x0] =	vst v13  }
0x1a5: {  	s18 =	simm.s32 $0x3110;
	vm15 =	vlt.f32 v14, v12;
	v13 =	vld [tilespmem:s20+$0x4100]  }
0x1a6: {  	s19 =	simm.s32 $0x20;
	v43 =	vperm.xlane v41, v6;
	[tilespmem:$0x1FF40] =	vst v11;
	v11 =	vsel vm15, v14, v12;
	v12 =	vsel vm15, v15, v12;
	v14 =	vld [tilespmem:s18+$0x0]  }
.LBB2_18:
0x1a7: {  	p0 =	sne.s32 s19, $0xFF0  }
0x1a8: {  	v15 =	vld [tilespmem:s20+$0x5100];
	_ =	sdelay $0x2  }
0x1a9: {  	s0 =	sadd.s32 $0x10, s0;
	v13 =	vmul.f32 v7, v13;
	v14 =	vmul.f32 v1, v14  }
0x1aa: {  	v16 =	vld [tilespmem:s0+$0x0]  }
0x1ab: {  	v13 =	vadd.f32 v13, v14;
	v14 =	vmul.f32 v8, v15;
	_ =	sdelay $0x1  }
0x1ac: {  	v13 =	vadd.f32 v14, v13  }
0x1ad: {  	s1 =	sadd.s32 $0x10, s1  }
0x1ae: {  	v14 =	vadd.f32 v16, v9;
	v13 =	vadd.f32 v13, v13;
	v15 =	vld [tilespmem:s1+$0x0]  }
0x1af: {  	s16 =	sadd.s32 $0x10, s16  }
0x1b0: {  	s20 =	scvt.s32.f32 s17;
	s17 =	smov.u32 s19;
	v13 =	vsub.f32 v14, v13;
	v14 =	vld [tilespmem:s16+$0x0];
	_ =	sdelay $0x1  }
0x1b1: {  	v16 =	vadd.f32 s20, v2;
	v13 =	vmax.f32 v13, $0.0e+00  }
0x1b2: {  	vm0 =	vlt.f32 v13, v11;
	vm1 =	vlt.f32 v13, v15  }
.Ltmp10:
0x1b3: {  	v11 =	vsel vm0, v13, v11;
	v12 =	vsel vm0, v16, v12;
	v13 =	vsel vm1, v13, v15;
	(pc) =	sbr.rel @p0 .LBB2_18-.Ltmp10, $4  }
0x1b4: {  	[tilespmem:s1+$0x0] =	vst v13;
	v13 =	vsel vm1, v10, v14  }
0x1b5: {  	s20 =	sand.u32 $0xFF0, s19;
	[tilespmem:s16+$0x0] =	vst v13  }
0x1b6: {  	s18 =	sadd.s32 $0x10, s18;
	v13 =	vld [tilespmem:s20+$0x4100]  }
0x1b7: {  	s19 =	sadd.s32 $0x10, s19;
	v14 =	vld [tilespmem:s18+$0x0]  }
0x1b8: {  	_ = 	snop  }
0x1b9: {  	v15 =	vld [tilespmem:s20+$0x5100];
	_ =	sdelay $0x2  }
0x1ba: {  	s0 =	sadd.s32 $0x10, s0;
	v7 =	vmul.f32 v7, v13;
	v1 =	vmul.f32 v1, v14  }
0x1bb: {  	v13 =	vld [tilespmem:s0+$0x0]  }
0x1bc: {  	v1 =	vadd.f32 v7, v1;
	v7 =	vmul.f32 v8, v15;
	_ =	sdelay $0x1  }
0x1bd: {  	v1 =	vadd.f32 v7, v1;
	_ =	sdelay $0x1  }
0x1be: {  	v7 =	vadd.f32 v13, v9;
	v1 =	vadd.f32 v1, v1;
	_ =	sdelay $0x1  }
0x1bf: {  	s1 =	sadd.s32 $0x10, s1;
	v1 =	vsub.f32 v7, v1  }
0x1c0: {  	s19 =	scvt.s32.f32 s17;
	v7 =	vld [tilespmem:s1+$0x0]  }
0x1c1: {  	s20 =	sadd.s32 $0x10, s16;
	v1 =	vmax.f32 v1, $0.0e+00  }
0x1c2: {  	v8 =	vadd.f32 s19, v2;
	v9 =	vld [tilespmem:s20+$0x0];
	vm0 =	vlt.f32 v1, v11  }
0x1c3: {  	v11 =	vsel vm0, v1, v11  }
0x1c4: {  	v8 =	vsel vm0, v8, v12;
	v12 =	vperm.xlane v11, v3  }
0x1c5: {  	v13 =	vperm.xlane v8, v3;
	vm5 =	vlt.f32 v1, v7  }
0x1c6: {  	v1 =	vsel vm5, v1, v7;
	vm1 =	veq.f32 v12, v11  }
0x1c7: {  	vm2 =	vlt.f32 v13, v8;
	[tilespmem:s1+$0x0] =	vst v1;
	v1 =	vsel vm5, v10, v9;
	v9 =	vimm.s32 $0x6  }
0x1c8: {  	vm6 =	vlt.f32 v12, v11;
	vm1 =	vmand vm1, vm2;
	[tilespmem:s20+$0x0] =	vst v1;
	v1 =	vperm.xlane v23, v9  }
0x1c9: {  	s21 =	simm.s32 $0x0;
	s23 =	simm.s32 $0x3100;
	v7 =	vperm.xlane v24, v9;
	v9 =	vperm.xlane v22, v9;
	vm7 =	vmor vm6, vm1  }
0x1ca: {  	s22 =	sand.u32 $0xFF0, s21;
	v16 =	vld [tilespmem:s23+$0x0];
	v10 =	vsel vm7, v12, v11;
	v11 =	vsel vm7, v13, v8;
	v13 =	vmul.f32 v1, v1  }
0x1cb: {  	v8 =	vld [tilespmem:s22+$0x4100];
	v14 =	vshrl.u32 v1, $0x10;
	v15 =	vshrl.u32 v7, $0x10;
	v17 =	vmul.f32 v7, v7  }
0x1cc: {  	v12 =	vperm.xlane v10, v4;
	v14 =	vand.u32 $0x1, v14;
	v15 =	vand.u32 $0x1, v15  }
0x1cd: {  	v1 =	vadd.s32 v14, v1;
	v7 =	vadd.s32 v15, v7;
	v14 =	vshrl.u32 v9, $0x10;
	v15 =	vld [tilespmem:s22+$0x5100]  }
0x1ce: {  	v1 =	vadd.s32 $0x7FFF, v1;
	v7 =	vadd.s32 $0x7FFF, v7;
	v14 =	vand.u32 $0x1, v14  }
0x1cf: {  	v1 =	vand.u32 $0xFFFF0000, v1;
	v7 =	vand.u32 $0xFFFF0000, v7;
	v14 =	vadd.s32 v14, v9  }
0x1d0: {  	s0 =	simm.s32 $0x6100;
	v14 =	vadd.s32 $0x7FFF, v14;
	v16 =	vmul.f32 v1, v16;
	v18 =	vmul.f32 v7, v8  }
0x1d1: {  	v19 =	vperm.xlane v11, v4;
	v13 =	vadd.f32 v17, v13;
	v8 =	vand.u32 $0xFFFF0000, v14;
	v14 =	vld [tilespmem:s0+$0x0]  }
0x1d2: {  	v9 =	vmul.f32 v9, v9;
	v16 =	vadd.f32 v18, v16;
	v15 =	vmul.f32 v8, v15  }
0x1d3: {  	vm8 =	veq.f32 v12, v10  }
0x1d4: {  	vm9 =	vlt.f32 v19, v11;
	v9 =	vadd.f32 v9, v13;
	v13 =	vadd.f32 v15, v16  }
0x1d5: {  	s1 =	simm.s32 $0x7100;
	vm10 =	vlt.f32 v12, v10;
	vm0 =	vmand vm8, vm9  }
0x1d6: {  	vm0 =	vmor vm10, vm0;
	v15 =	vld [tilespmem:s1+$0x0];
	v14 =	vadd.f32 v14, v9;
	v13 =	vadd.f32 v13, v13  }
0x1d7: {  	s16 =	simm.s32 $0x8100;
	v12 =	vsel vm0, v12, v10;
	v11 =	vsel vm0, v19, v11  }
0x1d8: {  	v62 =	vperm.xlane v12, v5;
	v63 =	vperm.xlane v11, v5;
	v10 =	vsub.f32 v14, v13;
	v13 =	vld [tilespmem:s16+$0x0]  }
0x1d9: {  	s18 =	sor.u32 $0x6, s30  }
0x1da: {  	s18 =	scvt.s32.f32 s18;
	vm11 =	veq.f32 v62, v12;
	vm12 =	vlt.f32 v63, v11;
	v14 =	vmax.f32 v10, $0.0e+00  }
0x1db: {  	vm14 =	vlt.f32 v62, v12;
	vm0 =	vmand vm11, vm12;
	vm13 =	vlt.f32 v14, v15  }
0x1dc: {  	s31 =	scvt.s32.f32 s21;
	vm0 =	vmor vm14, vm0;
	v10 =	vmov s18;
	v15 =	vsel vm13, v14, v15  }
0x1dd: {  	s17 =	simm.s32 $0x10;
	v45 =	vsel vm0, v62, v12;
	v46 =	vsel vm0, v63, v11;
	[tilespmem:s1+$0x0] =	vst v15;
	v13 =	vsel vm13, v10, v13  }
0x1de: {  	s20 =	sand.u32 $0xFF0, s17;
	v12 =	vimm.f32 $1.073741820e+09;
	v11 =	vperm.xlane v46, v6;
	v15 =	vadd.f32 s31, v2;
	[tilespmem:s16+$0x0] =	vst v13  }
0x1df: {  	s18 =	simm.s32 $0x3110;
	vm15 =	vlt.f32 v14, v12;
	v13 =	vld [tilespmem:s20+$0x4100]  }
0x1e0: {  	s19 =	simm.s32 $0x20;
	v47 =	vperm.xlane v45, v6;
	[tilespmem:$0x1FF30] =	vst v11;
	v11 =	vsel vm15, v14, v12;
	v12 =	vsel vm15, v15, v12;
	v14 =	vld [tilespmem:s18+$0x0]  }
.LBB2_20:
0x1e1: {  	p0 =	sne.s32 s19, $0xFF0  }
0x1e2: {  	v15 =	vld [tilespmem:s20+$0x5100];
	_ =	sdelay $0x2  }
0x1e3: {  	s0 =	sadd.s32 $0x10, s0;
	v13 =	vmul.f32 v7, v13;
	v14 =	vmul.f32 v1, v14  }
0x1e4: {  	v16 =	vld [tilespmem:s0+$0x0]  }
0x1e5: {  	v13 =	vadd.f32 v13, v14;
	v14 =	vmul.f32 v8, v15;
	_ =	sdelay $0x1  }
0x1e6: {  	v13 =	vadd.f32 v14, v13  }
0x1e7: {  	s1 =	sadd.s32 $0x10, s1  }
0x1e8: {  	v14 =	vadd.f32 v16, v9;
	v13 =	vadd.f32 v13, v13;
	v15 =	vld [tilespmem:s1+$0x0]  }
0x1e9: {  	s16 =	sadd.s32 $0x10, s16  }
0x1ea: {  	s20 =	scvt.s32.f32 s17;
	s17 =	smov.u32 s19;
	v13 =	vsub.f32 v14, v13;
	v14 =	vld [tilespmem:s16+$0x0];
	_ =	sdelay $0x1  }
0x1eb: {  	v16 =	vadd.f32 s20, v2;
	v13 =	vmax.f32 v13, $0.0e+00  }
0x1ec: {  	vm0 =	vlt.f32 v13, v11;
	vm1 =	vlt.f32 v13, v15  }
.Ltmp11:
0x1ed: {  	v11 =	vsel vm0, v13, v11;
	v12 =	vsel vm0, v16, v12;
	v13 =	vsel vm1, v13, v15;
	(pc) =	sbr.rel @p0 .LBB2_20-.Ltmp11, $4  }
0x1ee: {  	[tilespmem:s1+$0x0] =	vst v13;
	v13 =	vsel vm1, v10, v14  }
0x1ef: {  	s20 =	sand.u32 $0xFF0, s19;
	[tilespmem:s16+$0x0] =	vst v13  }
0x1f0: {  	s18 =	sadd.s32 $0x10, s18;
	v13 =	vld [tilespmem:s20+$0x4100]  }
0x1f1: {  	s19 =	sadd.s32 $0x10, s19;
	v14 =	vld [tilespmem:s18+$0x0]  }
0x1f2: {  	_ = 	snop  }
0x1f3: {  	v15 =	vld [tilespmem:s20+$0x5100];
	_ =	sdelay $0x2  }
0x1f4: {  	s0 =	sadd.s32 $0x10, s0;
	v7 =	vmul.f32 v7, v13;
	v1 =	vmul.f32 v1, v14  }
0x1f5: {  	v13 =	vld [tilespmem:s0+$0x0]  }
0x1f6: {  	v1 =	vadd.f32 v7, v1;
	v7 =	vmul.f32 v8, v15;
	_ =	sdelay $0x1  }
0x1f7: {  	v1 =	vadd.f32 v7, v1;
	_ =	sdelay $0x1  }
0x1f8: {  	v7 =	vadd.f32 v13, v9;
	v1 =	vadd.f32 v1, v1;
	_ =	sdelay $0x1  }
0x1f9: {  	s1 =	sadd.s32 $0x10, s1;
	v1 =	vsub.f32 v7, v1  }
0x1fa: {  	s19 =	scvt.s32.f32 s17;
	v7 =	vld [tilespmem:s1+$0x0]  }
0x1fb: {  	s20 =	sadd.s32 $0x10, s16;
	v1 =	vmax.f32 v1, $0.0e+00  }
0x1fc: {  	v8 =	vadd.f32 s19, v2;
	v9 =	vld [tilespmem:s20+$0x0];
	vm0 =	vlt.f32 v1, v11  }
0x1fd: {  	v11 =	vsel vm0, v1, v11  }
0x1fe: {  	v8 =	vsel vm0, v8, v12;
	v12 =	vperm.xlane v11, v3  }
0x1ff: {  	v13 =	vperm.xlane v8, v3;
	vm5 =	vlt.f32 v1, v7  }
0x200: {  	v1 =	vsel vm5, v1, v7;
	vm1 =	veq.f32 v12, v11  }
0x201: {  	vm2 =	vlt.f32 v13, v8;
	[tilespmem:s1+$0x0] =	vst v1;
	v1 =	vsel vm5, v10, v9;
	v9 =	vimm.s32 $0x7  }
0x202: {  	vm6 =	vlt.f32 v12, v11;
	vm1 =	vmand vm1, vm2;
	[tilespmem:s20+$0x0] =	vst v1;
	v1 =	vperm.xlane v23, v9  }
0x203: {  	s21 =	simm.s32 $0x0;
	s23 =	simm.s32 $0x3100;
	v7 =	vperm.xlane v24, v9;
	v9 =	vperm.xlane v22, v9;
	vm7 =	vmor vm6, vm1  }
0x204: {  	s22 =	sand.u32 $0xFF0, s21;
	v16 =	vld [tilespmem:s23+$0x0];
	v10 =	vsel vm7, v12, v11;
	v11 =	vsel vm7, v13, v8;
	v13 =	vmul.f32 v1, v1  }
0x205: {  	v8 =	vld [tilespmem:s22+$0x4100];
	v14 =	vshrl.u32 v1, $0x10;
	v15 =	vshrl.u32 v7, $0x10;
	v17 =	vmul.f32 v7, v7  }
0x206: {  	v12 =	vperm.xlane v10, v4;
	v14 =	vand.u32 $0x1, v14;
	v15 =	vand.u32 $0x1, v15  }
0x207: {  	v1 =	vadd.s32 v14, v1;
	v7 =	vadd.s32 v15, v7;
	v14 =	vshrl.u32 v9, $0x10;
	v15 =	vld [tilespmem:s22+$0x5100]  }
0x208: {  	v1 =	vadd.s32 $0x7FFF, v1;
	v7 =	vadd.s32 $0x7FFF, v7;
	v14 =	vand.u32 $0x1, v14  }
0x209: {  	v1 =	vand.u32 $0xFFFF0000, v1;
	v7 =	vand.u32 $0xFFFF0000, v7;
	v14 =	vadd.s32 v14, v9  }
0x20a: {  	s0 =	simm.s32 $0x6100;
	v14 =	vadd.s32 $0x7FFF, v14;
	v16 =	vmul.f32 v1, v16;
	v18 =	vmul.f32 v7, v8  }
0x20b: {  	v19 =	vperm.xlane v11, v4;
	v13 =	vadd.f32 v17, v13;
	v8 =	vand.u32 $0xFFFF0000, v14;
	v14 =	vld [tilespmem:s0+$0x0]  }
0x20c: {  	v9 =	vmul.f32 v9, v9;
	v16 =	vadd.f32 v18, v16;
	v15 =	vmul.f32 v8, v15  }
0x20d: {  	vm8 =	veq.f32 v12, v10  }
0x20e: {  	vm9 =	vlt.f32 v19, v11;
	v9 =	vadd.f32 v9, v13;
	v13 =	vadd.f32 v15, v16  }
0x20f: {  	s1 =	simm.s32 $0x7100;
	vm10 =	vlt.f32 v12, v10;
	vm0 =	vmand vm8, vm9  }
0x210: {  	vm0 =	vmor vm10, vm0;
	v15 =	vld [tilespmem:s1+$0x0];
	v14 =	vadd.f32 v14, v9;
	v13 =	vadd.f32 v13, v13  }
0x211: {  	s16 =	simm.s32 $0x8100;
	v12 =	vsel vm0, v12, v10;
	v11 =	vsel vm0, v19, v11  }
0x212: {  	v62 =	vperm.xlane v12, v5;
	v63 =	vperm.xlane v11, v5;
	v10 =	vsub.f32 v14, v13;
	v13 =	vld [tilespmem:s16+$0x0]  }
0x213: {  	s18 =	sor.u32 $0x7, s30  }
0x214: {  	s18 =	scvt.s32.f32 s18;
	vm11 =	veq.f32 v62, v12;
	vm12 =	vlt.f32 v63, v11;
	v14 =	vmax.f32 v10, $0.0e+00  }
0x215: {  	vm14 =	vlt.f32 v62, v12;
	vm0 =	vmand vm11, vm12;
	vm13 =	vlt.f32 v14, v15  }
0x216: {  	s31 =	scvt.s32.f32 s21;
	vm0 =	vmor vm14, vm0;
	v10 =	vmov s18;
	v15 =	vsel vm13, v14, v15  }
0x217: {  	s17 =	simm.s32 $0x10;
	v49 =	vsel vm0, v62, v12;
	v50 =	vsel vm0, v63, v11;
	[tilespmem:s1+$0x0] =	vst v15;
	v13 =	vsel vm13, v10, v13  }
0x218: {  	s20 =	sand.u32 $0xFF0, s17;
	v12 =	vimm.f32 $1.073741820e+09;
	v11 =	vperm.xlane v50, v6;
	v15 =	vadd.f32 s31, v2;
	[tilespmem:s16+$0x0] =	vst v13  }
0x219: {  	s18 =	simm.s32 $0x3110;
	vm15 =	vlt.f32 v14, v12;
	v13 =	vld [tilespmem:s20+$0x4100]  }
0x21a: {  	s19 =	simm.s32 $0x20;
	v51 =	vperm.xlane v49, v6;
	[tilespmem:$0x1FF20] =	vst v11;
	v11 =	vsel vm15, v14, v12;
	v12 =	vsel vm15, v15, v12;
	v14 =	vld [tilespmem:s18+$0x0]  }
.LBB2_22:
0x21b: {  	p0 =	sne.s32 s19, $0xFF0  }
0x21c: {  	v15 =	vld [tilespmem:s20+$0x5100];
	_ =	sdelay $0x2  }
0x21d: {  	s0 =	sadd.s32 $0x10, s0;
	v13 =	vmul.f32 v7, v13;
	v14 =	vmul.f32 v1, v14  }
0x21e: {  	v16 =	vld [tilespmem:s0+$0x0]  }
0x21f: {  	v13 =	vadd.f32 v13, v14;
	v14 =	vmul.f32 v8, v15;
	_ =	sdelay $0x1  }
0x220: {  	v13 =	vadd.f32 v14, v13  }
0x221: {  	s1 =	sadd.s32 $0x10, s1  }
0x222: {  	v14 =	vadd.f32 v16, v9;
	v13 =	vadd.f32 v13, v13;
	v15 =	vld [tilespmem:s1+$0x0]  }
0x223: {  	s16 =	sadd.s32 $0x10, s16  }
0x224: {  	s20 =	scvt.s32.f32 s17;
	s17 =	smov.u32 s19;
	v13 =	vsub.f32 v14, v13;
	v14 =	vld [tilespmem:s16+$0x0];
	_ =	sdelay $0x1  }
0x225: {  	v16 =	vadd.f32 s20, v2;
	v13 =	vmax.f32 v13, $0.0e+00  }
0x226: {  	vm0 =	vlt.f32 v13, v11;
	vm1 =	vlt.f32 v13, v15  }
.Ltmp12:
0x227: {  	v11 =	vsel vm0, v13, v11;
	v12 =	vsel vm0, v16, v12;
	v13 =	vsel vm1, v13, v15;
	(pc) =	sbr.rel @p0 .LBB2_22-.Ltmp12, $4  }
0x228: {  	[tilespmem:s1+$0x0] =	vst v13;
	v13 =	vsel vm1, v10, v14  }
0x229: {  	s20 =	sand.u32 $0xFF0, s19;
	[tilespmem:s16+$0x0] =	vst v13  }
0x22a: {  	s18 =	sadd.s32 $0x10, s18;
	v13 =	vld [tilespmem:s20+$0x4100]  }
0x22b: {  	s19 =	sadd.s32 $0x10, s19;
	v14 =	vld [tilespmem:s18+$0x0]  }
0x22c: {  	_ = 	snop  }
0x22d: {  	v15 =	vld [tilespmem:s20+$0x5100];
	_ =	sdelay $0x2  }
0x22e: {  	s0 =	sadd.s32 $0x10, s0;
	v7 =	vmul.f32 v7, v13;
	v1 =	vmul.f32 v1, v14  }
0x22f: {  	v13 =	vld [tilespmem:s0+$0x0]  }
0x230: {  	v1 =	vadd.f32 v7, v1;
	v7 =	vmul.f32 v8, v15;
	_ =	sdelay $0x1  }
0x231: {  	v1 =	vadd.f32 v7, v1;
	_ =	sdelay $0x1  }
0x232: {  	v7 =	vadd.f32 v13, v9;
	v1 =	vadd.f32 v1, v1;
	_ =	sdelay $0x1  }
0x233: {  	s1 =	sadd.s32 $0x10, s1;
	v1 =	vsub.f32 v7, v1  }
0x234: {  	s19 =	scvt.s32.f32 s17;
	v7 =	vld [tilespmem:s1+$0x0]  }
0x235: {  	s20 =	sadd.s32 $0x10, s16;
	v1 =	vmax.f32 v1, $0.0e+00  }
0x236: {  	v8 =	vadd.f32 s19, v2;
	v9 =	vld [tilespmem:s20+$0x0];
	vm0 =	vlt.f32 v1, v11  }
0x237: {  	v11 =	vsel vm0, v1, v11  }
0x238: {  	v8 =	vsel vm0, v8, v12;
	v12 =	vperm.xlane v11, v3  }
0x239: {  	v13 =	vperm.xlane v8, v3;
	vm5 =	vlt.f32 v1, v7  }
0x23a: {  	v1 =	vsel vm5, v1, v7;
	vm1 =	veq.f32 v12, v11  }
0x23b: {  	vm2 =	vlt.f32 v13, v8;
	[tilespmem:s1+$0x0] =	vst v1;
	v1 =	vsel vm5, v10, v9;
	v9 =	vimm.s32 $0x8  }
0x23c: {  	vm6 =	vlt.f32 v12, v11;
	vm1 =	vmand vm1, vm2;
	[tilespmem:s20+$0x0] =	vst v1;
	v1 =	vperm.xlane v23, v9  }
0x23d: {  	s21 =	simm.s32 $0x0;
	s23 =	simm.s32 $0x3100;
	v7 =	vperm.xlane v24, v9;
	v9 =	vperm.xlane v22, v9;
	vm7 =	vmor vm6, vm1  }
0x23e: {  	s22 =	sand.u32 $0xFF0, s21;
	v16 =	vld [tilespmem:s23+$0x0];
	v10 =	vsel vm7, v12, v11;
	v11 =	vsel vm7, v13, v8;
	v13 =	vmul.f32 v1, v1  }
0x23f: {  	v8 =	vld [tilespmem:s22+$0x4100];
	v14 =	vshrl.u32 v1, $0x10;
	v15 =	vshrl.u32 v7, $0x10;
	v17 =	vmul.f32 v7, v7  }
0x240: {  	v12 =	vperm.xlane v10, v4;
	v14 =	vand.u32 $0x1, v14;
	v15 =	vand.u32 $0x1, v15  }
0x241: {  	v1 =	vadd.s32 v14, v1;
	v7 =	vadd.s32 v15, v7;
	v14 =	vshrl.u32 v9, $0x10;
	v15 =	vld [tilespmem:s22+$0x5100]  }
0x242: {  	v1 =	vadd.s32 $0x7FFF, v1;
	v7 =	vadd.s32 $0x7FFF, v7;
	v14 =	vand.u32 $0x1, v14  }
0x243: {  	v1 =	vand.u32 $0xFFFF0000, v1;
	v7 =	vand.u32 $0xFFFF0000, v7;
	v14 =	vadd.s32 v14, v9  }
0x244: {  	s0 =	simm.s32 $0x6100;
	v14 =	vadd.s32 $0x7FFF, v14;
	v16 =	vmul.f32 v1, v16;
	v18 =	vmul.f32 v7, v8  }
0x245: {  	v19 =	vperm.xlane v11, v4;
	v13 =	vadd.f32 v17, v13;
	v8 =	vand.u32 $0xFFFF0000, v14;
	v14 =	vld [tilespmem:s0+$0x0]  }
0x246: {  	v9 =	vmul.f32 v9, v9;
	v16 =	vadd.f32 v18, v16;
	v15 =	vmul.f32 v8, v15  }
0x247: {  	vm8 =	veq.f32 v12, v10  }
0x248: {  	vm9 =	vlt.f32 v19, v11;
	v9 =	vadd.f32 v9, v13;
	v13 =	vadd.f32 v15, v16  }
0x249: {  	s1 =	simm.s32 $0x7100;
	vm10 =	vlt.f32 v12, v10;
	vm0 =	vmand vm8, vm9  }
0x24a: {  	vm0 =	vmor vm10, vm0;
	v15 =	vld [tilespmem:s1+$0x0];
	v14 =	vadd.f32 v14, v9;
	v13 =	vadd.f32 v13, v13  }
0x24b: {  	s16 =	simm.s32 $0x8100;
	v12 =	vsel vm0, v12, v10  }
0x24c: {  	v11 =	vsel vm0, v19, v11;
	v62 =	vperm.xlane v12, v5;
	v10 =	vsub.f32 v14, v13;
	v13 =	vld [tilespmem:s16+$0x0]  }
0x24d: {  	s18 =	sor.u32 $0x8, s30;
	v63 =	vperm.xlane v11, v5  }
0x24e: {  	s18 =	scvt.s32.f32 s18;
	vm11 =	veq.f32 v62, v12;
	v14 =	vmax.f32 v10, $0.0e+00  }
0x24f: {  	vm12 =	vlt.f32 v63, v11;
	vm14 =	vlt.f32 v62, v12;
	vm13 =	vlt.f32 v14, v15  }
0x250: {  	s31 =	scvt.s32.f32 s21;
	vm0 =	vmand vm11, vm12;
	v10 =	vmov s18;
	v15 =	vsel vm13, v14, v15  }
0x251: {  	s17 =	simm.s32 $0x10;
	vm0 =	vmor vm14, vm0;
	[tilespmem:s1+$0x0] =	vst v15;
	v13 =	vsel vm13, v10, v13  }
0x252: {  	s20 =	sand.u32 $0xFF0, s17;
	v53 =	vsel vm0, v62, v12;
	v12 =	vimm.f32 $1.073741820e+09;
	v15 =	vadd.f32 s31, v2;
	[tilespmem:s16+$0x0] =	vst v13  }
0x253: {  	v54 =	vsel vm0, v63, v11;
	v55 =	vperm.xlane v53, v6;
	s18 =	simm.s32 $0x3110;
	vm15 =	vlt.f32 v14, v12;
	v13 =	vld [tilespmem:s20+$0x4100]  }
0x254: {  	s19 =	simm.s32 $0x20;
	v56 =	vperm.xlane v54, v6;
	v11 =	vsel vm15, v14, v12;
	v12 =	vsel vm15, v15, v12;
	v14 =	vld [tilespmem:s18+$0x0]  }
.LBB2_24:
0x255: {  	p0 =	sne.s32 s19, $0xFF0  }
0x256: {  	v15 =	vld [tilespmem:s20+$0x5100];
	_ =	sdelay $0x2  }
0x257: {  	s0 =	sadd.s32 $0x10, s0;
	v13 =	vmul.f32 v7, v13;
	v14 =	vmul.f32 v1, v14  }
0x258: {  	v16 =	vld [tilespmem:s0+$0x0]  }
0x259: {  	v13 =	vadd.f32 v13, v14;
	v14 =	vmul.f32 v8, v15;
	_ =	sdelay $0x1  }
0x25a: {  	v13 =	vadd.f32 v14, v13  }
0x25b: {  	s1 =	sadd.s32 $0x10, s1  }
0x25c: {  	v14 =	vadd.f32 v16, v9;
	v13 =	vadd.f32 v13, v13;
	v15 =	vld [tilespmem:s1+$0x0]  }
0x25d: {  	s16 =	sadd.s32 $0x10, s16  }
0x25e: {  	s20 =	scvt.s32.f32 s17;
	s17 =	smov.u32 s19;
	v13 =	vsub.f32 v14, v13;
	v14 =	vld [tilespmem:s16+$0x0];
	_ =	sdelay $0x1  }
0x25f: {  	v16 =	vadd.f32 s20, v2;
	v13 =	vmax.f32 v13, $0.0e+00  }
0x260: {  	vm0 =	vlt.f32 v13, v11;
	vm1 =	vlt.f32 v13, v15  }
.Ltmp13:
0x261: {  	v11 =	vsel vm0, v13, v11;
	v12 =	vsel vm0, v16, v12;
	v13 =	vsel vm1, v13, v15;
	(pc) =	sbr.rel @p0 .LBB2_24-.Ltmp13, $4  }
0x262: {  	[tilespmem:s1+$0x0] =	vst v13;
	v13 =	vsel vm1, v10, v14  }
0x263: {  	s20 =	sand.u32 $0xFF0, s19;
	[tilespmem:s16+$0x0] =	vst v13  }
0x264: {  	s18 =	sadd.s32 $0x10, s18;
	v13 =	vld [tilespmem:s20+$0x4100]  }
0x265: {  	s19 =	sadd.s32 $0x10, s19;
	v14 =	vld [tilespmem:s18+$0x0]  }
0x266: {  	_ = 	snop  }
0x267: {  	v15 =	vld [tilespmem:s20+$0x5100];
	_ =	sdelay $0x2  }
0x268: {  	s0 =	sadd.s32 $0x10, s0;
	v7 =	vmul.f32 v7, v13;
	v1 =	vmul.f32 v1, v14  }
0x269: {  	v13 =	vld [tilespmem:s0+$0x0]  }
0x26a: {  	v1 =	vadd.f32 v7, v1;
	v7 =	vmul.f32 v8, v15;
	_ =	sdelay $0x1  }
0x26b: {  	v1 =	vadd.f32 v7, v1;
	_ =	sdelay $0x1  }
0x26c: {  	v7 =	vadd.f32 v13, v9;
	v1 =	vadd.f32 v1, v1;
	_ =	sdelay $0x1  }
0x26d: {  	s1 =	sadd.s32 $0x10, s1;
	v1 =	vsub.f32 v7, v1  }
0x26e: {  	s19 =	scvt.s32.f32 s17;
	v7 =	vld [tilespmem:s1+$0x0]  }
0x26f: {  	s20 =	sadd.s32 $0x10, s16;
	v1 =	vmax.f32 v1, $0.0e+00  }
0x270: {  	v8 =	vadd.f32 s19, v2;
	v9 =	vld [tilespmem:s20+$0x0];
	vm0 =	vlt.f32 v1, v11  }
0x271: {  	v11 =	vsel vm0, v1, v11  }
0x272: {  	v8 =	vsel vm0, v8, v12;
	v12 =	vperm.xlane v11, v3  }
0x273: {  	v13 =	vperm.xlane v8, v3;
	vm5 =	vlt.f32 v1, v7  }
0x274: {  	v1 =	vsel vm5, v1, v7;
	vm1 =	veq.f32 v12, v11  }
0x275: {  	vm2 =	vlt.f32 v13, v8;
	[tilespmem:s1+$0x0] =	vst v1;
	v1 =	vsel vm5, v10, v9;
	v9 =	vimm.s32 $0x9  }
0x276: {  	vm6 =	vlt.f32 v12, v11;
	vm1 =	vmand vm1, vm2;
	[tilespmem:s20+$0x0] =	vst v1;
	v1 =	vperm.xlane v23, v9  }
0x277: {  	s21 =	simm.s32 $0x0;
	s23 =	simm.s32 $0x3100;
	v7 =	vperm.xlane v24, v9;
	v9 =	vperm.xlane v22, v9;
	vm7 =	vmor vm6, vm1  }
0x278: {  	s22 =	sand.u32 $0xFF0, s21;
	v16 =	vld [tilespmem:s23+$0x0];
	v10 =	vsel vm7, v12, v11;
	v11 =	vsel vm7, v13, v8;
	v13 =	vmul.f32 v1, v1  }
0x279: {  	v8 =	vld [tilespmem:s22+$0x4100];
	v14 =	vshrl.u32 v1, $0x10;
	v15 =	vshrl.u32 v7, $0x10;
	v17 =	vmul.f32 v7, v7  }
0x27a: {  	v12 =	vperm.xlane v10, v4;
	v14 =	vand.u32 $0x1, v14;
	v15 =	vand.u32 $0x1, v15  }
0x27b: {  	v1 =	vadd.s32 v14, v1;
	v7 =	vadd.s32 v15, v7;
	v14 =	vshrl.u32 v9, $0x10;
	v15 =	vld [tilespmem:s22+$0x5100]  }
0x27c: {  	v1 =	vadd.s32 $0x7FFF, v1;
	v7 =	vadd.s32 $0x7FFF, v7;
	v14 =	vand.u32 $0x1, v14  }
0x27d: {  	v1 =	vand.u32 $0xFFFF0000, v1;
	v7 =	vand.u32 $0xFFFF0000, v7;
	v14 =	vadd.s32 v14, v9  }
0x27e: {  	s0 =	simm.s32 $0x6100;
	v14 =	vadd.s32 $0x7FFF, v14;
	v16 =	vmul.f32 v1, v16;
	v18 =	vmul.f32 v7, v8  }
0x27f: {  	v19 =	vperm.xlane v11, v4;
	v13 =	vadd.f32 v17, v13;
	v8 =	vand.u32 $0xFFFF0000, v14;
	v14 =	vld [tilespmem:s0+$0x0]  }
0x280: {  	v9 =	vmul.f32 v9, v9;
	v16 =	vadd.f32 v18, v16;
	v15 =	vmul.f32 v8, v15  }
0x281: {  	vm8 =	veq.f32 v12, v10  }
0x282: {  	vm9 =	vlt.f32 v19, v11;
	v9 =	vadd.f32 v9, v13;
	v13 =	vadd.f32 v15, v16  }
0x283: {  	s1 =	simm.s32 $0x7100;
	vm10 =	vlt.f32 v12, v10;
	vm0 =	vmand vm8, vm9  }
0x284: {  	vm0 =	vmor vm10, vm0;
	v15 =	vld [tilespmem:s1+$0x0];
	v14 =	vadd.f32 v14, v9;
	v13 =	vadd.f32 v13, v13  }
0x285: {  	s16 =	simm.s32 $0x8100;
	v12 =	vsel vm0, v12, v10  }
0x286: {  	v11 =	vsel vm0, v19, v11;
	v62 =	vperm.xlane v12, v5;
	v10 =	vsub.f32 v14, v13;
	v13 =	vld [tilespmem:s16+$0x0]  }
0x287: {  	s18 =	sor.u32 $0x9, s30;
	v63 =	vperm.xlane v11, v5  }
0x288: {  	s18 =	scvt.s32.f32 s18;
	vm11 =	veq.f32 v62, v12;
	v14 =	vmax.f32 v10, $0.0e+00  }
0x289: {  	vm12 =	vlt.f32 v63, v11;
	vm14 =	vlt.f32 v62, v12;
	vm13 =	vlt.f32 v14, v15  }
0x28a: {  	s31 =	scvt.s32.f32 s21;
	vm0 =	vmand vm11, vm12;
	v10 =	vmov s18;
	v15 =	vsel vm13, v14, v15  }
0x28b: {  	s17 =	simm.s32 $0x10;
	vm0 =	vmor vm14, vm0;
	[tilespmem:s1+$0x0] =	vst v15;
	v13 =	vsel vm13, v10, v13  }
0x28c: {  	s20 =	sand.u32 $0xFF0, s17;
	v57 =	vsel vm0, v62, v12;
	v12 =	vimm.f32 $1.073741820e+09;
	v15 =	vadd.f32 s31, v2;
	[tilespmem:s16+$0x0] =	vst v13  }
0x28d: {  	v58 =	vsel vm0, v63, v11;
	v59 =	vperm.xlane v57, v6;
	s18 =	simm.s32 $0x3110;
	vm15 =	vlt.f32 v14, v12;
	v13 =	vld [tilespmem:s20+$0x4100]  }
0x28e: {  	s19 =	simm.s32 $0x20;
	v60 =	vperm.xlane v58, v6;
	v11 =	vsel vm15, v14, v12;
	v12 =	vsel vm15, v15, v12;
	v14 =	vld [tilespmem:s18+$0x0]  }
.LBB2_26:
0x28f: {  	p0 =	sne.s32 s19, $0xFF0  }
0x290: {  	v15 =	vld [tilespmem:s20+$0x5100];
	_ =	sdelay $0x2  }
0x291: {  	s0 =	sadd.s32 $0x10, s0;
	v13 =	vmul.f32 v7, v13;
	v14 =	vmul.f32 v1, v14  }
0x292: {  	v16 =	vld [tilespmem:s0+$0x0]  }
0x293: {  	v13 =	vadd.f32 v13, v14;
	v14 =	vmul.f32 v8, v15;
	_ =	sdelay $0x1  }
0x294: {  	v13 =	vadd.f32 v14, v13  }
0x295: {  	s1 =	sadd.s32 $0x10, s1  }
0x296: {  	v14 =	vadd.f32 v16, v9;
	v13 =	vadd.f32 v13, v13;
	v15 =	vld [tilespmem:s1+$0x0]  }
0x297: {  	s16 =	sadd.s32 $0x10, s16  }
0x298: {  	s20 =	scvt.s32.f32 s17;
	s17 =	smov.u32 s19;
	v13 =	vsub.f32 v14, v13;
	v14 =	vld [tilespmem:s16+$0x0];
	_ =	sdelay $0x1  }
0x299: {  	v16 =	vadd.f32 s20, v2;
	v13 =	vmax.f32 v13, $0.0e+00  }
0x29a: {  	vm0 =	vlt.f32 v13, v11;
	vm1 =	vlt.f32 v13, v15  }
.Ltmp14:
0x29b: {  	v11 =	vsel vm0, v13, v11;
	v12 =	vsel vm0, v16, v12;
	v13 =	vsel vm1, v13, v15;
	(pc) =	sbr.rel @p0 .LBB2_26-.Ltmp14, $4  }
0x29c: {  	[tilespmem:s1+$0x0] =	vst v13;
	v13 =	vsel vm1, v10, v14  }
0x29d: {  	s20 =	sand.u32 $0xFF0, s19;
	[tilespmem:s16+$0x0] =	vst v13  }
0x29e: {  	s18 =	sadd.s32 $0x10, s18;
	v13 =	vld [tilespmem:s20+$0x4100]  }
0x29f: {  	s19 =	sadd.s32 $0x10, s19;
	v14 =	vld [tilespmem:s18+$0x0]  }
0x2a0: {  	_ = 	snop  }
0x2a1: {  	v15 =	vld [tilespmem:s20+$0x5100];
	_ =	sdelay $0x2  }
0x2a2: {  	s0 =	sadd.s32 $0x10, s0;
	v7 =	vmul.f32 v7, v13;
	v1 =	vmul.f32 v1, v14  }
0x2a3: {  	v13 =	vld [tilespmem:s0+$0x0]  }
0x2a4: {  	v1 =	vadd.f32 v7, v1;
	v7 =	vmul.f32 v8, v15;
	_ =	sdelay $0x1  }
0x2a5: {  	v1 =	vadd.f32 v7, v1;
	_ =	sdelay $0x1  }
0x2a6: {  	v7 =	vadd.f32 v13, v9;
	v1 =	vadd.f32 v1, v1;
	_ =	sdelay $0x1  }
0x2a7: {  	s1 =	sadd.s32 $0x10, s1;
	v1 =	vsub.f32 v7, v1  }
0x2a8: {  	s19 =	scvt.s32.f32 s17;
	v7 =	vld [tilespmem:s1+$0x0]  }
0x2a9: {  	s20 =	sadd.s32 $0x10, s16;
	v1 =	vmax.f32 v1, $0.0e+00  }
0x2aa: {  	v8 =	vadd.f32 s19, v2;
	v9 =	vld [tilespmem:s20+$0x0];
	vm0 =	vlt.f32 v1, v11  }
0x2ab: {  	v11 =	vsel vm0, v1, v11  }
0x2ac: {  	v8 =	vsel vm0, v8, v12;
	v12 =	vperm.xlane v11, v3  }
0x2ad: {  	v13 =	vperm.xlane v8, v3;
	vm5 =	vlt.f32 v1, v7  }
0x2ae: {  	v1 =	vsel vm5, v1, v7;
	vm1 =	veq.f32 v12, v11  }
0x2af: {  	vm2 =	vlt.f32 v13, v8;
	[tilespmem:s1+$0x0] =	vst v1;
	v1 =	vsel vm5, v10, v9;
	v10 =	vimm.s32 $0xA  }
0x2b0: {  	vm6 =	vlt.f32 v12, v11;
	vm1 =	vmand vm1, vm2;
	v7 =	vperm.xlane v23, v10  }
0x2b1: {  	s21 =	simm.s32 $0x0;
	s23 =	simm.s32 $0x3100;
	[tilespmem:s20+$0x0] =	vst v1;
	v9 =	vperm.xlane v24, v10;
	v10 =	vperm.xlane v22, v10;
	vm7 =	vmor vm6, vm1  }
0x2b2: {  	s22 =	sand.u32 $0xFF0, s21;
	v16 =	vld [tilespmem:s23+$0x0];
	v1 =	vsel vm7, v12, v11;
	v11 =	vsel vm7, v13, v8;
	v14 =	vmul.f32 v7, v7  }
0x2b3: {  	v13 =	vld [tilespmem:s22+$0x4100];
	v8 =	vshrl.u32 v7, $0x10;
	v15 =	vshrl.u32 v9, $0x10;
	v17 =	vmul.f32 v9, v9  }
0x2b4: {  	v12 =	vperm.xlane v1, v4;
	v8 =	vand.u32 $0x1, v8;
	v15 =	vand.u32 $0x1, v15  }
0x2b5: {  	v7 =	vadd.s32 v8, v7;
	v8 =	vadd.s32 v15, v9;
	v9 =	vshrl.u32 v10, $0x10;
	v15 =	vld [tilespmem:s22+$0x5100]  }
0x2b6: {  	v7 =	vadd.s32 $0x7FFF, v7;
	v8 =	vadd.s32 $0x7FFF, v8;
	v9 =	vand.u32 $0x1, v9  }
0x2b7: {  	v7 =	vand.u32 $0xFFFF0000, v7;
	v8 =	vand.u32 $0xFFFF0000, v8;
	v9 =	vadd.s32 v9, v10  }
0x2b8: {  	s0 =	simm.s32 $0x6100;
	v9 =	vadd.s32 $0x7FFF, v9;
	v16 =	vmul.f32 v7, v16;
	v13 =	vmul.f32 v8, v13  }
0x2b9: {  	v18 =	vperm.xlane v11, v4;
	v14 =	vadd.f32 v17, v14;
	v17 =	vld [tilespmem:s0+$0x0];
	v9 =	vand.u32 $0xFFFF0000, v9  }
0x2ba: {  	v10 =	vmul.f32 v10, v10;
	v13 =	vadd.f32 v13, v16;
	v15 =	vmul.f32 v9, v15  }
0x2bb: {  	vm8 =	veq.f32 v12, v1  }
0x2bc: {  	vm9 =	vlt.f32 v18, v11;
	v10 =	vadd.f32 v10, v14;
	v13 =	vadd.f32 v15, v13  }
0x2bd: {  	s1 =	simm.s32 $0x7100;
	vm10 =	vlt.f32 v12, v1;
	vm0 =	vmand vm8, vm9  }
0x2be: {  	vm0 =	vmor vm10, vm0;
	v14 =	vadd.f32 v17, v10;
	v15 =	vld [tilespmem:s1+$0x0];
	v13 =	vadd.f32 v13, v13  }
0x2bf: {  	s16 =	simm.s32 $0x8100;
	v1 =	vsel vm0, v12, v1  }
0x2c0: {  	v12 =	vsel vm0, v18, v11;
	v16 =	vperm.xlane v1, v5;
	v11 =	vsub.f32 v14, v13;
	v13 =	vld [tilespmem:s16+$0x0]  }
0x2c1: {  	s18 =	sor.u32 $0xA, s30;
	v17 =	vperm.xlane v12, v5  }
0x2c2: {  	s18 =	scvt.s32.f32 s18;
	vm11 =	veq.f32 v16, v1;
	v52 =	vmax.f32 v11, $0.0e+00  }
0x2c3: {  	vm14 =	vlt.f32 v16, v1;
	vm12 =	vlt.f32 v17, v12;
	vm13 =	vlt.f32 v52, v15  }
0x2c4: {  	s31 =	scvt.s32.f32 s21;
	vm0 =	vmand vm11, vm12;
	v11 =	vmov s18;
	v14 =	vsel vm13, v52, v15  }
0x2c5: {  	s17 =	simm.s32 $0x10;
	vm0 =	vmor vm14, vm0;
	[tilespmem:s1+$0x0] =	vst v14;
	v13 =	vsel vm13, v11, v13  }
0x2c6: {  	s20 =	sand.u32 $0xFF0, s17;
	v62 =	vsel vm0, v16, v1;
	v16 =	vadd.f32 s31, v2;
	v15 =	vimm.f32 $1.073741820e+09;
	[tilespmem:s16+$0x0] =	vst v13  }
0x2c7: {  	v61 =	vsel vm0, v17, v12;
	v1 =	vperm.xlane v62, v6;
	s18 =	simm.s32 $0x3110;
	vm15 =	vlt.f32 v52, v15;
	v14 =	vld [tilespmem:s20+$0x4100]  }
0x2c8: {  	s19 =	simm.s32 $0x20;
	v63 =	vperm.xlane v61, v6;
	v12 =	vsel vm15, v52, v15;
	v13 =	vsel vm15, v16, v15;
	v15 =	vld [tilespmem:s18+$0x0]  }
.LBB2_28:
0x2c9: {  	p0 =	sne.s32 s19, $0xFF0  }
0x2ca: {  	v16 =	vld [tilespmem:s20+$0x5100];
	_ =	sdelay $0x2  }
0x2cb: {  	s0 =	sadd.s32 $0x10, s0;
	v14 =	vmul.f32 v8, v14;
	v15 =	vmul.f32 v7, v15  }
0x2cc: {  	v17 =	vld [tilespmem:s0+$0x0]  }
0x2cd: {  	v14 =	vadd.f32 v14, v15;
	v15 =	vmul.f32 v9, v16;
	_ =	sdelay $0x1  }
0x2ce: {  	v14 =	vadd.f32 v15, v14  }
0x2cf: {  	s1 =	sadd.s32 $0x10, s1  }
0x2d0: {  	v15 =	vadd.f32 v17, v10;
	v14 =	vadd.f32 v14, v14;
	v16 =	vld [tilespmem:s1+$0x0]  }
0x2d1: {  	s16 =	sadd.s32 $0x10, s16  }
0x2d2: {  	s20 =	scvt.s32.f32 s17;
	s17 =	smov.u32 s19;
	v14 =	vsub.f32 v15, v14;
	v15 =	vld [tilespmem:s16+$0x0];
	_ =	sdelay $0x1  }
0x2d3: {  	v17 =	vadd.f32 s20, v2;
	v14 =	vmax.f32 v14, $0.0e+00  }
0x2d4: {  	vm0 =	vlt.f32 v14, v12;
	vm1 =	vlt.f32 v14, v16  }
.Ltmp15:
0x2d5: {  	v12 =	vsel vm0, v14, v12;
	v13 =	vsel vm0, v17, v13;
	v14 =	vsel vm1, v14, v16;
	(pc) =	sbr.rel @p0 .LBB2_28-.Ltmp15, $4  }
0x2d6: {  	[tilespmem:s1+$0x0] =	vst v14;
	v14 =	vsel vm1, v11, v15  }
0x2d7: {  	s20 =	sand.u32 $0xFF0, s19;
	[tilespmem:s16+$0x0] =	vst v14  }
0x2d8: {  	s18 =	sadd.s32 $0x10, s18;
	v14 =	vld [tilespmem:s20+$0x4100]  }
0x2d9: {  	s19 =	sadd.s32 $0x10, s19;
	v15 =	vld [tilespmem:s18+$0x0]  }
0x2da: {  	_ = 	snop  }
0x2db: {  	v16 =	vld [tilespmem:s20+$0x5100];
	_ =	sdelay $0x2  }
0x2dc: {  	s0 =	sadd.s32 $0x10, s0;
	v8 =	vmul.f32 v8, v14;
	v7 =	vmul.f32 v7, v15  }
0x2dd: {  	v14 =	vld [tilespmem:s0+$0x0]  }
0x2de: {  	v7 =	vadd.f32 v8, v7;
	v8 =	vmul.f32 v9, v16;
	_ =	sdelay $0x1  }
0x2df: {  	v7 =	vadd.f32 v8, v7;
	_ =	sdelay $0x1  }
0x2e0: {  	v8 =	vadd.f32 v14, v10;
	v7 =	vadd.f32 v7, v7  }
0x2e1: {  	s1 =	sadd.s32 $0x10, s1  }
0x2e2: {  	s19 =	scvt.s32.f32 s17;
	v7 =	vsub.f32 v8, v7;
	v8 =	vld [tilespmem:s1+$0x0];
	_ =	sdelay $0x1  }
0x2e3: {  	s20 =	sadd.s32 $0x10, s16;
	v9 =	vadd.f32 s19, v2;
	v7 =	vmax.f32 v7, $0.0e+00  }
0x2e4: {  	v10 =	vld [tilespmem:s20+$0x0];
	vm0 =	vlt.f32 v7, v12  }
0x2e5: {  	v12 =	vsel vm0, v7, v12;
	v9 =	vsel vm0, v9, v13  }
0x2e6: {  	v13 =	vperm.xlane v12, v3;
	v14 =	vperm.xlane v9, v3;
	vm5 =	vlt.f32 v7, v8  }
0x2e7: {  	v7 =	vsel vm5, v7, v8  }
0x2e8: {  	vm1 =	veq.f32 v13, v12;
	vm2 =	vlt.f32 v14, v9;
	vm6 =	vlt.f32 v13, v12  }
0x2e9: {  	[tilespmem:s1+$0x0] =	vst v7;
	v7 =	vsel vm5, v11, v10;
	v11 =	vimm.s32 $0xB;
	vm1 =	vmand vm1, vm2  }
0x2ea: {  	v8 =	vperm.xlane v23, v11;
	vm7 =	vmor vm6, vm1  }
0x2eb: {  	s21 =	simm.s32 $0x0;
	s23 =	simm.s32 $0x3100;
	[tilespmem:s20+$0x0] =	vst v7;
	v10 =	vperm.xlane v24, v11;
	v7 =	vsel vm7, v13, v12  }
0x2ec: {  	s22 =	sand.u32 $0xFF0, s21;
	v17 =	vld [tilespmem:s23+$0x0];
	v9 =	vsel vm7, v14, v9;
	v14 =	vperm.xlane v22, v11;
	v16 =	vmul.f32 v8, v8  }
0x2ed: {  	v13 =	vld [tilespmem:s22+$0x4100];
	v11 =	vshrl.u32 v8, $0x10;
	v12 =	vshrl.u32 v10, $0x10;
	v18 =	vmul.f32 v10, v10  }
0x2ee: {  	v15 =	vperm.xlane v7, v4;
	v11 =	vand.u32 $0x1, v11;
	v12 =	vand.u32 $0x1, v12  }
0x2ef: {  	v19 =	vld [tilespmem:s22+$0x5100];
	v8 =	vadd.s32 v11, v8;
	v10 =	vadd.s32 v12, v10;
	v11 =	vshrl.u32 v14, $0x10  }
0x2f0: {  	v8 =	vadd.s32 $0x7FFF, v8;
	v10 =	vadd.s32 $0x7FFF, v10;
	v20 =	vand.u32 $0x1, v11  }
0x2f1: {  	v11 =	vand.u32 $0xFFFF0000, v8;
	v12 =	vand.u32 $0xFFFF0000, v10;
	v8 =	vadd.s32 v20, v14  }
0x2f2: {  	s0 =	simm.s32 $0x6100;
	v8 =	vadd.s32 $0x7FFF, v8;
	v10 =	vmul.f32 v11, v17;
	v17 =	vmul.f32 v12, v13  }
0x2f3: {  	v16 =	vadd.f32 v18, v16;
	v20 =	vperm.xlane v9, v4;
	v13 =	vand.u32 $0xFFFF0000, v8;
	v8 =	vld [tilespmem:s0+$0x0]  }
0x2f4: {  	v14 =	vmul.f32 v14, v14;
	v10 =	vadd.f32 v17, v10;
	v17 =	vmul.f32 v13, v19  }
0x2f5: {  	vm8 =	veq.f32 v15, v7  }
0x2f6: {  	vm9 =	vlt.f32 v20, v9;
	v14 =	vadd.f32 v14, v16;
	v10 =	vadd.f32 v17, v10  }
0x2f7: {  	s1 =	simm.s32 $0x7100;
	vm10 =	vlt.f32 v15, v7;
	vm0 =	vmand vm8, vm9  }
0x2f8: {  	v16 =	vld [tilespmem:s1+$0x0];
	vm0 =	vmor vm10, vm0;
	v8 =	vadd.f32 v8, v14;
	v10 =	vadd.f32 v10, v10  }
0x2f9: {  	s16 =	simm.s32 $0x8100;
	v7 =	vsel vm0, v15, v7;
	v9 =	vsel vm0, v20, v9  }
0x2fa: {  	v17 =	vperm.xlane v7, v5;
	v18 =	vperm.xlane v9, v5;
	v8 =	vsub.f32 v8, v10;
	v10 =	vld [tilespmem:s16+$0x0]  }
0x2fb: {  	s18 =	sor.u32 $0xB, s30  }
0x2fc: {  	s18 =	scvt.s32.f32 s18;
	vm11 =	veq.f32 v17, v7;
	vm12 =	vlt.f32 v18, v9;
	v19 =	vmax.f32 v8, $0.0e+00  }
0x2fd: {  	vm14 =	vlt.f32 v17, v7;
	vm0 =	vmand vm11, vm12;
	vm13 =	vlt.f32 v19, v16  }
0x2fe: {  	s31 =	scvt.s32.f32 s21;
	v15 =	vmov s18;
	vm0 =	vmor vm14, vm0;
	v8 =	vsel vm13, v19, v16  }
0x2ff: {  	s17 =	simm.s32 $0x10;
	v7 =	vsel vm0, v17, v7;
	v17 =	vimm.f32 $1.073741820e+09;
	[tilespmem:s1+$0x0] =	vst v8;
	v8 =	vsel vm13, v15, v10  }
0x300: {  	s20 =	sand.u32 $0xFF0, s17;
	v20 =	vadd.f32 s31, v2;
	vm15 =	vlt.f32 v19, v17;
	[tilespmem:s16+$0x0] =	vst v8  }
0x301: {  	s18 =	simm.s32 $0x3110;
	v16 =	vsel vm15, v19, v17;
	v8 =	vsel vm0, v18, v9;
	v18 =	vld [tilespmem:s20+$0x4100]  }
0x302: {  	s19 =	simm.s32 $0x20;
	v17 =	vsel vm15, v20, v17;
	v9 =	vperm.xlane v7, v6;
	v10 =	vperm.xlane v8, v6;
	v19 =	vld [tilespmem:s18+$0x0]  }
.LBB2_30:
0x303: {  	p0 =	sne.s32 s19, $0xFF0  }
0x304: {  	v20 =	vld [tilespmem:s20+$0x5100];
	_ =	sdelay $0x2  }
0x305: {  	s0 =	sadd.s32 $0x10, s0;
	v18 =	vmul.f32 v12, v18;
	v19 =	vmul.f32 v11, v19  }
0x306: {  	v21 =	vld [tilespmem:s0+$0x0]  }
0x307: {  	v18 =	vadd.f32 v18, v19;
	v19 =	vmul.f32 v13, v20;
	_ =	sdelay $0x1  }
0x308: {  	v18 =	vadd.f32 v19, v18  }
0x309: {  	s1 =	sadd.s32 $0x10, s1  }
0x30a: {  	v19 =	vadd.f32 v21, v14;
	v18 =	vadd.f32 v18, v18;
	v20 =	vld [tilespmem:s1+$0x0]  }
0x30b: {  	s16 =	sadd.s32 $0x10, s16  }
0x30c: {  	s20 =	scvt.s32.f32 s17;
	s17 =	smov.u32 s19;
	v18 =	vsub.f32 v19, v18;
	v19 =	vld [tilespmem:s16+$0x0];
	_ =	sdelay $0x1  }
0x30d: {  	v21 =	vadd.f32 s20, v2;
	v18 =	vmax.f32 v18, $0.0e+00  }
0x30e: {  	vm0 =	vlt.f32 v18, v16;
	vm1 =	vlt.f32 v18, v20  }
.Ltmp16:
0x30f: {  	v16 =	vsel vm0, v18, v16;
	v17 =	vsel vm0, v21, v17;
	v18 =	vsel vm1, v18, v20;
	(pc) =	sbr.rel @p0 .LBB2_30-.Ltmp16, $4  }
0x310: {  	[tilespmem:s1+$0x0] =	vst v18;
	v18 =	vsel vm1, v15, v19  }
0x311: {  	s20 =	sand.u32 $0xFF0, s19;
	[tilespmem:s16+$0x0] =	vst v18  }
0x312: {  	s18 =	sadd.s32 $0x10, s18;
	v18 =	vld [tilespmem:s20+$0x4100]  }
0x313: {  	s19 =	sadd.s32 $0x10, s19;
	v19 =	vld [tilespmem:s18+$0x0]  }
0x314: {  	_ = 	snop  }
0x315: {  	v20 =	vld [tilespmem:s20+$0x5100];
	_ =	sdelay $0x2  }
0x316: {  	s0 =	sadd.s32 $0x10, s0;
	v12 =	vmul.f32 v12, v18;
	v11 =	vmul.f32 v11, v19  }
0x317: {  	v18 =	vld [tilespmem:s0+$0x0]  }
0x318: {  	v11 =	vadd.f32 v12, v11;
	v12 =	vmul.f32 v13, v20;
	_ =	sdelay $0x1  }
0x319: {  	v11 =	vadd.f32 v12, v11;
	_ =	sdelay $0x1  }
0x31a: {  	v12 =	vadd.f32 v18, v14;
	v11 =	vadd.f32 v11, v11  }
0x31b: {  	s1 =	sadd.s32 $0x10, s1  }
0x31c: {  	s19 =	scvt.s32.f32 s17;
	v11 =	vsub.f32 v12, v11;
	v12 =	vld [tilespmem:s1+$0x0];
	_ =	sdelay $0x1  }
0x31d: {  	s20 =	sadd.s32 $0x10, s16;
	v13 =	vadd.f32 s19, v2;
	v11 =	vmax.f32 v11, $0.0e+00  }
0x31e: {  	v14 =	vld [tilespmem:s20+$0x0];
	vm0 =	vlt.f32 v11, v16  }
0x31f: {  	v16 =	vsel vm0, v11, v16;
	v13 =	vsel vm0, v13, v17  }
0x320: {  	v17 =	vperm.xlane v16, v3;
	v18 =	vperm.xlane v13, v3;
	vm5 =	vlt.f32 v11, v12  }
0x321: {  	v11 =	vsel vm5, v11, v12  }
0x322: {  	vm1 =	veq.f32 v17, v16;
	vm2 =	vlt.f32 v18, v13;
	vm6 =	vlt.f32 v17, v16  }
0x323: {  	[tilespmem:s1+$0x0] =	vst v11;
	v11 =	vsel vm5, v15, v14;
	v15 =	vimm.s32 $0xC;
	vm1 =	vmand vm1, vm2  }
0x324: {  	v12 =	vperm.xlane v23, v15;
	vm7 =	vmor vm6, vm1  }
0x325: {  	s21 =	simm.s32 $0x0;
	s23 =	simm.s32 $0x3100;
	[tilespmem:s20+$0x0] =	vst v11;
	v14 =	vperm.xlane v24, v15;
	v11 =	vsel vm7, v17, v16  }
0x326: {  	s22 =	sand.u32 $0xFF0, s21;
	v21 =	vld [tilespmem:s23+$0x0];
	v13 =	vsel vm7, v18, v13;
	v18 =	vperm.xlane v22, v15;
	v20 =	vmul.f32 v12, v12  }
0x327: {  	v17 =	vld [tilespmem:s22+$0x4100];
	v15 =	vshrl.u32 v12, $0x10;
	v16 =	vshrl.u32 v14, $0x10;
	v26 =	vmul.f32 v14, v14  }
0x328: {  	v19 =	vperm.xlane v11, v4;
	v15 =	vand.u32 $0x1, v15;
	v16 =	vand.u32 $0x1, v16  }
0x329: {  	v27 =	vld [tilespmem:s22+$0x5100];
	v12 =	vadd.s32 v15, v12;
	v14 =	vadd.s32 v16, v14;
	v15 =	vshrl.u32 v18, $0x10  }
0x32a: {  	v12 =	vadd.s32 $0x7FFF, v12;
	v14 =	vadd.s32 $0x7FFF, v14;
	v28 =	vand.u32 $0x1, v15  }
0x32b: {  	v15 =	vand.u32 $0xFFFF0000, v12;
	v16 =	vand.u32 $0xFFFF0000, v14;
	v12 =	vadd.s32 v28, v18  }
0x32c: {  	s0 =	simm.s32 $0x6100;
	v12 =	vadd.s32 $0x7FFF, v12;
	v14 =	vmul.f32 v15, v21;
	v21 =	vmul.f32 v16, v17  }
0x32d: {  	v20 =	vadd.f32 v26, v20;
	v28 =	vperm.xlane v13, v4;
	v17 =	vand.u32 $0xFFFF0000, v12;
	v12 =	vld [tilespmem:s0+$0x0]  }
0x32e: {  	v18 =	vmul.f32 v18, v18;
	v14 =	vadd.f32 v21, v14;
	v21 =	vmul.f32 v17, v27  }
0x32f: {  	vm8 =	veq.f32 v19, v11  }
0x330: {  	vm9 =	vlt.f32 v28, v13;
	v18 =	vadd.f32 v18, v20;
	v14 =	vadd.f32 v21, v14  }
0x331: {  	s1 =	simm.s32 $0x7100;
	vm10 =	vlt.f32 v19, v11;
	vm0 =	vmand vm8, vm9  }
0x332: {  	v20 =	vld [tilespmem:s1+$0x0];
	vm0 =	vmor vm10, vm0;
	v12 =	vadd.f32 v12, v18;
	v14 =	vadd.f32 v14, v14  }
0x333: {  	s16 =	simm.s32 $0x8100;
	v11 =	vsel vm0, v19, v11;
	v13 =	vsel vm0, v28, v13  }
0x334: {  	v21 =	vperm.xlane v11, v5;
	v26 =	vperm.xlane v13, v5;
	v12 =	vsub.f32 v12, v14;
	v14 =	vld [tilespmem:s16+$0x0]  }
0x335: {  	s18 =	sor.u32 $0xC, s30  }
0x336: {  	s18 =	scvt.s32.f32 s18;
	vm11 =	veq.f32 v21, v11;
	vm12 =	vlt.f32 v26, v13;
	v27 =	vmax.f32 v12, $0.0e+00  }
0x337: {  	vm14 =	vlt.f32 v21, v11;
	vm0 =	vmand vm11, vm12;
	vm13 =	vlt.f32 v27, v20  }
0x338: {  	s31 =	scvt.s32.f32 s21;
	v19 =	vmov s18;
	vm0 =	vmor vm14, vm0;
	v12 =	vsel vm13, v27, v20  }
0x339: {  	s17 =	simm.s32 $0x10;
	v11 =	vsel vm0, v21, v11;
	v21 =	vimm.f32 $1.073741820e+09;
	[tilespmem:s1+$0x0] =	vst v12;
	v12 =	vsel vm13, v19, v14  }
0x33a: {  	s20 =	sand.u32 $0xFF0, s17;
	v28 =	vadd.f32 s31, v2;
	vm15 =	vlt.f32 v27, v21;
	[tilespmem:s16+$0x0] =	vst v12  }
0x33b: {  	s18 =	simm.s32 $0x3110;
	v20 =	vsel vm15, v27, v21;
	v12 =	vsel vm0, v26, v13;
	v26 =	vld [tilespmem:s20+$0x4100]  }
0x33c: {  	s19 =	simm.s32 $0x20;
	v21 =	vsel vm15, v28, v21;
	v13 =	vperm.xlane v11, v6;
	v14 =	vperm.xlane v12, v6;
	v27 =	vld [tilespmem:s18+$0x0]  }
.LBB2_32:
0x33d: {  	p0 =	sne.s32 s19, $0xFF0  }
0x33e: {  	v28 =	vld [tilespmem:s20+$0x5100];
	_ =	sdelay $0x2  }
0x33f: {  	s0 =	sadd.s32 $0x10, s0;
	v26 =	vmul.f32 v16, v26;
	v27 =	vmul.f32 v15, v27  }
0x340: {  	v30 =	vld [tilespmem:s0+$0x0]  }
0x341: {  	v26 =	vadd.f32 v26, v27;
	v27 =	vmul.f32 v17, v28;
	_ =	sdelay $0x1  }
0x342: {  	v26 =	vadd.f32 v27, v26  }
0x343: {  	s1 =	sadd.s32 $0x10, s1  }
0x344: {  	v27 =	vadd.f32 v30, v18;
	v26 =	vadd.f32 v26, v26;
	v28 =	vld [tilespmem:s1+$0x0]  }
0x345: {  	s16 =	sadd.s32 $0x10, s16  }
0x346: {  	s20 =	scvt.s32.f32 s17;
	s17 =	smov.u32 s19;
	v26 =	vsub.f32 v27, v26;
	v27 =	vld [tilespmem:s16+$0x0];
	_ =	sdelay $0x1  }
0x347: {  	v30 =	vadd.f32 s20, v2;
	v26 =	vmax.f32 v26, $0.0e+00  }
0x348: {  	vm0 =	vlt.f32 v26, v20;
	vm1 =	vlt.f32 v26, v28  }
.Ltmp17:
0x349: {  	v20 =	vsel vm0, v26, v20;
	v21 =	vsel vm0, v30, v21;
	v26 =	vsel vm1, v26, v28;
	(pc) =	sbr.rel @p0 .LBB2_32-.Ltmp17, $4  }
0x34a: {  	[tilespmem:s1+$0x0] =	vst v26;
	v26 =	vsel vm1, v19, v27  }
0x34b: {  	s20 =	sand.u32 $0xFF0, s19;
	[tilespmem:s16+$0x0] =	vst v26  }
0x34c: {  	s18 =	sadd.s32 $0x10, s18;
	v26 =	vld [tilespmem:s20+$0x4100]  }
0x34d: {  	s19 =	sadd.s32 $0x10, s19;
	v27 =	vld [tilespmem:s18+$0x0]  }
0x34e: {  	_ = 	snop  }
0x34f: {  	v28 =	vld [tilespmem:s20+$0x5100];
	_ =	sdelay $0x2  }
0x350: {  	s0 =	sadd.s32 $0x10, s0;
	v16 =	vmul.f32 v16, v26;
	v15 =	vmul.f32 v15, v27  }
0x351: {  	v26 =	vld [tilespmem:s0+$0x0]  }
0x352: {  	v15 =	vadd.f32 v16, v15;
	v16 =	vmul.f32 v17, v28;
	_ =	sdelay $0x1  }
0x353: {  	v15 =	vadd.f32 v16, v15;
	_ =	sdelay $0x1  }
0x354: {  	v16 =	vadd.f32 v26, v18;
	v15 =	vadd.f32 v15, v15  }
0x355: {  	s1 =	sadd.s32 $0x10, s1  }
0x356: {  	s19 =	scvt.s32.f32 s17;
	v15 =	vsub.f32 v16, v15;
	v16 =	vld [tilespmem:s1+$0x0];
	_ =	sdelay $0x1  }
0x357: {  	s20 =	sadd.s32 $0x10, s16;
	v17 =	vadd.f32 s19, v2;
	v15 =	vmax.f32 v15, $0.0e+00  }
0x358: {  	v18 =	vld [tilespmem:s20+$0x0];
	vm0 =	vlt.f32 v15, v20  }
0x359: {  	v20 =	vsel vm0, v15, v20;
	v17 =	vsel vm0, v17, v21  }
0x35a: {  	v21 =	vperm.xlane v20, v3;
	v26 =	vperm.xlane v17, v3;
	vm5 =	vlt.f32 v15, v16  }
0x35b: {  	v15 =	vsel vm5, v15, v16  }
0x35c: {  	vm1 =	veq.f32 v21, v20;
	vm2 =	vlt.f32 v26, v17;
	vm6 =	vlt.f32 v21, v20  }
0x35d: {  	[tilespmem:s1+$0x0] =	vst v15;
	v15 =	vsel vm5, v19, v18;
	v19 =	vimm.s32 $0xD;
	vm1 =	vmand vm1, vm2  }
0x35e: {  	v16 =	vperm.xlane v23, v19;
	vm7 =	vmor vm6, vm1  }
0x35f: {  	s21 =	simm.s32 $0x0;
	s23 =	simm.s32 $0x3100;
	[tilespmem:s20+$0x0] =	vst v15;
	v18 =	vperm.xlane v24, v19;
	v15 =	vsel vm7, v21, v20  }
0x360: {  	s22 =	sand.u32 $0xFF0, s21;
	v30 =	vld [tilespmem:s23+$0x0];
	v17 =	vsel vm7, v26, v17;
	v26 =	vperm.xlane v22, v19;
	v28 =	vmul.f32 v16, v16  }
0x361: {  	v21 =	vld [tilespmem:s22+$0x4100];
	v19 =	vshrl.u32 v16, $0x10;
	v20 =	vshrl.u32 v18, $0x10;
	v31 =	vmul.f32 v18, v18  }
0x362: {  	v27 =	vperm.xlane v15, v4;
	v19 =	vand.u32 $0x1, v19;
	v20 =	vand.u32 $0x1, v20  }
0x363: {  	v32 =	vld [tilespmem:s22+$0x5100];
	v16 =	vadd.s32 v19, v16;
	v18 =	vadd.s32 v20, v18;
	v19 =	vshrl.u32 v26, $0x10  }
0x364: {  	v16 =	vadd.s32 $0x7FFF, v16;
	v18 =	vadd.s32 $0x7FFF, v18;
	v34 =	vand.u32 $0x1, v19  }
0x365: {  	v19 =	vand.u32 $0xFFFF0000, v16;
	v20 =	vand.u32 $0xFFFF0000, v18;
	v16 =	vadd.s32 v34, v26  }
0x366: {  	s0 =	simm.s32 $0x6100;
	v16 =	vadd.s32 $0x7FFF, v16;
	v18 =	vmul.f32 v19, v30;
	v30 =	vmul.f32 v20, v21  }
0x367: {  	v44 =	vperm.xlane v17, v4;
	v28 =	vadd.f32 v31, v28;
	v21 =	vand.u32 $0xFFFF0000, v16;
	v16 =	vld [tilespmem:s0+$0x0]  }
0x368: {  	v26 =	vmul.f32 v26, v26;
	v18 =	vadd.f32 v30, v18;
	v30 =	vmul.f32 v21, v32  }
0x369: {  	vm8 =	veq.f32 v27, v15  }
0x36a: {  	vm9 =	vlt.f32 v44, v17;
	v26 =	vadd.f32 v26, v28;
	v18 =	vadd.f32 v30, v18  }
0x36b: {  	s1 =	simm.s32 $0x7100;
	vm10 =	vlt.f32 v27, v15;
	vm0 =	vmand vm8, vm9  }
0x36c: {  	vm0 =	vmor vm10, vm0;
	v28 =	vld [tilespmem:s1+$0x0];
	v16 =	vadd.f32 v16, v26;
	v18 =	vadd.f32 v18, v18  }
0x36d: {  	s16 =	simm.s32 $0x8100;
	v15 =	vsel vm0, v27, v15;
	v17 =	vsel vm0, v44, v17  }
0x36e: {  	v31 =	vperm.xlane v17, v5;
	v30 =	vperm.xlane v15, v5;
	v16 =	vsub.f32 v16, v18;
	v18 =	vld [tilespmem:s16+$0x0]  }
0x36f: {  	s18 =	sor.u32 $0xD, s30  }
0x370: {  	s18 =	scvt.s32.f32 s18;
	vm12 =	vlt.f32 v31, v17;
	vm11 =	veq.f32 v30, v15;
	v48 =	vmax.f32 v16, $0.0e+00  }
0x371: {  	vm14 =	vlt.f32 v30, v15;
	vm0 =	vmand vm11, vm12;
	vm13 =	vlt.f32 v48, v28  }
0x372: {  	s31 =	scvt.s32.f32 s21;
	v27 =	vmov s18;
	vm0 =	vmor vm14, vm0;
	v16 =	vsel vm13, v48, v28  }
0x373: {  	s17 =	simm.s32 $0x10;
	v15 =	vsel vm0, v30, v15;
	v30 =	vimm.f32 $1.073741820e+09;
	[tilespmem:s1+$0x0] =	vst v16;
	v16 =	vsel vm13, v27, v18  }
0x374: {  	v52 =	vadd.f32 s31, v2;
	s20 =	sand.u32 $0xFF0, s17;
	vm15 =	vlt.f32 v48, v30;
	[tilespmem:s16+$0x0] =	vst v16  }
0x375: {  	s18 =	simm.s32 $0x3110;
	v28 =	vsel vm15, v48, v30;
	v16 =	vsel vm0, v31, v17;
	v31 =	vld [tilespmem:s20+$0x4100]  }
0x376: {  	s19 =	simm.s32 $0x20;
	v30 =	vsel vm15, v52, v30;
	v17 =	vperm.xlane v15, v6;
	v18 =	vperm.xlane v16, v6;
	v32 =	vld [tilespmem:s18+$0x0]  }
.LBB2_34:
0x377: {  	p0 =	sne.s32 s19, $0xFF0  }
0x378: {  	v34 =	vld [tilespmem:s20+$0x5100];
	_ =	sdelay $0x2  }
0x379: {  	s0 =	sadd.s32 $0x10, s0;
	v31 =	vmul.f32 v20, v31;
	v32 =	vmul.f32 v19, v32  }
0x37a: {  	v36 =	vld [tilespmem:s0+$0x0]  }
0x37b: {  	v31 =	vadd.f32 v31, v32;
	v32 =	vmul.f32 v21, v34;
	_ =	sdelay $0x1  }
0x37c: {  	v31 =	vadd.f32 v32, v31  }
0x37d: {  	s1 =	sadd.s32 $0x10, s1  }
0x37e: {  	v32 =	vadd.f32 v36, v26;
	v31 =	vadd.f32 v31, v31;
	v34 =	vld [tilespmem:s1+$0x0]  }
0x37f: {  	s16 =	sadd.s32 $0x10, s16  }
0x380: {  	s20 =	scvt.s32.f32 s17;
	s17 =	smov.u32 s19;
	v31 =	vsub.f32 v32, v31;
	v32 =	vld [tilespmem:s16+$0x0];
	_ =	sdelay $0x1  }
0x381: {  	v36 =	vadd.f32 s20, v2;
	v31 =	vmax.f32 v31, $0.0e+00  }
0x382: {  	vm0 =	vlt.f32 v31, v28;
	vm1 =	vlt.f32 v31, v34  }
.Ltmp18:
0x383: {  	v28 =	vsel vm0, v31, v28;
	v30 =	vsel vm0, v36, v30;
	v31 =	vsel vm1, v31, v34;
	(pc) =	sbr.rel @p0 .LBB2_34-.Ltmp18, $4  }
0x384: {  	[tilespmem:s1+$0x0] =	vst v31;
	v31 =	vsel vm1, v27, v32  }
0x385: {  	s20 =	sand.u32 $0xFF0, s19;
	[tilespmem:s16+$0x0] =	vst v31  }
0x386: {  	s18 =	sadd.s32 $0x10, s18;
	v31 =	vld [tilespmem:s20+$0x4100]  }
0x387: {  	s19 =	sadd.s32 $0x10, s19;
	v32 =	vld [tilespmem:s18+$0x0]  }
0x388: {  	_ = 	snop  }
0x389: {  	v34 =	vld [tilespmem:s20+$0x5100];
	_ =	sdelay $0x2  }
0x38a: {  	s0 =	sadd.s32 $0x10, s0;
	v20 =	vmul.f32 v20, v31;
	v19 =	vmul.f32 v19, v32  }
0x38b: {  	v31 =	vld [tilespmem:s0+$0x0]  }
0x38c: {  	v19 =	vadd.f32 v20, v19;
	v20 =	vmul.f32 v21, v34;
	_ =	sdelay $0x1  }
0x38d: {  	v19 =	vadd.f32 v20, v19;
	_ =	sdelay $0x1  }
0x38e: {  	v20 =	vadd.f32 v31, v26;
	v19 =	vadd.f32 v19, v19;
	_ =	sdelay $0x1  }
0x38f: {  	s19 =	scvt.s32.f32 s17;
	v19 =	vsub.f32 v20, v19  }
0x390: {  	s1 =	sadd.s32 $0x10, s1  }
0x391: {  	v21 =	vadd.f32 s19, v2;
	v20 =	vld [tilespmem:s1+$0x0];
	v19 =	vmax.f32 v19, $0.0e+00  }
0x392: {  	s20 =	sadd.s32 $0x10, s16;
	vm0 =	vlt.f32 v19, v28  }
0x393: {  	v26 =	vld [tilespmem:s20+$0x0];
	v28 =	vsel vm0, v19, v28;
	v21 =	vsel vm0, v21, v30  }
0x394: {  	v30 =	vperm.xlane v28, v3;
	v31 =	vperm.xlane v21, v3;
	_ =	sdelay $0x1  }
0x395: {  	vm5 =	vlt.f32 v19, v20;
	vm1 =	veq.f32 v30, v28;
	vm2 =	vlt.f32 v31, v21  }
0x396: {  	v19 =	vsel vm5, v19, v20;
	vm6 =	vlt.f32 v30, v28;
	vm1 =	vmand vm1, vm2  }
0x397: {  	[tilespmem:s1+$0x0] =	vst v19;
	v19 =	vsel vm5, v27, v26;
	vm7 =	vmor vm6, vm1  }
0x398: {  	[tilespmem:s20+$0x0] =	vst v19;
	v19 =	vsel vm7, v30, v28;
	v28 =	vimm.s32 $0xE  }
0x399: {  	s21 =	simm.s32 $0x0;
	s23 =	simm.s32 $0x3100;
	v20 =	vperm.xlane v23, v28;
	v26 =	vperm.xlane v24, v28  }
0x39a: {  	s22 =	sand.u32 $0xFF0, s21;
	v36 =	vld [tilespmem:s23+$0x0];
	v21 =	vsel vm7, v31, v21;
	v28 =	vperm.xlane v22, v28  }
0x39b: {  	v30 =	vld [tilespmem:s22+$0x4100];
	v31 =	vmul.f32 v20, v20;
	v44 =	vshrl.u32 v20, $0x10;
	v48 =	vshrl.u32 v26, $0x10  }
0x39c: {  	v40 =	vmul.f32 v26, v26;
	v32 =	vand.u32 $0x1, v44;
	v34 =	vand.u32 $0x1, v48  }
0x39d: {  	v52 =	vshrl.u32 v28, $0x10;
	v20 =	vadd.s32 v32, v20;
	v26 =	vadd.s32 v34, v26;
	v34 =	vld [tilespmem:s22+$0x5100]  }
0x39e: {  	v48 =	vand.u32 $0x1, v52;
	v20 =	vadd.s32 $0x7FFF, v20;
	v44 =	vadd.s32 $0x7FFF, v26  }
0x39f: {  	v26 =	vand.u32 $0xFFFF0000, v20;
	v32 =	vand.u32 $0xFFFF0000, v44;
	v20 =	vadd.s32 v48, v28  }
0x3a0: {  	s0 =	simm.s32 $0x6100;
	v20 =	vadd.s32 $0x7FFF, v20;
	v35 =	vmul.f32 v26, v36;
	v30 =	vmul.f32 v32, v30  }
0x3a1: {  	v31 =	vadd.f32 v40, v31;
	v36 =	vand.u32 $0xFFFF0000, v20;
	v20 =	vld [tilespmem:s0+$0x0]  }
0x3a2: {  	v28 =	vmul.f32 v28, v28;
	v30 =	vadd.f32 v30, v35;
	v34 =	vmul.f32 v36, v34  }
0x3a3: {  	v27 =	vperm.xlane v19, v4  }
0x3a4: {  	v52 =	vperm.xlane v21, v4;
	v40 =	vadd.f32 v28, v31;
	v28 =	vadd.f32 v34, v30  }
0x3a5: {  	s1 =	simm.s32 $0x7100;
	vm8 =	veq.f32 v27, v19  }
0x3a6: {  	vm9 =	vlt.f32 v52, v21;
	v30 =	vld [tilespmem:s1+$0x0];
	v20 =	vadd.f32 v20, v40;
	v28 =	vadd.f32 v28, v28  }
0x3a7: {  	s16 =	simm.s32 $0x8100;
	vm10 =	vlt.f32 v27, v19;
	vm0 =	vmand vm8, vm9  }
0x3a8: {  	s18 =	sor.u32 $0xE, s30;
	vm0 =	vmor vm10, vm0;
	v20 =	vsub.f32 v20, v28;
	v28 =	vld [tilespmem:s16+$0x0]  }
0x3a9: {  	s18 =	scvt.s32.f32 s18;
	v19 =	vsel vm0, v27, v19;
	v21 =	vsel vm0, v52, v21  }
0x3aa: {  	v31 =	vperm.xlane v19, v5;
	v34 =	vperm.xlane v21, v5;
	v38 =	vmax.f32 v20, $0.0e+00  }
0x3ab: {  	v27 =	vmov s18;
	v52 =	vimm.f32 $1.073741820e+09;
	vm13 =	vlt.f32 v38, v30  }
0x3ac: {  	s31 =	scvt.s32.f32 s21;
	vm11 =	veq.f32 v31, v19;
	vm12 =	vlt.f32 v34, v21;
	v20 =	vsel vm13, v38, v30  }
0x3ad: {  	s17 =	simm.s32 $0x10;
	vm14 =	vlt.f32 v31, v19;
	vm0 =	vmand vm11, vm12;
	[tilespmem:s1+$0x0] =	vst v20;
	v28 =	vsel vm13, v27, v28  }
0x3ae: {  	s20 =	sand.u32 $0xFF0, s17;
	v35 =	vadd.f32 s31, v2;
	vm0 =	vmor vm14, vm0;
	vm15 =	vlt.f32 v38, v52;
	[tilespmem:s16+$0x0] =	vst v28  }
0x3af: {  	s18 =	simm.s32 $0x3110;
	v30 =	vsel vm15, v38, v52;
	v20 =	vsel vm0, v31, v19;
	v19 =	vsel vm0, v34, v21;
	v31 =	vld [tilespmem:s20+$0x4100]  }
0x3b0: {  	s19 =	simm.s32 $0x20;
	v44 =	vsel vm15, v35, v52;
	v28 =	vperm.xlane v20, v6;
	v21 =	vperm.xlane v19, v6;
	v48 =	vld [tilespmem:s18+$0x0]  }
.LBB2_36:
0x3b1: {  	p0 =	sne.s32 s19, $0xFF0  }
0x3b2: {  	v34 =	vld [tilespmem:s20+$0x5100];
	_ =	sdelay $0x2  }
0x3b3: {  	s0 =	sadd.s32 $0x10, s0;
	v31 =	vmul.f32 v32, v31;
	v35 =	vmul.f32 v26, v48  }
0x3b4: {  	v48 =	vld [tilespmem:s0+$0x0]  }
0x3b5: {  	v31 =	vadd.f32 v31, v35;
	v34 =	vmul.f32 v36, v34;
	_ =	sdelay $0x1  }
0x3b6: {  	v31 =	vadd.f32 v34, v31  }
0x3b7: {  	s1 =	sadd.s32 $0x10, s1  }
0x3b8: {  	v34 =	vadd.f32 v48, v40;
	v31 =	vadd.f32 v31, v31;
	v35 =	vld [tilespmem:s1+$0x0]  }
0x3b9: {  	s16 =	sadd.s32 $0x10, s16  }
0x3ba: {  	s20 =	scvt.s32.f32 s17;
	s17 =	smov.u32 s19;
	v31 =	vsub.f32 v34, v31;
	v34 =	vld [tilespmem:s16+$0x0];
	_ =	sdelay $0x1  }
0x3bb: {  	v48 =	vadd.f32 s20, v2;
	v31 =	vmax.f32 v31, $0.0e+00  }
0x3bc: {  	vm0 =	vlt.f32 v31, v30;
	vm1 =	vlt.f32 v31, v35  }
.Ltmp19:
0x3bd: {  	v30 =	vsel vm0, v31, v30;
	v44 =	vsel vm0, v48, v44;
	v31 =	vsel vm1, v31, v35;
	(pc) =	sbr.rel @p0 .LBB2_36-.Ltmp19, $4  }
0x3be: {  	[tilespmem:s1+$0x0] =	vst v31;
	v31 =	vsel vm1, v27, v34  }
0x3bf: {  	s20 =	sand.u32 $0xFF0, s19;
	[tilespmem:s16+$0x0] =	vst v31  }
0x3c0: {  	s18 =	sadd.s32 $0x10, s18;
	v31 =	vld [tilespmem:s20+$0x4100]  }
0x3c1: {  	s19 =	sadd.s32 $0x10, s19;
	v48 =	vld [tilespmem:s18+$0x0]  }
0x3c2: {  	_ = 	snop  }
0x3c3: {  	v34 =	vld [tilespmem:s20+$0x5100];
	_ =	sdelay $0x2  }
0x3c4: {  	s0 =	sadd.s32 $0x10, s0;
	v31 =	vmul.f32 v32, v31;
	v26 =	vmul.f32 v26, v48  }
0x3c5: {  	v52 =	vld [tilespmem:s0+$0x0]  }
0x3c6: {  	v26 =	vadd.f32 v31, v26;
	v31 =	vmul.f32 v36, v34;
	_ =	sdelay $0x1  }
0x3c7: {  	v26 =	vadd.f32 v31, v26;
	_ =	sdelay $0x1  }
0x3c8: {  	v31 =	vadd.f32 v52, v40;
	v26 =	vadd.f32 v26, v26  }
0x3c9: {  	s1 =	sadd.s32 $0x10, s1  }
0x3ca: {  	s19 =	scvt.s32.f32 s17;
	v26 =	vsub.f32 v31, v26;
	v31 =	vld [tilespmem:s1+$0x0]  }
0x3cb: {  	s20 =	sadd.s32 $0x10, s16  }
0x3cc: {  	v38 =	vadd.f32 s19, v2;
	v40 =	vld [tilespmem:s20+$0x0];
	v26 =	vmax.f32 v26, $0.0e+00  }
0x3cd: {  	vm0 =	vlt.f32 v26, v30  }
0x3ce: {  	v30 =	vsel vm0, v26, v30;
	v32 =	vsel vm0, v38, v44  }
0x3cf: {  	v35 =	vperm.xlane v30, v3;
	v44 =	vperm.xlane v32, v3;
	vm5 =	vlt.f32 v26, v31  }
0x3d0: {  	v26 =	vsel vm5, v26, v31  }
0x3d1: {  	vm1 =	veq.f32 v35, v30;
	vm2 =	vlt.f32 v44, v32;
	[tilespmem:s1+$0x0] =	vst v26;
	v26 =	vsel vm5, v27, v40  }
0x3d2: {  	s21 =	simm.s32 $0x0;
	vm6 =	vlt.f32 v35, v30;
	vm1 =	vmand vm1, vm2;
	[tilespmem:s20+$0x0] =	vst v26;
	v26 =	vimm.s32 $0xF  }
0x3d3: {  	s22 =	sand.u32 $0xFF0, s21;
	vm7 =	vmor vm6, vm1;
	v23 =	vperm.xlane v23, v26;
	v24 =	vperm.xlane v24, v26  }
0x3d4: {  	s23 =	simm.s32 $0x3100;
	v22 =	vperm.xlane v22, v26;
	v27 =	vld [tilespmem:s22+$0x4100];
	v30 =	vsel vm7, v35, v30;
	v31 =	vsel vm7, v44, v32  }
0x3d5: {  	v40 =	vld [tilespmem:s23+$0x0];
	v34 =	vmul.f32 v23, v23;
	v26 =	vshrl.u32 v23, $0x10;
	v48 =	vshrl.u32 v24, $0x10  }
0x3d6: {  	v44 =	vmul.f32 v24, v24;
	v26 =	vand.u32 $0x1, v26;
	v35 =	vand.u32 $0x1, v48  }
0x3d7: {  	v23 =	vadd.s32 v26, v23;
	v24 =	vadd.s32 v35, v24;
	v26 =	vshrl.u32 v22, $0x10;
	v35 =	vld [tilespmem:s22+$0x5100]  }
0x3d8: {  	v23 =	vadd.s32 $0x7FFF, v23;
	v24 =	vadd.s32 $0x7FFF, v24;
	v52 =	vand.u32 $0x1, v26  }
0x3d9: {  	v26 =	vand.u32 $0xFFFF0000, v23;
	v36 =	vand.u32 $0xFFFF0000, v24;
	v23 =	vadd.s32 v52, v22  }
0x3da: {  	s0 =	simm.s32 $0x6100;
	v23 =	vadd.s32 $0x7FFF, v23;
	v24 =	vmul.f32 v26, v40;
	v27 =	vmul.f32 v36, v27  }
0x3db: {  	v34 =	vadd.f32 v44, v34;
	v40 =	vand.u32 $0xFFFF0000, v23;
	v23 =	vld [tilespmem:s0+$0x0]  }
0x3dc: {  	v22 =	vmul.f32 v22, v22;
	v24 =	vadd.f32 v27, v24;
	v35 =	vmul.f32 v40, v35  }
0x3dd: {  	v32 =	vperm.xlane v30, v4  }
0x3de: {  	v38 =	vperm.xlane v31, v4;
	v27 =	vadd.f32 v22, v34;
	v22 =	vadd.f32 v35, v24  }
0x3df: {  	s1 =	simm.s32 $0x7100;
	vm8 =	veq.f32 v32, v30  }
0x3e0: {  	vm9 =	vlt.f32 v38, v31;
	v24 =	vld [tilespmem:s1+$0x0];
	v23 =	vadd.f32 v23, v27;
	v22 =	vadd.f32 v22, v22  }
0x3e1: {  	s16 =	simm.s32 $0x8100;
	vm10 =	vlt.f32 v32, v30;
	vm0 =	vmand vm8, vm9  }
0x3e2: {  	s18 =	sor.u32 $0xF, s30;
	vm0 =	vmor vm10, vm0;
	v22 =	vsub.f32 v23, v22;
	v23 =	vld [tilespmem:s16+$0x0]  }
0x3e3: {  	s18 =	scvt.s32.f32 s18;
	v30 =	vsel vm0, v32, v30;
	v31 =	vsel vm0, v38, v31  }
0x3e4: {  	v32 =	vperm.xlane v30, v5;
	v48 =	vperm.xlane v31, v5;
	v35 =	vmax.f32 v22, $0.0e+00  }
0x3e5: {  	v44 =	vmov s18;
	v52 =	vimm.f32 $1.073741820e+09;
	vm13 =	vlt.f32 v35, v24  }
0x3e6: {  	s31 =	scvt.s32.f32 s21;
	vm11 =	veq.f32 v32, v30;
	vm12 =	vlt.f32 v48, v31;
	v22 =	vsel vm13, v35, v24  }
0x3e7: {  	s17 =	simm.s32 $0x10;
	vm14 =	vlt.f32 v32, v30;
	vm0 =	vmand vm11, vm12;
	[tilespmem:s1+$0x0] =	vst v22;
	v23 =	vsel vm13, v44, v23  }
0x3e8: {  	s20 =	sand.u32 $0xFF0, s17;
	v38 =	vadd.f32 s31, v2;
	vm0 =	vmor vm14, vm0;
	vm15 =	vlt.f32 v35, v52;
	[tilespmem:s16+$0x0] =	vst v23  }
0x3e9: {  	s18 =	simm.s32 $0x3110;
	v22 =	vsel vm0, v32, v30;
	v30 =	vsel vm15, v35, v52;
	v23 =	vsel vm0, v48, v31;
	v48 =	vld [tilespmem:s20+$0x4100]  }
0x3ea: {  	s19 =	simm.s32 $0x20;
	v24 =	vperm.xlane v22, v6;
	v31 =	vsel vm15, v38, v52;
	v32 =	vperm.xlane v23, v6;
	v34 =	vld [tilespmem:s18+$0x0]  }
.LBB2_38:
0x3eb: {  	p0 =	sne.s32 s19, $0xFF0  }
0x3ec: {  	v35 =	vld [tilespmem:s20+$0x5100];
	_ =	sdelay $0x2  }
0x3ed: {  	s0 =	sadd.s32 $0x10, s0;
	v38 =	vmul.f32 v36, v48;
	v34 =	vmul.f32 v26, v34  }
0x3ee: {  	v48 =	vld [tilespmem:s0+$0x0]  }
0x3ef: {  	v34 =	vadd.f32 v38, v34;
	v35 =	vmul.f32 v40, v35;
	_ =	sdelay $0x1  }
0x3f0: {  	v34 =	vadd.f32 v35, v34  }
0x3f1: {  	s1 =	sadd.s32 $0x10, s1  }
0x3f2: {  	v35 =	vadd.f32 v48, v27;
	v34 =	vadd.f32 v34, v34;
	v38 =	vld [tilespmem:s1+$0x0]  }
0x3f3: {  	s16 =	sadd.s32 $0x10, s16  }
0x3f4: {  	s20 =	scvt.s32.f32 s17;
	s17 =	smov.u32 s19;
	v34 =	vsub.f32 v35, v34;
	v35 =	vld [tilespmem:s16+$0x0];
	_ =	sdelay $0x1  }
0x3f5: {  	v48 =	vadd.f32 s20, v2;
	v34 =	vmax.f32 v34, $0.0e+00  }
0x3f6: {  	vm0 =	vlt.f32 v34, v30;
	vm1 =	vlt.f32 v34, v38  }
.Ltmp20:
0x3f7: {  	v30 =	vsel vm0, v34, v30;
	v31 =	vsel vm0, v48, v31;
	v34 =	vsel vm1, v34, v38;
	(pc) =	sbr.rel @p0 .LBB2_38-.Ltmp20, $4  }
0x3f8: {  	[tilespmem:s1+$0x0] =	vst v34;
	v34 =	vsel vm1, v44, v35  }
0x3f9: {  	s20 =	sand.u32 $0xFF0, s19;
	[tilespmem:s16+$0x0] =	vst v34  }
0x3fa: {  	s18 =	sadd.s32 $0x10, s18;
	v48 =	vld [tilespmem:s20+$0x4100]  }
0x3fb: {  	s19 =	sadd.s32 $0x10, s19;
	v34 =	vld [tilespmem:s18+$0x0]  }
0x3fc: {  	_ = 	snop  }
0x3fd: {  	v35 =	vld [tilespmem:s20+$0x5100];
	_ =	sdelay $0x2  }
0x3fe: {  	s0 =	sadd.s32 $0x10, s0;
	v48 =	vmul.f32 v36, v48;
	v26 =	vmul.f32 v26, v34  }
0x3ff: {  	v52 =	vld [tilespmem:s0+$0x0]  }
0x400: {  	v38 =	vmul.f32 v40, v35;
	v26 =	vadd.f32 v48, v26;
	_ =	sdelay $0x1  }
0x401: {  	v26 =	vadd.f32 v38, v26;
	_ =	sdelay $0x1  }
0x402: {  	v27 =	vadd.f32 v52, v27;
	v26 =	vadd.f32 v26, v26;
	_ =	sdelay $0x1  }
0x403: {  	s17 =	scvt.s32.f32 s17;
	v26 =	vsub.f32 v27, v26  }
0x404: {  	v52 =	vld [tilespmem:$0x1FFF0]  }
0x405: {  	s30 =	sadd.s32 $0x10, s1;
	v48 =	vadd.f32 s17, v2;
	v38 =	vld [tilespmem:$0x1FFD0];
	v40 =	vmax.f32 v26, $0.0e+00  }
0x406: {  	v27 =	vld [tilespmem:s30+$0x0];
	vm0 =	vlt.f32 v40, v30  }
0x407: {  	s31 =	sadd.s32 $0x10, s16;
	v26 =	vsel vm0, v48, v31;
	v31 =	vld [tilespmem:$0x1FFE0]  }
0x408: {  	v35 =	vld [tilespmem:s31+$0x0];
	_ =	sdelay $0x2  }
0x409: {  	v34 =	vld [tilespmem:$0x1FFB0]  }
0x40a: {  	vm2 =	veq.f32 v38, v25;
	v48 =	vld [tilespmem:$0x1FF70];
	vm1 =	vlt.f32 v40, v27;
	vm3 =	vlt.f32 v52, v31  }
0x40b: {  	vm7 =	vlt.f32 v38, v25;
	v36 =	vsel vm1, v44, v35;
	v35 =	vld [tilespmem:$0x1FFA0];
	vm2 =	vmand vm2, vm3  }
0x40c: {  	v30 =	vsel vm0, v40, v30;
	v44 =	vld [tilespmem:$0x1FF80];
	vm0 =	vmor vm7, vm2  }
0x40d: {  	v25 =	vsel vm0, v38, v25;
	v38 =	vld [tilespmem:$0x1FFC0]  }
0x40e: {  	v40 =	vsel vm1, v40, v27;
	v27 =	vsel vm0, v52, v31;
	v52 =	vld [tilespmem:$0x1FF90];
	_ =	sdelay $0x3  }
0x40f: {  	vm11 =	veq.f32 v48, v33;
	vm8 =	veq.f32 v35, v29;
	vm9 =	vlt.f32 v38, v34  }
0x410: {  	vm10 =	vlt.f32 v35, v29;
	vm12 =	vlt.f32 v52, v44;
	vm1 =	vmand vm8, vm9  }
0x411: {  	vm13 =	vlt.f32 v48, v33;
	vm0 =	vmor vm10, vm1;
	vm1 =	vmand vm11, vm12  }
0x412: {  	vm14 =	vmmov $0x1;
	v35 =	vsel vm0, v35, v29;
	vm1 =	vmor vm13, vm1  }
0x413: {  	v38 =	vsel vm0, v38, v34;
	v29 =	vsel vm1, v48, v33;
	v48 =	vsel vm1, v52, v44;
	v52 =	vld [tilespmem:$0x1FF50]  }
0x414: {  	vm7 =	vmmov $0x3;
	v27 =	vsel vm14, v27, v38;
	v38 =	vld [tilespmem:$0x1FF60]  }
0x415: {  	v27 =	vsel vm7, v27, v48;
	v48 =	vld [tilespmem:$0x1FF40];
	_ =	sdelay $0x1  }
0x416: {  	vm15 =	veq.f32 v39, v37  }
0x417: {  	vm4 =	vlt.f32 v9, v7;
	vm8 =	vlt.f32 v39, v37;
	vm9 =	vmmov $0x7  }
0x418: {  	vm10 =	veq.f32 v43, v41;
	vm12 =	vlt.f32 v43, v41;
	vm6 =	vlt.f32 v38, v52  }
0x419: {  	vm13 =	veq.f32 v47, v45;
	vm0 =	vmand vm15, vm6;
	vm11 =	vlt.f32 v48, v42  }
0x41a: {  	v25 =	vsel vm14, v25, v35;
	vm0 =	vmor vm8, vm0;
	vm1 =	vmand vm10, vm11  }
0x41b: {  	v39 =	vsel vm0, v39, v37;
	v44 =	vsel vm0, v38, v52;
	vm0 =	vmor vm12, vm1;
	v52 =	vld [tilespmem:$0x1FF30]  }
0x41c: {  	v25 =	vsel vm7, v25, v29;
	vm7 =	veq.f32 v51, v49;
	v38 =	vsel vm0, v48, v42;
	v42 =	vld [tilespmem:$0x1FF20]  }
0x41d: {  	vm15 =	vlt.f32 v47, v45;
	vm6 =	vmmov $0xf;
	vm10 =	vlt.f32 v51, v49  }
0x41e: {  	vm11 =	vmmov $0x3f;
	vm12 =	veq.f32 v55, v53;
	v25 =	vsel vm9, v25, v39  }
0x41f: {  	v27 =	vsel vm9, v27, v44;
	v37 =	vsel vm0, v43, v41;
	vm9 =	vmmov $0x1f  }
0x420: {  	v25 =	vsel vm6, v25, v37;
	v27 =	vsel vm6, v27, v38;
	vm14 =	vlt.f32 v52, v46  }
0x421: {  	vm6 =	vlt.f32 v60, v58;
	vm1 =	vmand vm13, vm14;
	vm8 =	vlt.f32 v42, v50  }
0x422: {  	vm13 =	vlt.f32 v56, v54;
	vm14 =	vlt.f32 v55, v53;
	vm1 =	vmor vm15, vm1  }
0x423: {  	vm0 =	vmand vm7, vm8;
	vm15 =	veq.f32 v59, v57;
	vm7 =	vlt.f32 v59, v57  }
0x424: {  	vm8 =	vmmov $0x7f;
	v39 =	vsel vm1, v47, v45;
	v41 =	vsel vm1, v52, v46  }
0x425: {  	vm0 =	vmor vm10, vm0;
	vm1 =	vmand vm12, vm13;
	vm10 =	vlt.f32 v63, v61  }
0x426: {  	vm12 =	vlt.f32 v1, v62;
	vm13 =	veq.f32 v9, v7;
	v25 =	vsel vm9, v25, v39  }
0x427: {  	v27 =	vsel vm9, v27, v41;
	v43 =	vsel vm0, v51, v49;
	v44 =	vsel vm0, v42, v50  }
0x428: {  	vm0 =	vmor vm14, vm1;
	vm1 =	vmand vm15, vm6;
	vm9 =	veq.f32 v1, v62  }
0x429: {  	vm14 =	vlt.f32 v10, v8;
	vm15 =	vmmov $0x1ff;
	vm6 =	vmmov $0x3ff  }
0x42a: {  	v51 =	vperm.xlane v26, v3;
	v25 =	vsel vm11, v25, v43;
	v27 =	vsel vm11, v27, v44  }
0x42b: {  	v45 =	vsel vm0, v55, v53;
	v46 =	vsel vm0, v56, v54;
	vm1 =	vmor vm7, vm1  }
0x42c: {  	vm11 =	vmmov $0xff;
	vm0 =	vmand vm9, vm10;
	vm7 =	veq.f32 v13, v11  }
0x42d: {  	vm9 =	vlt.f32 v13, v11;
	vm10 =	veq.f32 v17, v15;
	v25 =	vsel vm8, v25, v45  }
0x42e: {  	v27 =	vsel vm8, v27, v46;
	v47 =	vsel vm1, v59, v57;
	v48 =	vsel vm1, v60, v58  }
0x42f: {  	vm0 =	vmor vm12, vm0;
	vm1 =	vmand vm13, vm14;
	vm8 =	vlt.f32 v14, v12  }
0x430: {  	vm12 =	vlt.f32 v51, v26;
	vm13 =	vlt.f32 v18, v16;
	v25 =	vsel vm11, v25, v47  }
0x431: {  	v27 =	vsel vm11, v27, v48;
	v1 =	vsel vm0, v1, v62;
	vm5 =	vmor vm4, vm1  }
0x432: {  	v49 =	vsel vm0, v63, v61;
	v1 =	vsel vm15, v25, v1;
	v7 =	vsel vm5, v9, v7  }
0x433: {  	vm1 =	vmand vm7, vm8;
	v1 =	vsel vm6, v1, v7;
	v7 =	vperm.xlane v30, v3  }
0x434: {  	vm0 =	vmand vm10, vm13;
	vm8 =	vmmov $0xfff;
	vm1 =	vmor vm9, vm1  }
0x435: {  	v50 =	vsel vm15, v27, v49;
	v52 =	vsel vm1, v13, v11;
	vm11 =	veq.f32 v7, v30  }
0x436: {  	v53 =	vsel vm1, v14, v12;
	vm14 =	vlt.f32 v7, v30;
	vm1 =	vmand vm11, vm12  }
0x437: {  	v8 =	vsel vm5, v10, v8;
	vm15 =	vmmov $0x7ff;
	vm1 =	vmor vm14, vm1  }
0x438: {  	v8 =	vsel vm6, v50, v8;
	v7 =	vsel vm1, v7, v30;
	v9 =	vsel vm1, v51, v26  }
0x439: {  	vm6 =	vlt.f32 v17, v15;
	v54 =	vperm.xlane v7, v4;
	v55 =	vperm.xlane v9, v4  }
0x43a: {  	vm10 =	vlt.f32 v28, v20;
	vm0 =	vmor vm6, vm0;
	v1 =	vsel vm15, v1, v52  }
0x43b: {  	v56 =	vsel vm0, v17, v15;
	vm7 =	veq.f32 v54, v7;
	vm1 =	vlt.f32 v55, v9  }
0x43c: {  	v57 =	vsel vm0, v18, v16;
	vm9 =	vlt.f32 v54, v7;
	vm0 =	vmand vm7, vm1  }
0x43d: {  	v8 =	vsel vm15, v8, v53;
	vm15 =	vmmov $0x1fff;
	vm0 =	vmor vm9, vm0  }
0x43e: {  	vm11 =	veq.f32 v28, v20;
	v7 =	vsel vm0, v54, v7;
	v9 =	vsel vm0, v55, v9  }
0x43f: {  	vm12 =	vlt.f32 v21, v19;
	v12 =	vperm.xlane v7, v5;
	v13 =	vperm.xlane v9, v5  }
0x440: {  	v1 =	vsel vm8, v1, v56;
	v8 =	vsel vm8, v8, v57;
	vm8 =	veq.f32 v24, v22  }
0x441: {  	vm9 =	vlt.f32 v32, v23;
	vm13 =	veq.f32 v12, v7;
	vm14 =	vlt.f32 v13, v9  }
0x442: {  	vm0 =	vmand vm11, vm12;
	vm6 =	vlt.f32 v12, v7;
	vm1 =	vmand vm13, vm14  }
0x443: {  	vm0 =	vmor vm10, vm0;
	vm10 =	vlt.f32 v24, v22;
	vm7 =	vmor vm6, vm1  }
0x444: {  	v58 =	vsel vm0, v28, v20;
	v7 =	vsel vm7, v12, v7;
	v9 =	vsel vm7, v13, v9  }
0x445: {  	v59 =	vsel vm0, v21, v19;
	v60 =	vperm.xlane v7, v6;
	v61 =	vperm.xlane v9, v6  }
0x446: {  	vm0 =	vmand vm8, vm9;
	v1 =	vsel vm15, v1, v58;
	v8 =	vsel vm15, v8, v59  }
0x447: {  	s28 =	sadd.s32 $0x1, s28;
	vm0 =	vmor vm10, vm0;
	vm11 =	veq.f32 v60, v7;
	vm12 =	vlt.f32 v61, v9  }
0x448: {  	p0 =	sne.s32 s28, $0x4;
	vm15 =	vmmov $0x7fff;
	vm13 =	vlt.f32 v60, v7;
	vm1 =	vmand vm11, vm12  }
.Ltmp21:
0x449: {  	v62 =	vsel vm0, v24, v22;
	vm14 =	vmmov $0x3fff;
	vm1 =	vmor vm13, vm1;
	(pc) =	sbr.rel @p0 .LBB2_4-.Ltmp21, $4  }
.Ltmp22:
0x44a: {  	[tilespmem:s30+$0x0] =	vst v40;
	v63 =	vsel vm0, v32, v23;
	v1 =	vsel vm14, v1, v62;
	v7 =	vsel vm1, v60, v7;
	(pc) =	sbr.rel @!p0 .LBB2_40-.Ltmp22, $4  }
0x44b: {  	[tilespmem:s31+$0x0] =	vst v36;
	v8 =	vsel vm14, v8, v63;
	v9 =	vsel vm1, v61, v9;
	v1 =	vsel vm15, v1, v7  }
0x44c: {  	v7 =	vsel vm15, v8, v9;
	[tilespmem:s29+$0x9100] =	vst v1  }
0x44d: {  	[tilespmem:s29+$0x9180] =	vst v7  }
0x44e: {  	_ = 	snop  }
.LBB2_5:
.Ltmp23:
0x44f: {  	(pc) =	sbr.rel .LBB2_9-.Ltmp23, $3  }
0x450: {  	_ =	sdelay $0x1  }
0x451: {  	s20 =	simm.s32 $0x6100  }
0x452: {  	s19 =	simm.s32 $0x7100;
	s18 =	simm.s32 $0x8100;
	s17 =	simm.s32 $0x0;
	v12 =	vimm.f32 $1.073741820e+09;
	v13 =	vimm.f32 $1.073741820e+09  }
.LBB2_7:
.Ltmp24:
0x453: {  	(pc) =	sbr.rel .LBB2_9-.Ltmp24, $2  }
0x454: {  	_ =	sdelay $0x2  }
0x455: {  	s20 =	simm.s32 $0x6100;
	s19 =	simm.s32 $0x7100;
	s18 =	simm.s32 $0x8100  }
.LBB2_41:
0x456: {  	_ =	sfence.sel $0x180000  }
0x457: {  	[bflag:$0x0] =	sbarrier.arrive $0xFFFF  }
0x458: {  	_ =	strace $0x90000047  }
0x459: {  	s0 =	stileid.u32;
	[bflag:$0x2] =	sbarrier.arrive $0xFFFF  }
0x45a: {  	p0 =	sne.s32 s0, $0x0;
	s0 =	rddreg [dreg:$0x3]  }
0x45b: {  	s0 =	sadd.s32 @!p0 $0x100000, s0  }
0x45c: {  	[sflag:s0] =	ssyncadd.tile.s32 @!p0 $0x1;
	_ =	shalt  }
.Lfunc_end2:
_tile_overlayer_lowered:
.L_overlay_start_2:
0x45d: {  	(tag) =	ssettag $0x2  }
0x45e: {  	s0 =	rddreg [dreg:$0x0];
	s2 =	stileid.u32  }
0x45f: {  	s1 =	rddreg [dreg:$0x1];
	p0 =	sne.s32 s2, $0x0  }
0x460: {  	s3 =	rddreg [dreg:$0x2];
	[bflag:$0x3] =	sbarrier.arrive $0xFFFF;
	s2 =	simm.s32 @!p0 $0x1C01  }
0x461: {  	[timem:s3], [sflag:s2] =	dma.local @!p0 [hbm:s0], s1  }
0x462: {  	s0 =	simm.s32 @!p0 $0x1  }
0x463: {  	_ =	swait.ge @!p0 [sflag:s0], s1  }
0x464: {  	s1 =	ssub.s32 @!p0 $0x0, s1;
	[sflag:s0] =	ssyncset.done @!p0 $0x0  }
0x465: {  	[sflag:s0] =	ssyncadd.s32 @!p0 s1  }
0x466: {  	[bflag:$0x3] =	sbarrier.arrive $0xFFFF  }
0x467: {  	_ =	shalt  }

</sc_bundles>
